<compile_context>
chip_gen: v7x
topology: tpu7x:2x2x1
jax: 0.10.2.dev20260603
libtpu: 0.0.44.dev20260713+nightly
codegen_flags: <defaults>
</compile_context>

<pallas_src>
import functools

import jax
import jax.numpy as jnp
from jax import lax
from jax.experimental import pallas as pl
from jax.experimental.pallas import tpu as pltpu
from jax.experimental.pallas import tpu_sc as plsc

H = 1024
NC, NS, L = 2, 16, 16
NW = NC * NS
CH = 32
NBUF = 3


def _sc_embed(ids, tts, word, ttab, *, n_tok):
    tpw = n_tok // NW
    nchunk = tpw // CH
    hpl = H // L
    mesh = plsc.VectorSubcoreMesh(core_axis_name="c", subcore_axis_name="s")

    @functools.partial(
        pl.kernel,
        out_type=jax.ShapeDtypeStruct((n_tok, H), jnp.float32),
        mesh=mesh,
        scratch_types=[
            pltpu.VMEM((tpw,), jnp.int32),
            pltpu.VMEM((tpw,), jnp.int32),
            pltpu.VMEM((2 * H,), jnp.float32),
            [pltpu.VMEM((CH, H), jnp.float32)] * NBUF,
            [pltpu.SemaphoreType.DMA] * NBUF,
            [pltpu.SemaphoreType.DMA] * NBUF,
            pltpu.SemaphoreType.DMA,
        ],
    )
    def k(ids_hbm, tts_hbm, word_hbm, ttab_hbm, out_hbm,
          idx_v, tty_v, ttb_v, bufs, gsems, osems, ssem):
        wid = lax.axis_index("s") * NC + lax.axis_index("c")
        base = wid * tpw
        cp_idx = pltpu.async_copy(ids_hbm.at[pl.ds(base, tpw)], idx_v, ssem)
        cp_tt = pltpu.async_copy(tts_hbm.at[pl.ds(base, tpw)], tty_v, ssem)
        cp_tab = pltpu.async_copy(ttab_hbm, ttb_v, ssem)
        cp_idx.wait()

        def fire_gather(c, b):
            pltpu.async_copy(
                word_hbm.at[idx_v.at[pl.ds(c * CH, CH)]], bufs[b], gsems[b])

        def wait_gather(c, b):
            pltpu.make_async_copy(
                word_hbm.at[idx_v.at[pl.ds(c * CH, CH)]],
                bufs[b], gsems[b]).wait()

        def fire_out_half(c, b, h):
            pltpu.async_copy(
                bufs[b].at[pl.ds(h * L, L)],
                out_hbm.at[pl.ds(base + c * CH + h * L, L)], osems[b])

        def wait_out(b):
            pltpu.make_async_copy(
                bufs[b], out_hbm.at[pl.ds(base, CH)], osems[b]).wait()

        def add_type_rows(c, b, g):
            tv = tty_v[pl.ds(c * CH + g * L, L)]
            conds = [tv[t] > 0 for t in range(L)]

            @plsc.parallel_loop(0, hpl, step=1)
            def _add(hi):
                hh = hi * L
                t0 = ttb_v[pl.ds(hh, L)]
                t1 = ttb_v[pl.ds(H + hh, L)]
                for t in range(L):
                    tt = g * L + t
                    sel = jnp.where(conds[t], t1, t0)
                    bufs[b][tt, pl.ds(hh, L)] = (
                        bufs[b][tt, pl.ds(hh, L)] + sel)

        dist = NBUF - 1
        niter = nchunk // NBUF
        for c in range(dist):
            fire_gather(c, c % NBUF)
        cp_tt.wait()
        cp_tab.wait()

        def body(gp, carry):
            for kk in range(NBUF):
                c = NBUF * gp + kk
                wait_gather(c, kk)
                bn = (kk + dist) % NBUF

                def _fire_ahead():
                    @pl.when(c >= 1)
                    def _():
                        wait_out(bn)
                    fire_gather(c + dist, bn)

                if NBUF * (niter - 1) + kk + dist < nchunk:
                    _fire_ahead()
                else:
                    pl.when(gp < niter - 1)(_fire_ahead)
                for g in range(CH // L):
                    add_type_rows(c, kk, g)
                    fire_out_half(c, kk, g)
            return carry

        lax.fori_loop(0, niter, body, 0)
        for c in range(NBUF * niter, nchunk):
            wait_gather(c, c % NBUF)
            for g in range(CH // L):
                add_type_rows(c, c % NBUF, g)
                fire_out_half(c, c % NBUF, g)
        for b in range(NBUF):
            wait_out(b)

    return k(ids, tts, word, ttab)


def kernel(input_ids, token_type_ids, word_embeddings, token_type_embeddings):
    b, s = input_ids.shape
    n = b * s
    ids = input_ids.reshape(n).astype(jnp.int32)
    tts = token_type_ids.reshape(n).astype(jnp.int32)
    ttab = token_type_embeddings.reshape(-1)
    out = _sc_embed(ids, tts, word_embeddings, ttab, n_tok=n)
    return out.reshape(b, s, word_embeddings.shape[1])

# --- scband reference (transcript-rebuilt; emitter-appended) ---
"""Pipeline reference for scband-bert-embeddings-83253646065932 (READ-ONLY COPY).

The authoritative reference and input builder live on the scoring server;
editing this copy changes nothing except your own understanding.
"""

import jax, jax.numpy as jnp
import numpy as np

VOCAB = 100000
HIDDEN = 1024
TYPE_VOCAB = 2
B, S = 4, 4096

def setup_inputs(seed: int = 0) -> dict:
    key = jax.random.key(seed)
    k1, k2, k3, k4 = jax.random.split(key, 4)
    input_ids = jax.random.randint(k1, (B, S), 0, VOCAB, dtype=jnp.int64 if jax.config.jax_enable_x64 else jnp.int32)
    token_type_ids = jax.random.randint(k2, (B, S), 0, TYPE_VOCAB, dtype=jnp.int64 if jax.config.jax_enable_x64 else jnp.int32)
    word_embeddings = jax.random.normal(k3, (VOCAB, HIDDEN), dtype=jnp.float32) * 0.02
    # padding_idx = 0 -> zero row, matching nn.Embedding(padding_idx=0) init
    word_embeddings = word_embeddings.at[0].set(0.0)
    token_type_embeddings = jax.random.normal(k4, (TYPE_VOCAB, HIDDEN), dtype=jnp.float32) * 0.02
    return {
        "input_ids": input_ids,
        "token_type_ids": token_type_ids,
        "word_embeddings": word_embeddings,
        "token_type_embeddings": token_type_embeddings,
    }

def reference(input_ids, token_type_ids, word_embeddings, token_type_embeddings):
    # inputs_embeds = self.word_embeddings(input_ids)
    inputs_embeds = jnp.take(word_embeddings, input_ids, axis=0)
    # token_type_embeddings = self.token_type_embeddings(token_type_ids)
    tt_embeds = jnp.take(token_type_embeddings, token_type_ids, axis=0)
    embeddings = inputs_embeds + tt_embeds
    # dropout is identity in eval mode
    return embeddings

if __name__ == "__main__":
    import jax
    _d = setup_inputs()
    print(jax.jit(kernel)(*tuple(_d.values())))

</pallas_src>

<mosaic_0001>
#map = affine_map<(d0, d1) -> (0)>
#map1 = affine_map<(d0, d1) -> (0, 0)>
module attributes {stable_mosaic.version = 14 : i64} {
  func.func @k(%arg0: i32, %arg1: i32, %arg2: memref<16384xi32, #tpu.memory_space<hbm>>, %arg3: memref<16384xi32, #tpu.memory_space<hbm>>, %arg4: memref<100000x1024xf32, #tpu.memory_space<hbm>>, %arg5: memref<2048xf32, #tpu.memory_space<hbm>>, %arg6: memref<16384x1024xf32, #tpu.memory_space<hbm>>, %arg7: memref<512xi32, #tpu.memory_space<vmem>>, %arg8: memref<512xi32, #tpu.memory_space<vmem>>, %arg9: memref<2048xf32, #tpu.memory_space<vmem>>, %arg10: memref<32x1024xf32, #tpu.memory_space<vmem>>, %arg11: memref<32x1024xf32, #tpu.memory_space<vmem>>, %arg12: memref<32x1024xf32, #tpu.memory_space<vmem>>, %arg13: memref<!tpu.dma_semaphore, #tpu.memory_space<semaphore_mem>>, %arg14: memref<!tpu.dma_semaphore, #tpu.memory_space<semaphore_mem>>, %arg15: memref<!tpu.dma_semaphore, #tpu.memory_space<semaphore_mem>>, %arg16: memref<!tpu.dma_semaphore, #tpu.memory_space<semaphore_mem>>, %arg17: memref<!tpu.dma_semaphore, #tpu.memory_space<semaphore_mem>>, %arg18: memref<!tpu.dma_semaphore, #tpu.memory_space<semaphore_mem>>, %arg19: memref<!tpu.dma_semaphore, #tpu.memory_space<semaphore_mem>>) attributes {dimension_semantics = [#tpu.dimension_semantics<core_parallel>, #tpu.dimension_semantics<subcore_parallel>], iteration_bounds = array<i64: 2, 16>, scalar_prefetch = 0 : i64, scratch_operands = 13 : i64, tpu.core_type = #tpu.core_type<sc_vector_subcore>, window_params = [{transform_indices = #map}, {transform_indices = #map}, {transform_indices = #map1}, {transform_indices = #map}, {transform_indices = #map1}]} {
    %mul3A = arith.constant 2 : i32
    %mul3A_0 = arith.muli %arg1, %mul3A : i32
    %add3A = arith.addi %mul3A_0, %arg0 : i32
    %mul3A_1 = arith.constant 512 : i32
    %mul3A_2 = arith.muli %add3A, %mul3A_1 : i32
    %dma_start3A = tpu.memref_slice %arg2[%mul3A_2] : memref<16384xi32, #tpu.memory_space<hbm>> -> memref<512xi32, #tpu.memory_space<hbm>>
    %dma_start3A_3 = tpu.memref_slice %arg2[%mul3A_2] : memref<16384xi32, #tpu.memory_space<hbm>> -> memref<512xi32, #tpu.memory_space<hbm>>
    tpu.enqueue_dma source(%dma_start3A_3 : memref<512xi32, #tpu.memory_space<hbm>>) target(%arg7 : memref<512xi32, #tpu.memory_space<vmem>>) target_semaphore(%arg19 : memref<!tpu.dma_semaphore, #tpu.memory_space<semaphore_mem>>)
    %dma_start3A_4 = tpu.memref_slice %arg3[%mul3A_2] : memref<16384xi32, #tpu.memory_space<hbm>> -> memref<512xi32, #tpu.memory_space<hbm>>
    %dma_start3A_5 = tpu.memref_slice %arg3[%mul3A_2] : memref<16384xi32, #tpu.memory_space<hbm>> -> memref<512xi32, #tpu.memory_space<hbm>>
    tpu.enqueue_dma source(%dma_start3A_5 : memref<512xi32, #tpu.memory_space<hbm>>) target(%arg8 : memref<512xi32, #tpu.memory_space<vmem>>) target_semaphore(%arg19 : memref<!tpu.dma_semaphore, #tpu.memory_space<semaphore_mem>>)
    tpu.enqueue_dma source(%arg5 : memref<2048xf32, #tpu.memory_space<hbm>>) target(%arg9 : memref<2048xf32, #tpu.memory_space<vmem>>) target_semaphore(%arg19 : memref<!tpu.dma_semaphore, #tpu.memory_space<semaphore_mem>>)
    %dma_wait3A = tpu.memref_slice %arg2[%mul3A_2] : memref<16384xi32, #tpu.memory_space<hbm>> -> memref<512xi32, #tpu.memory_space<hbm>>
    %dma_wait3A_6 = tpu.memref_slice %arg2[%mul3A_2] : memref<16384xi32, #tpu.memory_space<hbm>> -> memref<512xi32, #tpu.memory_space<hbm>>
    tpu.wait_dma2 semaphore(%arg19 : memref<!tpu.dma_semaphore, #tpu.memory_space<semaphore_mem>>) src(%dma_wait3A_6 : memref<512xi32, #tpu.memory_space<hbm>>) dst(%arg7 : memref<512xi32, #tpu.memory_space<vmem>>)
    %dma_start3A_7 = arith.constant 0 : i32
    %dma_start3A_8 = tpu.memref_slice %arg7[%dma_start3A_7] : memref<512xi32, #tpu.memory_space<vmem>> -> memref<32xi32, #tpu.memory_space<vmem>>
    %dma_start3A_9 = arith.constant 0 : i32
    %dma_start3A_10 = arith.constant 0 : i32
    %dma_start3A_11 = tpu.memref_slice %arg4[%dma_start3A_9, %dma_start3A_10] : memref<100000x1024xf32, #tpu.memory_space<hbm>> -> memref<100000x1024xf32, #tpu.memory_space<hbm>>
    tpu.enqueue_indirect_dma source(%dma_start3A_11 : memref<100000x1024xf32, #tpu.memory_space<hbm>>) target(%arg10 : memref<32x1024xf32, #tpu.memory_space<vmem>>) offsets(%dma_start3A_8 : memref<32xi32, #tpu.memory_space<vmem>>) semaphore(%arg13 : memref<!tpu.dma_semaphore, #tpu.memory_space<semaphore_mem>>)
    %dma_start3A_12 = arith.constant 32 : i32
    %dma_start3A_13 = tpu.memref_slice %arg7[%dma_start3A_12] : memref<512xi32, #tpu.memory_space<vmem>> -> memref<32xi32, #tpu.memory_space<vmem>>
    %dma_start3A_14 = arith.constant 0 : i32
    %dma_start3A_15 = arith.constant 0 : i32
    %dma_start3A_16 = tpu.memref_slice %arg4[%dma_start3A_14, %dma_start3A_15] : memref<100000x1024xf32, #tpu.memory_space<hbm>> -> memref<100000x1024xf32, #tpu.memory_space<hbm>>
    tpu.enqueue_indirect_dma source(%dma_start3A_16 : memref<100000x1024xf32, #tpu.memory_space<hbm>>) target(%arg11 : memref<32x1024xf32, #tpu.memory_space<vmem>>) offsets(%dma_start3A_13 : memref<32xi32, #tpu.memory_space<vmem>>) semaphore(%arg14 : memref<!tpu.dma_semaphore, #tpu.memory_space<semaphore_mem>>)
    %dma_wait3A_17 = tpu.memref_slice %arg3[%mul3A_2] : memref<16384xi32, #tpu.memory_space<hbm>> -> memref<512xi32, #tpu.memory_space<hbm>>
    %dma_wait3A_18 = tpu.memref_slice %arg3[%mul3A_2] : memref<16384xi32, #tpu.memory_space<hbm>> -> memref<512xi32, #tpu.memory_space<hbm>>
    tpu.wait_dma2 semaphore(%arg19 : memref<!tpu.dma_semaphore, #tpu.memory_space<semaphore_mem>>) src(%dma_wait3A_18 : memref<512xi32, #tpu.memory_space<hbm>>) dst(%arg8 : memref<512xi32, #tpu.memory_space<vmem>>)
    tpu.wait_dma2 semaphore(%arg19 : memref<!tpu.dma_semaphore, #tpu.memory_space<semaphore_mem>>) src(%arg5 : memref<2048xf32, #tpu.memory_space<hbm>>) dst(%arg9 : memref<2048xf32, #tpu.memory_space<vmem>>)
    %scan3A = arith.constant 0 : i32
    %scan3A_19 = arith.constant 0 : i32
    %scan3A_20 = arith.constant 5 : i32
    %scan3A_21 = arith.addi %scan3A_19, %scan3A_20 : i32
    %scan3A_22 = arith.constant 1 : i32
    scf.for %scan3A_204 = %scan3A_19 to %scan3A_21 step %scan3A_22  : i32 {
      %mul3A_205 = arith.constant 3 : i32
      %mul3A_206 = arith.muli %mul3A_205, %scan3A_204 : i32
      %add3A_207 = arith.constant 0 : i32
      %add3A_208 = arith.addi %mul3A_206, %add3A_207 : i32
      %mul3A_209 = arith.constant 32 : i32
      %mul3A_210 = arith.muli %add3A_208, %mul3A_209 : i32
      %dma_wait3A_211 = tpu.memref_slice %arg7[%mul3A_210] : memref<512xi32, #tpu.memory_space<vmem>> -> memref<32xi32, #tpu.memory_space<vmem>>
      %dma_wait3A_212 = arith.constant 0 : i32
      %dma_wait3A_213 = arith.constant 0 : i32
      %dma_wait3A_214 = tpu.memref_slice %arg4[%dma_wait3A_212, %dma_wait3A_213] : memref<100000x1024xf32, #tpu.memory_space<hbm>> -> memref<100000x1024xf32, #tpu.memory_space<hbm>>
      tpu.wait_indirect_dma semaphore(%arg13 : memref<!tpu.dma_semaphore, #tpu.memory_space<semaphore_mem>>) src(%dma_wait3A_214 : memref<100000x1024xf32, #tpu.memory_space<hbm>>) dst(%arg10 : memref<32x1024xf32, #tpu.memory_space<vmem>>)
      %ge3A = arith.constant 1 : i32
      %ge3A_215 = arith.cmpi sge, %add3A_208, %ge3A : i32
      %convert_element_type3A = arith.extui %ge3A_215 : i1 to i32
      %cond3A = arith.constant 0 : i32
      %cond3A_216 = arith.cmpi ne, %convert_element_type3A, %cond3A : i32
      scf.if %cond3A_216 {
        %dma_wait3A_796 = arith.constant 0 : i32
        %dma_wait3A_797 = tpu.memref_slice %arg6[%mul3A_2, %dma_wait3A_796] : memref<16384x1024xf32, #tpu.memory_space<hbm>> -> memref<32x1024xf32, #tpu.memory_space<hbm>>
        %dma_wait3A_798 = arith.constant 0 : i32
        %dma_wait3A_799 = tpu.memref_slice %arg6[%mul3A_2, %dma_wait3A_798] : memref<16384x1024xf32, #tpu.memory_space<hbm>> -> memref<32x1024xf32, #tpu.memory_space<hbm>>
        tpu.wait_dma2 semaphore(%arg18 : memref<!tpu.dma_semaphore, #tpu.memory_space<semaphore_mem>>) src(%arg12 : memref<32x1024xf32, #tpu.memory_space<vmem>>) dst(%dma_wait3A_799 : memref<32x1024xf32, #tpu.memory_space<hbm>>)
      } else {
      }
      %add3A_217 = arith.constant 2 : i32
      %add3A_218 = arith.addi %add3A_208, %add3A_217 : i32
      %mul3A_219 = arith.constant 32 : i32
      %mul3A_220 = arith.muli %add3A_218, %mul3A_219 : i32
      %dma_start3A_221 = tpu.memref_slice %arg7[%mul3A_220] : memref<512xi32, #tpu.memory_space<vmem>> -> memref<32xi32, #tpu.memory_space<vmem>>
      %dma_start3A_222 = arith.constant 0 : i32
      %dma_start3A_223 = arith.constant 0 : i32
      %dma_start3A_224 = tpu.memref_slice %arg4[%dma_start3A_222, %dma_start3A_223] : memref<100000x1024xf32, #tpu.memory_space<hbm>> -> memref<100000x1024xf32, #tpu.memory_space<hbm>>
      tpu.enqueue_indirect_dma source(%dma_start3A_224 : memref<100000x1024xf32, #tpu.memory_space<hbm>>) target(%arg12 : memref<32x1024xf32, #tpu.memory_space<vmem>>) offsets(%dma_start3A_221 : memref<32xi32, #tpu.memory_space<vmem>>) semaphore(%arg15 : memref<!tpu.dma_semaphore, #tpu.memory_space<semaphore_mem>>)
      %mul3A_225 = arith.constant 32 : i32
      %mul3A_226 = arith.muli %add3A_208, %mul3A_225 : i32
      %add3A_227 = arith.constant 0 : i32
      %add3A_228 = arith.addi %mul3A_226, %add3A_227 : i32
      %get3A_229 = arith.index_cast %add3A_228 : i32 to index
      %get3A_230 = tpu.vector_load %arg8[%get3A_229] {strides = array<i32>} : memref<512xi32, #tpu.memory_space<vmem>>, vector<16xi32>,
      %get3A_231 = vector.shape_cast %get3A_230 : vector<16xi32> to vector<16xi32>
      %slice3A_232 = vector.extract_strided_slice %get3A_231 {offsets = [0], sizes = [1], strides = [1]} : vector<16xi32> to vector<1xi32>
      %squeeze3A_233 = vector.extract %slice3A_232[0] : i32 from vector<1xi32>
      %gt3A_234 = arith.constant 0 : i32
      %gt3A_235 = arith.cmpi sgt, %squeeze3A_233, %gt3A_234 : i32
      %slice3A_236 = vector.extract_strided_slice %get3A_231 {offsets = [1], sizes = [1], strides = [1]} : vector<16xi32> to vector<1xi32>
      %squeeze3A_237 = vector.extract %slice3A_236[0] : i32 from vector<1xi32>
      %gt3A_238 = arith.constant 0 : i32
      %gt3A_239 = arith.cmpi sgt, %squeeze3A_237, %gt3A_238 : i32
      %slice3A_240 = vector.extract_strided_slice %get3A_231 {offsets = [2], sizes = [1], strides = [1]} : vector<16xi32> to vector<1xi32>
      %squeeze3A_241 = vector.extract %slice3A_240[0] : i32 from vector<1xi32>
      %gt3A_242 = arith.constant 0 : i32
      %gt3A_243 = arith.cmpi sgt, %squeeze3A_241, %gt3A_242 : i32
      %slice3A_244 = vector.extract_strided_slice %get3A_231 {offsets = [3], sizes = [1], strides = [1]} : vector<16xi32> to vector<1xi32>
      %squeeze3A_245 = vector.extract %slice3A_244[0] : i32 from vector<1xi32>
      %gt3A_246 = arith.constant 0 : i32
      %gt3A_247 = arith.cmpi sgt, %squeeze3A_245, %gt3A_246 : i32
      %slice3A_248 = vector.extract_strided_slice %get3A_231 {offsets = [4], sizes = [1], strides = [1]} : vector<16xi32> to vector<1xi32>
      %squeeze3A_249 = vector.extract %slice3A_248[0] : i32 from vector<1xi32>
      %gt3A_250 = arith.constant 0 : i32
      %gt3A_251 = arith.cmpi sgt, %squeeze3A_249, %gt3A_250 : i32
      %slice3A_252 = vector.extract_strided_slice %get3A_231 {offsets = [5], sizes = [1], strides = [1]} : vector<16xi32> to vector<1xi32>
      %squeeze3A_253 = vector.extract %slice3A_252[0] : i32 from vector<1xi32>
      %gt3A_254 = arith.constant 0 : i32
      %gt3A_255 = arith.cmpi sgt, %squeeze3A_253, %gt3A_254 : i32
      %slice3A_256 = vector.extract_strided_slice %get3A_231 {offsets = [6], sizes = [1], strides = [1]} : vector<16xi32> to vector<1xi32>
      %squeeze3A_257 = vector.extract %slice3A_256[0] : i32 from vector<1xi32>
      %gt3A_258 = arith.constant 0 : i32
      %gt3A_259 = arith.cmpi sgt, %squeeze3A_257, %gt3A_258 : i32
      %slice3A_260 = vector.extract_strided_slice %get3A_231 {offsets = [7], sizes = [1], strides = [1]} : vector<16xi32> to vector<1xi32>
      %squeeze3A_261 = vector.extract %slice3A_260[0] : i32 from vector<1xi32>
      %gt3A_262 = arith.constant 0 : i32
      %gt3A_263 = arith.cmpi sgt, %squeeze3A_261, %gt3A_262 : i32
      %slice3A_264 = vector.extract_strided_slice %get3A_231 {offsets = [8], sizes = [1], strides = [1]} : vector<16xi32> to vector<1xi32>
      %squeeze3A_265 = vector.extract %slice3A_264[0] : i32 from vector<1xi32>
      %gt3A_266 = arith.constant 0 : i32
      %gt3A_267 = arith.cmpi sgt, %squeeze3A_265, %gt3A_266 : i32
      %slice3A_268 = vector.extract_strided_slice %get3A_231 {offsets = [9], sizes = [1], strides = [1]} : vector<16xi32> to vector<1xi32>
      %squeeze3A_269 = vector.extract %slice3A_268[0] : i32 from vector<1xi32>
      %gt3A_270 = arith.constant 0 : i32
      %gt3A_271 = arith.cmpi sgt, %squeeze3A_269, %gt3A_270 : i32
      %slice3A_272 = vector.extract_strided_slice %get3A_231 {offsets = [10], sizes = [1], strides = [1]} : vector<16xi32> to vector<1xi32>
      %squeeze3A_273 = vector.extract %slice3A_272[0] : i32 from vector<1xi32>
      %gt3A_274 = arith.constant 0 : i32
      %gt3A_275 = arith.cmpi sgt, %squeeze3A_273, %gt3A_274 : i32
      %slice3A_276 = vector.extract_strided_slice %get3A_231 {offsets = [11], sizes = [1], strides = [1]} : vector<16xi32> to vector<1xi32>
      %squeeze3A_277 = vector.extract %slice3A_276[0] : i32 from vector<1xi32>
      %gt3A_278 = arith.constant 0 : i32
      %gt3A_279 = arith.cmpi sgt, %squeeze3A_277, %gt3A_278 : i32
      %slice3A_280 = vector.extract_strided_slice %get3A_231 {offsets = [12], sizes = [1], strides = [1]} : vector<16xi32> to vector<1xi32>
      %squeeze3A_281 = vector.extract %slice3A_280[0] : i32 from vector<1xi32>
      %gt3A_282 = arith.constant 0 : i32
      %gt3A_283 = arith.cmpi sgt, %squeeze3A_281, %gt3A_282 : i32
      %slice3A_284 = vector.extract_strided_slice %get3A_231 {offsets = [13], sizes = [1], strides = [1]} : vector<16xi32> to vector<1xi32>
      %squeeze3A_285 = vector.extract %slice3A_284[0] : i32 from vector<1xi32>
      %gt3A_286 = arith.constant 0 : i32
      %gt3A_287 = arith.cmpi sgt, %squeeze3A_285, %gt3A_286 : i32
      %slice3A_288 = vector.extract_strided_slice %get3A_231 {offsets = [14], sizes = [1], strides = [1]} : vector<16xi32> to vector<1xi32>
      %squeeze3A_289 = vector.extract %slice3A_288[0] : i32 from vector<1xi32>
      %gt3A_290 = arith.constant 0 : i32
      %gt3A_291 = arith.cmpi sgt, %squeeze3A_289, %gt3A_290 : i32
      %slice3A_292 = vector.extract_strided_slice %get3A_231 {offsets = [15], sizes = [1], strides = [1]} : vector<16xi32> to vector<1xi32>
      %squeeze3A_293 = vector.extract %slice3A_292[0] : i32 from vector<1xi32>
      %gt3A_294 = arith.constant 0 : i32
      %gt3A_295 = arith.cmpi sgt, %squeeze3A_293, %gt3A_294 : i32
      %parallel_loop3A_296 = arith.constant 0 : i32
      %parallel_loop3A_297 = arith.constant 64 : i32
      %parallel_loop3A_298 = arith.constant 1 : i32
      scf.for %parallel_loop3A_796 = %parallel_loop3A_296 to %parallel_loop3A_297 step %parallel_loop3A_298  : i32 {
        %parallel_loop3A_797 = arith.constant 16 : i32
        %parallel_loop3A_798 = arith.muli %parallel_loop3A_796, %parallel_loop3A_797 : i32
        %parallel_loop3A_799 = arith.index_cast %parallel_loop3A_798 : i32 to index
        %parallel_loop3A_800 = tpu.vector_load %arg9[%parallel_loop3A_799] {strides = array<i32>} : memref<2048xf32, #tpu.memory_space<vmem>>, vector<16xf32>,
        %parallel_loop3A_801 = vector.shape_cast %parallel_loop3A_800 : vector<16xf32> to vector<16xf32>
        %parallel_loop3A_802 = arith.constant 1024 : i32
        %parallel_loop3A_803 = arith.addi %parallel_loop3A_802, %parallel_loop3A_798 : i32
        %parallel_loop3A_804 = arith.index_cast %parallel_loop3A_803 : i32 to index
        %parallel_loop3A_805 = tpu.vector_load %arg9[%parallel_loop3A_804] {strides = array<i32>} : memref<2048xf32, #tpu.memory_space<vmem>>, vector<16xf32>,
        %parallel_loop3A_806 = vector.shape_cast %parallel_loop3A_805 : vector<16xf32> to vector<16xf32>
        %parallel_loop3A_807 = arith.select %gt3A_235, %parallel_loop3A_806, %parallel_loop3A_801 : vector<16xf32>
        %parallel_loop3A_808 = arith.constant 0 : i32
        %parallel_loop3A_809 = arith.index_cast %parallel_loop3A_808 : i32 to index
        %parallel_loop3A_810 = arith.index_cast %parallel_loop3A_798 : i32 to index
        %parallel_loop3A_811 = tpu.vector_load %arg10[%parallel_loop3A_809, %parallel_loop3A_810] {strides = array<i32>} : memref<32x1024xf32, #tpu.memory_space<vmem>>, vector<1x16xf32>,
        %parallel_loop3A_812 = vector.shape_cast %parallel_loop3A_811 : vector<1x16xf32> to vector<16xf32>
        %parallel_loop3A_813 = arith.addf %parallel_loop3A_812, %parallel_loop3A_807 : vector<16xf32>
        %parallel_loop3A_814 = arith.constant 0 : i32
        %parallel_loop3A_815 = arith.index_cast %parallel_loop3A_814 : i32 to index
        %parallel_loop3A_816 = arith.index_cast %parallel_loop3A_798 : i32 to index
        %parallel_loop3A_817 = tpu.vector_load %arg10[%parallel_loop3A_815, %parallel_loop3A_816] {strides = array<i32>} : memref<32x1024xf32, #tpu.memory_space<vmem>>, vector<1x16xf32>,
        %parallel_loop3A_818 = vector.shape_cast %parallel_loop3A_817 : vector<1x16xf32> to vector<16xf32>
        %parallel_loop3A_819 = vector.shape_cast %parallel_loop3A_813 : vector<16xf32> to vector<1x16xf32>
        tpu.vector_store %arg10[%parallel_loop3A_815, %parallel_loop3A_816], %parallel_loop3A_819 {strides = array<i32>} : memref<32x1024xf32, #tpu.memory_space<vmem>>, vector<1x16xf32>,
        %parallel_loop3A_820 = arith.select %gt3A_239, %parallel_loop3A_806, %parallel_loop3A_801 : vector<16xf32>
        %parallel_loop3A_821 = arith.constant 1 : i32
        %parallel_loop3A_822 = arith.index_cast %parallel_loop3A_821 : i32 to index
        %parallel_loop3A_823 = arith.index_cast %parallel_loop3A_798 : i32 to index
        %parallel_loop3A_824 = tpu.vector_load %arg10[%parallel_loop3A_822, %parallel_loop3A_823] {strides = array<i32>} : memref<32x1024xf32, #tpu.memory_space<vmem>>, vector<1x16xf32>,
        %parallel_loop3A_825 = vector.shape_cast %parallel_loop3A_824 : vector<1x16xf32> to vector<16xf32>
        %parallel_loop3A_826 = arith.addf %parallel_loop3A_825, %parallel_loop3A_820 : vector<16xf32>
        %parallel_loop3A_827 = arith.constant 1 : i32
        %parallel_loop3A_828 = arith.index_cast %parallel_loop3A_827 : i32 to index
        %parallel_loop3A_829 = arith.index_cast %parallel_loop3A_798 : i32 to index
        %parallel_loop3A_830 = tpu.vector_load %arg10[%parallel_loop3A_828, %parallel_loop3A_829] {strides = array<i32>} : memref<32x1024xf32, #tpu.memory_space<vmem>>, vector<1x16xf32>,
        %parallel_loop3A_831 = vector.shape_cast %parallel_loop3A_830 : vector<1x16xf32> to vector<16xf32>
        %parallel_loop3A_832 = vector.shape_cast %parallel_loop3A_826 : vector<16xf32> to vector<1x16xf32>
        tpu.vector_store %arg10[%parallel_loop3A_828, %parallel_loop3A_829], %parallel_loop3A_832 {strides = array<i32>} : memref<32x1024xf32, #tpu.memory_space<vmem>>, vector<1x16xf32>,
        %parallel_loop3A_833 = arith.select %gt3A_243, %parallel_loop3A_806, %parallel_loop3A_801 : vector<16xf32>
        %parallel_loop3A_834 = arith.constant 2 : i32
        %parallel_loop3A_835 = arith.index_cast %parallel_loop3A_834 : i32 to index
        %parallel_loop3A_836 = arith.index_cast %parallel_loop3A_798 : i32 to index
        %parallel_loop3A_837 = tpu.vector_load %arg10[%parallel_loop3A_835, %parallel_loop3A_836] {strides = array<i32>} : memref<32x1024xf32, #tpu.memory_space<vmem>>, vector<1x16xf32>,
        %parallel_loop3A_838 = vector.shape_cast %parallel_loop3A_837 : vector<1x16xf32> to vector<16xf32>
        %parallel_loop3A_839 = arith.addf %parallel_loop3A_838, %parallel_loop3A_833 : vector<16xf32>
        %parallel_loop3A_840 = arith.constant 2 : i32
        %parallel_loop3A_841 = arith.index_cast %parallel_loop3A_840 : i32 to index
        %parallel_loop3A_842 = arith.index_cast %parallel_loop3A_798 : i32 to index
        %parallel_loop3A_843 = tpu.vector_load %arg10[%parallel_loop3A_841, %parallel_loop3A_842] {strides = array<i32>} : memref<32x1024xf32, #tpu.memory_space<vmem>>, vector<1x16xf32>,
        %parallel_loop3A_844 = vector.shape_cast %parallel_loop3A_843 : vector<1x16xf32> to vector<16xf32>
        %parallel_loop3A_845 = vector.shape_cast %parallel_loop3A_839 : vector<16xf32> to vector<1x16xf32>
        tpu.vector_store %arg10[%parallel_loop3A_841, %parallel_loop3A_842], %parallel_loop3A_845 {strides = array<i32>} : memref<32x1024xf32, #tpu.memory_space<vmem>>, vector<1x16xf32>,
        %parallel_loop3A_846 = arith.select %gt3A_247, %parallel_loop3A_806, %parallel_loop3A_801 : vector<16xf32>
        %parallel_loop3A_847 = arith.constant 3 : i32
        %parallel_loop3A_848 = arith.index_cast %parallel_loop3A_847 : i32 to index
        %parallel_loop3A_849 = arith.index_cast %parallel_loop3A_798 : i32 to index
        %parallel_loop3A_850 = tpu.vector_load %arg10[%parallel_loop3A_848, %parallel_loop3A_849] {strides = array<i32>} : memref<32x1024xf32, #tpu.memory_space<vmem>>, vector<1x16xf32>,
        %parallel_loop3A_851 = vector.shape_cast %parallel_loop3A_850 : vector<1x16xf32> to vector<16xf32>
        %parallel_loop3A_852 = arith.addf %parallel_loop3A_851, %parallel_loop3A_846 : vector<16xf32>
        %parallel_loop3A_853 = arith.constant 3 : i32
        %parallel_loop3A_854 = arith.index_cast %parallel_loop3A_853 : i32 to index
        %parallel_loop3A_855 = arith.index_cast %parallel_loop3A_798 : i32 to index
        %parallel_loop3A_856 = tpu.vector_load %arg10[%parallel_loop3A_854, %parallel_loop3A_855] {strides = array<i32>} : memref<32x1024xf32, #tpu.memory_space<vmem>>, vector<1x16xf32>,
        %parallel_loop3A_857 = vector.shape_cast %parallel_loop3A_856 : vector<1x16xf32> to vector<16xf32>
        %parallel_loop3A_858 = vector.shape_cast %parallel_loop3A_852 : vector<16xf32> to vector<1x16xf32>
        tpu.vector_store %arg10[%parallel_loop3A_854, %parallel_loop3A_855], %parallel_loop3A_858 {strides = array<i32>} : memref<32x1024xf32, #tpu.memory_space<vmem>>, vector<1x16xf32>,
        %parallel_loop3A_859 = arith.select %gt3A_251, %parallel_loop3A_806, %parallel_loop3A_801 : vector<16xf32>
        %parallel_loop3A_860 = arith.constant 4 : i32
        %parallel_loop3A_861 = arith.index_cast %parallel_loop3A_860 : i32 to index
        %parallel_loop3A_862 = arith.index_cast %parallel_loop3A_798 : i32 to index
        %parallel_loop3A_863 = tpu.vector_load %arg10[%parallel_loop3A_861, %parallel_loop3A_862] {strides = array<i32>} : memref<32x1024xf32, #tpu.memory_space<vmem>>, vector<1x16xf32>,
        %parallel_loop3A_864 = vector.shape_cast %parallel_loop3A_863 : vector<1x16xf32> to vector<16xf32>
        %parallel_loop3A_865 = arith.addf %parallel_loop3A_864, %parallel_loop3A_859 : vector<16xf32>
        %parallel_loop3A_866 = arith.constant 4 : i32
        %parallel_loop3A_867 = arith.index_cast %parallel_loop3A_866 : i32 to index
        %parallel_loop3A_868 = arith.index_cast %parallel_loop3A_798 : i32 to index
        %parallel_loop3A_869 = tpu.vector_load %arg10[%parallel_loop3A_867, %parallel_loop3A_868] {strides = array<i32>} : memref<32x1024xf32, #tpu.memory_space<vmem>>, vector<1x16xf32>,
        %parallel_loop3A_870 = vector.shape_cast %parallel_loop3A_869 : vector<1x16xf32> to vector<16xf32>
        %parallel_loop3A_871 = vector.shape_cast %parallel_loop3A_865 : vector<16xf32> to vector<1x16xf32>
        tpu.vector_store %arg10[%parallel_loop3A_867, %parallel_loop3A_868], %parallel_loop3A_871 {strides = array<i32>} : memref<32x1024xf32, #tpu.memory_space<vmem>>, vector<1x16xf32>,
        %parallel_loop3A_872 = arith.select %gt3A_255, %parallel_loop3A_806, %parallel_loop3A_801 : vector<16xf32>
        %parallel_loop3A_873 = arith.constant 5 : i32
        %parallel_loop3A_874 = arith.index_cast %parallel_loop3A_873 : i32 to index
        %parallel_loop3A_875 = arith.index_cast %parallel_loop3A_798 : i32 to index
        %parallel_loop3A_876 = tpu.vector_load %arg10[%parallel_loop3A_874, %parallel_loop3A_875] {strides = array<i32>} : memref<32x1024xf32, #tpu.memory_space<vmem>>, vector<1x16xf32>,
        %parallel_loop3A_877 = vector.shape_cast %parallel_loop3A_876 : vector<1x16xf32> to vector<16xf32>
        %parallel_loop3A_878 = arith.addf %parallel_loop3A_877, %parallel_loop3A_872 : vector<16xf32>
        %parallel_loop3A_879 = arith.constant 5 : i32
        %parallel_loop3A_880 = arith.index_cast %parallel_loop3A_879 : i32 to index
        %parallel_loop3A_881 = arith.index_cast %parallel_loop3A_798 : i32 to index
        %parallel_loop3A_882 = tpu.vector_load %arg10[%parallel_loop3A_880, %parallel_loop3A_881] {strides = array<i32>} : memref<32x1024xf32, #tpu.memory_space<vmem>>, vector<1x16xf32>,
        %parallel_loop3A_883 = vector.shape_cast %parallel_loop3A_882 : vector<1x16xf32> to vector<16xf32>
        %parallel_loop3A_884 = vector.shape_cast %parallel_loop3A_878 : vector<16xf32> to vector<1x16xf32>
        tpu.vector_store %arg10[%parallel_loop3A_880, %parallel_loop3A_881], %parallel_loop3A_884 {strides = array<i32>} : memref<32x1024xf32, #tpu.memory_space<vmem>>, vector<1x16xf32>,
        %parallel_loop3A_885 = arith.select %gt3A_259, %parallel_loop3A_806, %parallel_loop3A_801 : vector<16xf32>
        %parallel_loop3A_886 = arith.constant 6 : i32
        %parallel_loop3A_887 = arith.index_cast %parallel_loop3A_886 : i32 to index
        %parallel_loop3A_888 = arith.index_cast %parallel_loop3A_798 : i32 to index
        %parallel_loop3A_889 = tpu.vector_load %arg10[%parallel_loop3A_887, %parallel_loop3A_888] {strides = array<i32>} : memref<32x1024xf32, #tpu.memory_space<vmem>>, vector<1x16xf32>,
        %parallel_loop3A_890 = vector.shape_cast %parallel_loop3A_889 : vector<1x16xf32> to vector<16xf32>
        %parallel_loop3A_891 = arith.addf %parallel_loop3A_890, %parallel_loop3A_885 : vector<16xf32>
        %parallel_loop3A_892 = arith.constant 6 : i32
        %parallel_loop3A_893 = arith.index_cast %parallel_loop3A_892 : i32 to index
        %parallel_loop3A_894 = arith.index_cast %parallel_loop3A_798 : i32 to index
        %parallel_loop3A_895 = tpu.vector_load %arg10[%parallel_loop3A_893, %parallel_loop3A_894] {strides = array<i32>} : memref<32x1024xf32, #tpu.memory_space<vmem>>, vector<1x16xf32>,
        %parallel_loop3A_896 = vector.shape_cast %parallel_loop3A_895 : vector<1x16xf32> to vector<16xf32>
        %parallel_loop3A_897 = vector.shape_cast %parallel_loop3A_891 : vector<16xf32> to vector<1x16xf32>
        tpu.vector_store %arg10[%parallel_loop3A_893, %parallel_loop3A_894], %parallel_loop3A_897 {strides = array<i32>} : memref<32x1024xf32, #tpu.memory_space<vmem>>, vector<1x16xf32>,
        %parallel_loop3A_898 = arith.select %gt3A_263, %parallel_loop3A_806, %parallel_loop3A_801 : vector<16xf32>
        %parallel_loop3A_899 = arith.constant 7 : i32
        %parallel_loop3A_900 = arith.index_cast %parallel_loop3A_899 : i32 to index
        %parallel_loop3A_901 = arith.index_cast %parallel_loop3A_798 : i32 to index
        %parallel_loop3A_902 = tpu.vector_load %arg10[%parallel_loop3A_900, %parallel_loop3A_901] {strides = array<i32>} : memref<32x1024xf32, #tpu.memory_space<vmem>>, vector<1x16xf32>,
        %parallel_loop3A_903 = vector.shape_cast %parallel_loop3A_902 : vector<1x16xf32> to vector<16xf32>
        %parallel_loop3A_904 = arith.addf %parallel_loop3A_903, %parallel_loop3A_898 : vector<16xf32>
        %parallel_loop3A_905 = arith.constant 7 : i32
        %parallel_loop3A_906 = arith.index_cast %parallel_loop3A_905 : i32 to index
        %parallel_loop3A_907 = arith.index_cast %parallel_loop3A_798 : i32 to index
        %parallel_loop3A_908 = tpu.vector_load %arg10[%parallel_loop3A_906, %parallel_loop3A_907] {strides = array<i32>} : memref<32x1024xf32, #tpu.memory_space<vmem>>, vector<1x16xf32>,
        %parallel_loop3A_909 = vector.shape_cast %parallel_loop3A_908 : vector<1x16xf32> to vector<16xf32>
        %parallel_loop3A_910 = vector.shape_cast %parallel_loop3A_904 : vector<16xf32> to vector<1x16xf32>
        tpu.vector_store %arg10[%parallel_loop3A_906, %parallel_loop3A_907], %parallel_loop3A_910 {strides = array<i32>} : memref<32x1024xf32, #tpu.memory_space<vmem>>, vector<1x16xf32>,
        %parallel_loop3A_911 = arith.select %gt3A_267, %parallel_loop3A_806, %parallel_loop3A_801 : vector<16xf32>
        %parallel_loop3A_912 = arith.constant 8 : i32
        %parallel_loop3A_913 = arith.index_cast %parallel_loop3A_912 : i32 to index
        %parallel_loop3A_914 = arith.index_cast %parallel_loop3A_798 : i32 to index
        %parallel_loop3A_915 = tpu.vector_load %arg10[%parallel_loop3A_913, %parallel_loop3A_914] {strides = array<i32>} : memref<32x1024xf32, #tpu.memory_space<vmem>>, vector<1x16xf32>,
        %parallel_loop3A_916 = vector.shape_cast %parallel_loop3A_915 : vector<1x16xf32> to vector<16xf32>
        %parallel_loop3A_917 = arith.addf %parallel_loop3A_916, %parallel_loop3A_911 : vector<16xf32>
        %parallel_loop3A_918 = arith.constant 8 : i32
        %parallel_loop3A_919 = arith.index_cast %parallel_loop3A_918 : i32 to index
        %parallel_loop3A_920 = arith.index_cast %parallel_loop3A_798 : i32 to index
        %parallel_loop3A_921 = tpu.vector_load %arg10[%parallel_loop3A_919, %parallel_loop3A_920] {strides = array<i32>} : memref<32x1024xf32, #tpu.memory_space<vmem>>, vector<1x16xf32>,
        %parallel_loop3A_922 = vector.shape_cast %parallel_loop3A_921 : vector<1x16xf32> to vector<16xf32>
        %parallel_loop3A_923 = vector.shape_cast %parallel_loop3A_917 : vector<16xf32> to vector<1x16xf32>
        tpu.vector_store %arg10[%parallel_loop3A_919, %parallel_loop3A_920], %parallel_loop3A_923 {strides = array<i32>} : memref<32x1024xf32, #tpu.memory_space<vmem>>, vector<1x16xf32>,
        %parallel_loop3A_924 = arith.select %gt3A_271, %parallel_loop3A_806, %parallel_loop3A_801 : vector<16xf32>
        %parallel_loop3A_925 = arith.constant 9 : i32
        %parallel_loop3A_926 = arith.index_cast %parallel_loop3A_925 : i32 to index
        %parallel_loop3A_927 = arith.index_cast %parallel_loop3A_798 : i32 to index
        %parallel_loop3A_928 = tpu.vector_load %arg10[%parallel_loop3A_926, %parallel_loop3A_927] {strides = array<i32>} : memref<32x1024xf32, #tpu.memory_space<vmem>>, vector<1x16xf32>,
        %parallel_loop3A_929 = vector.shape_cast %parallel_loop3A_928 : vector<1x16xf32> to vector<16xf32>
        %parallel_loop3A_930 = arith.addf %parallel_loop3A_929, %parallel_loop3A_924 : vector<16xf32>
        %parallel_loop3A_931 = arith.constant 9 : i32
        %parallel_loop3A_932 = arith.index_cast %parallel_loop3A_931 : i32 to index
        %parallel_loop3A_933 = arith.index_cast %parallel_loop3A_798 : i32 to index
        %parallel_loop3A_934 = tpu.vector_load %arg10[%parallel_loop3A_932, %parallel_loop3A_933] {strides = array<i32>} : memref<32x1024xf32, #tpu.memory_space<vmem>>, vector<1x16xf32>,
        %parallel_loop3A_935 = vector.shape_cast %parallel_loop3A_934 : vector<1x16xf32> to vector<16xf32>
        %parallel_loop3A_936 = vector.shape_cast %parallel_loop3A_930 : vector<16xf32> to vector<1x16xf32>
        tpu.vector_store %arg10[%parallel_loop3A_932, %parallel_loop3A_933], %parallel_loop3A_936 {strides = array<i32>} : memref<32x1024xf32, #tpu.memory_space<vmem>>, vector<1x16xf32>,
        %parallel_loop3A_937 = arith.select %gt3A_275, %parallel_loop3A_806, %parallel_loop3A_801 : vector<16xf32>
        %parallel_loop3A_938 = arith.constant 10 : i32
        %parallel_loop3A_939 = arith.index_cast %parallel_loop3A_938 : i32 to index
        %parallel_loop3A_940 = arith.index_cast %parallel_loop3A_798 : i32 to index
        %parallel_loop3A_941 = tpu.vector_load %arg10[%parallel_loop3A_939, %parallel_loop3A_940] {strides = array<i32>} : memref<32x1024xf32, #tpu.memory_space<vmem>>, vector<1x16xf32>,
        %parallel_loop3A_942 = vector.shape_cast %parallel_loop3A_941 : vector<1x16xf32> to vector<16xf32>
        %parallel_loop3A_943 = arith.addf %parallel_loop3A_942, %parallel_loop3A_937 : vector<16xf32>
        %parallel_loop3A_944 = arith.constant 10 : i32
        %parallel_loop3A_945 = arith.index_cast %parallel_loop3A_944 : i32 to index
        %parallel_loop3A_946 = arith.index_cast %parallel_loop3A_798 : i32 to index
        %parallel_loop3A_947 = tpu.vector_load %arg10[%parallel_loop3A_945, %parallel_loop3A_946] {strides = array<i32>} : memref<32x1024xf32, #tpu.memory_space<vmem>>, vector<1x16xf32>,
        %parallel_loop3A_948 = vector.shape_cast %parallel_loop3A_947 : vector<1x16xf32> to vector<16xf32>
        %parallel_loop3A_949 = vector.shape_cast %parallel_loop3A_943 : vector<16xf32> to vector<1x16xf32>
        tpu.vector_store %arg10[%parallel_loop3A_945, %parallel_loop3A_946], %parallel_loop3A_949 {strides = array<i32>} : memref<32x1024xf32, #tpu.memory_space<vmem>>, vector<1x16xf32>,
        %parallel_loop3A_950 = arith.select %gt3A_279, %parallel_loop3A_806, %parallel_loop3A_801 : vector<16xf32>
        %parallel_loop3A_951 = arith.constant 11 : i32
        %parallel_loop3A_952 = arith.index_cast %parallel_loop3A_951 : i32 to index
        %parallel_loop3A_953 = arith.index_cast %parallel_loop3A_798 : i32 to index
        %parallel_loop3A_954 = tpu.vector_load %arg10[%parallel_loop3A_952, %parallel_loop3A_953] {strides = array<i32>} : memref<32x1024xf32, #tpu.memory_space<vmem>>, vector<1x16xf32>,
        %parallel_loop3A_955 = vector.shape_cast %parallel_loop3A_954 : vector<1x16xf32> to vector<16xf32>
        %parallel_loop3A_956 = arith.addf %parallel_loop3A_955, %parallel_loop3A_950 : vector<16xf32>
        %parallel_loop3A_957 = arith.constant 11 : i32
        %parallel_loop3A_958 = arith.index_cast %parallel_loop3A_957 : i32 to index
        %parallel_loop3A_959 = arith.index_cast %parallel_loop3A_798 : i32 to index
        %parallel_loop3A_960 = tpu.vector_load %arg10[%parallel_loop3A_958, %parallel_loop3A_959] {strides = array<i32>} : memref<32x1024xf32, #tpu.memory_space<vmem>>, vector<1x16xf32>,
        %parallel_loop3A_961 = vector.shape_cast %parallel_loop3A_960 : vector<1x16xf32> to vector<16xf32>
        %parallel_loop3A_962 = vector.shape_cast %parallel_loop3A_956 : vector<16xf32> to vector<1x16xf32>
        tpu.vector_store %arg10[%parallel_loop3A_958, %parallel_loop3A_959], %parallel_loop3A_962 {strides = array<i32>} : memref<32x1024xf32, #tpu.memory_space<vmem>>, vector<1x16xf32>,
        %parallel_loop3A_963 = arith.select %gt3A_283, %parallel_loop3A_806, %parallel_loop3A_801 : vector<16xf32>
        %parallel_loop3A_964 = arith.constant 12 : i32
        %parallel_loop3A_965 = arith.index_cast %parallel_loop3A_964 : i32 to index
        %parallel_loop3A_966 = arith.index_cast %parallel_loop3A_798 : i32 to index
        %parallel_loop3A_967 = tpu.vector_load %arg10[%parallel_loop3A_965, %parallel_loop3A_966] {strides = array<i32>} : memref<32x1024xf32, #tpu.memory_space<vmem>>, vector<1x16xf32>,
        %parallel_loop3A_968 = vector.shape_cast %parallel_loop3A_967 : vector<1x16xf32> to vector<16xf32>
        %parallel_loop3A_969 = arith.addf %parallel_loop3A_968, %parallel_loop3A_963 : vector<16xf32>
        %parallel_loop3A_970 = arith.constant 12 : i32
        %parallel_loop3A_971 = arith.index_cast %parallel_loop3A_970 : i32 to index
        %parallel_loop3A_972 = arith.index_cast %parallel_loop3A_798 : i32 to index
        %parallel_loop3A_973 = tpu.vector_load %arg10[%parallel_loop3A_971, %parallel_loop3A_972] {strides = array<i32>} : memref<32x1024xf32, #tpu.memory_space<vmem>>, vector<1x16xf32>,
        %parallel_loop3A_974 = vector.shape_cast %parallel_loop3A_973 : vector<1x16xf32> to vector<16xf32>
        %parallel_loop3A_975 = vector.shape_cast %parallel_loop3A_969 : vector<16xf32> to vector<1x16xf32>
        tpu.vector_store %arg10[%parallel_loop3A_971, %parallel_loop3A_972], %parallel_loop3A_975 {strides = array<i32>} : memref<32x1024xf32, #tpu.memory_space<vmem>>, vector<1x16xf32>,
        %parallel_loop3A_976 = arith.select %gt3A_287, %parallel_loop3A_806, %parallel_loop3A_801 : vector<16xf32>
        %parallel_loop3A_977 = arith.constant 13 : i32
        %parallel_loop3A_978 = arith.index_cast %parallel_loop3A_977 : i32 to index
        %parallel_loop3A_979 = arith.index_cast %parallel_loop3A_798 : i32 to index
        %parallel_loop3A_980 = tpu.vector_load %arg10[%parallel_loop3A_978, %parallel_loop3A_979] {strides = array<i32>} : memref<32x1024xf32, #tpu.memory_space<vmem>>, vector<1x16xf32>,
        %parallel_loop3A_981 = vector.shape_cast %parallel_loop3A_980 : vector<1x16xf32> to vector<16xf32>
        %parallel_loop3A_982 = arith.addf %parallel_loop3A_981, %parallel_loop3A_976 : vector<16xf32>
        %parallel_loop3A_983 = arith.constant 13 : i32
        %parallel_loop3A_984 = arith.index_cast %parallel_loop3A_983 : i32 to index
        %parallel_loop3A_985 = arith.index_cast %parallel_loop3A_798 : i32 to index
        %parallel_loop3A_986 = tpu.vector_load %arg10[%parallel_loop3A_984, %parallel_loop3A_985] {strides = array<i32>} : memref<32x1024xf32, #tpu.memory_space<vmem>>, vector<1x16xf32>,
        %parallel_loop3A_987 = vector.shape_cast %parallel_loop3A_986 : vector<1x16xf32> to vector<16xf32>
        %parallel_loop3A_988 = vector.shape_cast %parallel_loop3A_982 : vector<16xf32> to vector<1x16xf32>
        tpu.vector_store %arg10[%parallel_loop3A_984, %parallel_loop3A_985], %parallel_loop3A_988 {strides = array<i32>} : memref<32x1024xf32, #tpu.memory_space<vmem>>, vector<1x16xf32>,
        %parallel_loop3A_989 = arith.select %gt3A_291, %parallel_loop3A_806, %parallel_loop3A_801 : vector<16xf32>
        %parallel_loop3A_990 = arith.constant 14 : i32
        %parallel_loop3A_991 = arith.index_cast %parallel_loop3A_990 : i32 to index
        %parallel_loop3A_992 = arith.index_cast %parallel_loop3A_798 : i32 to index
        %parallel_loop3A_993 = tpu.vector_load %arg10[%parallel_loop3A_991, %parallel_loop3A_992] {strides = array<i32>} : memref<32x1024xf32, #tpu.memory_space<vmem>>, vector<1x16xf32>,
        %parallel_loop3A_994 = vector.shape_cast %parallel_loop3A_993 : vector<1x16xf32> to vector<16xf32>
        %parallel_loop3A_995 = arith.addf %parallel_loop3A_994, %parallel_loop3A_989 : vector<16xf32>
        %parallel_loop3A_996 = arith.constant 14 : i32
        %parallel_loop3A_997 = arith.index_cast %parallel_loop3A_996 : i32 to index
        %parallel_loop3A_998 = arith.index_cast %parallel_loop3A_798 : i32 to index
        %parallel_loop3A_999 = tpu.vector_load %arg10[%parallel_loop3A_997, %parallel_loop3A_998] {strides = array<i32>} : memref<32x1024xf32, #tpu.memory_space<vmem>>, vector<1x16xf32>,
        %parallel_loop3A_1000 = vector.shape_cast %parallel_loop3A_999 : vector<1x16xf32> to vector<16xf32>
        %parallel_loop3A_1001 = vector.shape_cast %parallel_loop3A_995 : vector<16xf32> to vector<1x16xf32>
        tpu.vector_store %arg10[%parallel_loop3A_997, %parallel_loop3A_998], %parallel_loop3A_1001 {strides = array<i32>} : memref<32x1024xf32, #tpu.memory_space<vmem>>, vector<1x16xf32>,
        %parallel_loop3A_1002 = arith.select %gt3A_295, %parallel_loop3A_806, %parallel_loop3A_801 : vector<16xf32>
        %parallel_loop3A_1003 = arith.constant 15 : i32
        %parallel_loop3A_1004 = arith.index_cast %parallel_loop3A_1003 : i32 to index
        %parallel_loop3A_1005 = arith.index_cast %parallel_loop3A_798 : i32 to index
        %parallel_loop3A_1006 = tpu.vector_load %arg10[%parallel_loop3A_1004, %parallel_loop3A_1005] {strides = array<i32>} : memref<32x1024xf32, #tpu.memory_space<vmem>>, vector<1x16xf32>,
        %parallel_loop3A_1007 = vector.shape_cast %parallel_loop3A_1006 : vector<1x16xf32> to vector<16xf32>
        %parallel_loop3A_1008 = arith.addf %parallel_loop3A_1007, %parallel_loop3A_1002 : vector<16xf32>
        %parallel_loop3A_1009 = arith.constant 15 : i32
        %parallel_loop3A_1010 = arith.index_cast %parallel_loop3A_1009 : i32 to index
        %parallel_loop3A_1011 = arith.index_cast %parallel_loop3A_798 : i32 to index
        %parallel_loop3A_1012 = tpu.vector_load %arg10[%parallel_loop3A_1010, %parallel_loop3A_1011] {strides = array<i32>} : memref<32x1024xf32, #tpu.memory_space<vmem>>, vector<1x16xf32>,
        %parallel_loop3A_1013 = vector.shape_cast %parallel_loop3A_1012 : vector<1x16xf32> to vector<16xf32>
        %parallel_loop3A_1014 = vector.shape_cast %parallel_loop3A_1008 : vector<16xf32> to vector<1x16xf32>
        tpu.vector_store %arg10[%parallel_loop3A_1010, %parallel_loop3A_1011], %parallel_loop3A_1014 {strides = array<i32>} : memref<32x1024xf32, #tpu.memory_space<vmem>>, vector<1x16xf32>,
      } {sc.loop_unroll_factor = 1 : i64, sc.parallel_access}
      %mul3A_299 = arith.constant 32 : i32
      %mul3A_300 = arith.muli %add3A_208, %mul3A_299 : i32
      %add3A_301 = arith.addi %mul3A_2, %mul3A_300 : i32
      %add3A_302 = arith.constant 0 : i32
      %add3A_303 = arith.addi %add3A_301, %add3A_302 : i32
      %dma_start3A_304 = arith.constant 0 : i32
      %dma_start3A_305 = arith.constant 0 : i32
      %dma_start3A_306 = tpu.memref_slice %arg10[%dma_start3A_304, %dma_start3A_305] : memref<32x1024xf32, #tpu.memory_space<vmem>> -> memref<16x1024xf32, #tpu.memory_space<vmem>>
      %dma_start3A_307 = arith.constant 0 : i32
      %dma_start3A_308 = tpu.memref_slice %arg6[%add3A_303, %dma_start3A_307] : memref<16384x1024xf32, #tpu.memory_space<hbm>> -> memref<16x1024xf32, #tpu.memory_space<hbm>>
      %dma_start3A_309 = arith.constant 0 : i32
      %dma_start3A_310 = tpu.memref_slice %arg6[%add3A_303, %dma_start3A_309] : memref<16384x1024xf32, #tpu.memory_space<hbm>> -> memref<16x1024xf32, #tpu.memory_space<hbm>>
      %dma_start3A_311 = arith.constant 0 : i32
      %dma_start3A_312 = arith.constant 0 : i32
      %dma_start3A_313 = tpu.memref_slice %arg10[%dma_start3A_311, %dma_start3A_312] : memref<32x1024xf32, #tpu.memory_space<vmem>> -> memref<16x1024xf32, #tpu.memory_space<vmem>>
      tpu.enqueue_dma source(%dma_start3A_313 : memref<16x1024xf32, #tpu.memory_space<vmem>>) target(%dma_start3A_310 : memref<16x1024xf32, #tpu.memory_space<hbm>>) target_semaphore(%arg16 : memref<!tpu.dma_semaphore, #tpu.memory_space<semaphore_mem>>)
      %mul3A_314 = arith.constant 32 : i32
      %mul3A_315 = arith.muli %add3A_208, %mul3A_314 : i32
      %add3A_316 = arith.constant 16 : i32
      %add3A_317 = arith.addi %mul3A_315, %add3A_316 : i32
      %get3A_318 = arith.index_cast %add3A_317 : i32 to index
      %get3A_319 = tpu.vector_load %arg8[%get3A_318] {strides = array<i32>} : memref<512xi32, #tpu.memory_space<vmem>>, vector<16xi32>,
      %get3A_320 = vector.shape_cast %get3A_319 : vector<16xi32> to vector<16xi32>
      %slice3A_321 = vector.extract_strided_slice %get3A_320 {offsets = [0], sizes = [1], strides = [1]} : vector<16xi32> to vector<1xi32>
      %squeeze3A_322 = vector.extract %slice3A_321[0] : i32 from vector<1xi32>
      %gt3A_323 = arith.constant 0 : i32
      %gt3A_324 = arith.cmpi sgt, %squeeze3A_322, %gt3A_323 : i32
      %slice3A_325 = vector.extract_strided_slice %get3A_320 {offsets = [1], sizes = [1], strides = [1]} : vector<16xi32> to vector<1xi32>
      %squeeze3A_326 = vector.extract %slice3A_325[0] : i32 from vector<1xi32>
      %gt3A_327 = arith.constant 0 : i32
      %gt3A_328 = arith.cmpi sgt, %squeeze3A_326, %gt3A_327 : i32
      %slice3A_329 = vector.extract_strided_slice %get3A_320 {offsets = [2], sizes = [1], strides = [1]} : vector<16xi32> to vector<1xi32>
      %squeeze3A_330 = vector.extract %slice3A_329[0] : i32 from vector<1xi32>
      %gt3A_331 = arith.constant 0 : i32
      %gt3A_332 = arith.cmpi sgt, %squeeze3A_330, %gt3A_331 : i32
      %slice3A_333 = vector.extract_strided_slice %get3A_320 {offsets = [3], sizes = [1], strides = [1]} : vector<16xi32> to vector<1xi32>
      %squeeze3A_334 = vector.extract %slice3A_333[0] : i32 from vector<1xi32>
      %gt3A_335 = arith.constant 0 : i32
      %gt3A_336 = arith.cmpi sgt, %squeeze3A_334, %gt3A_335 : i32
      %slice3A_337 = vector.extract_strided_slice %get3A_320 {offsets = [4], sizes = [1], strides = [1]} : vector<16xi32> to vector<1xi32>
      %squeeze3A_338 = vector.extract %slice3A_337[0] : i32 from vector<1xi32>
      %gt3A_339 = arith.constant 0 : i32
      %gt3A_340 = arith.cmpi sgt, %squeeze3A_338, %gt3A_339 : i32
      %slice3A_341 = vector.extract_strided_slice %get3A_320 {offsets = [5], sizes = [1], strides = [1]} : vector<16xi32> to vector<1xi32>
      %squeeze3A_342 = vector.extract %slice3A_341[0] : i32 from vector<1xi32>
      %gt3A_343 = arith.constant 0 : i32
      %gt3A_344 = arith.cmpi sgt, %squeeze3A_342, %gt3A_343 : i32
      %slice3A_345 = vector.extract_strided_slice %get3A_320 {offsets = [6], sizes = [1], strides = [1]} : vector<16xi32> to vector<1xi32>
      %squeeze3A_346 = vector.extract %slice3A_345[0] : i32 from vector<1xi32>
      %gt3A_347 = arith.constant 0 : i32
      %gt3A_348 = arith.cmpi sgt, %squeeze3A_346, %gt3A_347 : i32
      %slice3A_349 = vector.extract_strided_slice %get3A_320 {offsets = [7], sizes = [1], strides = [1]} : vector<16xi32> to vector<1xi32>
      %squeeze3A_350 = vector.extract %slice3A_349[0] : i32 from vector<1xi32>
      %gt3A_351 = arith.constant 0 : i32
      %gt3A_352 = arith.cmpi sgt, %squeeze3A_350, %gt3A_351 : i32
      %slice3A_353 = vector.extract_strided_slice %get3A_320 {offsets = [8], sizes = [1], strides = [1]} : vector<16xi32> to vector<1xi32>
      %squeeze3A_354 = vector.extract %slice3A_353[0] : i32 from vector<1xi32>
      %gt3A_355 = arith.constant 0 : i32
      %gt3A_356 = arith.cmpi sgt, %squeeze3A_354, %gt3A_355 : i32
      %slice3A_357 = vector.extract_strided_slice %get3A_320 {offsets = [9], sizes = [1], strides = [1]} : vector<16xi32> to vector<1xi32>
      %squeeze3A_358 = vector.extract %slice3A_357[0] : i32 from vector<1xi32>
      %gt3A_359 = arith.constant 0 : i32
      %gt3A_360 = arith.cmpi sgt, %squeeze3A_358, %gt3A_359 : i32
      %slice3A_361 = vector.extract_strided_slice %get3A_320 {offsets = [10], sizes = [1], strides = [1]} : vector<16xi32> to vector<1xi32>
      %squeeze3A_362 = vector.extract %slice3A_361[0] : i32 from vector<1xi32>
      %gt3A_363 = arith.constant 0 : i32
      %gt3A_364 = arith.cmpi sgt, %squeeze3A_362, %gt3A_363 : i32
      %slice3A_365 = vector.extract_strided_slice %get3A_320 {offsets = [11], sizes = [1], strides = [1]} : vector<16xi32> to vector<1xi32>
      %squeeze3A_366 = vector.extract %slice3A_365[0] : i32 from vector<1xi32>
      %gt3A_367 = arith.constant 0 : i32
      %gt3A_368 = arith.cmpi sgt, %squeeze3A_366, %gt3A_367 : i32
      %slice3A_369 = vector.extract_strided_slice %get3A_320 {offsets = [12], sizes = [1], strides = [1]} : vector<16xi32> to vector<1xi32>
      %squeeze3A_370 = vector.extract %slice3A_369[0] : i32 from vector<1xi32>
      %gt3A_371 = arith.constant 0 : i32
      %gt3A_372 = arith.cmpi sgt, %squeeze3A_370, %gt3A_371 : i32
      %slice3A_373 = vector.extract_strided_slice %get3A_320 {offsets = [13], sizes = [1], strides = [1]} : vector<16xi32> to vector<1xi32>
      %squeeze3A_374 = vector.extract %slice3A_373[0] : i32 from vector<1xi32>
      %gt3A_375 = arith.constant 0 : i32
      %gt3A_376 = arith.cmpi sgt, %squeeze3A_374, %gt3A_375 : i32
      %slice3A_377 = vector.extract_strided_slice %get3A_320 {offsets = [14], sizes = [1], strides = [1]} : vector<16xi32> to vector<1xi32>
      %squeeze3A_378 = vector.extract %slice3A_377[0] : i32 from vector<1xi32>
      %gt3A_379 = arith.constant 0 : i32
      %gt3A_380 = arith.cmpi sgt, %squeeze3A_378, %gt3A_379 : i32
      %slice3A_381 = vector.extract_strided_slice %get3A_320 {offsets = [15], sizes = [1], strides = [1]} : vector<16xi32> to vector<1xi32>
      %squeeze3A_382 = vector.extract %slice3A_381[0] : i32 from vector<1xi32>
      %gt3A_383 = arith.constant 0 : i32
      %gt3A_384 = arith.cmpi sgt, %squeeze3A_382, %gt3A_383 : i32
      %parallel_loop3A_385 = arith.constant 0 : i32
      %parallel_loop3A_386 = arith.constant 64 : i32
      %parallel_loop3A_387 = arith.constant 1 : i32
      scf.for %parallel_loop3A_796 = %parallel_loop3A_385 to %parallel_loop3A_386 step %parallel_loop3A_387  : i32 {
        %parallel_loop3A_797 = arith.constant 16 : i32
        %parallel_loop3A_798 = arith.muli %parallel_loop3A_796, %parallel_loop3A_797 : i32
        %parallel_loop3A_799 = arith.index_cast %parallel_loop3A_798 : i32 to index
        %parallel_loop3A_800 = tpu.vector_load %arg9[%parallel_loop3A_799] {strides = array<i32>} : memref<2048xf32, #tpu.memory_space<vmem>>, vector<16xf32>,
        %parallel_loop3A_801 = vector.shape_cast %parallel_loop3A_800 : vector<16xf32> to vector<16xf32>
        %parallel_loop3A_802 = arith.constant 1024 : i32
        %parallel_loop3A_803 = arith.addi %parallel_loop3A_802, %parallel_loop3A_798 : i32
        %parallel_loop3A_804 = arith.index_cast %parallel_loop3A_803 : i32 to index
        %parallel_loop3A_805 = tpu.vector_load %arg9[%parallel_loop3A_804] {strides = array<i32>} : memref<2048xf32, #tpu.memory_space<vmem>>, vector<16xf32>,
        %parallel_loop3A_806 = vector.shape_cast %parallel_loop3A_805 : vector<16xf32> to vector<16xf32>
        %parallel_loop3A_807 = arith.select %gt3A_324, %parallel_loop3A_806, %parallel_loop3A_801 : vector<16xf32>
        %parallel_loop3A_808 = arith.constant 16 : i32
        %parallel_loop3A_809 = arith.index_cast %parallel_loop3A_808 : i32 to index
        %parallel_loop3A_810 = arith.index_cast %parallel_loop3A_798 : i32 to index
        %parallel_loop3A_811 = tpu.vector_load %arg10[%parallel_loop3A_809, %parallel_loop3A_810] {strides = array<i32>} : memref<32x1024xf32, #tpu.memory_space<vmem>>, vector<1x16xf32>,
        %parallel_loop3A_812 = vector.shape_cast %parallel_loop3A_811 : vector<1x16xf32> to vector<16xf32>
        %parallel_loop3A_813 = arith.addf %parallel_loop3A_812, %parallel_loop3A_807 : vector<16xf32>
        %parallel_loop3A_814 = arith.constant 16 : i32
        %parallel_loop3A_815 = arith.index_cast %parallel_loop3A_814 : i32 to index
        %parallel_loop3A_816 = arith.index_cast %parallel_loop3A_798 : i32 to index
        %parallel_loop3A_817 = tpu.vector_load %arg10[%parallel_loop3A_815, %parallel_loop3A_816] {strides = array<i32>} : memref<32x1024xf32, #tpu.memory_space<vmem>>, vector<1x16xf32>,
        %parallel_loop3A_818 = vector.shape_cast %parallel_loop3A_817 : vector<1x16xf32> to vector<16xf32>
        %parallel_loop3A_819 = vector.shape_cast %parallel_loop3A_813 : vector<16xf32> to vector<1x16xf32>
        tpu.vector_store %arg10[%parallel_loop3A_815, %parallel_loop3A_816], %parallel_loop3A_819 {strides = array<i32>} : memref<32x1024xf32, #tpu.memory_space<vmem>>, vector<1x16xf32>,
        %parallel_loop3A_820 = arith.select %gt3A_328, %parallel_loop3A_806, %parallel_loop3A_801 : vector<16xf32>
        %parallel_loop3A_821 = arith.constant 17 : i32
        %parallel_loop3A_822 = arith.index_cast %parallel_loop3A_821 : i32 to index
        %parallel_loop3A_823 = arith.index_cast %parallel_loop3A_798 : i32 to index
        %parallel_loop3A_824 = tpu.vector_load %arg10[%parallel_loop3A_822, %parallel_loop3A_823] {strides = array<i32>} : memref<32x1024xf32, #tpu.memory_space<vmem>>, vector<1x16xf32>,
        %parallel_loop3A_825 = vector.shape_cast %parallel_loop3A_824 : vector<1x16xf32> to vector<16xf32>
        %parallel_loop3A_826 = arith.addf %parallel_loop3A_825, %parallel_loop3A_820 : vector<16xf32>
        %parallel_loop3A_827 = arith.constant 17 : i32
        %parallel_loop3A_828 = arith.index_cast %parallel_loop3A_827 : i32 to index
        %parallel_loop3A_829 = arith.index_cast %parallel_loop3A_798 : i32 to index
        %parallel_loop3A_830 = tpu.vector_load %arg10[%parallel_loop3A_828, %parallel_loop3A_829] {strides = array<i32>} : memref<32x1024xf32, #tpu.memory_space<vmem>>, vector<1x16xf32>,
        %parallel_loop3A_831 = vector.shape_cast %parallel_loop3A_830 : vector<1x16xf32> to vector<16xf32>
        %parallel_loop3A_832 = vector.shape_cast %parallel_loop3A_826 : vector<16xf32> to vector<1x16xf32>
        tpu.vector_store %arg10[%parallel_loop3A_828, %parallel_loop3A_829], %parallel_loop3A_832 {strides = array<i32>} : memref<32x1024xf32, #tpu.memory_space<vmem>>, vector<1x16xf32>,
        %parallel_loop3A_833 = arith.select %gt3A_332, %parallel_loop3A_806, %parallel_loop3A_801 : vector<16xf32>
        %parallel_loop3A_834 = arith.constant 18 : i32
        %parallel_loop3A_835 = arith.index_cast %parallel_loop3A_834 : i32 to index
        %parallel_loop3A_836 = arith.index_cast %parallel_loop3A_798 : i32 to index
        %parallel_loop3A_837 = tpu.vector_load %arg10[%parallel_loop3A_835, %parallel_loop3A_836] {strides = array<i32>} : memref<32x1024xf32, #tpu.memory_space<vmem>>, vector<1x16xf32>,
        %parallel_loop3A_838 = vector.shape_cast %parallel_loop3A_837 : vector<1x16xf32> to vector<16xf32>
        %parallel_loop3A_839 = arith.addf %parallel_loop3A_838, %parallel_loop3A_833 : vector<16xf32>
        %parallel_loop3A_840 = arith.constant 18 : i32
        %parallel_loop3A_841 = arith.index_cast %parallel_loop3A_840 : i32 to index
        %parallel_loop3A_842 = arith.index_cast %parallel_loop3A_798 : i32 to index
        %parallel_loop3A_843 = tpu.vector_load %arg10[%parallel_loop3A_841, %parallel_loop3A_842] {strides = array<i32>} : memref<32x1024xf32, #tpu.memory_space<vmem>>, vector<1x16xf32>,
        %parallel_loop3A_844 = vector.shape_cast %parallel_loop3A_843 : vector<1x16xf32> to vector<16xf32>
        %parallel_loop3A_845 = vector.shape_cast %parallel_loop3A_839 : vector<16xf32> to vector<1x16xf32>
        tpu.vector_store %arg10[%parallel_loop3A_841, %parallel_loop3A_842], %parallel_loop3A_845 {strides = array<i32>} : memref<32x1024xf32, #tpu.memory_space<vmem>>, vector<1x16xf32>,
        %parallel_loop3A_846 = arith.select %gt3A_336, %parallel_loop3A_806, %parallel_loop3A_801 : vector<16xf32>
        %parallel_loop3A_847 = arith.constant 19 : i32
        %parallel_loop3A_848 = arith.index_cast %parallel_loop3A_847 : i32 to index
        %parallel_loop3A_849 = arith.index_cast %parallel_loop3A_798 : i32 to index
        %parallel_loop3A_850 = tpu.vector_load %arg10[%parallel_loop3A_848, %parallel_loop3A_849] {strides = array<i32>} : memref<32x1024xf32, #tpu.memory_space<vmem>>, vector<1x16xf32>,
        %parallel_loop3A_851 = vector.shape_cast %parallel_loop3A_850 : vector<1x16xf32> to vector<16xf32>
        %parallel_loop3A_852 = arith.addf %parallel_loop3A_851, %parallel_loop3A_846 : vector<16xf32>
        %parallel_loop3A_853 = arith.constant 19 : i32
        %parallel_loop3A_854 = arith.index_cast %parallel_loop3A_853 : i32 to index
        %parallel_loop3A_855 = arith.index_cast %parallel_loop3A_798 : i32 to index
        %parallel_loop3A_856 = tpu.vector_load %arg10[%parallel_loop3A_854, %parallel_loop3A_855] {strides = array<i32>} : memref<32x1024xf32, #tpu.memory_space<vmem>>, vector<1x16xf32>,
        %parallel_loop3A_857 = vector.shape_cast %parallel_loop3A_856 : vector<1x16xf32> to vector<16xf32>
        %parallel_loop3A_858 = vector.shape_cast %parallel_loop3A_852 : vector<16xf32> to vector<1x16xf32>
        tpu.vector_store %arg10[%parallel_loop3A_854, %parallel_loop3A_855], %parallel_loop3A_858 {strides = array<i32>} : memref<32x1024xf32, #tpu.memory_space<vmem>>, vector<1x16xf32>,
        %parallel_loop3A_859 = arith.select %gt3A_340, %parallel_loop3A_806, %parallel_loop3A_801 : vector<16xf32>
        %parallel_loop3A_860 = arith.constant 20 : i32
        %parallel_loop3A_861 = arith.index_cast %parallel_loop3A_860 : i32 to index
        %parallel_loop3A_862 = arith.index_cast %parallel_loop3A_798 : i32 to index
        %parallel_loop3A_863 = tpu.vector_load %arg10[%parallel_loop3A_861, %parallel_loop3A_862] {strides = array<i32>} : memref<32x1024xf32, #tpu.memory_space<vmem>>, vector<1x16xf32>,
        %parallel_loop3A_864 = vector.shape_cast %parallel_loop3A_863 : vector<1x16xf32> to vector<16xf32>
        %parallel_loop3A_865 = arith.addf %parallel_loop3A_864, %parallel_loop3A_859 : vector<16xf32>
        %parallel_loop3A_866 = arith.constant 20 : i32
        %parallel_loop3A_867 = arith.index_cast %parallel_loop3A_866 : i32 to index
        %parallel_loop3A_868 = arith.index_cast %parallel_loop3A_798 : i32 to index
        %parallel_loop3A_869 = tpu.vector_load %arg10[%parallel_loop3A_867, %parallel_loop3A_868] {strides = array<i32>} : memref<32x1024xf32, #tpu.memory_space<vmem>>, vector<1x16xf32>,
        %parallel_loop3A_870 = vector.shape_cast %parallel_loop3A_869 : vector<1x16xf32> to vector<16xf32>
        %parallel_loop3A_871 = vector.shape_cast %parallel_loop3A_865 : vector<16xf32> to vector<1x16xf32>
        tpu.vector_store %arg10[%parallel_loop3A_867, %parallel_loop3A_868], %parallel_loop3A_871 {strides = array<i32>} : memref<32x1024xf32, #tpu.memory_space<vmem>>, vector<1x16xf32>,
        %parallel_loop3A_872 = arith.select %gt3A_344, %parallel_loop3A_806, %parallel_loop3A_801 : vector<16xf32>
        %parallel_loop3A_873 = arith.constant 21 : i32
        %parallel_loop3A_874 = arith.index_cast %parallel_loop3A_873 : i32 to index
        %parallel_loop3A_875 = arith.index_cast %parallel_loop3A_798 : i32 to index
        %parallel_loop3A_876 = tpu.vector_load %arg10[%parallel_loop3A_874, %parallel_loop3A_875] {strides = array<i32>} : memref<32x1024xf32, #tpu.memory_space<vmem>>, vector<1x16xf32>,
        %parallel_loop3A_877 = vector.shape_cast %parallel_loop3A_876 : vector<1x16xf32> to vector<16xf32>
        %parallel_loop3A_878 = arith.addf %parallel_loop3A_877, %parallel_loop3A_872 : vector<16xf32>
        %parallel_loop3A_879 = arith.constant 21 : i32
        %parallel_loop3A_880 = arith.index_cast %parallel_loop3A_879 : i32 to index
        %parallel_loop3A_881 = arith.index_cast %parallel_loop3A_798 : i32 to index
        %parallel_loop3A_882 = tpu.vector_load %arg10[%parallel_loop3A_880, %parallel_loop3A_881] {strides = array<i32>} : memref<32x1024xf32, #tpu.memory_space<vmem>>, vector<1x16xf32>,
        %parallel_loop3A_883 = vector.shape_cast %parallel_loop3A_882 : vector<1x16xf32> to vector<16xf32>
        %parallel_loop3A_884 = vector.shape_cast %parallel_loop3A_878 : vector<16xf32> to vector<1x16xf32>
        tpu.vector_store %arg10[%parallel_loop3A_880, %parallel_loop3A_881], %parallel_loop3A_884 {strides = array<i32>} : memref<32x1024xf32, #tpu.memory_space<vmem>>, vector<1x16xf32>,
        %parallel_loop3A_885 = arith.select %gt3A_348, %parallel_loop3A_806, %parallel_loop3A_801 : vector<16xf32>
        %parallel_loop3A_886 = arith.constant 22 : i32
        %parallel_loop3A_887 = arith.index_cast %parallel_loop3A_886 : i32 to index
        %parallel_loop3A_888 = arith.index_cast %parallel_loop3A_798 : i32 to index
        %parallel_loop3A_889 = tpu.vector_load %arg10[%parallel_loop3A_887, %parallel_loop3A_888] {strides = array<i32>} : memref<32x1024xf32, #tpu.memory_space<vmem>>, vector<1x16xf32>,
        %parallel_loop3A_890 = vector.shape_cast %parallel_loop3A_889 : vector<1x16xf32> to vector<16xf32>
        %parallel_loop3A_891 = arith.addf %parallel_loop3A_890, %parallel_loop3A_885 : vector<16xf32>
        %parallel_loop3A_892 = arith.constant 22 : i32
        %parallel_loop3A_893 = arith.index_cast %parallel_loop3A_892 : i32 to index
        %parallel_loop3A_894 = arith.index_cast %parallel_loop3A_798 : i32 to index
        %parallel_loop3A_895 = tpu.vector_load %arg10[%parallel_loop3A_893, %parallel_loop3A_894] {strides = array<i32>} : memref<32x1024xf32, #tpu.memory_space<vmem>>, vector<1x16xf32>,
        %parallel_loop3A_896 = vector.shape_cast %parallel_loop3A_895 : vector<1x16xf32> to vector<16xf32>
        %parallel_loop3A_897 = vector.shape_cast %parallel_loop3A_891 : vector<16xf32> to vector<1x16xf32>
        tpu.vector_store %arg10[%parallel_loop3A_893, %parallel_loop3A_894], %parallel_loop3A_897 {strides = array<i32>} : memref<32x1024xf32, #tpu.memory_space<vmem>>, vector<1x16xf32>,
        %parallel_loop3A_898 = arith.select %gt3A_352, %parallel_loop3A_806, %parallel_loop3A_801 : vector<16xf32>
        %parallel_loop3A_899 = arith.constant 23 : i32
        %parallel_loop3A_900 = arith.index_cast %parallel_loop3A_899 : i32 to index
        %parallel_loop3A_901 = arith.index_cast %parallel_loop3A_798 : i32 to index
        %parallel_loop3A_902 = tpu.vector_load %arg10[%parallel_loop3A_900, %parallel_loop3A_901] {strides = array<i32>} : memref<32x1024xf32, #tpu.memory_space<vmem>>, vector<1x16xf32>,
        %parallel_loop3A_903 = vector.shape_cast %parallel_loop3A_902 : vector<1x16xf32> to vector<16xf32>
        %parallel_loop3A_904 = arith.addf %parallel_loop3A_903, %parallel_loop3A_898 : vector<16xf32>
        %parallel_loop3A_905 = arith.constant 23 : i32
        %parallel_loop3A_906 = arith.index_cast %parallel_loop3A_905 : i32 to index
        %parallel_loop3A_907 = arith.index_cast %parallel_loop3A_798 : i32 to index
        %parallel_loop3A_908 = tpu.vector_load %arg10[%parallel_loop3A_906, %parallel_loop3A_907] {strides = array<i32>} : memref<32x1024xf32, #tpu.memory_space<vmem>>, vector<1x16xf32>,
        %parallel_loop3A_909 = vector.shape_cast %parallel_loop3A_908 : vector<1x16xf32> to vector<16xf32>
        %parallel_loop3A_910 = vector.shape_cast %parallel_loop3A_904 : vector<16xf32> to vector<1x16xf32>
        tpu.vector_store %arg10[%parallel_loop3A_906, %parallel_loop3A_907], %parallel_loop3A_910 {strides = array<i32>} : memref<32x1024xf32, #tpu.memory_space<vmem>>, vector<1x16xf32>,
        %parallel_loop3A_911 = arith.select %gt3A_356, %parallel_loop3A_806, %parallel_loop3A_801 : vector<16xf32>
        %parallel_loop3A_912 = arith.constant 24 : i32
        %parallel_loop3A_913 = arith.index_cast %parallel_loop3A_912 : i32 to index
        %parallel_loop3A_914 = arith.index_cast %parallel_loop3A_798 : i32 to index
        %parallel_loop3A_915 = tpu.vector_load %arg10[%parallel_loop3A_913, %parallel_loop3A_914] {strides = array<i32>} : memref<32x1024xf32, #tpu.memory_space<vmem>>, vector<1x16xf32>,
        %parallel_loop3A_916 = vector.shape_cast %parallel_loop3A_915 : vector<1x16xf32> to vector<16xf32>
        %parallel_loop3A_917 = arith.addf %parallel_loop3A_916, %parallel_loop3A_911 : vector<16xf32>
        %parallel_loop3A_918 = arith.constant 24 : i32
        %parallel_loop3A_919 = arith.index_cast %parallel_loop3A_918 : i32 to index
        %parallel_loop3A_920 = arith.index_cast %parallel_loop3A_798 : i32 to index
        %parallel_loop3A_921 = tpu.vector_load %arg10[%parallel_loop3A_919, %parallel_loop3A_920] {strides = array<i32>} : memref<32x1024xf32, #tpu.memory_space<vmem>>, vector<1x16xf32>,
        %parallel_loop3A_922 = vector.shape_cast %parallel_loop3A_921 : vector<1x16xf32> to vector<16xf32>
        %parallel_loop3A_923 = vector.shape_cast %parallel_loop3A_917 : vector<16xf32> to vector<1x16xf32>
        tpu.vector_store %arg10[%parallel_loop3A_919, %parallel_loop3A_920], %parallel_loop3A_923 {strides = array<i32>} : memref<32x1024xf32, #tpu.memory_space<vmem>>, vector<1x16xf32>,
        %parallel_loop3A_924 = arith.select %gt3A_360, %parallel_loop3A_806, %parallel_loop3A_801 : vector<16xf32>
        %parallel_loop3A_925 = arith.constant 25 : i32
        %parallel_loop3A_926 = arith.index_cast %parallel_loop3A_925 : i32 to index
        %parallel_loop3A_927 = arith.index_cast %parallel_loop3A_798 : i32 to index
        %parallel_loop3A_928 = tpu.vector_load %arg10[%parallel_loop3A_926, %parallel_loop3A_927] {strides = array<i32>} : memref<32x1024xf32, #tpu.memory_space<vmem>>, vector<1x16xf32>,
        %parallel_loop3A_929 = vector.shape_cast %parallel_loop3A_928 : vector<1x16xf32> to vector<16xf32>
        %parallel_loop3A_930 = arith.addf %parallel_loop3A_929, %parallel_loop3A_924 : vector<16xf32>
        %parallel_loop3A_931 = arith.constant 25 : i32
        %parallel_loop3A_932 = arith.index_cast %parallel_loop3A_931 : i32 to index
        %parallel_loop3A_933 = arith.index_cast %parallel_loop3A_798 : i32 to index
        %parallel_loop3A_934 = tpu.vector_load %arg10[%parallel_loop3A_932, %parallel_loop3A_933] {strides = array<i32>} : memref<32x1024xf32, #tpu.memory_space<vmem>>, vector<1x16xf32>,
        %parallel_loop3A_935 = vector.shape_cast %parallel_loop3A_934 : vector<1x16xf32> to vector<16xf32>
        %parallel_loop3A_936 = vector.shape_cast %parallel_loop3A_930 : vector<16xf32> to vector<1x16xf32>
        tpu.vector_store %arg10[%parallel_loop3A_932, %parallel_loop3A_933], %parallel_loop3A_936 {strides = array<i32>} : memref<32x1024xf32, #tpu.memory_space<vmem>>, vector<1x16xf32>,
        %parallel_loop3A_937 = arith.select %gt3A_364, %parallel_loop3A_806, %parallel_loop3A_801 : vector<16xf32>
        %parallel_loop3A_938 = arith.constant 26 : i32
        %parallel_loop3A_939 = arith.index_cast %parallel_loop3A_938 : i32 to index
        %parallel_loop3A_940 = arith.index_cast %parallel_loop3A_798 : i32 to index
        %parallel_loop3A_941 = tpu.vector_load %arg10[%parallel_loop3A_939, %parallel_loop3A_940] {strides = array<i32>} : memref<32x1024xf32, #tpu.memory_space<vmem>>, vector<1x16xf32>,
        %parallel_loop3A_942 = vector.shape_cast %parallel_loop3A_941 : vector<1x16xf32> to vector<16xf32>
        %parallel_loop3A_943 = arith.addf %parallel_loop3A_942, %parallel_loop3A_937 : vector<16xf32>
        %parallel_loop3A_944 = arith.constant 26 : i32
        %parallel_loop3A_945 = arith.index_cast %parallel_loop3A_944 : i32 to index
        %parallel_loop3A_946 = arith.index_cast %parallel_loop3A_798 : i32 to index
        %parallel_loop3A_947 = tpu.vector_load %arg10[%parallel_loop3A_945, %parallel_loop3A_946] {strides = array<i32>} : memref<32x1024xf32, #tpu.memory_space<vmem>>, vector<1x16xf32>,
        %parallel_loop3A_948 = vector.shape_cast %parallel_loop3A_947 : vector<1x16xf32> to vector<16xf32>
        %parallel_loop3A_949 = vector.shape_cast %parallel_loop3A_943 : vector<16xf32> to vector<1x16xf32>
        tpu.vector_store %arg10[%parallel_loop3A_945, %parallel_loop3A_946], %parallel_loop3A_949 {strides = array<i32>} : memref<32x1024xf32, #tpu.memory_space<vmem>>, vector<1x16xf32>,
        %parallel_loop3A_950 = arith.select %gt3A_368, %parallel_loop3A_806, %parallel_loop3A_801 : vector<16xf32>
        %parallel_loop3A_951 = arith.constant 27 : i32
        %parallel_loop3A_952 = arith.index_cast %parallel_loop3A_951 : i32 to index
        %parallel_loop3A_953 = arith.index_cast %parallel_loop3A_798 : i32 to index
        %parallel_loop3A_954 = tpu.vector_load %arg10[%parallel_loop3A_952, %parallel_loop3A_953] {strides = array<i32>} : memref<32x1024xf32, #tpu.memory_space<vmem>>, vector<1x16xf32>,
        %parallel_loop3A_955 = vector.shape_cast %parallel_loop3A_954 : vector<1x16xf32> to vector<16xf32>
        %parallel_loop3A_956 = arith.addf %parallel_loop3A_955, %parallel_loop3A_950 : vector<16xf32>
        %parallel_loop3A_957 = arith.constant 27 : i32
        %parallel_loop3A_958 = arith.index_cast %parallel_loop3A_957 : i32 to index
        %parallel_loop3A_959 = arith.index_cast %parallel_loop3A_798 : i32 to index
        %parallel_loop3A_960 = tpu.vector_load %arg10[%parallel_loop3A_958, %parallel_loop3A_959] {strides = array<i32>} : memref<32x1024xf32, #tpu.memory_space<vmem>>, vector<1x16xf32>,
        %parallel_loop3A_961 = vector.shape_cast %parallel_loop3A_960 : vector<1x16xf32> to vector<16xf32>
        %parallel_loop3A_962 = vector.shape_cast %parallel_loop3A_956 : vector<16xf32> to vector<1x16xf32>
        tpu.vector_store %arg10[%parallel_loop3A_958, %parallel_loop3A_959], %parallel_loop3A_962 {strides = array<i32>} : memref<32x1024xf32, #tpu.memory_space<vmem>>, vector<1x16xf32>,
        %parallel_loop3A_963 = arith.select %gt3A_372, %parallel_loop3A_806, %parallel_loop3A_801 : vector<16xf32>
        %parallel_loop3A_964 = arith.constant 28 : i32
        %parallel_loop3A_965 = arith.index_cast %parallel_loop3A_964 : i32 to index
        %parallel_loop3A_966 = arith.index_cast %parallel_loop3A_798 : i32 to index
        %parallel_loop3A_967 = tpu.vector_load %arg10[%parallel_loop3A_965, %parallel_loop3A_966] {strides = array<i32>} : memref<32x1024xf32, #tpu.memory_space<vmem>>, vector<1x16xf32>,
        %parallel_loop3A_968 = vector.shape_cast %parallel_loop3A_967 : vector<1x16xf32> to vector<16xf32>
        %parallel_loop3A_969 = arith.addf %parallel_loop3A_968, %parallel_loop3A_963 : vector<16xf32>
        %parallel_loop3A_970 = arith.constant 28 : i32
        %parallel_loop3A_971 = arith.index_cast %parallel_loop3A_970 : i32 to index
        %parallel_loop3A_972 = arith.index_cast %parallel_loop3A_798 : i32 to index
        %parallel_loop3A_973 = tpu.vector_load %arg10[%parallel_loop3A_971, %parallel_loop3A_972] {strides = array<i32>} : memref<32x1024xf32, #tpu.memory_space<vmem>>, vector<1x16xf32>,
        %parallel_loop3A_974 = vector.shape_cast %parallel_loop3A_973 : vector<1x16xf32> to vector<16xf32>
        %parallel_loop3A_975 = vector.shape_cast %parallel_loop3A_969 : vector<16xf32> to vector<1x16xf32>
        tpu.vector_store %arg10[%parallel_loop3A_971, %parallel_loop3A_972], %parallel_loop3A_975 {strides = array<i32>} : memref<32x1024xf32, #tpu.memory_space<vmem>>, vector<1x16xf32>,
        %parallel_loop3A_976 = arith.select %gt3A_376, %parallel_loop3A_806, %parallel_loop3A_801 : vector<16xf32>
        %parallel_loop3A_977 = arith.constant 29 : i32
        %parallel_loop3A_978 = arith.index_cast %parallel_loop3A_977 : i32 to index
        %parallel_loop3A_979 = arith.index_cast %parallel_loop3A_798 : i32 to index
        %parallel_loop3A_980 = tpu.vector_load %arg10[%parallel_loop3A_978, %parallel_loop3A_979] {strides = array<i32>} : memref<32x1024xf32, #tpu.memory_space<vmem>>, vector<1x16xf32>,
        %parallel_loop3A_981 = vector.shape_cast %parallel_loop3A_980 : vector<1x16xf32> to vector<16xf32>
        %parallel_loop3A_982 = arith.addf %parallel_loop3A_981, %parallel_loop3A_976 : vector<16xf32>
        %parallel_loop3A_983 = arith.constant 29 : i32
        %parallel_loop3A_984 = arith.index_cast %parallel_loop3A_983 : i32 to index
        %parallel_loop3A_985 = arith.index_cast %parallel_loop3A_798 : i32 to index
        %parallel_loop3A_986 = tpu.vector_load %arg10[%parallel_loop3A_984, %parallel_loop3A_985] {strides = array<i32>} : memref<32x1024xf32, #tpu.memory_space<vmem>>, vector<1x16xf32>,
        %parallel_loop3A_987 = vector.shape_cast %parallel_loop3A_986 : vector<1x16xf32> to vector<16xf32>
        %parallel_loop3A_988 = vector.shape_cast %parallel_loop3A_982 : vector<16xf32> to vector<1x16xf32>
        tpu.vector_store %arg10[%parallel_loop3A_984, %parallel_loop3A_985], %parallel_loop3A_988 {strides = array<i32>} : memref<32x1024xf32, #tpu.memory_space<vmem>>, vector<1x16xf32>,
        %parallel_loop3A_989 = arith.select %gt3A_380, %parallel_loop3A_806, %parallel_loop3A_801 : vector<16xf32>
        %parallel_loop3A_990 = arith.constant 30 : i32
        %parallel_loop3A_991 = arith.index_cast %parallel_loop3A_990 : i32 to index
        %parallel_loop3A_992 = arith.index_cast %parallel_loop3A_798 : i32 to index
        %parallel_loop3A_993 = tpu.vector_load %arg10[%parallel_loop3A_991, %parallel_loop3A_992] {strides = array<i32>} : memref<32x1024xf32, #tpu.memory_space<vmem>>, vector<1x16xf32>,
        %parallel_loop3A_994 = vector.shape_cast %parallel_loop3A_993 : vector<1x16xf32> to vector<16xf32>
        %parallel_loop3A_995 = arith.addf %parallel_loop3A_994, %parallel_loop3A_989 : vector<16xf32>
        %parallel_loop3A_996 = arith.constant 30 : i32
        %parallel_loop3A_997 = arith.index_cast %parallel_loop3A_996 : i32 to index
        %parallel_loop3A_998 = arith.index_cast %parallel_loop3A_798 : i32 to index
        %parallel_loop3A_999 = tpu.vector_load %arg10[%parallel_loop3A_997, %parallel_loop3A_998] {strides = array<i32>} : memref<32x1024xf32, #tpu.memory_space<vmem>>, vector<1x16xf32>,
        %parallel_loop3A_1000 = vector.shape_cast %parallel_loop3A_999 : vector<1x16xf32> to vector<16xf32>
        %parallel_loop3A_1001 = vector.shape_cast %parallel_loop3A_995 : vector<16xf32> to vector<1x16xf32>
        tpu.vector_store %arg10[%parallel_loop3A_997, %parallel_loop3A_998], %parallel_loop3A_1001 {strides = array<i32>} : memref<32x1024xf32, #tpu.memory_space<vmem>>, vector<1x16xf32>,
        %parallel_loop3A_1002 = arith.select %gt3A_384, %parallel_loop3A_806, %parallel_loop3A_801 : vector<16xf32>
        %parallel_loop3A_1003 = arith.constant 31 : i32
        %parallel_loop3A_1004 = arith.index_cast %parallel_loop3A_1003 : i32 to index
        %parallel_loop3A_1005 = arith.index_cast %parallel_loop3A_798 : i32 to index
        %parallel_loop3A_1006 = tpu.vector_load %arg10[%parallel_loop3A_1004, %parallel_loop3A_1005] {strides = array<i32>} : memref<32x1024xf32, #tpu.memory_space<vmem>>, vector<1x16xf32>,
        %parallel_loop3A_1007 = vector.shape_cast %parallel_loop3A_1006 : vector<1x16xf32> to vector<16xf32>
        %parallel_loop3A_1008 = arith.addf %parallel_loop3A_1007, %parallel_loop3A_1002 : vector<16xf32>
        %parallel_loop3A_1009 = arith.constant 31 : i32
        %parallel_loop3A_1010 = arith.index_cast %parallel_loop3A_1009 : i32 to index
        %parallel_loop3A_1011 = arith.index_cast %parallel_loop3A_798 : i32 to index
        %parallel_loop3A_1012 = tpu.vector_load %arg10[%parallel_loop3A_1010, %parallel_loop3A_1011] {strides = array<i32>} : memref<32x1024xf32, #tpu.memory_space<vmem>>, vector<1x16xf32>,
        %parallel_loop3A_1013 = vector.shape_cast %parallel_loop3A_1012 : vector<1x16xf32> to vector<16xf32>
        %parallel_loop3A_1014 = vector.shape_cast %parallel_loop3A_1008 : vector<16xf32> to vector<1x16xf32>
        tpu.vector_store %arg10[%parallel_loop3A_1010, %parallel_loop3A_1011], %parallel_loop3A_1014 {strides = array<i32>} : memref<32x1024xf32, #tpu.memory_space<vmem>>, vector<1x16xf32>,
      } {sc.loop_unroll_factor = 1 : i64, sc.parallel_access}
      %mul3A_388 = arith.constant 32 : i32
      %mul3A_389 = arith.muli %add3A_208, %mul3A_388 : i32
      %add3A_390 = arith.addi %mul3A_2, %mul3A_389 : i32
      %add3A_391 = arith.constant 16 : i32
      %add3A_392 = arith.addi %add3A_390, %add3A_391 : i32
      %dma_start3A_393 = arith.constant 16 : i32
      %dma_start3A_394 = arith.constant 0 : i32
      %dma_start3A_395 = tpu.memref_slice %arg10[%dma_start3A_393, %dma_start3A_394] : memref<32x1024xf32, #tpu.memory_space<vmem>> -> memref<16x1024xf32, #tpu.memory_space<vmem>>
      %dma_start3A_396 = arith.constant 0 : i32
      %dma_start3A_397 = tpu.memref_slice %arg6[%add3A_392, %dma_start3A_396] : memref<16384x1024xf32, #tpu.memory_space<hbm>> -> memref<16x1024xf32, #tpu.memory_space<hbm>>
      %dma_start3A_398 = arith.constant 0 : i32
      %dma_start3A_399 = tpu.memref_slice %arg6[%add3A_392, %dma_start3A_398] : memref<16384x1024xf32, #tpu.memory_space<hbm>> -> memref<16x1024xf32, #tpu.memory_space<hbm>>
      %dma_start3A_400 = arith.constant 16 : i32
      %dma_start3A_401 = arith.constant 0 : i32
      %dma_start3A_402 = tpu.memref_slice %arg10[%dma_start3A_400, %dma_start3A_401] : memref<32x1024xf32, #tpu.memory_space<vmem>> -> memref<16x1024xf32, #tpu.memory_space<vmem>>
      tpu.enqueue_dma source(%dma_start3A_402 : memref<16x1024xf32, #tpu.memory_space<vmem>>) target(%dma_start3A_399 : memref<16x1024xf32, #tpu.memory_space<hbm>>) target_semaphore(%arg16 : memref<!tpu.dma_semaphore, #tpu.memory_space<semaphore_mem>>)
      %mul3A_403 = arith.constant 3 : i32
      %mul3A_404 = arith.muli %mul3A_403, %scan3A_204 : i32
      %add3A_405 = arith.constant 1 : i32
      %add3A_406 = arith.addi %mul3A_404, %add3A_405 : i32
      %mul3A_407 = arith.constant 32 : i32
      %mul3A_408 = arith.muli %add3A_406, %mul3A_407 : i32
      %dma_wait3A_409 = tpu.memref_slice %arg7[%mul3A_408] : memref<512xi32, #tpu.memory_space<vmem>> -> memref<32xi32, #tpu.memory_space<vmem>>
      %dma_wait3A_410 = arith.constant 0 : i32
      %dma_wait3A_411 = arith.constant 0 : i32
      %dma_wait3A_412 = tpu.memref_slice %arg4[%dma_wait3A_410, %dma_wait3A_411] : memref<100000x1024xf32, #tpu.memory_space<hbm>> -> memref<100000x1024xf32, #tpu.memory_space<hbm>>
      tpu.wait_indirect_dma semaphore(%arg14 : memref<!tpu.dma_semaphore, #tpu.memory_space<semaphore_mem>>) src(%dma_wait3A_412 : memref<100000x1024xf32, #tpu.memory_space<hbm>>) dst(%arg11 : memref<32x1024xf32, #tpu.memory_space<vmem>>)
      %ge3A_413 = arith.constant 1 : i32
      %ge3A_414 = arith.cmpi sge, %add3A_406, %ge3A_413 : i32
      %convert_element_type3A_415 = arith.extui %ge3A_414 : i1 to i32
      %cond3A_416 = arith.constant 0 : i32
      %cond3A_417 = arith.cmpi ne, %convert_element_type3A_415, %cond3A_416 : i32
      scf.if %cond3A_417 {
        %dma_wait3A_796 = arith.constant 0 : i32
        %dma_wait3A_797 = tpu.memref_slice %arg6[%mul3A_2, %dma_wait3A_796] : memref<16384x1024xf32, #tpu.memory_space<hbm>> -> memref<32x1024xf32, #tpu.memory_space<hbm>>
        %dma_wait3A_798 = arith.constant 0 : i32
        %dma_wait3A_799 = tpu.memref_slice %arg6[%mul3A_2, %dma_wait3A_798] : memref<16384x1024xf32, #tpu.memory_space<hbm>> -> memref<32x1024xf32, #tpu.memory_space<hbm>>
        tpu.wait_dma2 semaphore(%arg16 : memref<!tpu.dma_semaphore, #tpu.memory_space<semaphore_mem>>) src(%arg10 : memref<32x1024xf32, #tpu.memory_space<vmem>>) dst(%dma_wait3A_799 : memref<32x1024xf32, #tpu.memory_space<hbm>>)
      } else {
      }
      %add3A_418 = arith.constant 2 : i32
      %add3A_419 = arith.addi %add3A_406, %add3A_418 : i32
      %mul3A_420 = arith.constant 32 : i32
      %mul3A_421 = arith.muli %add3A_419, %mul3A_420 : i32
      %dma_start3A_422 = tpu.memref_slice %arg7[%mul3A_421] : memref<512xi32, #tpu.memory_space<vmem>> -> memref<32xi32, #tpu.memory_space<vmem>>
      %dma_start3A_423 = arith.constant 0 : i32
      %dma_start3A_424 = arith.constant 0 : i32
      %dma_start3A_425 = tpu.memref_slice %arg4[%dma_start3A_423, %dma_start3A_424] : memref<100000x1024xf32, #tpu.memory_space<hbm>> -> memref<100000x1024xf32, #tpu.memory_space<hbm>>
      tpu.enqueue_indirect_dma source(%dma_start3A_425 : memref<100000x1024xf32, #tpu.memory_space<hbm>>) target(%arg10 : memref<32x1024xf32, #tpu.memory_space<vmem>>) offsets(%dma_start3A_422 : memref<32xi32, #tpu.memory_space<vmem>>) semaphore(%arg13 : memref<!tpu.dma_semaphore, #tpu.memory_space<semaphore_mem>>)
      %mul3A_426 = arith.constant 32 : i32
      %mul3A_427 = arith.muli %add3A_406, %mul3A_426 : i32
      %add3A_428 = arith.constant 0 : i32
      %add3A_429 = arith.addi %mul3A_427, %add3A_428 : i32
      %get3A_430 = arith.index_cast %add3A_429 : i32 to index
      %get3A_431 = tpu.vector_load %arg8[%get3A_430] {strides = array<i32>} : memref<512xi32, #tpu.memory_space<vmem>>, vector<16xi32>,
      %get3A_432 = vector.shape_cast %get3A_431 : vector<16xi32> to vector<16xi32>
      %slice3A_433 = vector.extract_strided_slice %get3A_432 {offsets = [0], sizes = [1], strides = [1]} : vector<16xi32> to vector<1xi32>
      %squeeze3A_434 = vector.extract %slice3A_433[0] : i32 from vector<1xi32>
      %gt3A_435 = arith.constant 0 : i32
      %gt3A_436 = arith.cmpi sgt, %squeeze3A_434, %gt3A_435 : i32
      %slice3A_437 = vector.extract_strided_slice %get3A_432 {offsets = [1], sizes = [1], strides = [1]} : vector<16xi32> to vector<1xi32>
      %squeeze3A_438 = vector.extract %slice3A_437[0] : i32 from vector<1xi32>
      %gt3A_439 = arith.constant 0 : i32
      %gt3A_440 = arith.cmpi sgt, %squeeze3A_438, %gt3A_439 : i32
      %slice3A_441 = vector.extract_strided_slice %get3A_432 {offsets = [2], sizes = [1], strides = [1]} : vector<16xi32> to vector<1xi32>
      %squeeze3A_442 = vector.extract %slice3A_441[0] : i32 from vector<1xi32>
      %gt3A_443 = arith.constant 0 : i32
      %gt3A_444 = arith.cmpi sgt, %squeeze3A_442, %gt3A_443 : i32
      %slice3A_445 = vector.extract_strided_slice %get3A_432 {offsets = [3], sizes = [1], strides = [1]} : vector<16xi32> to vector<1xi32>
      %squeeze3A_446 = vector.extract %slice3A_445[0] : i32 from vector<1xi32>
      %gt3A_447 = arith.constant 0 : i32
      %gt3A_448 = arith.cmpi sgt, %squeeze3A_446, %gt3A_447 : i32
      %slice3A_449 = vector.extract_strided_slice %get3A_432 {offsets = [4], sizes = [1], strides = [1]} : vector<16xi32> to vector<1xi32>
      %squeeze3A_450 = vector.extract %slice3A_449[0] : i32 from vector<1xi32>
      %gt3A_451 = arith.constant 0 : i32
      %gt3A_452 = arith.cmpi sgt, %squeeze3A_450, %gt3A_451 : i32
      %slice3A_453 = vector.extract_strided_slice %get3A_432 {offsets = [5], sizes = [1], strides = [1]} : vector<16xi32> to vector<1xi32>
      %squeeze3A_454 = vector.extract %slice3A_453[0] : i32 from vector<1xi32>
      %gt3A_455 = arith.constant 0 : i32
      %gt3A_456 = arith.cmpi sgt, %squeeze3A_454, %gt3A_455 : i32
      %slice3A_457 = vector.extract_strided_slice %get3A_432 {offsets = [6], sizes = [1], strides = [1]} : vector<16xi32> to vector<1xi32>
      %squeeze3A_458 = vector.extract %slice3A_457[0] : i32 from vector<1xi32>
      %gt3A_459 = arith.constant 0 : i32
      %gt3A_460 = arith.cmpi sgt, %squeeze3A_458, %gt3A_459 : i32
      %slice3A_461 = vector.extract_strided_slice %get3A_432 {offsets = [7], sizes = [1], strides = [1]} : vector<16xi32> to vector<1xi32>
      %squeeze3A_462 = vector.extract %slice3A_461[0] : i32 from vector<1xi32>
      %gt3A_463 = arith.constant 0 : i32
      %gt3A_464 = arith.cmpi sgt, %squeeze3A_462, %gt3A_463 : i32
      %slice3A_465 = vector.extract_strided_slice %get3A_432 {offsets = [8], sizes = [1], strides = [1]} : vector<16xi32> to vector<1xi32>
      %squeeze3A_466 = vector.extract %slice3A_465[0] : i32 from vector<1xi32>
      %gt3A_467 = arith.constant 0 : i32
      %gt3A_468 = arith.cmpi sgt, %squeeze3A_466, %gt3A_467 : i32
      %slice3A_469 = vector.extract_strided_slice %get3A_432 {offsets = [9], sizes = [1], strides = [1]} : vector<16xi32> to vector<1xi32>
      %squeeze3A_470 = vector.extract %slice3A_469[0] : i32 from vector<1xi32>
      %gt3A_471 = arith.constant 0 : i32
      %gt3A_472 = arith.cmpi sgt, %squeeze3A_470, %gt3A_471 : i32
      %slice3A_473 = vector.extract_strided_slice %get3A_432 {offsets = [10], sizes = [1], strides = [1]} : vector<16xi32> to vector<1xi32>
      %squeeze3A_474 = vector.extract %slice3A_473[0] : i32 from vector<1xi32>
      %gt3A_475 = arith.constant 0 : i32
      %gt3A_476 = arith.cmpi sgt, %squeeze3A_474, %gt3A_475 : i32
      %slice3A_477 = vector.extract_strided_slice %get3A_432 {offsets = [11], sizes = [1], strides = [1]} : vector<16xi32> to vector<1xi32>
      %squeeze3A_478 = vector.extract %slice3A_477[0] : i32 from vector<1xi32>
      %gt3A_479 = arith.constant 0 : i32
      %gt3A_480 = arith.cmpi sgt, %squeeze3A_478, %gt3A_479 : i32
      %slice3A_481 = vector.extract_strided_slice %get3A_432 {offsets = [12], sizes = [1], strides = [1]} : vector<16xi32> to vector<1xi32>
      %squeeze3A_482 = vector.extract %slice3A_481[0] : i32 from vector<1xi32>
      %gt3A_483 = arith.constant 0 : i32
      %gt3A_484 = arith.cmpi sgt, %squeeze3A_482, %gt3A_483 : i32
      %slice3A_485 = vector.extract_strided_slice %get3A_432 {offsets = [13], sizes = [1], strides = [1]} : vector<16xi32> to vector<1xi32>
      %squeeze3A_486 = vector.extract %slice3A_485[0] : i32 from vector<1xi32>
      %gt3A_487 = arith.constant 0 : i32
      %gt3A_488 = arith.cmpi sgt, %squeeze3A_486, %gt3A_487 : i32
      %slice3A_489 = vector.extract_strided_slice %get3A_432 {offsets = [14], sizes = [1], strides = [1]} : vector<16xi32> to vector<1xi32>
      %squeeze3A_490 = vector.extract %slice3A_489[0] : i32 from vector<1xi32>
      %gt3A_491 = arith.constant 0 : i32
      %gt3A_492 = arith.cmpi sgt, %squeeze3A_490, %gt3A_491 : i32
      %slice3A_493 = vector.extract_strided_slice %get3A_432 {offsets = [15], sizes = [1], strides = [1]} : vector<16xi32> to vector<1xi32>
      %squeeze3A_494 = vector.extract %slice3A_493[0] : i32 from vector<1xi32>
      %gt3A_495 = arith.constant 0 : i32
      %gt3A_496 = arith.cmpi sgt, %squeeze3A_494, %gt3A_495 : i32
      %parallel_loop3A_497 = arith.constant 0 : i32
      %parallel_loop3A_498 = arith.constant 64 : i32
      %parallel_loop3A_499 = arith.constant 1 : i32
      scf.for %parallel_loop3A_796 = %parallel_loop3A_497 to %parallel_loop3A_498 step %parallel_loop3A_499  : i32 {
        %parallel_loop3A_797 = arith.constant 16 : i32
        %parallel_loop3A_798 = arith.muli %parallel_loop3A_796, %parallel_loop3A_797 : i32
        %parallel_loop3A_799 = arith.index_cast %parallel_loop3A_798 : i32 to index
        %parallel_loop3A_800 = tpu.vector_load %arg9[%parallel_loop3A_799] {strides = array<i32>} : memref<2048xf32, #tpu.memory_space<vmem>>, vector<16xf32>,
        %parallel_loop3A_801 = vector.shape_cast %parallel_loop3A_800 : vector<16xf32> to vector<16xf32>
        %parallel_loop3A_802 = arith.constant 1024 : i32
        %parallel_loop3A_803 = arith.addi %parallel_loop3A_802, %parallel_loop3A_798 : i32
        %parallel_loop3A_804 = arith.index_cast %parallel_loop3A_803 : i32 to index
        %parallel_loop3A_805 = tpu.vector_load %arg9[%parallel_loop3A_804] {strides = array<i32>} : memref<2048xf32, #tpu.memory_space<vmem>>, vector<16xf32>,
        %parallel_loop3A_806 = vector.shape_cast %parallel_loop3A_805 : vector<16xf32> to vector<16xf32>
        %parallel_loop3A_807 = arith.select %gt3A_436, %parallel_loop3A_806, %parallel_loop3A_801 : vector<16xf32>
        %parallel_loop3A_808 = arith.constant 0 : i32
        %parallel_loop3A_809 = arith.index_cast %parallel_loop3A_808 : i32 to index
        %parallel_loop3A_810 = arith.index_cast %parallel_loop3A_798 : i32 to index
        %parallel_loop3A_811 = tpu.vector_load %arg11[%parallel_loop3A_809, %parallel_loop3A_810] {strides = array<i32>} : memref<32x1024xf32, #tpu.memory_space<vmem>>, vector<1x16xf32>,
        %parallel_loop3A_812 = vector.shape_cast %parallel_loop3A_811 : vector<1x16xf32> to vector<16xf32>
        %parallel_loop3A_813 = arith.addf %parallel_loop3A_812, %parallel_loop3A_807 : vector<16xf32>
        %parallel_loop3A_814 = arith.constant 0 : i32
        %parallel_loop3A_815 = arith.index_cast %parallel_loop3A_814 : i32 to index
        %parallel_loop3A_816 = arith.index_cast %parallel_loop3A_798 : i32 to index
        %parallel_loop3A_817 = tpu.vector_load %arg11[%parallel_loop3A_815, %parallel_loop3A_816] {strides = array<i32>} : memref<32x1024xf32, #tpu.memory_space<vmem>>, vector<1x16xf32>,
        %parallel_loop3A_818 = vector.shape_cast %parallel_loop3A_817 : vector<1x16xf32> to vector<16xf32>
        %parallel_loop3A_819 = vector.shape_cast %parallel_loop3A_813 : vector<16xf32> to vector<1x16xf32>
        tpu.vector_store %arg11[%parallel_loop3A_815, %parallel_loop3A_816], %parallel_loop3A_819 {strides = array<i32>} : memref<32x1024xf32, #tpu.memory_space<vmem>>, vector<1x16xf32>,
        %parallel_loop3A_820 = arith.select %gt3A_440, %parallel_loop3A_806, %parallel_loop3A_801 : vector<16xf32>
        %parallel_loop3A_821 = arith.constant 1 : i32
        %parallel_loop3A_822 = arith.index_cast %parallel_loop3A_821 : i32 to index
        %parallel_loop3A_823 = arith.index_cast %parallel_loop3A_798 : i32 to index
        %parallel_loop3A_824 = tpu.vector_load %arg11[%parallel_loop3A_822, %parallel_loop3A_823] {strides = array<i32>} : memref<32x1024xf32, #tpu.memory_space<vmem>>, vector<1x16xf32>,
        %parallel_loop3A_825 = vector.shape_cast %parallel_loop3A_824 : vector<1x16xf32> to vector<16xf32>
        %parallel_loop3A_826 = arith.addf %parallel_loop3A_825, %parallel_loop3A_820 : vector<16xf32>
        %parallel_loop3A_827 = arith.constant 1 : i32
        %parallel_loop3A_828 = arith.index_cast %parallel_loop3A_827 : i32 to index
        %parallel_loop3A_829 = arith.index_cast %parallel_loop3A_798 : i32 to index
        %parallel_loop3A_830 = tpu.vector_load %arg11[%parallel_loop3A_828, %parallel_loop3A_829] {strides = array<i32>} : memref<32x1024xf32, #tpu.memory_space<vmem>>, vector<1x16xf32>,
        %parallel_loop3A_831 = vector.shape_cast %parallel_loop3A_830 : vector<1x16xf32> to vector<16xf32>
        %parallel_loop3A_832 = vector.shape_cast %parallel_loop3A_826 : vector<16xf32> to vector<1x16xf32>
        tpu.vector_store %arg11[%parallel_loop3A_828, %parallel_loop3A_829], %parallel_loop3A_832 {strides = array<i32>} : memref<32x1024xf32, #tpu.memory_space<vmem>>, vector<1x16xf32>,
        %parallel_loop3A_833 = arith.select %gt3A_444, %parallel_loop3A_806, %parallel_loop3A_801 : vector<16xf32>
        %parallel_loop3A_834 = arith.constant 2 : i32
        %parallel_loop3A_835 = arith.index_cast %parallel_loop3A_834 : i32 to index
        %parallel_loop3A_836 = arith.index_cast %parallel_loop3A_798 : i32 to index
        %parallel_loop3A_837 = tpu.vector_load %arg11[%parallel_loop3A_835, %parallel_loop3A_836] {strides = array<i32>} : memref<32x1024xf32, #tpu.memory_space<vmem>>, vector<1x16xf32>,
        %parallel_loop3A_838 = vector.shape_cast %parallel_loop3A_837 : vector<1x16xf32> to vector<16xf32>
        %parallel_loop3A_839 = arith.addf %parallel_loop3A_838, %parallel_loop3A_833 : vector<16xf32>
        %parallel_loop3A_840 = arith.constant 2 : i32
        %parallel_loop3A_841 = arith.index_cast %parallel_loop3A_840 : i32 to index
        %parallel_loop3A_842 = arith.index_cast %parallel_loop3A_798 : i32 to index
        %parallel_loop3A_843 = tpu.vector_load %arg11[%parallel_loop3A_841, %parallel_loop3A_842] {strides = array<i32>} : memref<32x1024xf32, #tpu.memory_space<vmem>>, vector<1x16xf32>,
        %parallel_loop3A_844 = vector.shape_cast %parallel_loop3A_843 : vector<1x16xf32> to vector<16xf32>
        %parallel_loop3A_845 = vector.shape_cast %parallel_loop3A_839 : vector<16xf32> to vector<1x16xf32>
        tpu.vector_store %arg11[%parallel_loop3A_841, %parallel_loop3A_842], %parallel_loop3A_845 {strides = array<i32>} : memref<32x1024xf32, #tpu.memory_space<vmem>>, vector<1x16xf32>,
        %parallel_loop3A_846 = arith.select %gt3A_448, %parallel_loop3A_806, %parallel_loop3A_801 : vector<16xf32>
        %parallel_loop3A_847 = arith.constant 3 : i32
        %parallel_loop3A_848 = arith.index_cast %parallel_loop3A_847 : i32 to index
        %parallel_loop3A_849 = arith.index_cast %parallel_loop3A_798 : i32 to index
        %parallel_loop3A_850 = tpu.vector_load %arg11[%parallel_loop3A_848, %parallel_loop3A_849] {strides = array<i32>} : memref<32x1024xf32, #tpu.memory_space<vmem>>, vector<1x16xf32>,
        %parallel_loop3A_851 = vector.shape_cast %parallel_loop3A_850 : vector<1x16xf32> to vector<16xf32>
        %parallel_loop3A_852 = arith.addf %parallel_loop3A_851, %parallel_loop3A_846 : vector<16xf32>
        %parallel_loop3A_853 = arith.constant 3 : i32
        %parallel_loop3A_854 = arith.index_cast %parallel_loop3A_853 : i32 to index
        %parallel_loop3A_855 = arith.index_cast %parallel_loop3A_798 : i32 to index
        %parallel_loop3A_856 = tpu.vector_load %arg11[%parallel_loop3A_854, %parallel_loop3A_855] {strides = array<i32>} : memref<32x1024xf32, #tpu.memory_space<vmem>>, vector<1x16xf32>,
        %parallel_loop3A_857 = vector.shape_cast %parallel_loop3A_856 : vector<1x16xf32> to vector<16xf32>
        %parallel_loop3A_858 = vector.shape_cast %parallel_loop3A_852 : vector<16xf32> to vector<1x16xf32>
        tpu.vector_store %arg11[%parallel_loop3A_854, %parallel_loop3A_855], %parallel_loop3A_858 {strides = array<i32>} : memref<32x1024xf32, #tpu.memory_space<vmem>>, vector<1x16xf32>,
        %parallel_loop3A_859 = arith.select %gt3A_452, %parallel_loop3A_806, %parallel_loop3A_801 : vector<16xf32>
        %parallel_loop3A_860 = arith.constant 4 : i32
        %parallel_loop3A_861 = arith.index_cast %parallel_loop3A_860 : i32 to index
        %parallel_loop3A_862 = arith.index_cast %parallel_loop3A_798 : i32 to index
        %parallel_loop3A_863 = tpu.vector_load %arg11[%parallel_loop3A_861, %parallel_loop3A_862] {strides = array<i32>} : memref<32x1024xf32, #tpu.memory_space<vmem>>, vector<1x16xf32>,
        %parallel_loop3A_864 = vector.shape_cast %parallel_loop3A_863 : vector<1x16xf32> to vector<16xf32>
        %parallel_loop3A_865 = arith.addf %parallel_loop3A_864, %parallel_loop3A_859 : vector<16xf32>
        %parallel_loop3A_866 = arith.constant 4 : i32
        %parallel_loop3A_867 = arith.index_cast %parallel_loop3A_866 : i32 to index
        %parallel_loop3A_868 = arith.index_cast %parallel_loop3A_798 : i32 to index
        %parallel_loop3A_869 = tpu.vector_load %arg11[%parallel_loop3A_867, %parallel_loop3A_868] {strides = array<i32>} : memref<32x1024xf32, #tpu.memory_space<vmem>>, vector<1x16xf32>,
        %parallel_loop3A_870 = vector.shape_cast %parallel_loop3A_869 : vector<1x16xf32> to vector<16xf32>
        %parallel_loop3A_871 = vector.shape_cast %parallel_loop3A_865 : vector<16xf32> to vector<1x16xf32>
        tpu.vector_store %arg11[%parallel_loop3A_867, %parallel_loop3A_868], %parallel_loop3A_871 {strides = array<i32>} : memref<32x1024xf32, #tpu.memory_space<vmem>>, vector<1x16xf32>,
        %parallel_loop3A_872 = arith.select %gt3A_456, %parallel_loop3A_806, %parallel_loop3A_801 : vector<16xf32>
        %parallel_loop3A_873 = arith.constant 5 : i32
        %parallel_loop3A_874 = arith.index_cast %parallel_loop3A_873 : i32 to index
        %parallel_loop3A_875 = arith.index_cast %parallel_loop3A_798 : i32 to index
        %parallel_loop3A_876 = tpu.vector_load %arg11[%parallel_loop3A_874, %parallel_loop3A_875] {strides = array<i32>} : memref<32x1024xf32, #tpu.memory_space<vmem>>, vector<1x16xf32>,
        %parallel_loop3A_877 = vector.shape_cast %parallel_loop3A_876 : vector<1x16xf32> to vector<16xf32>
        %parallel_loop3A_878 = arith.addf %parallel_loop3A_877, %parallel_loop3A_872 : vector<16xf32>
        %parallel_loop3A_879 = arith.constant 5 : i32
        %parallel_loop3A_880 = arith.index_cast %parallel_loop3A_879 : i32 to index
        %parallel_loop3A_881 = arith.index_cast %parallel_loop3A_798 : i32 to index
        %parallel_loop3A_882 = tpu.vector_load %arg11[%parallel_loop3A_880, %parallel_loop3A_881] {strides = array<i32>} : memref<32x1024xf32, #tpu.memory_space<vmem>>, vector<1x16xf32>,
        %parallel_loop3A_883 = vector.shape_cast %parallel_loop3A_882 : vector<1x16xf32> to vector<16xf32>
        %parallel_loop3A_884 = vector.shape_cast %parallel_loop3A_878 : vector<16xf32> to vector<1x16xf32>
        tpu.vector_store %arg11[%parallel_loop3A_880, %parallel_loop3A_881], %parallel_loop3A_884 {strides = array<i32>} : memref<32x1024xf32, #tpu.memory_space<vmem>>, vector<1x16xf32>,
        %parallel_loop3A_885 = arith.select %gt3A_460, %parallel_loop3A_806, %parallel_loop3A_801 : vector<16xf32>
        %parallel_loop3A_886 = arith.constant 6 : i32
        %parallel_loop3A_887 = arith.index_cast %parallel_loop3A_886 : i32 to index
        %parallel_loop3A_888 = arith.index_cast %parallel_loop3A_798 : i32 to index
        %parallel_loop3A_889 = tpu.vector_load %arg11[%parallel_loop3A_887, %parallel_loop3A_888] {strides = array<i32>} : memref<32x1024xf32, #tpu.memory_space<vmem>>, vector<1x16xf32>,
        %parallel_loop3A_890 = vector.shape_cast %parallel_loop3A_889 : vector<1x16xf32> to vector<16xf32>
        %parallel_loop3A_891 = arith.addf %parallel_loop3A_890, %parallel_loop3A_885 : vector<16xf32>
        %parallel_loop3A_892 = arith.constant 6 : i32
        %parallel_loop3A_893 = arith.index_cast %parallel_loop3A_892 : i32 to index
        %parallel_loop3A_894 = arith.index_cast %parallel_loop3A_798 : i32 to index
        %parallel_loop3A_895 = tpu.vector_load %arg11[%parallel_loop3A_893, %parallel_loop3A_894] {strides = array<i32>} : memref<32x1024xf32, #tpu.memory_space<vmem>>, vector<1x16xf32>,
        %parallel_loop3A_896 = vector.shape_cast %parallel_loop3A_895 : vector<1x16xf32> to vector<16xf32>
        %parallel_loop3A_897 = vector.shape_cast %parallel_loop3A_891 : vector<16xf32> to vector<1x16xf32>
        tpu.vector_store %arg11[%parallel_loop3A_893, %parallel_loop3A_894], %parallel_loop3A_897 {strides = array<i32>} : memref<32x1024xf32, #tpu.memory_space<vmem>>, vector<1x16xf32>,
        %parallel_loop3A_898 = arith.select %gt3A_464, %parallel_loop3A_806, %parallel_loop3A_801 : vector<16xf32>
        %parallel_loop3A_899 = arith.constant 7 : i32
        %parallel_loop3A_900 = arith.index_cast %parallel_loop3A_899 : i32 to index
        %parallel_loop3A_901 = arith.index_cast %parallel_loop3A_798 : i32 to index
        %parallel_loop3A_902 = tpu.vector_load %arg11[%parallel_loop3A_900, %parallel_loop3A_901] {strides = array<i32>} : memref<32x1024xf32, #tpu.memory_space<vmem>>, vector<1x16xf32>,
        %parallel_loop3A_903 = vector.shape_cast %parallel_loop3A_902 : vector<1x16xf32> to vector<16xf32>
        %parallel_loop3A_904 = arith.addf %parallel_loop3A_903, %parallel_loop3A_898 : vector<16xf32>
        %parallel_loop3A_905 = arith.constant 7 : i32
        %parallel_loop3A_906 = arith.index_cast %parallel_loop3A_905 : i32 to index
        %parallel_loop3A_907 = arith.index_cast %parallel_loop3A_798 : i32 to index
        %parallel_loop3A_908 = tpu.vector_load %arg11[%parallel_loop3A_906, %parallel_loop3A_907] {strides = array<i32>} : memref<32x1024xf32, #tpu.memory_space<vmem>>, vector<1x16xf32>,
        %parallel_loop3A_909 = vector.shape_cast %parallel_loop3A_908 : vector<1x16xf32> to vector<16xf32>
        %parallel_loop3A_910 = vector.shape_cast %parallel_loop3A_904 : vector<16xf32> to vector<1x16xf32>
        tpu.vector_store %arg11[%parallel_loop3A_906, %parallel_loop3A_907], %parallel_loop3A_910 {strides = array<i32>} : memref<32x1024xf32, #tpu.memory_space<vmem>>, vector<1x16xf32>,
        %parallel_loop3A_911 = arith.select %gt3A_468, %parallel_loop3A_806, %parallel_loop3A_801 : vector<16xf32>
        %parallel_loop3A_912 = arith.constant 8 : i32
        %parallel_loop3A_913 = arith.index_cast %parallel_loop3A_912 : i32 to index
        %parallel_loop3A_914 = arith.index_cast %parallel_loop3A_798 : i32 to index
        %parallel_loop3A_915 = tpu.vector_load %arg11[%parallel_loop3A_913, %parallel_loop3A_914] {strides = array<i32>} : memref<32x1024xf32, #tpu.memory_space<vmem>>, vector<1x16xf32>,
        %parallel_loop3A_916 = vector.shape_cast %parallel_loop3A_915 : vector<1x16xf32> to vector<16xf32>
        %parallel_loop3A_917 = arith.addf %parallel_loop3A_916, %parallel_loop3A_911 : vector<16xf32>
        %parallel_loop3A_918 = arith.constant 8 : i32
        %parallel_loop3A_919 = arith.index_cast %parallel_loop3A_918 : i32 to index
        %parallel_loop3A_920 = arith.index_cast %parallel_loop3A_798 : i32 to index
        %parallel_loop3A_921 = tpu.vector_load %arg11[%parallel_loop3A_919, %parallel_loop3A_920] {strides = array<i32>} : memref<32x1024xf32, #tpu.memory_space<vmem>>, vector<1x16xf32>,
        %parallel_loop3A_922 = vector.shape_cast %parallel_loop3A_921 : vector<1x16xf32> to vector<16xf32>
        %parallel_loop3A_923 = vector.shape_cast %parallel_loop3A_917 : vector<16xf32> to vector<1x16xf32>
        tpu.vector_store %arg11[%parallel_loop3A_919, %parallel_loop3A_920], %parallel_loop3A_923 {strides = array<i32>} : memref<32x1024xf32, #tpu.memory_space<vmem>>, vector<1x16xf32>,
        %parallel_loop3A_924 = arith.select %gt3A_472, %parallel_loop3A_806, %parallel_loop3A_801 : vector<16xf32>
        %parallel_loop3A_925 = arith.constant 9 : i32
        %parallel_loop3A_926 = arith.index_cast %parallel_loop3A_925 : i32 to index
        %parallel_loop3A_927 = arith.index_cast %parallel_loop3A_798 : i32 to index
        %parallel_loop3A_928 = tpu.vector_load %arg11[%parallel_loop3A_926, %parallel_loop3A_927] {strides = array<i32>} : memref<32x1024xf32, #tpu.memory_space<vmem>>, vector<1x16xf32>,
        %parallel_loop3A_929 = vector.shape_cast %parallel_loop3A_928 : vector<1x16xf32> to vector<16xf32>
        %parallel_loop3A_930 = arith.addf %parallel_loop3A_929, %parallel_loop3A_924 : vector<16xf32>
        %parallel_loop3A_931 = arith.constant 9 : i32
        %parallel_loop3A_932 = arith.index_cast %parallel_loop3A_931 : i32 to index
        %parallel_loop3A_933 = arith.index_cast %parallel_loop3A_798 : i32 to index
        %parallel_loop3A_934 = tpu.vector_load %arg11[%parallel_loop3A_932, %parallel_loop3A_933] {strides = array<i32>} : memref<32x1024xf32, #tpu.memory_space<vmem>>, vector<1x16xf32>,
        %parallel_loop3A_935 = vector.shape_cast %parallel_loop3A_934 : vector<1x16xf32> to vector<16xf32>
        %parallel_loop3A_936 = vector.shape_cast %parallel_loop3A_930 : vector<16xf32> to vector<1x16xf32>
        tpu.vector_store %arg11[%parallel_loop3A_932, %parallel_loop3A_933], %parallel_loop3A_936 {strides = array<i32>} : memref<32x1024xf32, #tpu.memory_space<vmem>>, vector<1x16xf32>,
        %parallel_loop3A_937 = arith.select %gt3A_476, %parallel_loop3A_806, %parallel_loop3A_801 : vector<16xf32>
        %parallel_loop3A_938 = arith.constant 10 : i32
        %parallel_loop3A_939 = arith.index_cast %parallel_loop3A_938 : i32 to index
        %parallel_loop3A_940 = arith.index_cast %parallel_loop3A_798 : i32 to index
        %parallel_loop3A_941 = tpu.vector_load %arg11[%parallel_loop3A_939, %parallel_loop3A_940] {strides = array<i32>} : memref<32x1024xf32, #tpu.memory_space<vmem>>, vector<1x16xf32>,
        %parallel_loop3A_942 = vector.shape_cast %parallel_loop3A_941 : vector<1x16xf32> to vector<16xf32>
        %parallel_loop3A_943 = arith.addf %parallel_loop3A_942, %parallel_loop3A_937 : vector<16xf32>
        %parallel_loop3A_944 = arith.constant 10 : i32
        %parallel_loop3A_945 = arith.index_cast %parallel_loop3A_944 : i32 to index
        %parallel_loop3A_946 = arith.index_cast %parallel_loop3A_798 : i32 to index
        %parallel_loop3A_947 = tpu.vector_load %arg11[%parallel_loop3A_945, %parallel_loop3A_946] {strides = array<i32>} : memref<32x1024xf32, #tpu.memory_space<vmem>>, vector<1x16xf32>,
        %parallel_loop3A_948 = vector.shape_cast %parallel_loop3A_947 : vector<1x16xf32> to vector<16xf32>
        %parallel_loop3A_949 = vector.shape_cast %parallel_loop3A_943 : vector<16xf32> to vector<1x16xf32>
        tpu.vector_store %arg11[%parallel_loop3A_945, %parallel_loop3A_946], %parallel_loop3A_949 {strides = array<i32>} : memref<32x1024xf32, #tpu.memory_space<vmem>>, vector<1x16xf32>,
        %parallel_loop3A_950 = arith.select %gt3A_480, %parallel_loop3A_806, %parallel_loop3A_801 : vector<16xf32>
        %parallel_loop3A_951 = arith.constant 11 : i32
        %parallel_loop3A_952 = arith.index_cast %parallel_loop3A_951 : i32 to index
        %parallel_loop3A_953 = arith.index_cast %parallel_loop3A_798 : i32 to index
        %parallel_loop3A_954 = tpu.vector_load %arg11[%parallel_loop3A_952, %parallel_loop3A_953] {strides = array<i32>} : memref<32x1024xf32, #tpu.memory_space<vmem>>, vector<1x16xf32>,
        %parallel_loop3A_955 = vector.shape_cast %parallel_loop3A_954 : vector<1x16xf32> to vector<16xf32>
        %parallel_loop3A_956 = arith.addf %parallel_loop3A_955, %parallel_loop3A_950 : vector<16xf32>
        %parallel_loop3A_957 = arith.constant 11 : i32
        %parallel_loop3A_958 = arith.index_cast %parallel_loop3A_957 : i32 to index
        %parallel_loop3A_959 = arith.index_cast %parallel_loop3A_798 : i32 to index
        %parallel_loop3A_960 = tpu.vector_load %arg11[%parallel_loop3A_958, %parallel_loop3A_959] {strides = array<i32>} : memref<32x1024xf32, #tpu.memory_space<vmem>>, vector<1x16xf32>,
        %parallel_loop3A_961 = vector.shape_cast %parallel_loop3A_960 : vector<1x16xf32> to vector<16xf32>
        %parallel_loop3A_962 = vector.shape_cast %parallel_loop3A_956 : vector<16xf32> to vector<1x16xf32>
        tpu.vector_store %arg11[%parallel_loop3A_958, %parallel_loop3A_959], %parallel_loop3A_962 {strides = array<i32>} : memref<32x1024xf32, #tpu.memory_space<vmem>>, vector<1x16xf32>,
        %parallel_loop3A_963 = arith.select %gt3A_484, %parallel_loop3A_806, %parallel_loop3A_801 : vector<16xf32>
        %parallel_loop3A_964 = arith.constant 12 : i32
        %parallel_loop3A_965 = arith.index_cast %parallel_loop3A_964 : i32 to index
        %parallel_loop3A_966 = arith.index_cast %parallel_loop3A_798 : i32 to index
        %parallel_loop3A_967 = tpu.vector_load %arg11[%parallel_loop3A_965, %parallel_loop3A_966] {strides = array<i32>} : memref<32x1024xf32, #tpu.memory_space<vmem>>, vector<1x16xf32>,
        %parallel_loop3A_968 = vector.shape_cast %parallel_loop3A_967 : vector<1x16xf32> to vector<16xf32>
        %parallel_loop3A_969 = arith.addf %parallel_loop3A_968, %parallel_loop3A_963 : vector<16xf32>
        %parallel_loop3A_970 = arith.constant 12 : i32
        %parallel_loop3A_971 = arith.index_cast %parallel_loop3A_970 : i32 to index
        %parallel_loop3A_972 = arith.index_cast %parallel_loop3A_798 : i32 to index
        %parallel_loop3A_973 = tpu.vector_load %arg11[%parallel_loop3A_971, %parallel_loop3A_972] {strides = array<i32>} : memref<32x1024xf32, #tpu.memory_space<vmem>>, vector<1x16xf32>,
        %parallel_loop3A_974 = vector.shape_cast %parallel_loop3A_973 : vector<1x16xf32> to vector<16xf32>
        %parallel_loop3A_975 = vector.shape_cast %parallel_loop3A_969 : vector<16xf32> to vector<1x16xf32>
        tpu.vector_store %arg11[%parallel_loop3A_971, %parallel_loop3A_972], %parallel_loop3A_975 {strides = array<i32>} : memref<32x1024xf32, #tpu.memory_space<vmem>>, vector<1x16xf32>,
        %parallel_loop3A_976 = arith.select %gt3A_488, %parallel_loop3A_806, %parallel_loop3A_801 : vector<16xf32>
        %parallel_loop3A_977 = arith.constant 13 : i32
        %parallel_loop3A_978 = arith.index_cast %parallel_loop3A_977 : i32 to index
        %parallel_loop3A_979 = arith.index_cast %parallel_loop3A_798 : i32 to index
        %parallel_loop3A_980 = tpu.vector_load %arg11[%parallel_loop3A_978, %parallel_loop3A_979] {strides = array<i32>} : memref<32x1024xf32, #tpu.memory_space<vmem>>, vector<1x16xf32>,
        %parallel_loop3A_981 = vector.shape_cast %parallel_loop3A_980 : vector<1x16xf32> to vector<16xf32>
        %parallel_loop3A_982 = arith.addf %parallel_loop3A_981, %parallel_loop3A_976 : vector<16xf32>
        %parallel_loop3A_983 = arith.constant 13 : i32
        %parallel_loop3A_984 = arith.index_cast %parallel_loop3A_983 : i32 to index
        %parallel_loop3A_985 = arith.index_cast %parallel_loop3A_798 : i32 to index
        %parallel_loop3A_986 = tpu.vector_load %arg11[%parallel_loop3A_984, %parallel_loop3A_985] {strides = array<i32>} : memref<32x1024xf32, #tpu.memory_space<vmem>>, vector<1x16xf32>,
        %parallel_loop3A_987 = vector.shape_cast %parallel_loop3A_986 : vector<1x16xf32> to vector<16xf32>
        %parallel_loop3A_988 = vector.shape_cast %parallel_loop3A_982 : vector<16xf32> to vector<1x16xf32>
        tpu.vector_store %arg11[%parallel_loop3A_984, %parallel_loop3A_985], %parallel_loop3A_988 {strides = array<i32>} : memref<32x1024xf32, #tpu.memory_space<vmem>>, vector<1x16xf32>,
        %parallel_loop3A_989 = arith.select %gt3A_492, %parallel_loop3A_806, %parallel_loop3A_801 : vector<16xf32>
        %parallel_loop3A_990 = arith.constant 14 : i32
        %parallel_loop3A_991 = arith.index_cast %parallel_loop3A_990 : i32 to index
        %parallel_loop3A_992 = arith.index_cast %parallel_loop3A_798 : i32 to index
        %parallel_loop3A_993 = tpu.vector_load %arg11[%parallel_loop3A_991, %parallel_loop3A_992] {strides = array<i32>} : memref<32x1024xf32, #tpu.memory_space<vmem>>, vector<1x16xf32>,
        %parallel_loop3A_994 = vector.shape_cast %parallel_loop3A_993 : vector<1x16xf32> to vector<16xf32>
        %parallel_loop3A_995 = arith.addf %parallel_loop3A_994, %parallel_loop3A_989 : vector<16xf32>
        %parallel_loop3A_996 = arith.constant 14 : i32
        %parallel_loop3A_997 = arith.index_cast %parallel_loop3A_996 : i32 to index
        %parallel_loop3A_998 = arith.index_cast %parallel_loop3A_798 : i32 to index
        %parallel_loop3A_999 = tpu.vector_load %arg11[%parallel_loop3A_997, %parallel_loop3A_998] {strides = array<i32>} : memref<32x1024xf32, #tpu.memory_space<vmem>>, vector<1x16xf32>,
        %parallel_loop3A_1000 = vector.shape_cast %parallel_loop3A_999 : vector<1x16xf32> to vector<16xf32>
        %parallel_loop3A_1001 = vector.shape_cast %parallel_loop3A_995 : vector<16xf32> to vector<1x16xf32>
        tpu.vector_store %arg11[%parallel_loop3A_997, %parallel_loop3A_998], %parallel_loop3A_1001 {strides = array<i32>} : memref<32x1024xf32, #tpu.memory_space<vmem>>, vector<1x16xf32>,
        %parallel_loop3A_1002 = arith.select %gt3A_496, %parallel_loop3A_806, %parallel_loop3A_801 : vector<16xf32>
        %parallel_loop3A_1003 = arith.constant 15 : i32
        %parallel_loop3A_1004 = arith.index_cast %parallel_loop3A_1003 : i32 to index
        %parallel_loop3A_1005 = arith.index_cast %parallel_loop3A_798 : i32 to index
        %parallel_loop3A_1006 = tpu.vector_load %arg11[%parallel_loop3A_1004, %parallel_loop3A_1005] {strides = array<i32>} : memref<32x1024xf32, #tpu.memory_space<vmem>>, vector<1x16xf32>,
        %parallel_loop3A_1007 = vector.shape_cast %parallel_loop3A_1006 : vector<1x16xf32> to vector<16xf32>
        %parallel_loop3A_1008 = arith.addf %parallel_loop3A_1007, %parallel_loop3A_1002 : vector<16xf32>
        %parallel_loop3A_1009 = arith.constant 15 : i32
        %parallel_loop3A_1010 = arith.index_cast %parallel_loop3A_1009 : i32 to index
        %parallel_loop3A_1011 = arith.index_cast %parallel_loop3A_798 : i32 to index
        %parallel_loop3A_1012 = tpu.vector_load %arg11[%parallel_loop3A_1010, %parallel_loop3A_1011] {strides = array<i32>} : memref<32x1024xf32, #tpu.memory_space<vmem>>, vector<1x16xf32>,
        %parallel_loop3A_1013 = vector.shape_cast %parallel_loop3A_1012 : vector<1x16xf32> to vector<16xf32>
        %parallel_loop3A_1014 = vector.shape_cast %parallel_loop3A_1008 : vector<16xf32> to vector<1x16xf32>
        tpu.vector_store %arg11[%parallel_loop3A_1010, %parallel_loop3A_1011], %parallel_loop3A_1014 {strides = array<i32>} : memref<32x1024xf32, #tpu.memory_space<vmem>>, vector<1x16xf32>,
      } {sc.loop_unroll_factor = 1 : i64, sc.parallel_access}
      %mul3A_500 = arith.constant 32 : i32
      %mul3A_501 = arith.muli %add3A_406, %mul3A_500 : i32
      %add3A_502 = arith.addi %mul3A_2, %mul3A_501 : i32
      %add3A_503 = arith.constant 0 : i32
      %add3A_504 = arith.addi %add3A_502, %add3A_503 : i32
      %dma_start3A_505 = arith.constant 0 : i32
      %dma_start3A_506 = arith.constant 0 : i32
      %dma_start3A_507 = tpu.memref_slice %arg11[%dma_start3A_505, %dma_start3A_506] : memref<32x1024xf32, #tpu.memory_space<vmem>> -> memref<16x1024xf32, #tpu.memory_space<vmem>>
      %dma_start3A_508 = arith.constant 0 : i32
      %dma_start3A_509 = tpu.memref_slice %arg6[%add3A_504, %dma_start3A_508] : memref<16384x1024xf32, #tpu.memory_space<hbm>> -> memref<16x1024xf32, #tpu.memory_space<hbm>>
      %dma_start3A_510 = arith.constant 0 : i32
      %dma_start3A_511 = tpu.memref_slice %arg6[%add3A_504, %dma_start3A_510] : memref<16384x1024xf32, #tpu.memory_space<hbm>> -> memref<16x1024xf32, #tpu.memory_space<hbm>>
      %dma_start3A_512 = arith.constant 0 : i32
      %dma_start3A_513 = arith.constant 0 : i32
      %dma_start3A_514 = tpu.memref_slice %arg11[%dma_start3A_512, %dma_start3A_513] : memref<32x1024xf32, #tpu.memory_space<vmem>> -> memref<16x1024xf32, #tpu.memory_space<vmem>>
      tpu.enqueue_dma source(%dma_start3A_514 : memref<16x1024xf32, #tpu.memory_space<vmem>>) target(%dma_start3A_511 : memref<16x1024xf32, #tpu.memory_space<hbm>>) target_semaphore(%arg17 : memref<!tpu.dma_semaphore, #tpu.memory_space<semaphore_mem>>)
      %mul3A_515 = arith.constant 32 : i32
      %mul3A_516 = arith.muli %add3A_406, %mul3A_515 : i32
      %add3A_517 = arith.constant 16 : i32
      %add3A_518 = arith.addi %mul3A_516, %add3A_517 : i32
      %get3A_519 = arith.index_cast %add3A_518 : i32 to index
      %get3A_520 = tpu.vector_load %arg8[%get3A_519] {strides = array<i32>} : memref<512xi32, #tpu.memory_space<vmem>>, vector<16xi32>,
      %get3A_521 = vector.shape_cast %get3A_520 : vector<16xi32> to vector<16xi32>
      %slice3A_522 = vector.extract_strided_slice %get3A_521 {offsets = [0], sizes = [1], strides = [1]} : vector<16xi32> to vector<1xi32>
      %squeeze3A_523 = vector.extract %slice3A_522[0] : i32 from vector<1xi32>
      %gt3A_524 = arith.constant 0 : i32
      %gt3A_525 = arith.cmpi sgt, %squeeze3A_523, %gt3A_524 : i32
      %slice3A_526 = vector.extract_strided_slice %get3A_521 {offsets = [1], sizes = [1], strides = [1]} : vector<16xi32> to vector<1xi32>
      %squeeze3A_527 = vector.extract %slice3A_526[0] : i32 from vector<1xi32>
      %gt3A_528 = arith.constant 0 : i32
      %gt3A_529 = arith.cmpi sgt, %squeeze3A_527, %gt3A_528 : i32
      %slice3A_530 = vector.extract_strided_slice %get3A_521 {offsets = [2], sizes = [1], strides = [1]} : vector<16xi32> to vector<1xi32>
      %squeeze3A_531 = vector.extract %slice3A_530[0] : i32 from vector<1xi32>
      %gt3A_532 = arith.constant 0 : i32
      %gt3A_533 = arith.cmpi sgt, %squeeze3A_531, %gt3A_532 : i32
      %slice3A_534 = vector.extract_strided_slice %get3A_521 {offsets = [3], sizes = [1], strides = [1]} : vector<16xi32> to vector<1xi32>
      %squeeze3A_535 = vector.extract %slice3A_534[0] : i32 from vector<1xi32>
      %gt3A_536 = arith.constant 0 : i32
      %gt3A_537 = arith.cmpi sgt, %squeeze3A_535, %gt3A_536 : i32
      %slice3A_538 = vector.extract_strided_slice %get3A_521 {offsets = [4], sizes = [1], strides = [1]} : vector<16xi32> to vector<1xi32>
      %squeeze3A_539 = vector.extract %slice3A_538[0] : i32 from vector<1xi32>
      %gt3A_540 = arith.constant 0 : i32
      %gt3A_541 = arith.cmpi sgt, %squeeze3A_539, %gt3A_540 : i32
      %slice3A_542 = vector.extract_strided_slice %get3A_521 {offsets = [5], sizes = [1], strides = [1]} : vector<16xi32> to vector<1xi32>
      %squeeze3A_543 = vector.extract %slice3A_542[0] : i32 from vector<1xi32>
      %gt3A_544 = arith.constant 0 : i32
      %gt3A_545 = arith.cmpi sgt, %squeeze3A_543, %gt3A_544 : i32
      %slice3A_546 = vector.extract_strided_slice %get3A_521 {offsets = [6], sizes = [1], strides = [1]} : vector<16xi32> to vector<1xi32>
      %squeeze3A_547 = vector.extract %slice3A_546[0] : i32 from vector<1xi32>
      %gt3A_548 = arith.constant 0 : i32
      %gt3A_549 = arith.cmpi sgt, %squeeze3A_547, %gt3A_548 : i32
      %slice3A_550 = vector.extract_strided_slice %get3A_521 {offsets = [7], sizes = [1], strides = [1]} : vector<16xi32> to vector<1xi32>
      %squeeze3A_551 = vector.extract %slice3A_550[0] : i32 from vector<1xi32>
      %gt3A_552 = arith.constant 0 : i32
      %gt3A_553 = arith.cmpi sgt, %squeeze3A_551, %gt3A_552 : i32
      %slice3A_554 = vector.extract_strided_slice %get3A_521 {offsets = [8], sizes = [1], strides = [1]} : vector<16xi32> to vector<1xi32>
      %squeeze3A_555 = vector.extract %slice3A_554[0] : i32 from vector<1xi32>
      %gt3A_556 = arith.constant 0 : i32
      %gt3A_557 = arith.cmpi sgt, %squeeze3A_555, %gt3A_556 : i32
      %slice3A_558 = vector.extract_strided_slice %get3A_521 {offsets = [9], sizes = [1], strides = [1]} : vector<16xi32> to vector<1xi32>
      %squeeze3A_559 = vector.extract %slice3A_558[0] : i32 from vector<1xi32>
      %gt3A_560 = arith.constant 0 : i32
      %gt3A_561 = arith.cmpi sgt, %squeeze3A_559, %gt3A_560 : i32
      %slice3A_562 = vector.extract_strided_slice %get3A_521 {offsets = [10], sizes = [1], strides = [1]} : vector<16xi32> to vector<1xi32>
      %squeeze3A_563 = vector.extract %slice3A_562[0] : i32 from vector<1xi32>
      %gt3A_564 = arith.constant 0 : i32
      %gt3A_565 = arith.cmpi sgt, %squeeze3A_563, %gt3A_564 : i32
      %slice3A_566 = vector.extract_strided_slice %get3A_521 {offsets = [11], sizes = [1], strides = [1]} : vector<16xi32> to vector<1xi32>
      %squeeze3A_567 = vector.extract %slice3A_566[0] : i32 from vector<1xi32>
      %gt3A_568 = arith.constant 0 : i32
      %gt3A_569 = arith.cmpi sgt, %squeeze3A_567, %gt3A_568 : i32
      %slice3A_570 = vector.extract_strided_slice %get3A_521 {offsets = [12], sizes = [1], strides = [1]} : vector<16xi32> to vector<1xi32>
      %squeeze3A_571 = vector.extract %slice3A_570[0] : i32 from vector<1xi32>
      %gt3A_572 = arith.constant 0 : i32
      %gt3A_573 = arith.cmpi sgt, %squeeze3A_571, %gt3A_572 : i32
      %slice3A_574 = vector.extract_strided_slice %get3A_521 {offsets = [13], sizes = [1], strides = [1]} : vector<16xi32> to vector<1xi32>
      %squeeze3A_575 = vector.extract %slice3A_574[0] : i32 from vector<1xi32>
      %gt3A_576 = arith.constant 0 : i32
      %gt3A_577 = arith.cmpi sgt, %squeeze3A_575, %gt3A_576 : i32
      %slice3A_578 = vector.extract_strided_slice %get3A_521 {offsets = [14], sizes = [1], strides = [1]} : vector<16xi32> to vector<1xi32>
      %squeeze3A_579 = vector.extract %slice3A_578[0] : i32 from vector<1xi32>
      %gt3A_580 = arith.constant 0 : i32
      %gt3A_581 = arith.cmpi sgt, %squeeze3A_579, %gt3A_580 : i32
      %slice3A_582 = vector.extract_strided_slice %get3A_521 {offsets = [15], sizes = [1], strides = [1]} : vector<16xi32> to vector<1xi32>
      %squeeze3A_583 = vector.extract %slice3A_582[0] : i32 from vector<1xi32>
      %gt3A_584 = arith.constant 0 : i32
      %gt3A_585 = arith.cmpi sgt, %squeeze3A_583, %gt3A_584 : i32
      %parallel_loop3A_586 = arith.constant 0 : i32
      %parallel_loop3A_587 = arith.constant 64 : i32
      %parallel_loop3A_588 = arith.constant 1 : i32
      scf.for %parallel_loop3A_796 = %parallel_loop3A_586 to %parallel_loop3A_587 step %parallel_loop3A_588  : i32 {
        %parallel_loop3A_797 = arith.constant 16 : i32
        %parallel_loop3A_798 = arith.muli %parallel_loop3A_796, %parallel_loop3A_797 : i32
        %parallel_loop3A_799 = arith.index_cast %parallel_loop3A_798 : i32 to index
        %parallel_loop3A_800 = tpu.vector_load %arg9[%parallel_loop3A_799] {strides = array<i32>} : memref<2048xf32, #tpu.memory_space<vmem>>, vector<16xf32>,
        %parallel_loop3A_801 = vector.shape_cast %parallel_loop3A_800 : vector<16xf32> to vector<16xf32>
        %parallel_loop3A_802 = arith.constant 1024 : i32
        %parallel_loop3A_803 = arith.addi %parallel_loop3A_802, %parallel_loop3A_798 : i32
        %parallel_loop3A_804 = arith.index_cast %parallel_loop3A_803 : i32 to index
        %parallel_loop3A_805 = tpu.vector_load %arg9[%parallel_loop3A_804] {strides = array<i32>} : memref<2048xf32, #tpu.memory_space<vmem>>, vector<16xf32>,
        %parallel_loop3A_806 = vector.shape_cast %parallel_loop3A_805 : vector<16xf32> to vector<16xf32>
        %parallel_loop3A_807 = arith.select %gt3A_525, %parallel_loop3A_806, %parallel_loop3A_801 : vector<16xf32>
        %parallel_loop3A_808 = arith.constant 16 : i32
        %parallel_loop3A_809 = arith.index_cast %parallel_loop3A_808 : i32 to index
        %parallel_loop3A_810 = arith.index_cast %parallel_loop3A_798 : i32 to index
        %parallel_loop3A_811 = tpu.vector_load %arg11[%parallel_loop3A_809, %parallel_loop3A_810] {strides = array<i32>} : memref<32x1024xf32, #tpu.memory_space<vmem>>, vector<1x16xf32>,
        %parallel_loop3A_812 = vector.shape_cast %parallel_loop3A_811 : vector<1x16xf32> to vector<16xf32>
        %parallel_loop3A_813 = arith.addf %parallel_loop3A_812, %parallel_loop3A_807 : vector<16xf32>
        %parallel_loop3A_814 = arith.constant 16 : i32
        %parallel_loop3A_815 = arith.index_cast %parallel_loop3A_814 : i32 to index
        %parallel_loop3A_816 = arith.index_cast %parallel_loop3A_798 : i32 to index
        %parallel_loop3A_817 = tpu.vector_load %arg11[%parallel_loop3A_815, %parallel_loop3A_816] {strides = array<i32>} : memref<32x1024xf32, #tpu.memory_space<vmem>>, vector<1x16xf32>,
        %parallel_loop3A_818 = vector.shape_cast %parallel_loop3A_817 : vector<1x16xf32> to vector<16xf32>
        %parallel_loop3A_819 = vector.shape_cast %parallel_loop3A_813 : vector<16xf32> to vector<1x16xf32>
        tpu.vector_store %arg11[%parallel_loop3A_815, %parallel_loop3A_816], %parallel_loop3A_819 {strides = array<i32>} : memref<32x1024xf32, #tpu.memory_space<vmem>>, vector<1x16xf32>,
        %parallel_loop3A_820 = arith.select %gt3A_529, %parallel_loop3A_806, %parallel_loop3A_801 : vector<16xf32>
        %parallel_loop3A_821 = arith.constant 17 : i32
        %parallel_loop3A_822 = arith.index_cast %parallel_loop3A_821 : i32 to index
        %parallel_loop3A_823 = arith.index_cast %parallel_loop3A_798 : i32 to index
        %parallel_loop3A_824 = tpu.vector_load %arg11[%parallel_loop3A_822, %parallel_loop3A_823] {strides = array<i32>} : memref<32x1024xf32, #tpu.memory_space<vmem>>, vector<1x16xf32>,
        %parallel_loop3A_825 = vector.shape_cast %parallel_loop3A_824 : vector<1x16xf32> to vector<16xf32>
        %parallel_loop3A_826 = arith.addf %parallel_loop3A_825, %parallel_loop3A_820 : vector<16xf32>
        %parallel_loop3A_827 = arith.constant 17 : i32
        %parallel_loop3A_828 = arith.index_cast %parallel_loop3A_827 : i32 to index
        %parallel_loop3A_829 = arith.index_cast %parallel_loop3A_798 : i32 to index
        %parallel_loop3A_830 = tpu.vector_load %arg11[%parallel_loop3A_828, %parallel_loop3A_829] {strides = array<i32>} : memref<32x1024xf32, #tpu.memory_space<vmem>>, vector<1x16xf32>,
        %parallel_loop3A_831 = vector.shape_cast %parallel_loop3A_830 : vector<1x16xf32> to vector<16xf32>
        %parallel_loop3A_832 = vector.shape_cast %parallel_loop3A_826 : vector<16xf32> to vector<1x16xf32>
        tpu.vector_store %arg11[%parallel_loop3A_828, %parallel_loop3A_829], %parallel_loop3A_832 {strides = array<i32>} : memref<32x1024xf32, #tpu.memory_space<vmem>>, vector<1x16xf32>,
        %parallel_loop3A_833 = arith.select %gt3A_533, %parallel_loop3A_806, %parallel_loop3A_801 : vector<16xf32>
        %parallel_loop3A_834 = arith.constant 18 : i32
        %parallel_loop3A_835 = arith.index_cast %parallel_loop3A_834 : i32 to index
        %parallel_loop3A_836 = arith.index_cast %parallel_loop3A_798 : i32 to index
        %parallel_loop3A_837 = tpu.vector_load %arg11[%parallel_loop3A_835, %parallel_loop3A_836] {strides = array<i32>} : memref<32x1024xf32, #tpu.memory_space<vmem>>, vector<1x16xf32>,
        %parallel_loop3A_838 = vector.shape_cast %parallel_loop3A_837 : vector<1x16xf32> to vector<16xf32>
        %parallel_loop3A_839 = arith.addf %parallel_loop3A_838, %parallel_loop3A_833 : vector<16xf32>
        %parallel_loop3A_840 = arith.constant 18 : i32
        %parallel_loop3A_841 = arith.index_cast %parallel_loop3A_840 : i32 to index
        %parallel_loop3A_842 = arith.index_cast %parallel_loop3A_798 : i32 to index
        %parallel_loop3A_843 = tpu.vector_load %arg11[%parallel_loop3A_841, %parallel_loop3A_842] {strides = array<i32>} : memref<32x1024xf32, #tpu.memory_space<vmem>>, vector<1x16xf32>,
        %parallel_loop3A_844 = vector.shape_cast %parallel_loop3A_843 : vector<1x16xf32> to vector<16xf32>
        %parallel_loop3A_845 = vector.shape_cast %parallel_loop3A_839 : vector<16xf32> to vector<1x16xf32>
        tpu.vector_store %arg11[%parallel_loop3A_841, %parallel_loop3A_842], %parallel_loop3A_845 {strides = array<i32>} : memref<32x1024xf32, #tpu.memory_space<vmem>>, vector<1x16xf32>,
        %parallel_loop3A_846 = arith.select %gt3A_537, %parallel_loop3A_806, %parallel_loop3A_801 : vector<16xf32>
        %parallel_loop3A_847 = arith.constant 19 : i32
        %parallel_loop3A_848 = arith.index_cast %parallel_loop3A_847 : i32 to index
        %parallel_loop3A_849 = arith.index_cast %parallel_loop3A_798 : i32 to index
        %parallel_loop3A_850 = tpu.vector_load %arg11[%parallel_loop3A_848, %parallel_loop3A_849] {strides = array<i32>} : memref<32x1024xf32, #tpu.memory_space<vmem>>, vector<1x16xf32>,
        %parallel_loop3A_851 = vector.shape_cast %parallel_loop3A_850 : vector<1x16xf32> to vector<16xf32>
        %parallel_loop3A_852 = arith.addf %parallel_loop3A_851, %parallel_loop3A_846 : vector<16xf32>
        %parallel_loop3A_853 = arith.constant 19 : i32
        %parallel_loop3A_854 = arith.index_cast %parallel_loop3A_853 : i32 to index
        %parallel_loop3A_855 = arith.index_cast %parallel_loop3A_798 : i32 to index
        %parallel_loop3A_856 = tpu.vector_load %arg11[%parallel_loop3A_854, %parallel_loop3A_855] {strides = array<i32>} : memref<32x1024xf32, #tpu.memory_space<vmem>>, vector<1x16xf32>,
        %parallel_loop3A_857 = vector.shape_cast %parallel_loop3A_856 : vector<1x16xf32> to vector<16xf32>
        %parallel_loop3A_858 = vector.shape_cast %parallel_loop3A_852 : vector<16xf32> to vector<1x16xf32>
        tpu.vector_store %arg11[%parallel_loop3A_854, %parallel_loop3A_855], %parallel_loop3A_858 {strides = array<i32>} : memref<32x1024xf32, #tpu.memory_space<vmem>>, vector<1x16xf32>,
        %parallel_loop3A_859 = arith.select %gt3A_541, %parallel_loop3A_806, %parallel_loop3A_801 : vector<16xf32>
        %parallel_loop3A_860 = arith.constant 20 : i32
        %parallel_loop3A_861 = arith.index_cast %parallel_loop3A_860 : i32 to index
        %parallel_loop3A_862 = arith.index_cast %parallel_loop3A_798 : i32 to index
        %parallel_loop3A_863 = tpu.vector_load %arg11[%parallel_loop3A_861, %parallel_loop3A_862] {strides = array<i32>} : memref<32x1024xf32, #tpu.memory_space<vmem>>, vector<1x16xf32>,
        %parallel_loop3A_864 = vector.shape_cast %parallel_loop3A_863 : vector<1x16xf32> to vector<16xf32>
        %parallel_loop3A_865 = arith.addf %parallel_loop3A_864, %parallel_loop3A_859 : vector<16xf32>
        %parallel_loop3A_866 = arith.constant 20 : i32
        %parallel_loop3A_867 = arith.index_cast %parallel_loop3A_866 : i32 to index
        %parallel_loop3A_868 = arith.index_cast %parallel_loop3A_798 : i32 to index
        %parallel_loop3A_869 = tpu.vector_load %arg11[%parallel_loop3A_867, %parallel_loop3A_868] {strides = array<i32>} : memref<32x1024xf32, #tpu.memory_space<vmem>>, vector<1x16xf32>,
        %parallel_loop3A_870 = vector.shape_cast %parallel_loop3A_869 : vector<1x16xf32> to vector<16xf32>
        %parallel_loop3A_871 = vector.shape_cast %parallel_loop3A_865 : vector<16xf32> to vector<1x16xf32>
        tpu.vector_store %arg11[%parallel_loop3A_867, %parallel_loop3A_868], %parallel_loop3A_871 {strides = array<i32>} : memref<32x1024xf32, #tpu.memory_space<vmem>>, vector<1x16xf32>,
        %parallel_loop3A_872 = arith.select %gt3A_545, %parallel_loop3A_806, %parallel_loop3A_801 : vector<16xf32>
        %parallel_loop3A_873 = arith.constant 21 : i32
        %parallel_loop3A_874 = arith.index_cast %parallel_loop3A_873 : i32 to index
        %parallel_loop3A_875 = arith.index_cast %parallel_loop3A_798 : i32 to index
        %parallel_loop3A_876 = tpu.vector_load %arg11[%parallel_loop3A_874, %parallel_loop3A_875] {strides = array<i32>} : memref<32x1024xf32, #tpu.memory_space<vmem>>, vector<1x16xf32>,
        %parallel_loop3A_877 = vector.shape_cast %parallel_loop3A_876 : vector<1x16xf32> to vector<16xf32>
        %parallel_loop3A_878 = arith.addf %parallel_loop3A_877, %parallel_loop3A_872 : vector<16xf32>
        %parallel_loop3A_879 = arith.constant 21 : i32
        %parallel_loop3A_880 = arith.index_cast %parallel_loop3A_879 : i32 to index
        %parallel_loop3A_881 = arith.index_cast %parallel_loop3A_798 : i32 to index
        %parallel_loop3A_882 = tpu.vector_load %arg11[%parallel_loop3A_880, %parallel_loop3A_881] {strides = array<i32>} : memref<32x1024xf32, #tpu.memory_space<vmem>>, vector<1x16xf32>,
        %parallel_loop3A_883 = vector.shape_cast %parallel_loop3A_882 : vector<1x16xf32> to vector<16xf32>
        %parallel_loop3A_884 = vector.shape_cast %parallel_loop3A_878 : vector<16xf32> to vector<1x16xf32>
        tpu.vector_store %arg11[%parallel_loop3A_880, %parallel_loop3A_881], %parallel_loop3A_884 {strides = array<i32>} : memref<32x1024xf32, #tpu.memory_space<vmem>>, vector<1x16xf32>,
        %parallel_loop3A_885 = arith.select %gt3A_549, %parallel_loop3A_806, %parallel_loop3A_801 : vector<16xf32>
        %parallel_loop3A_886 = arith.constant 22 : i32
        %parallel_loop3A_887 = arith.index_cast %parallel_loop3A_886 : i32 to index
        %parallel_loop3A_888 = arith.index_cast %parallel_loop3A_798 : i32 to index
        %parallel_loop3A_889 = tpu.vector_load %arg11[%parallel_loop3A_887, %parallel_loop3A_888] {strides = array<i32>} : memref<32x1024xf32, #tpu.memory_space<vmem>>, vector<1x16xf32>,
        %parallel_loop3A_890 = vector.shape_cast %parallel_loop3A_889 : vector<1x16xf32> to vector<16xf32>
        %parallel_loop3A_891 = arith.addf %parallel_loop3A_890, %parallel_loop3A_885 : vector<16xf32>
        %parallel_loop3A_892 = arith.constant 22 : i32
        %parallel_loop3A_893 = arith.index_cast %parallel_loop3A_892 : i32 to index
        %parallel_loop3A_894 = arith.index_cast %parallel_loop3A_798 : i32 to index
        %parallel_loop3A_895 = tpu.vector_load %arg11[%parallel_loop3A_893, %parallel_loop3A_894] {strides = array<i32>} : memref<32x1024xf32, #tpu.memory_space<vmem>>, vector<1x16xf32>,
        %parallel_loop3A_896 = vector.shape_cast %parallel_loop3A_895 : vector<1x16xf32> to vector<16xf32>
        %parallel_loop3A_897 = vector.shape_cast %parallel_loop3A_891 : vector<16xf32> to vector<1x16xf32>
        tpu.vector_store %arg11[%parallel_loop3A_893, %parallel_loop3A_894], %parallel_loop3A_897 {strides = array<i32>} : memref<32x1024xf32, #tpu.memory_space<vmem>>, vector<1x16xf32>,
        %parallel_loop3A_898 = arith.select %gt3A_553, %parallel_loop3A_806, %parallel_loop3A_801 : vector<16xf32>
        %parallel_loop3A_899 = arith.constant 23 : i32
        %parallel_loop3A_900 = arith.index_cast %parallel_loop3A_899 : i32 to index
        %parallel_loop3A_901 = arith.index_cast %parallel_loop3A_798 : i32 to index
        %parallel_loop3A_902 = tpu.vector_load %arg11[%parallel_loop3A_900, %parallel_loop3A_901] {strides = array<i32>} : memref<32x1024xf32, #tpu.memory_space<vmem>>, vector<1x16xf32>,
        %parallel_loop3A_903 = vector.shape_cast %parallel_loop3A_902 : vector<1x16xf32> to vector<16xf32>
        %parallel_loop3A_904 = arith.addf %parallel_loop3A_903, %parallel_loop3A_898 : vector<16xf32>
        %parallel_loop3A_905 = arith.constant 23 : i32
        %parallel_loop3A_906 = arith.index_cast %parallel_loop3A_905 : i32 to index
        %parallel_loop3A_907 = arith.index_cast %parallel_loop3A_798 : i32 to index
        %parallel_loop3A_908 = tpu.vector_load %arg11[%parallel_loop3A_906, %parallel_loop3A_907] {strides = array<i32>} : memref<32x1024xf32, #tpu.memory_space<vmem>>, vector<1x16xf32>,
        %parallel_loop3A_909 = vector.shape_cast %parallel_loop3A_908 : vector<1x16xf32> to vector<16xf32>
        %parallel_loop3A_910 = vector.shape_cast %parallel_loop3A_904 : vector<16xf32> to vector<1x16xf32>
        tpu.vector_store %arg11[%parallel_loop3A_906, %parallel_loop3A_907], %parallel_loop3A_910 {strides = array<i32>} : memref<32x1024xf32, #tpu.memory_space<vmem>>, vector<1x16xf32>,
        %parallel_loop3A_911 = arith.select %gt3A_557, %parallel_loop3A_806, %parallel_loop3A_801 : vector<16xf32>
        %parallel_loop3A_912 = arith.constant 24 : i32
        %parallel_loop3A_913 = arith.index_cast %parallel_loop3A_912 : i32 to index
        %parallel_loop3A_914 = arith.index_cast %parallel_loop3A_798 : i32 to index
        %parallel_loop3A_915 = tpu.vector_load %arg11[%parallel_loop3A_913, %parallel_loop3A_914] {strides = array<i32>} : memref<32x1024xf32, #tpu.memory_space<vmem>>, vector<1x16xf32>,
        %parallel_loop3A_916 = vector.shape_cast %parallel_loop3A_915 : vector<1x16xf32> to vector<16xf32>
        %parallel_loop3A_917 = arith.addf %parallel_loop3A_916, %parallel_loop3A_911 : vector<16xf32>
        %parallel_loop3A_918 = arith.constant 24 : i32
        %parallel_loop3A_919 = arith.index_cast %parallel_loop3A_918 : i32 to index
        %parallel_loop3A_920 = arith.index_cast %parallel_loop3A_798 : i32 to index
        %parallel_loop3A_921 = tpu.vector_load %arg11[%parallel_loop3A_919, %parallel_loop3A_920] {strides = array<i32>} : memref<32x1024xf32, #tpu.memory_space<vmem>>, vector<1x16xf32>,
        %parallel_loop3A_922 = vector.shape_cast %parallel_loop3A_921 : vector<1x16xf32> to vector<16xf32>
        %parallel_loop3A_923 = vector.shape_cast %parallel_loop3A_917 : vector<16xf32> to vector<1x16xf32>
        tpu.vector_store %arg11[%parallel_loop3A_919, %parallel_loop3A_920], %parallel_loop3A_923 {strides = array<i32>} : memref<32x1024xf32, #tpu.memory_space<vmem>>, vector<1x16xf32>,
        %parallel_loop3A_924 = arith.select %gt3A_561, %parallel_loop3A_806, %parallel_loop3A_801 : vector<16xf32>
        %parallel_loop3A_925 = arith.constant 25 : i32
        %parallel_loop3A_926 = arith.index_cast %parallel_loop3A_925 : i32 to index
        %parallel_loop3A_927 = arith.index_cast %parallel_loop3A_798 : i32 to index
        %parallel_loop3A_928 = tpu.vector_load %arg11[%parallel_loop3A_926, %parallel_loop3A_927] {strides = array<i32>} : memref<32x1024xf32, #tpu.memory_space<vmem>>, vector<1x16xf32>,
        %parallel_loop3A_929 = vector.shape_cast %parallel_loop3A_928 : vector<1x16xf32> to vector<16xf32>
        %parallel_loop3A_930 = arith.addf %parallel_loop3A_929, %parallel_loop3A_924 : vector<16xf32>
        %parallel_loop3A_931 = arith.constant 25 : i32
        %parallel_loop3A_932 = arith.index_cast %parallel_loop3A_931 : i32 to index
        %parallel_loop3A_933 = arith.index_cast %parallel_loop3A_798 : i32 to index
        %parallel_loop3A_934 = tpu.vector_load %arg11[%parallel_loop3A_932, %parallel_loop3A_933] {strides = array<i32>} : memref<32x1024xf32, #tpu.memory_space<vmem>>, vector<1x16xf32>,
        %parallel_loop3A_935 = vector.shape_cast %parallel_loop3A_934 : vector<1x16xf32> to vector<16xf32>
        %parallel_loop3A_936 = vector.shape_cast %parallel_loop3A_930 : vector<16xf32> to vector<1x16xf32>
        tpu.vector_store %arg11[%parallel_loop3A_932, %parallel_loop3A_933], %parallel_loop3A_936 {strides = array<i32>} : memref<32x1024xf32, #tpu.memory_space<vmem>>, vector<1x16xf32>,
        %parallel_loop3A_937 = arith.select %gt3A_565, %parallel_loop3A_806, %parallel_loop3A_801 : vector<16xf32>
        %parallel_loop3A_938 = arith.constant 26 : i32
        %parallel_loop3A_939 = arith.index_cast %parallel_loop3A_938 : i32 to index
        %parallel_loop3A_940 = arith.index_cast %parallel_loop3A_798 : i32 to index
        %parallel_loop3A_941 = tpu.vector_load %arg11[%parallel_loop3A_939, %parallel_loop3A_940] {strides = array<i32>} : memref<32x1024xf32, #tpu.memory_space<vmem>>, vector<1x16xf32>,
        %parallel_loop3A_942 = vector.shape_cast %parallel_loop3A_941 : vector<1x16xf32> to vector<16xf32>
        %parallel_loop3A_943 = arith.addf %parallel_loop3A_942, %parallel_loop3A_937 : vector<16xf32>
        %parallel_loop3A_944 = arith.constant 26 : i32
        %parallel_loop3A_945 = arith.index_cast %parallel_loop3A_944 : i32 to index
        %parallel_loop3A_946 = arith.index_cast %parallel_loop3A_798 : i32 to index
        %parallel_loop3A_947 = tpu.vector_load %arg11[%parallel_loop3A_945, %parallel_loop3A_946] {strides = array<i32>} : memref<32x1024xf32, #tpu.memory_space<vmem>>, vector<1x16xf32>,
        %parallel_loop3A_948 = vector.shape_cast %parallel_loop3A_947 : vector<1x16xf32> to vector<16xf32>
        %parallel_loop3A_949 = vector.shape_cast %parallel_loop3A_943 : vector<16xf32> to vector<1x16xf32>
        tpu.vector_store %arg11[%parallel_loop3A_945, %parallel_loop3A_946], %parallel_loop3A_949 {strides = array<i32>} : memref<32x1024xf32, #tpu.memory_space<vmem>>, vector<1x16xf32>,
        %parallel_loop3A_950 = arith.select %gt3A_569, %parallel_loop3A_806, %parallel_loop3A_801 : vector<16xf32>
        %parallel_loop3A_951 = arith.constant 27 : i32
        %parallel_loop3A_952 = arith.index_cast %parallel_loop3A_951 : i32 to index
        %parallel_loop3A_953 = arith.index_cast %parallel_loop3A_798 : i32 to index
        %parallel_loop3A_954 = tpu.vector_load %arg11[%parallel_loop3A_952, %parallel_loop3A_953] {strides = array<i32>} : memref<32x1024xf32, #tpu.memory_space<vmem>>, vector<1x16xf32>,
        %parallel_loop3A_955 = vector.shape_cast %parallel_loop3A_954 : vector<1x16xf32> to vector<16xf32>
        %parallel_loop3A_956 = arith.addf %parallel_loop3A_955, %parallel_loop3A_950 : vector<16xf32>
        %parallel_loop3A_957 = arith.constant 27 : i32
        %parallel_loop3A_958 = arith.index_cast %parallel_loop3A_957 : i32 to index
        %parallel_loop3A_959 = arith.index_cast %parallel_loop3A_798 : i32 to index
        %parallel_loop3A_960 = tpu.vector_load %arg11[%parallel_loop3A_958, %parallel_loop3A_959] {strides = array<i32>} : memref<32x1024xf32, #tpu.memory_space<vmem>>, vector<1x16xf32>,
        %parallel_loop3A_961 = vector.shape_cast %parallel_loop3A_960 : vector<1x16xf32> to vector<16xf32>
        %parallel_loop3A_962 = vector.shape_cast %parallel_loop3A_956 : vector<16xf32> to vector<1x16xf32>
        tpu.vector_store %arg11[%parallel_loop3A_958, %parallel_loop3A_959], %parallel_loop3A_962 {strides = array<i32>} : memref<32x1024xf32, #tpu.memory_space<vmem>>, vector<1x16xf32>,
        %parallel_loop3A_963 = arith.select %gt3A_573, %parallel_loop3A_806, %parallel_loop3A_801 : vector<16xf32>
        %parallel_loop3A_964 = arith.constant 28 : i32
        %parallel_loop3A_965 = arith.index_cast %parallel_loop3A_964 : i32 to index
        %parallel_loop3A_966 = arith.index_cast %parallel_loop3A_798 : i32 to index
        %parallel_loop3A_967 = tpu.vector_load %arg11[%parallel_loop3A_965, %parallel_loop3A_966] {strides = array<i32>} : memref<32x1024xf32, #tpu.memory_space<vmem>>, vector<1x16xf32>,
        %parallel_loop3A_968 = vector.shape_cast %parallel_loop3A_967 : vector<1x16xf32> to vector<16xf32>
        %parallel_loop3A_969 = arith.addf %parallel_loop3A_968, %parallel_loop3A_963 : vector<16xf32>
        %parallel_loop3A_970 = arith.constant 28 : i32
        %parallel_loop3A_971 = arith.index_cast %parallel_loop3A_970 : i32 to index
        %parallel_loop3A_972 = arith.index_cast %parallel_loop3A_798 : i32 to index
        %parallel_loop3A_973 = tpu.vector_load %arg11[%parallel_loop3A_971, %parallel_loop3A_972] {strides = array<i32>} : memref<32x1024xf32, #tpu.memory_space<vmem>>, vector<1x16xf32>,
        %parallel_loop3A_974 = vector.shape_cast %parallel_loop3A_973 : vector<1x16xf32> to vector<16xf32>
        %parallel_loop3A_975 = vector.shape_cast %parallel_loop3A_969 : vector<16xf32> to vector<1x16xf32>
        tpu.vector_store %arg11[%parallel_loop3A_971, %parallel_loop3A_972], %parallel_loop3A_975 {strides = array<i32>} : memref<32x1024xf32, #tpu.memory_space<vmem>>, vector<1x16xf32>,
        %parallel_loop3A_976 = arith.select %gt3A_577, %parallel_loop3A_806, %parallel_loop3A_801 : vector<16xf32>
        %parallel_loop3A_977 = arith.constant 29 : i32
        %parallel_loop3A_978 = arith.index_cast %parallel_loop3A_977 : i32 to index
        %parallel_loop3A_979 = arith.index_cast %parallel_loop3A_798 : i32 to index
        %parallel_loop3A_980 = tpu.vector_load %arg11[%parallel_loop3A_978, %parallel_loop3A_979] {strides = array<i32>} : memref<32x1024xf32, #tpu.memory_space<vmem>>, vector<1x16xf32>,
        %parallel_loop3A_981 = vector.shape_cast %parallel_loop3A_980 : vector<1x16xf32> to vector<16xf32>
        %parallel_loop3A_982 = arith.addf %parallel_loop3A_981, %parallel_loop3A_976 : vector<16xf32>
        %parallel_loop3A_983 = arith.constant 29 : i32
        %parallel_loop3A_984 = arith.index_cast %parallel_loop3A_983 : i32 to index
        %parallel_loop3A_985 = arith.index_cast %parallel_loop3A_798 : i32 to index
        %parallel_loop3A_986 = tpu.vector_load %arg11[%parallel_loop3A_984, %parallel_loop3A_985] {strides = array<i32>} : memref<32x1024xf32, #tpu.memory_space<vmem>>, vector<1x16xf32>,
        %parallel_loop3A_987 = vector.shape_cast %parallel_loop3A_986 : vector<1x16xf32> to vector<16xf32>
        %parallel_loop3A_988 = vector.shape_cast %parallel_loop3A_982 : vector<16xf32> to vector<1x16xf32>
        tpu.vector_store %arg11[%parallel_loop3A_984, %parallel_loop3A_985], %parallel_loop3A_988 {strides = array<i32>} : memref<32x1024xf32, #tpu.memory_space<vmem>>, vector<1x16xf32>,
        %parallel_loop3A_989 = arith.select %gt3A_581, %parallel_loop3A_806, %parallel_loop3A_801 : vector<16xf32>
        %parallel_loop3A_990 = arith.constant 30 : i32
        %parallel_loop3A_991 = arith.index_cast %parallel_loop3A_990 : i32 to index
        %parallel_loop3A_992 = arith.index_cast %parallel_loop3A_798 : i32 to index
        %parallel_loop3A_993 = tpu.vector_load %arg11[%parallel_loop3A_991, %parallel_loop3A_992] {strides = array<i32>} : memref<32x1024xf32, #tpu.memory_space<vmem>>, vector<1x16xf32>,
        %parallel_loop3A_994 = vector.shape_cast %parallel_loop3A_993 : vector<1x16xf32> to vector<16xf32>
        %parallel_loop3A_995 = arith.addf %parallel_loop3A_994, %parallel_loop3A_989 : vector<16xf32>
        %parallel_loop3A_996 = arith.constant 30 : i32
        %parallel_loop3A_997 = arith.index_cast %parallel_loop3A_996 : i32 to index
        %parallel_loop3A_998 = arith.index_cast %parallel_loop3A_798 : i32 to index
        %parallel_loop3A_999 = tpu.vector_load %arg11[%parallel_loop3A_997, %parallel_loop3A_998] {strides = array<i32>} : memref<32x1024xf32, #tpu.memory_space<vmem>>, vector<1x16xf32>,
        %parallel_loop3A_1000 = vector.shape_cast %parallel_loop3A_999 : vector<1x16xf32> to vector<16xf32>
        %parallel_loop3A_1001 = vector.shape_cast %parallel_loop3A_995 : vector<16xf32> to vector<1x16xf32>
        tpu.vector_store %arg11[%parallel_loop3A_997, %parallel_loop3A_998], %parallel_loop3A_1001 {strides = array<i32>} : memref<32x1024xf32, #tpu.memory_space<vmem>>, vector<1x16xf32>,
        %parallel_loop3A_1002 = arith.select %gt3A_585, %parallel_loop3A_806, %parallel_loop3A_801 : vector<16xf32>
        %parallel_loop3A_1003 = arith.constant 31 : i32
        %parallel_loop3A_1004 = arith.index_cast %parallel_loop3A_1003 : i32 to index
        %parallel_loop3A_1005 = arith.index_cast %parallel_loop3A_798 : i32 to index
        %parallel_loop3A_1006 = tpu.vector_load %arg11[%parallel_loop3A_1004, %parallel_loop3A_1005] {strides = array<i32>} : memref<32x1024xf32, #tpu.memory_space<vmem>>, vector<1x16xf32>,
        %parallel_loop3A_1007 = vector.shape_cast %parallel_loop3A_1006 : vector<1x16xf32> to vector<16xf32>
        %parallel_loop3A_1008 = arith.addf %parallel_loop3A_1007, %parallel_loop3A_1002 : vector<16xf32>
        %parallel_loop3A_1009 = arith.constant 31 : i32
        %parallel_loop3A_1010 = arith.index_cast %parallel_loop3A_1009 : i32 to index
        %parallel_loop3A_1011 = arith.index_cast %parallel_loop3A_798 : i32 to index
        %parallel_loop3A_1012 = tpu.vector_load %arg11[%parallel_loop3A_1010, %parallel_loop3A_1011] {strides = array<i32>} : memref<32x1024xf32, #tpu.memory_space<vmem>>, vector<1x16xf32>,
        %parallel_loop3A_1013 = vector.shape_cast %parallel_loop3A_1012 : vector<1x16xf32> to vector<16xf32>
        %parallel_loop3A_1014 = vector.shape_cast %parallel_loop3A_1008 : vector<16xf32> to vector<1x16xf32>
        tpu.vector_store %arg11[%parallel_loop3A_1010, %parallel_loop3A_1011], %parallel_loop3A_1014 {strides = array<i32>} : memref<32x1024xf32, #tpu.memory_space<vmem>>, vector<1x16xf32>,
      } {sc.loop_unroll_factor = 1 : i64, sc.parallel_access}
      %mul3A_589 = arith.constant 32 : i32
      %mul3A_590 = arith.muli %add3A_406, %mul3A_589 : i32
      %add3A_591 = arith.addi %mul3A_2, %mul3A_590 : i32
      %add3A_592 = arith.constant 16 : i32
      %add3A_593 = arith.addi %add3A_591, %add3A_592 : i32
      %dma_start3A_594 = arith.constant 16 : i32
      %dma_start3A_595 = arith.constant 0 : i32
      %dma_start3A_596 = tpu.memref_slice %arg11[%dma_start3A_594, %dma_start3A_595] : memref<32x1024xf32, #tpu.memory_space<vmem>> -> memref<16x1024xf32, #tpu.memory_space<vmem>>
      %dma_start3A_597 = arith.constant 0 : i32
      %dma_start3A_598 = tpu.memref_slice %arg6[%add3A_593, %dma_start3A_597] : memref<16384x1024xf32, #tpu.memory_space<hbm>> -> memref<16x1024xf32, #tpu.memory_space<hbm>>
      %dma_start3A_599 = arith.constant 0 : i32
      %dma_start3A_600 = tpu.memref_slice %arg6[%add3A_593, %dma_start3A_599] : memref<16384x1024xf32, #tpu.memory_space<hbm>> -> memref<16x1024xf32, #tpu.memory_space<hbm>>
      %dma_start3A_601 = arith.constant 16 : i32
      %dma_start3A_602 = arith.constant 0 : i32
      %dma_start3A_603 = tpu.memref_slice %arg11[%dma_start3A_601, %dma_start3A_602] : memref<32x1024xf32, #tpu.memory_space<vmem>> -> memref<16x1024xf32, #tpu.memory_space<vmem>>
      tpu.enqueue_dma source(%dma_start3A_603 : memref<16x1024xf32, #tpu.memory_space<vmem>>) target(%dma_start3A_600 : memref<16x1024xf32, #tpu.memory_space<hbm>>) target_semaphore(%arg17 : memref<!tpu.dma_semaphore, #tpu.memory_space<semaphore_mem>>)
      %mul3A_604 = arith.constant 3 : i32
      %mul3A_605 = arith.muli %mul3A_604, %scan3A_204 : i32
      %add3A_606 = arith.constant 2 : i32
      %add3A_607 = arith.addi %mul3A_605, %add3A_606 : i32
      %mul3A_608 = arith.constant 32 : i32
      %mul3A_609 = arith.muli %add3A_607, %mul3A_608 : i32
      %dma_wait3A_610 = tpu.memref_slice %arg7[%mul3A_609] : memref<512xi32, #tpu.memory_space<vmem>> -> memref<32xi32, #tpu.memory_space<vmem>>
      %dma_wait3A_611 = arith.constant 0 : i32
      %dma_wait3A_612 = arith.constant 0 : i32
      %dma_wait3A_613 = tpu.memref_slice %arg4[%dma_wait3A_611, %dma_wait3A_612] : memref<100000x1024xf32, #tpu.memory_space<hbm>> -> memref<100000x1024xf32, #tpu.memory_space<hbm>>
      tpu.wait_indirect_dma semaphore(%arg15 : memref<!tpu.dma_semaphore, #tpu.memory_space<semaphore_mem>>) src(%dma_wait3A_613 : memref<100000x1024xf32, #tpu.memory_space<hbm>>) dst(%arg12 : memref<32x1024xf32, #tpu.memory_space<vmem>>)
      %lt3A = arith.constant 4 : i32
      %lt3A_614 = arith.cmpi slt, %scan3A_204, %lt3A : i32
      %convert_element_type3A_615 = arith.extui %lt3A_614 : i1 to i32
      %cond3A_616 = arith.constant 0 : i32
      %cond3A_617 = arith.cmpi ne, %convert_element_type3A_615, %cond3A_616 : i32
      scf.if %cond3A_617 {
        %ge3A_796 = arith.constant 1 : i32
        %ge3A_797 = arith.cmpi sge, %add3A_607, %ge3A_796 : i32
        %convert_element_type3A_798 = arith.extui %ge3A_797 : i1 to i32
        %cond3A_799 = arith.constant 0 : i32
        %cond3A_800 = arith.cmpi ne, %convert_element_type3A_798, %cond3A_799 : i32
        scf.if %cond3A_800 {
          %dma_wait3A_809 = arith.constant 0 : i32
          %dma_wait3A_810 = tpu.memref_slice %arg6[%mul3A_2, %dma_wait3A_809] : memref<16384x1024xf32, #tpu.memory_space<hbm>> -> memref<32x1024xf32, #tpu.memory_space<hbm>>
          %dma_wait3A_811 = arith.constant 0 : i32
          %dma_wait3A_812 = tpu.memref_slice %arg6[%mul3A_2, %dma_wait3A_811] : memref<16384x1024xf32, #tpu.memory_space<hbm>> -> memref<32x1024xf32, #tpu.memory_space<hbm>>
          tpu.wait_dma2 semaphore(%arg17 : memref<!tpu.dma_semaphore, #tpu.memory_space<semaphore_mem>>) src(%arg11 : memref<32x1024xf32, #tpu.memory_space<vmem>>) dst(%dma_wait3A_812 : memref<32x1024xf32, #tpu.memory_space<hbm>>)
        } else {
        }
        %add3A_801 = arith.constant 2 : i32
        %add3A_802 = arith.addi %add3A_607, %add3A_801 : i32
        %mul3A_803 = arith.constant 32 : i32
        %mul3A_804 = arith.muli %add3A_802, %mul3A_803 : i32
        %dma_start3A_805 = tpu.memref_slice %arg7[%mul3A_804] : memref<512xi32, #tpu.memory_space<vmem>> -> memref<32xi32, #tpu.memory_space<vmem>>
        %dma_start3A_806 = arith.constant 0 : i32
        %dma_start3A_807 = arith.constant 0 : i32
        %dma_start3A_808 = tpu.memref_slice %arg4[%dma_start3A_806, %dma_start3A_807] : memref<100000x1024xf32, #tpu.memory_space<hbm>> -> memref<100000x1024xf32, #tpu.memory_space<hbm>>
        tpu.enqueue_indirect_dma source(%dma_start3A_808 : memref<100000x1024xf32, #tpu.memory_space<hbm>>) target(%arg11 : memref<32x1024xf32, #tpu.memory_space<vmem>>) offsets(%dma_start3A_805 : memref<32xi32, #tpu.memory_space<vmem>>) semaphore(%arg14 : memref<!tpu.dma_semaphore, #tpu.memory_space<semaphore_mem>>)
      } else {
      }
      %mul3A_618 = arith.constant 32 : i32
      %mul3A_619 = arith.muli %add3A_607, %mul3A_618 : i32
      %add3A_620 = arith.constant 0 : i32
      %add3A_621 = arith.addi %mul3A_619, %add3A_620 : i32
      %get3A_622 = arith.index_cast %add3A_621 : i32 to index
      %get3A_623 = tpu.vector_load %arg8[%get3A_622] {strides = array<i32>} : memref<512xi32, #tpu.memory_space<vmem>>, vector<16xi32>,
      %get3A_624 = vector.shape_cast %get3A_623 : vector<16xi32> to vector<16xi32>
      %slice3A_625 = vector.extract_strided_slice %get3A_624 {offsets = [0], sizes = [1], strides = [1]} : vector<16xi32> to vector<1xi32>
      %squeeze3A_626 = vector.extract %slice3A_625[0] : i32 from vector<1xi32>
      %gt3A_627 = arith.constant 0 : i32
      %gt3A_628 = arith.cmpi sgt, %squeeze3A_626, %gt3A_627 : i32
      %slice3A_629 = vector.extract_strided_slice %get3A_624 {offsets = [1], sizes = [1], strides = [1]} : vector<16xi32> to vector<1xi32>
      %squeeze3A_630 = vector.extract %slice3A_629[0] : i32 from vector<1xi32>
      %gt3A_631 = arith.constant 0 : i32
      %gt3A_632 = arith.cmpi sgt, %squeeze3A_630, %gt3A_631 : i32
      %slice3A_633 = vector.extract_strided_slice %get3A_624 {offsets = [2], sizes = [1], strides = [1]} : vector<16xi32> to vector<1xi32>
      %squeeze3A_634 = vector.extract %slice3A_633[0] : i32 from vector<1xi32>
      %gt3A_635 = arith.constant 0 : i32
      %gt3A_636 = arith.cmpi sgt, %squeeze3A_634, %gt3A_635 : i32
      %slice3A_637 = vector.extract_strided_slice %get3A_624 {offsets = [3], sizes = [1], strides = [1]} : vector<16xi32> to vector<1xi32>
      %squeeze3A_638 = vector.extract %slice3A_637[0] : i32 from vector<1xi32>
      %gt3A_639 = arith.constant 0 : i32
      %gt3A_640 = arith.cmpi sgt, %squeeze3A_638, %gt3A_639 : i32
      %slice3A_641 = vector.extract_strided_slice %get3A_624 {offsets = [4], sizes = [1], strides = [1]} : vector<16xi32> to vector<1xi32>
      %squeeze3A_642 = vector.extract %slice3A_641[0] : i32 from vector<1xi32>
      %gt3A_643 = arith.constant 0 : i32
      %gt3A_644 = arith.cmpi sgt, %squeeze3A_642, %gt3A_643 : i32
      %slice3A_645 = vector.extract_strided_slice %get3A_624 {offsets = [5], sizes = [1], strides = [1]} : vector<16xi32> to vector<1xi32>
      %squeeze3A_646 = vector.extract %slice3A_645[0] : i32 from vector<1xi32>
      %gt3A_647 = arith.constant 0 : i32
      %gt3A_648 = arith.cmpi sgt, %squeeze3A_646, %gt3A_647 : i32
      %slice3A_649 = vector.extract_strided_slice %get3A_624 {offsets = [6], sizes = [1], strides = [1]} : vector<16xi32> to vector<1xi32>
      %squeeze3A_650 = vector.extract %slice3A_649[0] : i32 from vector<1xi32>
      %gt3A_651 = arith.constant 0 : i32
      %gt3A_652 = arith.cmpi sgt, %squeeze3A_650, %gt3A_651 : i32
      %slice3A_653 = vector.extract_strided_slice %get3A_624 {offsets = [7], sizes = [1], strides = [1]} : vector<16xi32> to vector<1xi32>
      %squeeze3A_654 = vector.extract %slice3A_653[0] : i32 from vector<1xi32>
      %gt3A_655 = arith.constant 0 : i32
      %gt3A_656 = arith.cmpi sgt, %squeeze3A_654, %gt3A_655 : i32
      %slice3A_657 = vector.extract_strided_slice %get3A_624 {offsets = [8], sizes = [1], strides = [1]} : vector<16xi32> to vector<1xi32>
      %squeeze3A_658 = vector.extract %slice3A_657[0] : i32 from vector<1xi32>
      %gt3A_659 = arith.constant 0 : i32
      %gt3A_660 = arith.cmpi sgt, %squeeze3A_658, %gt3A_659 : i32
      %slice3A_661 = vector.extract_strided_slice %get3A_624 {offsets = [9], sizes = [1], strides = [1]} : vector<16xi32> to vector<1xi32>
      %squeeze3A_662 = vector.extract %slice3A_661[0] : i32 from vector<1xi32>
      %gt3A_663 = arith.constant 0 : i32
      %gt3A_664 = arith.cmpi sgt, %squeeze3A_662, %gt3A_663 : i32
      %slice3A_665 = vector.extract_strided_slice %get3A_624 {offsets = [10], sizes = [1], strides = [1]} : vector<16xi32> to vector<1xi32>
      %squeeze3A_666 = vector.extract %slice3A_665[0] : i32 from vector<1xi32>
      %gt3A_667 = arith.constant 0 : i32
      %gt3A_668 = arith.cmpi sgt, %squeeze3A_666, %gt3A_667 : i32
      %slice3A_669 = vector.extract_strided_slice %get3A_624 {offsets = [11], sizes = [1], strides = [1]} : vector<16xi32> to vector<1xi32>
      %squeeze3A_670 = vector.extract %slice3A_669[0] : i32 from vector<1xi32>
      %gt3A_671 = arith.constant 0 : i32
      %gt3A_672 = arith.cmpi sgt, %squeeze3A_670, %gt3A_671 : i32
      %slice3A_673 = vector.extract_strided_slice %get3A_624 {offsets = [12], sizes = [1], strides = [1]} : vector<16xi32> to vector<1xi32>
      %squeeze3A_674 = vector.extract %slice3A_673[0] : i32 from vector<1xi32>
      %gt3A_675 = arith.constant 0 : i32
      %gt3A_676 = arith.cmpi sgt, %squeeze3A_674, %gt3A_675 : i32
      %slice3A_677 = vector.extract_strided_slice %get3A_624 {offsets = [13], sizes = [1], strides = [1]} : vector<16xi32> to vector<1xi32>
      %squeeze3A_678 = vector.extract %slice3A_677[0] : i32 from vector<1xi32>
      %gt3A_679 = arith.constant 0 : i32
      %gt3A_680 = arith.cmpi sgt, %squeeze3A_678, %gt3A_679 : i32
      %slice3A_681 = vector.extract_strided_slice %get3A_624 {offsets = [14], sizes = [1], strides = [1]} : vector<16xi32> to vector<1xi32>
      %squeeze3A_682 = vector.extract %slice3A_681[0] : i32 from vector<1xi32>
      %gt3A_683 = arith.constant 0 : i32
      %gt3A_684 = arith.cmpi sgt, %squeeze3A_682, %gt3A_683 : i32
      %slice3A_685 = vector.extract_strided_slice %get3A_624 {offsets = [15], sizes = [1], strides = [1]} : vector<16xi32> to vector<1xi32>
      %squeeze3A_686 = vector.extract %slice3A_685[0] : i32 from vector<1xi32>
      %gt3A_687 = arith.constant 0 : i32
      %gt3A_688 = arith.cmpi sgt, %squeeze3A_686, %gt3A_687 : i32
      %parallel_loop3A_689 = arith.constant 0 : i32
      %parallel_loop3A_690 = arith.constant 64 : i32
      %parallel_loop3A_691 = arith.constant 1 : i32
      scf.for %parallel_loop3A_796 = %parallel_loop3A_689 to %parallel_loop3A_690 step %parallel_loop3A_691  : i32 {
        %parallel_loop3A_797 = arith.constant 16 : i32
        %parallel_loop3A_798 = arith.muli %parallel_loop3A_796, %parallel_loop3A_797 : i32
        %parallel_loop3A_799 = arith.index_cast %parallel_loop3A_798 : i32 to index
        %parallel_loop3A_800 = tpu.vector_load %arg9[%parallel_loop3A_799] {strides = array<i32>} : memref<2048xf32, #tpu.memory_space<vmem>>, vector<16xf32>,
        %parallel_loop3A_801 = vector.shape_cast %parallel_loop3A_800 : vector<16xf32> to vector<16xf32>
        %parallel_loop3A_802 = arith.constant 1024 : i32
        %parallel_loop3A_803 = arith.addi %parallel_loop3A_802, %parallel_loop3A_798 : i32
        %parallel_loop3A_804 = arith.index_cast %parallel_loop3A_803 : i32 to index
        %parallel_loop3A_805 = tpu.vector_load %arg9[%parallel_loop3A_804] {strides = array<i32>} : memref<2048xf32, #tpu.memory_space<vmem>>, vector<16xf32>,
        %parallel_loop3A_806 = vector.shape_cast %parallel_loop3A_805 : vector<16xf32> to vector<16xf32>
        %parallel_loop3A_807 = arith.select %gt3A_628, %parallel_loop3A_806, %parallel_loop3A_801 : vector<16xf32>
        %parallel_loop3A_808 = arith.constant 0 : i32
        %parallel_loop3A_809 = arith.index_cast %parallel_loop3A_808 : i32 to index
        %parallel_loop3A_810 = arith.index_cast %parallel_loop3A_798 : i32 to index
        %parallel_loop3A_811 = tpu.vector_load %arg12[%parallel_loop3A_809, %parallel_loop3A_810] {strides = array<i32>} : memref<32x1024xf32, #tpu.memory_space<vmem>>, vector<1x16xf32>,
        %parallel_loop3A_812 = vector.shape_cast %parallel_loop3A_811 : vector<1x16xf32> to vector<16xf32>
        %parallel_loop3A_813 = arith.addf %parallel_loop3A_812, %parallel_loop3A_807 : vector<16xf32>
        %parallel_loop3A_814 = arith.constant 0 : i32
        %parallel_loop3A_815 = arith.index_cast %parallel_loop3A_814 : i32 to index
        %parallel_loop3A_816 = arith.index_cast %parallel_loop3A_798 : i32 to index
        %parallel_loop3A_817 = tpu.vector_load %arg12[%parallel_loop3A_815, %parallel_loop3A_816] {strides = array<i32>} : memref<32x1024xf32, #tpu.memory_space<vmem>>, vector<1x16xf32>,
        %parallel_loop3A_818 = vector.shape_cast %parallel_loop3A_817 : vector<1x16xf32> to vector<16xf32>
        %parallel_loop3A_819 = vector.shape_cast %parallel_loop3A_813 : vector<16xf32> to vector<1x16xf32>
        tpu.vector_store %arg12[%parallel_loop3A_815, %parallel_loop3A_816], %parallel_loop3A_819 {strides = array<i32>} : memref<32x1024xf32, #tpu.memory_space<vmem>>, vector<1x16xf32>,
        %parallel_loop3A_820 = arith.select %gt3A_632, %parallel_loop3A_806, %parallel_loop3A_801 : vector<16xf32>
        %parallel_loop3A_821 = arith.constant 1 : i32
        %parallel_loop3A_822 = arith.index_cast %parallel_loop3A_821 : i32 to index
        %parallel_loop3A_823 = arith.index_cast %parallel_loop3A_798 : i32 to index
        %parallel_loop3A_824 = tpu.vector_load %arg12[%parallel_loop3A_822, %parallel_loop3A_823] {strides = array<i32>} : memref<32x1024xf32, #tpu.memory_space<vmem>>, vector<1x16xf32>,
        %parallel_loop3A_825 = vector.shape_cast %parallel_loop3A_824 : vector<1x16xf32> to vector<16xf32>
        %parallel_loop3A_826 = arith.addf %parallel_loop3A_825, %parallel_loop3A_820 : vector<16xf32>
        %parallel_loop3A_827 = arith.constant 1 : i32
        %parallel_loop3A_828 = arith.index_cast %parallel_loop3A_827 : i32 to index
        %parallel_loop3A_829 = arith.index_cast %parallel_loop3A_798 : i32 to index
        %parallel_loop3A_830 = tpu.vector_load %arg12[%parallel_loop3A_828, %parallel_loop3A_829] {strides = array<i32>} : memref<32x1024xf32, #tpu.memory_space<vmem>>, vector<1x16xf32>,
        %parallel_loop3A_831 = vector.shape_cast %parallel_loop3A_830 : vector<1x16xf32> to vector<16xf32>
        %parallel_loop3A_832 = vector.shape_cast %parallel_loop3A_826 : vector<16xf32> to vector<1x16xf32>
        tpu.vector_store %arg12[%parallel_loop3A_828, %parallel_loop3A_829], %parallel_loop3A_832 {strides = array<i32>} : memref<32x1024xf32, #tpu.memory_space<vmem>>, vector<1x16xf32>,
        %parallel_loop3A_833 = arith.select %gt3A_636, %parallel_loop3A_806, %parallel_loop3A_801 : vector<16xf32>
        %parallel_loop3A_834 = arith.constant 2 : i32
        %parallel_loop3A_835 = arith.index_cast %parallel_loop3A_834 : i32 to index
        %parallel_loop3A_836 = arith.index_cast %parallel_loop3A_798 : i32 to index
        %parallel_loop3A_837 = tpu.vector_load %arg12[%parallel_loop3A_835, %parallel_loop3A_836] {strides = array<i32>} : memref<32x1024xf32, #tpu.memory_space<vmem>>, vector<1x16xf32>,
        %parallel_loop3A_838 = vector.shape_cast %parallel_loop3A_837 : vector<1x16xf32> to vector<16xf32>
        %parallel_loop3A_839 = arith.addf %parallel_loop3A_838, %parallel_loop3A_833 : vector<16xf32>
        %parallel_loop3A_840 = arith.constant 2 : i32
        %parallel_loop3A_841 = arith.index_cast %parallel_loop3A_840 : i32 to index
        %parallel_loop3A_842 = arith.index_cast %parallel_loop3A_798 : i32 to index
        %parallel_loop3A_843 = tpu.vector_load %arg12[%parallel_loop3A_841, %parallel_loop3A_842] {strides = array<i32>} : memref<32x1024xf32, #tpu.memory_space<vmem>>, vector<1x16xf32>,
        %parallel_loop3A_844 = vector.shape_cast %parallel_loop3A_843 : vector<1x16xf32> to vector<16xf32>
        %parallel_loop3A_845 = vector.shape_cast %parallel_loop3A_839 : vector<16xf32> to vector<1x16xf32>
        tpu.vector_store %arg12[%parallel_loop3A_841, %parallel_loop3A_842], %parallel_loop3A_845 {strides = array<i32>} : memref<32x1024xf32, #tpu.memory_space<vmem>>, vector<1x16xf32>,
        %parallel_loop3A_846 = arith.select %gt3A_640, %parallel_loop3A_806, %parallel_loop3A_801 : vector<16xf32>
        %parallel_loop3A_847 = arith.constant 3 : i32
        %parallel_loop3A_848 = arith.index_cast %parallel_loop3A_847 : i32 to index
        %parallel_loop3A_849 = arith.index_cast %parallel_loop3A_798 : i32 to index
        %parallel_loop3A_850 = tpu.vector_load %arg12[%parallel_loop3A_848, %parallel_loop3A_849] {strides = array<i32>} : memref<32x1024xf32, #tpu.memory_space<vmem>>, vector<1x16xf32>,
        %parallel_loop3A_851 = vector.shape_cast %parallel_loop3A_850 : vector<1x16xf32> to vector<16xf32>
        %parallel_loop3A_852 = arith.addf %parallel_loop3A_851, %parallel_loop3A_846 : vector<16xf32>
        %parallel_loop3A_853 = arith.constant 3 : i32
        %parallel_loop3A_854 = arith.index_cast %parallel_loop3A_853 : i32 to index
        %parallel_loop3A_855 = arith.index_cast %parallel_loop3A_798 : i32 to index
        %parallel_loop3A_856 = tpu.vector_load %arg12[%parallel_loop3A_854, %parallel_loop3A_855] {strides = array<i32>} : memref<32x1024xf32, #tpu.memory_space<vmem>>, vector<1x16xf32>,
        %parallel_loop3A_857 = vector.shape_cast %parallel_loop3A_856 : vector<1x16xf32> to vector<16xf32>
        %parallel_loop3A_858 = vector.shape_cast %parallel_loop3A_852 : vector<16xf32> to vector<1x16xf32>
        tpu.vector_store %arg12[%parallel_loop3A_854, %parallel_loop3A_855], %parallel_loop3A_858 {strides = array<i32>} : memref<32x1024xf32, #tpu.memory_space<vmem>>, vector<1x16xf32>,
        %parallel_loop3A_859 = arith.select %gt3A_644, %parallel_loop3A_806, %parallel_loop3A_801 : vector<16xf32>
        %parallel_loop3A_860 = arith.constant 4 : i32
        %parallel_loop3A_861 = arith.index_cast %parallel_loop3A_860 : i32 to index
        %parallel_loop3A_862 = arith.index_cast %parallel_loop3A_798 : i32 to index
        %parallel_loop3A_863 = tpu.vector_load %arg12[%parallel_loop3A_861, %parallel_loop3A_862] {strides = array<i32>} : memref<32x1024xf32, #tpu.memory_space<vmem>>, vector<1x16xf32>,
        %parallel_loop3A_864 = vector.shape_cast %parallel_loop3A_863 : vector<1x16xf32> to vector<16xf32>
        %parallel_loop3A_865 = arith.addf %parallel_loop3A_864, %parallel_loop3A_859 : vector<16xf32>
        %parallel_loop3A_866 = arith.constant 4 : i32
        %parallel_loop3A_867 = arith.index_cast %parallel_loop3A_866 : i32 to index
        %parallel_loop3A_868 = arith.index_cast %parallel_loop3A_798 : i32 to index
        %parallel_loop3A_869 = tpu.vector_load %arg12[%parallel_loop3A_867, %parallel_loop3A_868] {strides = array<i32>} : memref<32x1024xf32, #tpu.memory_space<vmem>>, vector<1x16xf32>,
        %parallel_loop3A_870 = vector.shape_cast %parallel_loop3A_869 : vector<1x16xf32> to vector<16xf32>
        %parallel_loop3A_871 = vector.shape_cast %parallel_loop3A_865 : vector<16xf32> to vector<1x16xf32>
        tpu.vector_store %arg12[%parallel_loop3A_867, %parallel_loop3A_868], %parallel_loop3A_871 {strides = array<i32>} : memref<32x1024xf32, #tpu.memory_space<vmem>>, vector<1x16xf32>,
        %parallel_loop3A_872 = arith.select %gt3A_648, %parallel_loop3A_806, %parallel_loop3A_801 : vector<16xf32>
        %parallel_loop3A_873 = arith.constant 5 : i32
        %parallel_loop3A_874 = arith.index_cast %parallel_loop3A_873 : i32 to index
        %parallel_loop3A_875 = arith.index_cast %parallel_loop3A_798 : i32 to index
        %parallel_loop3A_876 = tpu.vector_load %arg12[%parallel_loop3A_874, %parallel_loop3A_875] {strides = array<i32>} : memref<32x1024xf32, #tpu.memory_space<vmem>>, vector<1x16xf32>,
        %parallel_loop3A_877 = vector.shape_cast %parallel_loop3A_876 : vector<1x16xf32> to vector<16xf32>
        %parallel_loop3A_878 = arith.addf %parallel_loop3A_877, %parallel_loop3A_872 : vector<16xf32>
        %parallel_loop3A_879 = arith.constant 5 : i32
        %parallel_loop3A_880 = arith.index_cast %parallel_loop3A_879 : i32 to index
        %parallel_loop3A_881 = arith.index_cast %parallel_loop3A_798 : i32 to index
        %parallel_loop3A_882 = tpu.vector_load %arg12[%parallel_loop3A_880, %parallel_loop3A_881] {strides = array<i32>} : memref<32x1024xf32, #tpu.memory_space<vmem>>, vector<1x16xf32>,
        %parallel_loop3A_883 = vector.shape_cast %parallel_loop3A_882 : vector<1x16xf32> to vector<16xf32>
        %parallel_loop3A_884 = vector.shape_cast %parallel_loop3A_878 : vector<16xf32> to vector<1x16xf32>
        tpu.vector_store %arg12[%parallel_loop3A_880, %parallel_loop3A_881], %parallel_loop3A_884 {strides = array<i32>} : memref<32x1024xf32, #tpu.memory_space<vmem>>, vector<1x16xf32>,
        %parallel_loop3A_885 = arith.select %gt3A_652, %parallel_loop3A_806, %parallel_loop3A_801 : vector<16xf32>
        %parallel_loop3A_886 = arith.constant 6 : i32
        %parallel_loop3A_887 = arith.index_cast %parallel_loop3A_886 : i32 to index
        %parallel_loop3A_888 = arith.index_cast %parallel_loop3A_798 : i32 to index
        %parallel_loop3A_889 = tpu.vector_load %arg12[%parallel_loop3A_887, %parallel_loop3A_888] {strides = array<i32>} : memref<32x1024xf32, #tpu.memory_space<vmem>>, vector<1x16xf32>,
        %parallel_loop3A_890 = vector.shape_cast %parallel_loop3A_889 : vector<1x16xf32> to vector<16xf32>
        %parallel_loop3A_891 = arith.addf %parallel_loop3A_890, %parallel_loop3A_885 : vector<16xf32>
        %parallel_loop3A_892 = arith.constant 6 : i32
        %parallel_loop3A_893 = arith.index_cast %parallel_loop3A_892 : i32 to index
        %parallel_loop3A_894 = arith.index_cast %parallel_loop3A_798 : i32 to index
        %parallel_loop3A_895 = tpu.vector_load %arg12[%parallel_loop3A_893, %parallel_loop3A_894] {strides = array<i32>} : memref<32x1024xf32, #tpu.memory_space<vmem>>, vector<1x16xf32>,
        %parallel_loop3A_896 = vector.shape_cast %parallel_loop3A_895 : vector<1x16xf32> to vector<16xf32>
        %parallel_loop3A_897 = vector.shape_cast %parallel_loop3A_891 : vector<16xf32> to vector<1x16xf32>
        tpu.vector_store %arg12[%parallel_loop3A_893, %parallel_loop3A_894], %parallel_loop3A_897 {strides = array<i32>} : memref<32x1024xf32, #tpu.memory_space<vmem>>, vector<1x16xf32>,
        %parallel_loop3A_898 = arith.select %gt3A_656, %parallel_loop3A_806, %parallel_loop3A_801 : vector<16xf32>
        %parallel_loop3A_899 = arith.constant 7 : i32
        %parallel_loop3A_900 = arith.index_cast %parallel_loop3A_899 : i32 to index
        %parallel_loop3A_901 = arith.index_cast %parallel_loop3A_798 : i32 to index
        %parallel_loop3A_902 = tpu.vector_load %arg12[%parallel_loop3A_900, %parallel_loop3A_901] {strides = array<i32>} : memref<32x1024xf32, #tpu.memory_space<vmem>>, vector<1x16xf32>,
        %parallel_loop3A_903 = vector.shape_cast %parallel_loop3A_902 : vector<1x16xf32> to vector<16xf32>
        %parallel_loop3A_904 = arith.addf %parallel_loop3A_903, %parallel_loop3A_898 : vector<16xf32>
        %parallel_loop3A_905 = arith.constant 7 : i32
        %parallel_loop3A_906 = arith.index_cast %parallel_loop3A_905 : i32 to index
        %parallel_loop3A_907 = arith.index_cast %parallel_loop3A_798 : i32 to index
        %parallel_loop3A_908 = tpu.vector_load %arg12[%parallel_loop3A_906, %parallel_loop3A_907] {strides = array<i32>} : memref<32x1024xf32, #tpu.memory_space<vmem>>, vector<1x16xf32>,
        %parallel_loop3A_909 = vector.shape_cast %parallel_loop3A_908 : vector<1x16xf32> to vector<16xf32>
        %parallel_loop3A_910 = vector.shape_cast %parallel_loop3A_904 : vector<16xf32> to vector<1x16xf32>
        tpu.vector_store %arg12[%parallel_loop3A_906, %parallel_loop3A_907], %parallel_loop3A_910 {strides = array<i32>} : memref<32x1024xf32, #tpu.memory_space<vmem>>, vector<1x16xf32>,
        %parallel_loop3A_911 = arith.select %gt3A_660, %parallel_loop3A_806, %parallel_loop3A_801 : vector<16xf32>
        %parallel_loop3A_912 = arith.constant 8 : i32
        %parallel_loop3A_913 = arith.index_cast %parallel_loop3A_912 : i32 to index
        %parallel_loop3A_914 = arith.index_cast %parallel_loop3A_798 : i32 to index
        %parallel_loop3A_915 = tpu.vector_load %arg12[%parallel_loop3A_913, %parallel_loop3A_914] {strides = array<i32>} : memref<32x1024xf32, #tpu.memory_space<vmem>>, vector<1x16xf32>,
        %parallel_loop3A_916 = vector.shape_cast %parallel_loop3A_915 : vector<1x16xf32> to vector<16xf32>
        %parallel_loop3A_917 = arith.addf %parallel_loop3A_916, %parallel_loop3A_911 : vector<16xf32>
        %parallel_loop3A_918 = arith.constant 8 : i32
        %parallel_loop3A_919 = arith.index_cast %parallel_loop3A_918 : i32 to index
        %parallel_loop3A_920 = arith.index_cast %parallel_loop3A_798 : i32 to index
        %parallel_loop3A_921 = tpu.vector_load %arg12[%parallel_loop3A_919, %parallel_loop3A_920] {strides = array<i32>} : memref<32x1024xf32, #tpu.memory_space<vmem>>, vector<1x16xf32>,
        %parallel_loop3A_922 = vector.shape_cast %parallel_loop3A_921 : vector<1x16xf32> to vector<16xf32>
        %parallel_loop3A_923 = vector.shape_cast %parallel_loop3A_917 : vector<16xf32> to vector<1x16xf32>
        tpu.vector_store %arg12[%parallel_loop3A_919, %parallel_loop3A_920], %parallel_loop3A_923 {strides = array<i32>} : memref<32x1024xf32, #tpu.memory_space<vmem>>, vector<1x16xf32>,
        %parallel_loop3A_924 = arith.select %gt3A_664, %parallel_loop3A_806, %parallel_loop3A_801 : vector<16xf32>
        %parallel_loop3A_925 = arith.constant 9 : i32
        %parallel_loop3A_926 = arith.index_cast %parallel_loop3A_925 : i32 to index
        %parallel_loop3A_927 = arith.index_cast %parallel_loop3A_798 : i32 to index
        %parallel_loop3A_928 = tpu.vector_load %arg12[%parallel_loop3A_926, %parallel_loop3A_927] {strides = array<i32>} : memref<32x1024xf32, #tpu.memory_space<vmem>>, vector<1x16xf32>,
        %parallel_loop3A_929 = vector.shape_cast %parallel_loop3A_928 : vector<1x16xf32> to vector<16xf32>
        %parallel_loop3A_930 = arith.addf %parallel_loop3A_929, %parallel_loop3A_924 : vector<16xf32>
        %parallel_loop3A_931 = arith.constant 9 : i32
        %parallel_loop3A_932 = arith.index_cast %parallel_loop3A_931 : i32 to index
        %parallel_loop3A_933 = arith.index_cast %parallel_loop3A_798 : i32 to index
        %parallel_loop3A_934 = tpu.vector_load %arg12[%parallel_loop3A_932, %parallel_loop3A_933] {strides = array<i32>} : memref<32x1024xf32, #tpu.memory_space<vmem>>, vector<1x16xf32>,
        %parallel_loop3A_935 = vector.shape_cast %parallel_loop3A_934 : vector<1x16xf32> to vector<16xf32>
        %parallel_loop3A_936 = vector.shape_cast %parallel_loop3A_930 : vector<16xf32> to vector<1x16xf32>
        tpu.vector_store %arg12[%parallel_loop3A_932, %parallel_loop3A_933], %parallel_loop3A_936 {strides = array<i32>} : memref<32x1024xf32, #tpu.memory_space<vmem>>, vector<1x16xf32>,
        %parallel_loop3A_937 = arith.select %gt3A_668, %parallel_loop3A_806, %parallel_loop3A_801 : vector<16xf32>
        %parallel_loop3A_938 = arith.constant 10 : i32
        %parallel_loop3A_939 = arith.index_cast %parallel_loop3A_938 : i32 to index
        %parallel_loop3A_940 = arith.index_cast %parallel_loop3A_798 : i32 to index
        %parallel_loop3A_941 = tpu.vector_load %arg12[%parallel_loop3A_939, %parallel_loop3A_940] {strides = array<i32>} : memref<32x1024xf32, #tpu.memory_space<vmem>>, vector<1x16xf32>,
        %parallel_loop3A_942 = vector.shape_cast %parallel_loop3A_941 : vector<1x16xf32> to vector<16xf32>
        %parallel_loop3A_943 = arith.addf %parallel_loop3A_942, %parallel_loop3A_937 : vector<16xf32>
        %parallel_loop3A_944 = arith.constant 10 : i32
        %parallel_loop3A_945 = arith.index_cast %parallel_loop3A_944 : i32 to index
        %parallel_loop3A_946 = arith.index_cast %parallel_loop3A_798 : i32 to index
        %parallel_loop3A_947 = tpu.vector_load %arg12[%parallel_loop3A_945, %parallel_loop3A_946] {strides = array<i32>} : memref<32x1024xf32, #tpu.memory_space<vmem>>, vector<1x16xf32>,
        %parallel_loop3A_948 = vector.shape_cast %parallel_loop3A_947 : vector<1x16xf32> to vector<16xf32>
        %parallel_loop3A_949 = vector.shape_cast %parallel_loop3A_943 : vector<16xf32> to vector<1x16xf32>
        tpu.vector_store %arg12[%parallel_loop3A_945, %parallel_loop3A_946], %parallel_loop3A_949 {strides = array<i32>} : memref<32x1024xf32, #tpu.memory_space<vmem>>, vector<1x16xf32>,
        %parallel_loop3A_950 = arith.select %gt3A_672, %parallel_loop3A_806, %parallel_loop3A_801 : vector<16xf32>
        %parallel_loop3A_951 = arith.constant 11 : i32
        %parallel_loop3A_952 = arith.index_cast %parallel_loop3A_951 : i32 to index
        %parallel_loop3A_953 = arith.index_cast %parallel_loop3A_798 : i32 to index
        %parallel_loop3A_954 = tpu.vector_load %arg12[%parallel_loop3A_952, %parallel_loop3A_953] {strides = array<i32>} : memref<32x1024xf32, #tpu.memory_space<vmem>>, vector<1x16xf32>,
        %parallel_loop3A_955 = vector.shape_cast %parallel_loop3A_954 : vector<1x16xf32> to vector<16xf32>
        %parallel_loop3A_956 = arith.addf %parallel_loop3A_955, %parallel_loop3A_950 : vector<16xf32>
        %parallel_loop3A_957 = arith.constant 11 : i32
        %parallel_loop3A_958 = arith.index_cast %parallel_loop3A_957 : i32 to index
        %parallel_loop3A_959 = arith.index_cast %parallel_loop3A_798 : i32 to index
        %parallel_loop3A_960 = tpu.vector_load %arg12[%parallel_loop3A_958, %parallel_loop3A_959] {strides = array<i32>} : memref<32x1024xf32, #tpu.memory_space<vmem>>, vector<1x16xf32>,
        %parallel_loop3A_961 = vector.shape_cast %parallel_loop3A_960 : vector<1x16xf32> to vector<16xf32>
        %parallel_loop3A_962 = vector.shape_cast %parallel_loop3A_956 : vector<16xf32> to vector<1x16xf32>
        tpu.vector_store %arg12[%parallel_loop3A_958, %parallel_loop3A_959], %parallel_loop3A_962 {strides = array<i32>} : memref<32x1024xf32, #tpu.memory_space<vmem>>, vector<1x16xf32>,
        %parallel_loop3A_963 = arith.select %gt3A_676, %parallel_loop3A_806, %parallel_loop3A_801 : vector<16xf32>
        %parallel_loop3A_964 = arith.constant 12 : i32
        %parallel_loop3A_965 = arith.index_cast %parallel_loop3A_964 : i32 to index
        %parallel_loop3A_966 = arith.index_cast %parallel_loop3A_798 : i32 to index
        %parallel_loop3A_967 = tpu.vector_load %arg12[%parallel_loop3A_965, %parallel_loop3A_966] {strides = array<i32>} : memref<32x1024xf32, #tpu.memory_space<vmem>>, vector<1x16xf32>,
        %parallel_loop3A_968 = vector.shape_cast %parallel_loop3A_967 : vector<1x16xf32> to vector<16xf32>
        %parallel_loop3A_969 = arith.addf %parallel_loop3A_968, %parallel_loop3A_963 : vector<16xf32>
        %parallel_loop3A_970 = arith.constant 12 : i32
        %parallel_loop3A_971 = arith.index_cast %parallel_loop3A_970 : i32 to index
        %parallel_loop3A_972 = arith.index_cast %parallel_loop3A_798 : i32 to index
        %parallel_loop3A_973 = tpu.vector_load %arg12[%parallel_loop3A_971, %parallel_loop3A_972] {strides = array<i32>} : memref<32x1024xf32, #tpu.memory_space<vmem>>, vector<1x16xf32>,
        %parallel_loop3A_974 = vector.shape_cast %parallel_loop3A_973 : vector<1x16xf32> to vector<16xf32>
        %parallel_loop3A_975 = vector.shape_cast %parallel_loop3A_969 : vector<16xf32> to vector<1x16xf32>
        tpu.vector_store %arg12[%parallel_loop3A_971, %parallel_loop3A_972], %parallel_loop3A_975 {strides = array<i32>} : memref<32x1024xf32, #tpu.memory_space<vmem>>, vector<1x16xf32>,
        %parallel_loop3A_976 = arith.select %gt3A_680, %parallel_loop3A_806, %parallel_loop3A_801 : vector<16xf32>
        %parallel_loop3A_977 = arith.constant 13 : i32
        %parallel_loop3A_978 = arith.index_cast %parallel_loop3A_977 : i32 to index
        %parallel_loop3A_979 = arith.index_cast %parallel_loop3A_798 : i32 to index
        %parallel_loop3A_980 = tpu.vector_load %arg12[%parallel_loop3A_978, %parallel_loop3A_979] {strides = array<i32>} : memref<32x1024xf32, #tpu.memory_space<vmem>>, vector<1x16xf32>,
        %parallel_loop3A_981 = vector.shape_cast %parallel_loop3A_980 : vector<1x16xf32> to vector<16xf32>
        %parallel_loop3A_982 = arith.addf %parallel_loop3A_981, %parallel_loop3A_976 : vector<16xf32>
        %parallel_loop3A_983 = arith.constant 13 : i32
        %parallel_loop3A_984 = arith.index_cast %parallel_loop3A_983 : i32 to index
        %parallel_loop3A_985 = arith.index_cast %parallel_loop3A_798 : i32 to index
        %parallel_loop3A_986 = tpu.vector_load %arg12[%parallel_loop3A_984, %parallel_loop3A_985] {strides = array<i32>} : memref<32x1024xf32, #tpu.memory_space<vmem>>, vector<1x16xf32>,
        %parallel_loop3A_987 = vector.shape_cast %parallel_loop3A_986 : vector<1x16xf32> to vector<16xf32>
        %parallel_loop3A_988 = vector.shape_cast %parallel_loop3A_982 : vector<16xf32> to vector<1x16xf32>
        tpu.vector_store %arg12[%parallel_loop3A_984, %parallel_loop3A_985], %parallel_loop3A_988 {strides = array<i32>} : memref<32x1024xf32, #tpu.memory_space<vmem>>, vector<1x16xf32>,
        %parallel_loop3A_989 = arith.select %gt3A_684, %parallel_loop3A_806, %parallel_loop3A_801 : vector<16xf32>
        %parallel_loop3A_990 = arith.constant 14 : i32
        %parallel_loop3A_991 = arith.index_cast %parallel_loop3A_990 : i32 to index
        %parallel_loop3A_992 = arith.index_cast %parallel_loop3A_798 : i32 to index
        %parallel_loop3A_993 = tpu.vector_load %arg12[%parallel_loop3A_991, %parallel_loop3A_992] {strides = array<i32>} : memref<32x1024xf32, #tpu.memory_space<vmem>>, vector<1x16xf32>,
        %parallel_loop3A_994 = vector.shape_cast %parallel_loop3A_993 : vector<1x16xf32> to vector<16xf32>
        %parallel_loop3A_995 = arith.addf %parallel_loop3A_994, %parallel_loop3A_989 : vector<16xf32>
        %parallel_loop3A_996 = arith.constant 14 : i32
        %parallel_loop3A_997 = arith.index_cast %parallel_loop3A_996 : i32 to index
        %parallel_loop3A_998 = arith.index_cast %parallel_loop3A_798 : i32 to index
        %parallel_loop3A_999 = tpu.vector_load %arg12[%parallel_loop3A_997, %parallel_loop3A_998] {strides = array<i32>} : memref<32x1024xf32, #tpu.memory_space<vmem>>, vector<1x16xf32>,
        %parallel_loop3A_1000 = vector.shape_cast %parallel_loop3A_999 : vector<1x16xf32> to vector<16xf32>
        %parallel_loop3A_1001 = vector.shape_cast %parallel_loop3A_995 : vector<16xf32> to vector<1x16xf32>
        tpu.vector_store %arg12[%parallel_loop3A_997, %parallel_loop3A_998], %parallel_loop3A_1001 {strides = array<i32>} : memref<32x1024xf32, #tpu.memory_space<vmem>>, vector<1x16xf32>,
        %parallel_loop3A_1002 = arith.select %gt3A_688, %parallel_loop3A_806, %parallel_loop3A_801 : vector<16xf32>
        %parallel_loop3A_1003 = arith.constant 15 : i32
        %parallel_loop3A_1004 = arith.index_cast %parallel_loop3A_1003 : i32 to index
        %parallel_loop3A_1005 = arith.index_cast %parallel_loop3A_798 : i32 to index
        %parallel_loop3A_1006 = tpu.vector_load %arg12[%parallel_loop3A_1004, %parallel_loop3A_1005] {strides = array<i32>} : memref<32x1024xf32, #tpu.memory_space<vmem>>, vector<1x16xf32>,
        %parallel_loop3A_1007 = vector.shape_cast %parallel_loop3A_1006 : vector<1x16xf32> to vector<16xf32>
        %parallel_loop3A_1008 = arith.addf %parallel_loop3A_1007, %parallel_loop3A_1002 : vector<16xf32>
        %parallel_loop3A_1009 = arith.constant 15 : i32
        %parallel_loop3A_1010 = arith.index_cast %parallel_loop3A_1009 : i32 to index
        %parallel_loop3A_1011 = arith.index_cast %parallel_loop3A_798 : i32 to index
        %parallel_loop3A_1012 = tpu.vector_load %arg12[%parallel_loop3A_1010, %parallel_loop3A_1011] {strides = array<i32>} : memref<32x1024xf32, #tpu.memory_space<vmem>>, vector<1x16xf32>,
        %parallel_loop3A_1013 = vector.shape_cast %parallel_loop3A_1012 : vector<1x16xf32> to vector<16xf32>
        %parallel_loop3A_1014 = vector.shape_cast %parallel_loop3A_1008 : vector<16xf32> to vector<1x16xf32>
        tpu.vector_store %arg12[%parallel_loop3A_1010, %parallel_loop3A_1011], %parallel_loop3A_1014 {strides = array<i32>} : memref<32x1024xf32, #tpu.memory_space<vmem>>, vector<1x16xf32>,
      } {sc.loop_unroll_factor = 1 : i64, sc.parallel_access}
      %mul3A_692 = arith.constant 32 : i32
      %mul3A_693 = arith.muli %add3A_607, %mul3A_692 : i32
      %add3A_694 = arith.addi %mul3A_2, %mul3A_693 : i32
      %add3A_695 = arith.constant 0 : i32
      %add3A_696 = arith.addi %add3A_694, %add3A_695 : i32
      %dma_start3A_697 = arith.constant 0 : i32
      %dma_start3A_698 = arith.constant 0 : i32
      %dma_start3A_699 = tpu.memref_slice %arg12[%dma_start3A_697, %dma_start3A_698] : memref<32x1024xf32, #tpu.memory_space<vmem>> -> memref<16x1024xf32, #tpu.memory_space<vmem>>
      %dma_start3A_700 = arith.constant 0 : i32
      %dma_start3A_701 = tpu.memref_slice %arg6[%add3A_696, %dma_start3A_700] : memref<16384x1024xf32, #tpu.memory_space<hbm>> -> memref<16x1024xf32, #tpu.memory_space<hbm>>
      %dma_start3A_702 = arith.constant 0 : i32
      %dma_start3A_703 = tpu.memref_slice %arg6[%add3A_696, %dma_start3A_702] : memref<16384x1024xf32, #tpu.memory_space<hbm>> -> memref<16x1024xf32, #tpu.memory_space<hbm>>
      %dma_start3A_704 = arith.constant 0 : i32
      %dma_start3A_705 = arith.constant 0 : i32
      %dma_start3A_706 = tpu.memref_slice %arg12[%dma_start3A_704, %dma_start3A_705] : memref<32x1024xf32, #tpu.memory_space<vmem>> -> memref<16x1024xf32, #tpu.memory_space<vmem>>
      tpu.enqueue_dma source(%dma_start3A_706 : memref<16x1024xf32, #tpu.memory_space<vmem>>) target(%dma_start3A_703 : memref<16x1024xf32, #tpu.memory_space<hbm>>) target_semaphore(%arg18 : memref<!tpu.dma_semaphore, #tpu.memory_space<semaphore_mem>>)
      %mul3A_707 = arith.constant 32 : i32
      %mul3A_708 = arith.muli %add3A_607, %mul3A_707 : i32
      %add3A_709 = arith.constant 16 : i32
      %add3A_710 = arith.addi %mul3A_708, %add3A_709 : i32
      %get3A_711 = arith.index_cast %add3A_710 : i32 to index
      %get3A_712 = tpu.vector_load %arg8[%get3A_711] {strides = array<i32>} : memref<512xi32, #tpu.memory_space<vmem>>, vector<16xi32>,
      %get3A_713 = vector.shape_cast %get3A_712 : vector<16xi32> to vector<16xi32>
      %slice3A_714 = vector.extract_strided_slice %get3A_713 {offsets = [0], sizes = [1], strides = [1]} : vector<16xi32> to vector<1xi32>
      %squeeze3A_715 = vector.extract %slice3A_714[0] : i32 from vector<1xi32>
      %gt3A_716 = arith.constant 0 : i32
      %gt3A_717 = arith.cmpi sgt, %squeeze3A_715, %gt3A_716 : i32
      %slice3A_718 = vector.extract_strided_slice %get3A_713 {offsets = [1], sizes = [1], strides = [1]} : vector<16xi32> to vector<1xi32>
      %squeeze3A_719 = vector.extract %slice3A_718[0] : i32 from vector<1xi32>
      %gt3A_720 = arith.constant 0 : i32
      %gt3A_721 = arith.cmpi sgt, %squeeze3A_719, %gt3A_720 : i32
      %slice3A_722 = vector.extract_strided_slice %get3A_713 {offsets = [2], sizes = [1], strides = [1]} : vector<16xi32> to vector<1xi32>
      %squeeze3A_723 = vector.extract %slice3A_722[0] : i32 from vector<1xi32>
      %gt3A_724 = arith.constant 0 : i32
      %gt3A_725 = arith.cmpi sgt, %squeeze3A_723, %gt3A_724 : i32
      %slice3A_726 = vector.extract_strided_slice %get3A_713 {offsets = [3], sizes = [1], strides = [1]} : vector<16xi32> to vector<1xi32>
      %squeeze3A_727 = vector.extract %slice3A_726[0] : i32 from vector<1xi32>
      %gt3A_728 = arith.constant 0 : i32
      %gt3A_729 = arith.cmpi sgt, %squeeze3A_727, %gt3A_728 : i32
      %slice3A_730 = vector.extract_strided_slice %get3A_713 {offsets = [4], sizes = [1], strides = [1]} : vector<16xi32> to vector<1xi32>
      %squeeze3A_731 = vector.extract %slice3A_730[0] : i32 from vector<1xi32>
      %gt3A_732 = arith.constant 0 : i32
      %gt3A_733 = arith.cmpi sgt, %squeeze3A_731, %gt3A_732 : i32
      %slice3A_734 = vector.extract_strided_slice %get3A_713 {offsets = [5], sizes = [1], strides = [1]} : vector<16xi32> to vector<1xi32>
      %squeeze3A_735 = vector.extract %slice3A_734[0] : i32 from vector<1xi32>
      %gt3A_736 = arith.constant 0 : i32
      %gt3A_737 = arith.cmpi sgt, %squeeze3A_735, %gt3A_736 : i32
      %slice3A_738 = vector.extract_strided_slice %get3A_713 {offsets = [6], sizes = [1], strides = [1]} : vector<16xi32> to vector<1xi32>
      %squeeze3A_739 = vector.extract %slice3A_738[0] : i32 from vector<1xi32>
      %gt3A_740 = arith.constant 0 : i32
      %gt3A_741 = arith.cmpi sgt, %squeeze3A_739, %gt3A_740 : i32
      %slice3A_742 = vector.extract_strided_slice %get3A_713 {offsets = [7], sizes = [1], strides = [1]} : vector<16xi32> to vector<1xi32>
      %squeeze3A_743 = vector.extract %slice3A_742[0] : i32 from vector<1xi32>
      %gt3A_744 = arith.constant 0 : i32
      %gt3A_745 = arith.cmpi sgt, %squeeze3A_743, %gt3A_744 : i32
      %slice3A_746 = vector.extract_strided_slice %get3A_713 {offsets = [8], sizes = [1], strides = [1]} : vector<16xi32> to vector<1xi32>
      %squeeze3A_747 = vector.extract %slice3A_746[0] : i32 from vector<1xi32>
      %gt3A_748 = arith.constant 0 : i32
      %gt3A_749 = arith.cmpi sgt, %squeeze3A_747, %gt3A_748 : i32
      %slice3A_750 = vector.extract_strided_slice %get3A_713 {offsets = [9], sizes = [1], strides = [1]} : vector<16xi32> to vector<1xi32>
      %squeeze3A_751 = vector.extract %slice3A_750[0] : i32 from vector<1xi32>
      %gt3A_752 = arith.constant 0 : i32
      %gt3A_753 = arith.cmpi sgt, %squeeze3A_751, %gt3A_752 : i32
      %slice3A_754 = vector.extract_strided_slice %get3A_713 {offsets = [10], sizes = [1], strides = [1]} : vector<16xi32> to vector<1xi32>
      %squeeze3A_755 = vector.extract %slice3A_754[0] : i32 from vector<1xi32>
      %gt3A_756 = arith.constant 0 : i32
      %gt3A_757 = arith.cmpi sgt, %squeeze3A_755, %gt3A_756 : i32
      %slice3A_758 = vector.extract_strided_slice %get3A_713 {offsets = [11], sizes = [1], strides = [1]} : vector<16xi32> to vector<1xi32>
      %squeeze3A_759 = vector.extract %slice3A_758[0] : i32 from vector<1xi32>
      %gt3A_760 = arith.constant 0 : i32
      %gt3A_761 = arith.cmpi sgt, %squeeze3A_759, %gt3A_760 : i32
      %slice3A_762 = vector.extract_strided_slice %get3A_713 {offsets = [12], sizes = [1], strides = [1]} : vector<16xi32> to vector<1xi32>
      %squeeze3A_763 = vector.extract %slice3A_762[0] : i32 from vector<1xi32>
      %gt3A_764 = arith.constant 0 : i32
      %gt3A_765 = arith.cmpi sgt, %squeeze3A_763, %gt3A_764 : i32
      %slice3A_766 = vector.extract_strided_slice %get3A_713 {offsets = [13], sizes = [1], strides = [1]} : vector<16xi32> to vector<1xi32>
      %squeeze3A_767 = vector.extract %slice3A_766[0] : i32 from vector<1xi32>
      %gt3A_768 = arith.constant 0 : i32
      %gt3A_769 = arith.cmpi sgt, %squeeze3A_767, %gt3A_768 : i32
      %slice3A_770 = vector.extract_strided_slice %get3A_713 {offsets = [14], sizes = [1], strides = [1]} : vector<16xi32> to vector<1xi32>
      %squeeze3A_771 = vector.extract %slice3A_770[0] : i32 from vector<1xi32>
      %gt3A_772 = arith.constant 0 : i32
      %gt3A_773 = arith.cmpi sgt, %squeeze3A_771, %gt3A_772 : i32
      %slice3A_774 = vector.extract_strided_slice %get3A_713 {offsets = [15], sizes = [1], strides = [1]} : vector<16xi32> to vector<1xi32>
      %squeeze3A_775 = vector.extract %slice3A_774[0] : i32 from vector<1xi32>
      %gt3A_776 = arith.constant 0 : i32
      %gt3A_777 = arith.cmpi sgt, %squeeze3A_775, %gt3A_776 : i32
      %parallel_loop3A_778 = arith.constant 0 : i32
      %parallel_loop3A_779 = arith.constant 64 : i32
      %parallel_loop3A_780 = arith.constant 1 : i32
      scf.for %parallel_loop3A_796 = %parallel_loop3A_778 to %parallel_loop3A_779 step %parallel_loop3A_780  : i32 {
        %parallel_loop3A_797 = arith.constant 16 : i32
        %parallel_loop3A_798 = arith.muli %parallel_loop3A_796, %parallel_loop3A_797 : i32
        %parallel_loop3A_799 = arith.index_cast %parallel_loop3A_798 : i32 to index
        %parallel_loop3A_800 = tpu.vector_load %arg9[%parallel_loop3A_799] {strides = array<i32>} : memref<2048xf32, #tpu.memory_space<vmem>>, vector<16xf32>,
        %parallel_loop3A_801 = vector.shape_cast %parallel_loop3A_800 : vector<16xf32> to vector<16xf32>
        %parallel_loop3A_802 = arith.constant 1024 : i32
        %parallel_loop3A_803 = arith.addi %parallel_loop3A_802, %parallel_loop3A_798 : i32
        %parallel_loop3A_804 = arith.index_cast %parallel_loop3A_803 : i32 to index
        %parallel_loop3A_805 = tpu.vector_load %arg9[%parallel_loop3A_804] {strides = array<i32>} : memref<2048xf32, #tpu.memory_space<vmem>>, vector<16xf32>,
        %parallel_loop3A_806 = vector.shape_cast %parallel_loop3A_805 : vector<16xf32> to vector<16xf32>
        %parallel_loop3A_807 = arith.select %gt3A_717, %parallel_loop3A_806, %parallel_loop3A_801 : vector<16xf32>
        %parallel_loop3A_808 = arith.constant 16 : i32
        %parallel_loop3A_809 = arith.index_cast %parallel_loop3A_808 : i32 to index
        %parallel_loop3A_810 = arith.index_cast %parallel_loop3A_798 : i32 to index
        %parallel_loop3A_811 = tpu.vector_load %arg12[%parallel_loop3A_809, %parallel_loop3A_810] {strides = array<i32>} : memref<32x1024xf32, #tpu.memory_space<vmem>>, vector<1x16xf32>,
        %parallel_loop3A_812 = vector.shape_cast %parallel_loop3A_811 : vector<1x16xf32> to vector<16xf32>
        %parallel_loop3A_813 = arith.addf %parallel_loop3A_812, %parallel_loop3A_807 : vector<16xf32>
        %parallel_loop3A_814 = arith.constant 16 : i32
        %parallel_loop3A_815 = arith.index_cast %parallel_loop3A_814 : i32 to index
        %parallel_loop3A_816 = arith.index_cast %parallel_loop3A_798 : i32 to index
        %parallel_loop3A_817 = tpu.vector_load %arg12[%parallel_loop3A_815, %parallel_loop3A_816] {strides = array<i32>} : memref<32x1024xf32, #tpu.memory_space<vmem>>, vector<1x16xf32>,
        %parallel_loop3A_818 = vector.shape_cast %parallel_loop3A_817 : vector<1x16xf32> to vector<16xf32>
        %parallel_loop3A_819 = vector.shape_cast %parallel_loop3A_813 : vector<16xf32> to vector<1x16xf32>
        tpu.vector_store %arg12[%parallel_loop3A_815, %parallel_loop3A_816], %parallel_loop3A_819 {strides = array<i32>} : memref<32x1024xf32, #tpu.memory_space<vmem>>, vector<1x16xf32>,
        %parallel_loop3A_820 = arith.select %gt3A_721, %parallel_loop3A_806, %parallel_loop3A_801 : vector<16xf32>
        %parallel_loop3A_821 = arith.constant 17 : i32
        %parallel_loop3A_822 = arith.index_cast %parallel_loop3A_821 : i32 to index
        %parallel_loop3A_823 = arith.index_cast %parallel_loop3A_798 : i32 to index
        %parallel_loop3A_824 = tpu.vector_load %arg12[%parallel_loop3A_822, %parallel_loop3A_823] {strides = array<i32>} : memref<32x1024xf32, #tpu.memory_space<vmem>>, vector<1x16xf32>,
        %parallel_loop3A_825 = vector.shape_cast %parallel_loop3A_824 : vector<1x16xf32> to vector<16xf32>
        %parallel_loop3A_826 = arith.addf %parallel_loop3A_825, %parallel_loop3A_820 : vector<16xf32>
        %parallel_loop3A_827 = arith.constant 17 : i32
        %parallel_loop3A_828 = arith.index_cast %parallel_loop3A_827 : i32 to index
        %parallel_loop3A_829 = arith.index_cast %parallel_loop3A_798 : i32 to index
        %parallel_loop3A_830 = tpu.vector_load %arg12[%parallel_loop3A_828, %parallel_loop3A_829] {strides = array<i32>} : memref<32x1024xf32, #tpu.memory_space<vmem>>, vector<1x16xf32>,
        %parallel_loop3A_831 = vector.shape_cast %parallel_loop3A_830 : vector<1x16xf32> to vector<16xf32>
        %parallel_loop3A_832 = vector.shape_cast %parallel_loop3A_826 : vector<16xf32> to vector<1x16xf32>
        tpu.vector_store %arg12[%parallel_loop3A_828, %parallel_loop3A_829], %parallel_loop3A_832 {strides = array<i32>} : memref<32x1024xf32, #tpu.memory_space<vmem>>, vector<1x16xf32>,
        %parallel_loop3A_833 = arith.select %gt3A_725, %parallel_loop3A_806, %parallel_loop3A_801 : vector<16xf32>
        %parallel_loop3A_834 = arith.constant 18 : i32
        %parallel_loop3A_835 = arith.index_cast %parallel_loop3A_834 : i32 to index
        %parallel_loop3A_836 = arith.index_cast %parallel_loop3A_798 : i32 to index
        %parallel_loop3A_837 = tpu.vector_load %arg12[%parallel_loop3A_835, %parallel_loop3A_836] {strides = array<i32>} : memref<32x1024xf32, #tpu.memory_space<vmem>>, vector<1x16xf32>,
        %parallel_loop3A_838 = vector.shape_cast %parallel_loop3A_837 : vector<1x16xf32> to vector<16xf32>
        %parallel_loop3A_839 = arith.addf %parallel_loop3A_838, %parallel_loop3A_833 : vector<16xf32>
        %parallel_loop3A_840 = arith.constant 18 : i32
        %parallel_loop3A_841 = arith.index_cast %parallel_loop3A_840 : i32 to index
        %parallel_loop3A_842 = arith.index_cast %parallel_loop3A_798 : i32 to index
        %parallel_loop3A_843 = tpu.vector_load %arg12[%parallel_loop3A_841, %parallel_loop3A_842] {strides = array<i32>} : memref<32x1024xf32, #tpu.memory_space<vmem>>, vector<1x16xf32>,
        %parallel_loop3A_844 = vector.shape_cast %parallel_loop3A_843 : vector<1x16xf32> to vector<16xf32>
        %parallel_loop3A_845 = vector.shape_cast %parallel_loop3A_839 : vector<16xf32> to vector<1x16xf32>
        tpu.vector_store %arg12[%parallel_loop3A_841, %parallel_loop3A_842], %parallel_loop3A_845 {strides = array<i32>} : memref<32x1024xf32, #tpu.memory_space<vmem>>, vector<1x16xf32>,
        %parallel_loop3A_846 = arith.select %gt3A_729, %parallel_loop3A_806, %parallel_loop3A_801 : vector<16xf32>
        %parallel_loop3A_847 = arith.constant 19 : i32
        %parallel_loop3A_848 = arith.index_cast %parallel_loop3A_847 : i32 to index
        %parallel_loop3A_849 = arith.index_cast %parallel_loop3A_798 : i32 to index
        %parallel_loop3A_850 = tpu.vector_load %arg12[%parallel_loop3A_848, %parallel_loop3A_849] {strides = array<i32>} : memref<32x1024xf32, #tpu.memory_space<vmem>>, vector<1x16xf32>,
        %parallel_loop3A_851 = vector.shape_cast %parallel_loop3A_850 : vector<1x16xf32> to vector<16xf32>
        %parallel_loop3A_852 = arith.addf %parallel_loop3A_851, %parallel_loop3A_846 : vector<16xf32>
        %parallel_loop3A_853 = arith.constant 19 : i32
        %parallel_loop3A_854 = arith.index_cast %parallel_loop3A_853 : i32 to index
        %parallel_loop3A_855 = arith.index_cast %parallel_loop3A_798 : i32 to index
        %parallel_loop3A_856 = tpu.vector_load %arg12[%parallel_loop3A_854, %parallel_loop3A_855] {strides = array<i32>} : memref<32x1024xf32, #tpu.memory_space<vmem>>, vector<1x16xf32>,
        %parallel_loop3A_857 = vector.shape_cast %parallel_loop3A_856 : vector<1x16xf32> to vector<16xf32>
        %parallel_loop3A_858 = vector.shape_cast %parallel_loop3A_852 : vector<16xf32> to vector<1x16xf32>
        tpu.vector_store %arg12[%parallel_loop3A_854, %parallel_loop3A_855], %parallel_loop3A_858 {strides = array<i32>} : memref<32x1024xf32, #tpu.memory_space<vmem>>, vector<1x16xf32>,
        %parallel_loop3A_859 = arith.select %gt3A_733, %parallel_loop3A_806, %parallel_loop3A_801 : vector<16xf32>
        %parallel_loop3A_860 = arith.constant 20 : i32
        %parallel_loop3A_861 = arith.index_cast %parallel_loop3A_860 : i32 to index
        %parallel_loop3A_862 = arith.index_cast %parallel_loop3A_798 : i32 to index
        %parallel_loop3A_863 = tpu.vector_load %arg12[%parallel_loop3A_861, %parallel_loop3A_862] {strides = array<i32>} : memref<32x1024xf32, #tpu.memory_space<vmem>>, vector<1x16xf32>,
        %parallel_loop3A_864 = vector.shape_cast %parallel_loop3A_863 : vector<1x16xf32> to vector<16xf32>
        %parallel_loop3A_865 = arith.addf %parallel_loop3A_864, %parallel_loop3A_859 : vector<16xf32>
        %parallel_loop3A_866 = arith.constant 20 : i32
        %parallel_loop3A_867 = arith.index_cast %parallel_loop3A_866 : i32 to index
        %parallel_loop3A_868 = arith.index_cast %parallel_loop3A_798 : i32 to index
        %parallel_loop3A_869 = tpu.vector_load %arg12[%parallel_loop3A_867, %parallel_loop3A_868] {strides = array<i32>} : memref<32x1024xf32, #tpu.memory_space<vmem>>, vector<1x16xf32>,
        %parallel_loop3A_870 = vector.shape_cast %parallel_loop3A_869 : vector<1x16xf32> to vector<16xf32>
        %parallel_loop3A_871 = vector.shape_cast %parallel_loop3A_865 : vector<16xf32> to vector<1x16xf32>
        tpu.vector_store %arg12[%parallel_loop3A_867, %parallel_loop3A_868], %parallel_loop3A_871 {strides = array<i32>} : memref<32x1024xf32, #tpu.memory_space<vmem>>, vector<1x16xf32>,
        %parallel_loop3A_872 = arith.select %gt3A_737, %parallel_loop3A_806, %parallel_loop3A_801 : vector<16xf32>
        %parallel_loop3A_873 = arith.constant 21 : i32
        %parallel_loop3A_874 = arith.index_cast %parallel_loop3A_873 : i32 to index
        %parallel_loop3A_875 = arith.index_cast %parallel_loop3A_798 : i32 to index
        %parallel_loop3A_876 = tpu.vector_load %arg12[%parallel_loop3A_874, %parallel_loop3A_875] {strides = array<i32>} : memref<32x1024xf32, #tpu.memory_space<vmem>>, vector<1x16xf32>,
        %parallel_loop3A_877 = vector.shape_cast %parallel_loop3A_876 : vector<1x16xf32> to vector<16xf32>
        %parallel_loop3A_878 = arith.addf %parallel_loop3A_877, %parallel_loop3A_872 : vector<16xf32>
        %parallel_loop3A_879 = arith.constant 21 : i32
        %parallel_loop3A_880 = arith.index_cast %parallel_loop3A_879 : i32 to index
        %parallel_loop3A_881 = arith.index_cast %parallel_loop3A_798 : i32 to index
        %parallel_loop3A_882 = tpu.vector_load %arg12[%parallel_loop3A_880, %parallel_loop3A_881] {strides = array<i32>} : memref<32x1024xf32, #tpu.memory_space<vmem>>, vector<1x16xf32>,
        %parallel_loop3A_883 = vector.shape_cast %parallel_loop3A_882 : vector<1x16xf32> to vector<16xf32>
        %parallel_loop3A_884 = vector.shape_cast %parallel_loop3A_878 : vector<16xf32> to vector<1x16xf32>
        tpu.vector_store %arg12[%parallel_loop3A_880, %parallel_loop3A_881], %parallel_loop3A_884 {strides = array<i32>} : memref<32x1024xf32, #tpu.memory_space<vmem>>, vector<1x16xf32>,
        %parallel_loop3A_885 = arith.select %gt3A_741, %parallel_loop3A_806, %parallel_loop3A_801 : vector<16xf32>
        %parallel_loop3A_886 = arith.constant 22 : i32
        %parallel_loop3A_887 = arith.index_cast %parallel_loop3A_886 : i32 to index
        %parallel_loop3A_888 = arith.index_cast %parallel_loop3A_798 : i32 to index
        %parallel_loop3A_889 = tpu.vector_load %arg12[%parallel_loop3A_887, %parallel_loop3A_888] {strides = array<i32>} : memref<32x1024xf32, #tpu.memory_space<vmem>>, vector<1x16xf32>,
        %parallel_loop3A_890 = vector.shape_cast %parallel_loop3A_889 : vector<1x16xf32> to vector<16xf32>
        %parallel_loop3A_891 = arith.addf %parallel_loop3A_890, %parallel_loop3A_885 : vector<16xf32>
        %parallel_loop3A_892 = arith.constant 22 : i32
        %parallel_loop3A_893 = arith.index_cast %parallel_loop3A_892 : i32 to index
        %parallel_loop3A_894 = arith.index_cast %parallel_loop3A_798 : i32 to index
        %parallel_loop3A_895 = tpu.vector_load %arg12[%parallel_loop3A_893, %parallel_loop3A_894] {strides = array<i32>} : memref<32x1024xf32, #tpu.memory_space<vmem>>, vector<1x16xf32>,
        %parallel_loop3A_896 = vector.shape_cast %parallel_loop3A_895 : vector<1x16xf32> to vector<16xf32>
        %parallel_loop3A_897 = vector.shape_cast %parallel_loop3A_891 : vector<16xf32> to vector<1x16xf32>
        tpu.vector_store %arg12[%parallel_loop3A_893, %parallel_loop3A_894], %parallel_loop3A_897 {strides = array<i32>} : memref<32x1024xf32, #tpu.memory_space<vmem>>, vector<1x16xf32>,
        %parallel_loop3A_898 = arith.select %gt3A_745, %parallel_loop3A_806, %parallel_loop3A_801 : vector<16xf32>
        %parallel_loop3A_899 = arith.constant 23 : i32
        %parallel_loop3A_900 = arith.index_cast %parallel_loop3A_899 : i32 to index
        %parallel_loop3A_901 = arith.index_cast %parallel_loop3A_798 : i32 to index
        %parallel_loop3A_902 = tpu.vector_load %arg12[%parallel_loop3A_900, %parallel_loop3A_901] {strides = array<i32>} : memref<32x1024xf32, #tpu.memory_space<vmem>>, vector<1x16xf32>,
        %parallel_loop3A_903 = vector.shape_cast %parallel_loop3A_902 : vector<1x16xf32> to vector<16xf32>
        %parallel_loop3A_904 = arith.addf %parallel_loop3A_903, %parallel_loop3A_898 : vector<16xf32>
        %parallel_loop3A_905 = arith.constant 23 : i32
        %parallel_loop3A_906 = arith.index_cast %parallel_loop3A_905 : i32 to index
        %parallel_loop3A_907 = arith.index_cast %parallel_loop3A_798 : i32 to index
        %parallel_loop3A_908 = tpu.vector_load %arg12[%parallel_loop3A_906, %parallel_loop3A_907] {strides = array<i32>} : memref<32x1024xf32, #tpu.memory_space<vmem>>, vector<1x16xf32>,
        %parallel_loop3A_909 = vector.shape_cast %parallel_loop3A_908 : vector<1x16xf32> to vector<16xf32>
        %parallel_loop3A_910 = vector.shape_cast %parallel_loop3A_904 : vector<16xf32> to vector<1x16xf32>
        tpu.vector_store %arg12[%parallel_loop3A_906, %parallel_loop3A_907], %parallel_loop3A_910 {strides = array<i32>} : memref<32x1024xf32, #tpu.memory_space<vmem>>, vector<1x16xf32>,
        %parallel_loop3A_911 = arith.select %gt3A_749, %parallel_loop3A_806, %parallel_loop3A_801 : vector<16xf32>
        %parallel_loop3A_912 = arith.constant 24 : i32
        %parallel_loop3A_913 = arith.index_cast %parallel_loop3A_912 : i32 to index
        %parallel_loop3A_914 = arith.index_cast %parallel_loop3A_798 : i32 to index
        %parallel_loop3A_915 = tpu.vector_load %arg12[%parallel_loop3A_913, %parallel_loop3A_914] {strides = array<i32>} : memref<32x1024xf32, #tpu.memory_space<vmem>>, vector<1x16xf32>,
        %parallel_loop3A_916 = vector.shape_cast %parallel_loop3A_915 : vector<1x16xf32> to vector<16xf32>
        %parallel_loop3A_917 = arith.addf %parallel_loop3A_916, %parallel_loop3A_911 : vector<16xf32>
        %parallel_loop3A_918 = arith.constant 24 : i32
        %parallel_loop3A_919 = arith.index_cast %parallel_loop3A_918 : i32 to index
        %parallel_loop3A_920 = arith.index_cast %parallel_loop3A_798 : i32 to index
        %parallel_loop3A_921 = tpu.vector_load %arg12[%parallel_loop3A_919, %parallel_loop3A_920] {strides = array<i32>} : memref<32x1024xf32, #tpu.memory_space<vmem>>, vector<1x16xf32>,
        %parallel_loop3A_922 = vector.shape_cast %parallel_loop3A_921 : vector<1x16xf32> to vector<16xf32>
        %parallel_loop3A_923 = vector.shape_cast %parallel_loop3A_917 : vector<16xf32> to vector<1x16xf32>
        tpu.vector_store %arg12[%parallel_loop3A_919, %parallel_loop3A_920], %parallel_loop3A_923 {strides = array<i32>} : memref<32x1024xf32, #tpu.memory_space<vmem>>, vector<1x16xf32>,
        %parallel_loop3A_924 = arith.select %gt3A_753, %parallel_loop3A_806, %parallel_loop3A_801 : vector<16xf32>
        %parallel_loop3A_925 = arith.constant 25 : i32
        %parallel_loop3A_926 = arith.index_cast %parallel_loop3A_925 : i32 to index
        %parallel_loop3A_927 = arith.index_cast %parallel_loop3A_798 : i32 to index
        %parallel_loop3A_928 = tpu.vector_load %arg12[%parallel_loop3A_926, %parallel_loop3A_927] {strides = array<i32>} : memref<32x1024xf32, #tpu.memory_space<vmem>>, vector<1x16xf32>,
        %parallel_loop3A_929 = vector.shape_cast %parallel_loop3A_928 : vector<1x16xf32> to vector<16xf32>
        %parallel_loop3A_930 = arith.addf %parallel_loop3A_929, %parallel_loop3A_924 : vector<16xf32>
        %parallel_loop3A_931 = arith.constant 25 : i32
        %parallel_loop3A_932 = arith.index_cast %parallel_loop3A_931 : i32 to index
        %parallel_loop3A_933 = arith.index_cast %parallel_loop3A_798 : i32 to index
        %parallel_loop3A_934 = tpu.vector_load %arg12[%parallel_loop3A_932, %parallel_loop3A_933] {strides = array<i32>} : memref<32x1024xf32, #tpu.memory_space<vmem>>, vector<1x16xf32>,
        %parallel_loop3A_935 = vector.shape_cast %parallel_loop3A_934 : vector<1x16xf32> to vector<16xf32>
        %parallel_loop3A_936 = vector.shape_cast %parallel_loop3A_930 : vector<16xf32> to vector<1x16xf32>
        tpu.vector_store %arg12[%parallel_loop3A_932, %parallel_loop3A_933], %parallel_loop3A_936 {strides = array<i32>} : memref<32x1024xf32, #tpu.memory_space<vmem>>, vector<1x16xf32>,
        %parallel_loop3A_937 = arith.select %gt3A_757, %parallel_loop3A_806, %parallel_loop3A_801 : vector<16xf32>
        %parallel_loop3A_938 = arith.constant 26 : i32
        %parallel_loop3A_939 = arith.index_cast %parallel_loop3A_938 : i32 to index
        %parallel_loop3A_940 = arith.index_cast %parallel_loop3A_798 : i32 to index
        %parallel_loop3A_941 = tpu.vector_load %arg12[%parallel_loop3A_939, %parallel_loop3A_940] {strides = array<i32>} : memref<32x1024xf32, #tpu.memory_space<vmem>>, vector<1x16xf32>,
        %parallel_loop3A_942 = vector.shape_cast %parallel_loop3A_941 : vector<1x16xf32> to vector<16xf32>
        %parallel_loop3A_943 = arith.addf %parallel_loop3A_942, %parallel_loop3A_937 : vector<16xf32>
        %parallel_loop3A_944 = arith.constant 26 : i32
        %parallel_loop3A_945 = arith.index_cast %parallel_loop3A_944 : i32 to index
        %parallel_loop3A_946 = arith.index_cast %parallel_loop3A_798 : i32 to index
        %parallel_loop3A_947 = tpu.vector_load %arg12[%parallel_loop3A_945, %parallel_loop3A_946] {strides = array<i32>} : memref<32x1024xf32, #tpu.memory_space<vmem>>, vector<1x16xf32>,
        %parallel_loop3A_948 = vector.shape_cast %parallel_loop3A_947 : vector<1x16xf32> to vector<16xf32>
        %parallel_loop3A_949 = vector.shape_cast %parallel_loop3A_943 : vector<16xf32> to vector<1x16xf32>
        tpu.vector_store %arg12[%parallel_loop3A_945, %parallel_loop3A_946], %parallel_loop3A_949 {strides = array<i32>} : memref<32x1024xf32, #tpu.memory_space<vmem>>, vector<1x16xf32>,
        %parallel_loop3A_950 = arith.select %gt3A_761, %parallel_loop3A_806, %parallel_loop3A_801 : vector<16xf32>
        %parallel_loop3A_951 = arith.constant 27 : i32
        %parallel_loop3A_952 = arith.index_cast %parallel_loop3A_951 : i32 to index
        %parallel_loop3A_953 = arith.index_cast %parallel_loop3A_798 : i32 to index
        %parallel_loop3A_954 = tpu.vector_load %arg12[%parallel_loop3A_952, %parallel_loop3A_953] {strides = array<i32>} : memref<32x1024xf32, #tpu.memory_space<vmem>>, vector<1x16xf32>,
        %parallel_loop3A_955 = vector.shape_cast %parallel_loop3A_954 : vector<1x16xf32> to vector<16xf32>
        %parallel_loop3A_956 = arith.addf %parallel_loop3A_955, %parallel_loop3A_950 : vector<16xf32>
        %parallel_loop3A_957 = arith.constant 27 : i32
        %parallel_loop3A_958 = arith.index_cast %parallel_loop3A_957 : i32 to index
        %parallel_loop3A_959 = arith.index_cast %parallel_loop3A_798 : i32 to index
        %parallel_loop3A_960 = tpu.vector_load %arg12[%parallel_loop3A_958, %parallel_loop3A_959] {strides = array<i32>} : memref<32x1024xf32, #tpu.memory_space<vmem>>, vector<1x16xf32>,
        %parallel_loop3A_961 = vector.shape_cast %parallel_loop3A_960 : vector<1x16xf32> to vector<16xf32>
        %parallel_loop3A_962 = vector.shape_cast %parallel_loop3A_956 : vector<16xf32> to vector<1x16xf32>
        tpu.vector_store %arg12[%parallel_loop3A_958, %parallel_loop3A_959], %parallel_loop3A_962 {strides = array<i32>} : memref<32x1024xf32, #tpu.memory_space<vmem>>, vector<1x16xf32>,
        %parallel_loop3A_963 = arith.select %gt3A_765, %parallel_loop3A_806, %parallel_loop3A_801 : vector<16xf32>
        %parallel_loop3A_964 = arith.constant 28 : i32
        %parallel_loop3A_965 = arith.index_cast %parallel_loop3A_964 : i32 to index
        %parallel_loop3A_966 = arith.index_cast %parallel_loop3A_798 : i32 to index
        %parallel_loop3A_967 = tpu.vector_load %arg12[%parallel_loop3A_965, %parallel_loop3A_966] {strides = array<i32>} : memref<32x1024xf32, #tpu.memory_space<vmem>>, vector<1x16xf32>,
        %parallel_loop3A_968 = vector.shape_cast %parallel_loop3A_967 : vector<1x16xf32> to vector<16xf32>
        %parallel_loop3A_969 = arith.addf %parallel_loop3A_968, %parallel_loop3A_963 : vector<16xf32>
        %parallel_loop3A_970 = arith.constant 28 : i32
        %parallel_loop3A_971 = arith.index_cast %parallel_loop3A_970 : i32 to index
        %parallel_loop3A_972 = arith.index_cast %parallel_loop3A_798 : i32 to index
        %parallel_loop3A_973 = tpu.vector_load %arg12[%parallel_loop3A_971, %parallel_loop3A_972] {strides = array<i32>} : memref<32x1024xf32, #tpu.memory_space<vmem>>, vector<1x16xf32>,
        %parallel_loop3A_974 = vector.shape_cast %parallel_loop3A_973 : vector<1x16xf32> to vector<16xf32>
        %parallel_loop3A_975 = vector.shape_cast %parallel_loop3A_969 : vector<16xf32> to vector<1x16xf32>
        tpu.vector_store %arg12[%parallel_loop3A_971, %parallel_loop3A_972], %parallel_loop3A_975 {strides = array<i32>} : memref<32x1024xf32, #tpu.memory_space<vmem>>, vector<1x16xf32>,
        %parallel_loop3A_976 = arith.select %gt3A_769, %parallel_loop3A_806, %parallel_loop3A_801 : vector<16xf32>
        %parallel_loop3A_977 = arith.constant 29 : i32
        %parallel_loop3A_978 = arith.index_cast %parallel_loop3A_977 : i32 to index
        %parallel_loop3A_979 = arith.index_cast %parallel_loop3A_798 : i32 to index
        %parallel_loop3A_980 = tpu.vector_load %arg12[%parallel_loop3A_978, %parallel_loop3A_979] {strides = array<i32>} : memref<32x1024xf32, #tpu.memory_space<vmem>>, vector<1x16xf32>,
        %parallel_loop3A_981 = vector.shape_cast %parallel_loop3A_980 : vector<1x16xf32> to vector<16xf32>
        %parallel_loop3A_982 = arith.addf %parallel_loop3A_981, %parallel_loop3A_976 : vector<16xf32>
        %parallel_loop3A_983 = arith.constant 29 : i32
        %parallel_loop3A_984 = arith.index_cast %parallel_loop3A_983 : i32 to index
        %parallel_loop3A_985 = arith.index_cast %parallel_loop3A_798 : i32 to index
        %parallel_loop3A_986 = tpu.vector_load %arg12[%parallel_loop3A_984, %parallel_loop3A_985] {strides = array<i32>} : memref<32x1024xf32, #tpu.memory_space<vmem>>, vector<1x16xf32>,
        %parallel_loop3A_987 = vector.shape_cast %parallel_loop3A_986 : vector<1x16xf32> to vector<16xf32>
        %parallel_loop3A_988 = vector.shape_cast %parallel_loop3A_982 : vector<16xf32> to vector<1x16xf32>
        tpu.vector_store %arg12[%parallel_loop3A_984, %parallel_loop3A_985], %parallel_loop3A_988 {strides = array<i32>} : memref<32x1024xf32, #tpu.memory_space<vmem>>, vector<1x16xf32>,
        %parallel_loop3A_989 = arith.select %gt3A_773, %parallel_loop3A_806, %parallel_loop3A_801 : vector<16xf32>
        %parallel_loop3A_990 = arith.constant 30 : i32
        %parallel_loop3A_991 = arith.index_cast %parallel_loop3A_990 : i32 to index
        %parallel_loop3A_992 = arith.index_cast %parallel_loop3A_798 : i32 to index
        %parallel_loop3A_993 = tpu.vector_load %arg12[%parallel_loop3A_991, %parallel_loop3A_992] {strides = array<i32>} : memref<32x1024xf32, #tpu.memory_space<vmem>>, vector<1x16xf32>,
        %parallel_loop3A_994 = vector.shape_cast %parallel_loop3A_993 : vector<1x16xf32> to vector<16xf32>
        %parallel_loop3A_995 = arith.addf %parallel_loop3A_994, %parallel_loop3A_989 : vector<16xf32>
        %parallel_loop3A_996 = arith.constant 30 : i32
        %parallel_loop3A_997 = arith.index_cast %parallel_loop3A_996 : i32 to index
        %parallel_loop3A_998 = arith.index_cast %parallel_loop3A_798 : i32 to index
        %parallel_loop3A_999 = tpu.vector_load %arg12[%parallel_loop3A_997, %parallel_loop3A_998] {strides = array<i32>} : memref<32x1024xf32, #tpu.memory_space<vmem>>, vector<1x16xf32>,
        %parallel_loop3A_1000 = vector.shape_cast %parallel_loop3A_999 : vector<1x16xf32> to vector<16xf32>
        %parallel_loop3A_1001 = vector.shape_cast %parallel_loop3A_995 : vector<16xf32> to vector<1x16xf32>
        tpu.vector_store %arg12[%parallel_loop3A_997, %parallel_loop3A_998], %parallel_loop3A_1001 {strides = array<i32>} : memref<32x1024xf32, #tpu.memory_space<vmem>>, vector<1x16xf32>,
        %parallel_loop3A_1002 = arith.select %gt3A_777, %parallel_loop3A_806, %parallel_loop3A_801 : vector<16xf32>
        %parallel_loop3A_1003 = arith.constant 31 : i32
        %parallel_loop3A_1004 = arith.index_cast %parallel_loop3A_1003 : i32 to index
        %parallel_loop3A_1005 = arith.index_cast %parallel_loop3A_798 : i32 to index
        %parallel_loop3A_1006 = tpu.vector_load %arg12[%parallel_loop3A_1004, %parallel_loop3A_1005] {strides = array<i32>} : memref<32x1024xf32, #tpu.memory_space<vmem>>, vector<1x16xf32>,
        %parallel_loop3A_1007 = vector.shape_cast %parallel_loop3A_1006 : vector<1x16xf32> to vector<16xf32>
        %parallel_loop3A_1008 = arith.addf %parallel_loop3A_1007, %parallel_loop3A_1002 : vector<16xf32>
        %parallel_loop3A_1009 = arith.constant 31 : i32
        %parallel_loop3A_1010 = arith.index_cast %parallel_loop3A_1009 : i32 to index
        %parallel_loop3A_1011 = arith.index_cast %parallel_loop3A_798 : i32 to index
        %parallel_loop3A_1012 = tpu.vector_load %arg12[%parallel_loop3A_1010, %parallel_loop3A_1011] {strides = array<i32>} : memref<32x1024xf32, #tpu.memory_space<vmem>>, vector<1x16xf32>,
        %parallel_loop3A_1013 = vector.shape_cast %parallel_loop3A_1012 : vector<1x16xf32> to vector<16xf32>
        %parallel_loop3A_1014 = vector.shape_cast %parallel_loop3A_1008 : vector<16xf32> to vector<1x16xf32>
        tpu.vector_store %arg12[%parallel_loop3A_1010, %parallel_loop3A_1011], %parallel_loop3A_1014 {strides = array<i32>} : memref<32x1024xf32, #tpu.memory_space<vmem>>, vector<1x16xf32>,
      } {sc.loop_unroll_factor = 1 : i64, sc.parallel_access}
      %mul3A_781 = arith.constant 32 : i32
      %mul3A_782 = arith.muli %add3A_607, %mul3A_781 : i32
      %add3A_783 = arith.addi %mul3A_2, %mul3A_782 : i32
      %add3A_784 = arith.constant 16 : i32
      %add3A_785 = arith.addi %add3A_783, %add3A_784 : i32
      %dma_start3A_786 = arith.constant 16 : i32
      %dma_start3A_787 = arith.constant 0 : i32
      %dma_start3A_788 = tpu.memref_slice %arg12[%dma_start3A_786, %dma_start3A_787] : memref<32x1024xf32, #tpu.memory_space<vmem>> -> memref<16x1024xf32, #tpu.memory_space<vmem>>
      %dma_start3A_789 = arith.constant 0 : i32
      %dma_start3A_790 = tpu.memref_slice %arg6[%add3A_785, %dma_start3A_789] : memref<16384x1024xf32, #tpu.memory_space<hbm>> -> memref<16x1024xf32, #tpu.memory_space<hbm>>
      %dma_start3A_791 = arith.constant 0 : i32
      %dma_start3A_792 = tpu.memref_slice %arg6[%add3A_785, %dma_start3A_791] : memref<16384x1024xf32, #tpu.memory_space<hbm>> -> memref<16x1024xf32, #tpu.memory_space<hbm>>
      %dma_start3A_793 = arith.constant 16 : i32
      %dma_start3A_794 = arith.constant 0 : i32
      %dma_start3A_795 = tpu.memref_slice %arg12[%dma_start3A_793, %dma_start3A_794] : memref<32x1024xf32, #tpu.memory_space<vmem>> -> memref<16x1024xf32, #tpu.memory_space<vmem>>
      tpu.enqueue_dma source(%dma_start3A_795 : memref<16x1024xf32, #tpu.memory_space<vmem>>) target(%dma_start3A_792 : memref<16x1024xf32, #tpu.memory_space<hbm>>) target_semaphore(%arg18 : memref<!tpu.dma_semaphore, #tpu.memory_space<semaphore_mem>>)
    }
    %scan3A_23 = arith.constant 5 : i32
    %dma_wait3A_24 = arith.constant 480 : i32
    %dma_wait3A_25 = tpu.memref_slice %arg7[%dma_wait3A_24] : memref<512xi32, #tpu.memory_space<vmem>> -> memref<32xi32, #tpu.memory_space<vmem>>
    %dma_wait3A_26 = arith.constant 0 : i32
    %dma_wait3A_27 = arith.constant 0 : i32
    %dma_wait3A_28 = tpu.memref_slice %arg4[%dma_wait3A_26, %dma_wait3A_27] : memref<100000x1024xf32, #tpu.memory_space<hbm>> -> memref<100000x1024xf32, #tpu.memory_space<hbm>>
    tpu.wait_indirect_dma semaphore(%arg13 : memref<!tpu.dma_semaphore, #tpu.memory_space<semaphore_mem>>) src(%dma_wait3A_28 : memref<100000x1024xf32, #tpu.memory_space<hbm>>) dst(%arg10 : memref<32x1024xf32, #tpu.memory_space<vmem>>)
    %get3A = arith.constant 480 : index
    %get3A_29 = tpu.vector_load %arg8[%get3A] {strides = array<i32>} : memref<512xi32, #tpu.memory_space<vmem>>, vector<16xi32>,
    %get3A_30 = vector.shape_cast %get3A_29 : vector<16xi32> to vector<16xi32>
    %slice3A = vector.extract_strided_slice %get3A_30 {offsets = [0], sizes = [1], strides = [1]} : vector<16xi32> to vector<1xi32>
    %squeeze3A = vector.extract %slice3A[0] : i32 from vector<1xi32>
    %gt3A = arith.constant 0 : i32
    %gt3A_31 = arith.cmpi sgt, %squeeze3A, %gt3A : i32
    %slice3A_32 = vector.extract_strided_slice %get3A_30 {offsets = [1], sizes = [1], strides = [1]} : vector<16xi32> to vector<1xi32>
    %squeeze3A_33 = vector.extract %slice3A_32[0] : i32 from vector<1xi32>
    %gt3A_34 = arith.constant 0 : i32
    %gt3A_35 = arith.cmpi sgt, %squeeze3A_33, %gt3A_34 : i32
    %slice3A_36 = vector.extract_strided_slice %get3A_30 {offsets = [2], sizes = [1], strides = [1]} : vector<16xi32> to vector<1xi32>
    %squeeze3A_37 = vector.extract %slice3A_36[0] : i32 from vector<1xi32>
    %gt3A_38 = arith.constant 0 : i32
    %gt3A_39 = arith.cmpi sgt, %squeeze3A_37, %gt3A_38 : i32
    %slice3A_40 = vector.extract_strided_slice %get3A_30 {offsets = [3], sizes = [1], strides = [1]} : vector<16xi32> to vector<1xi32>
    %squeeze3A_41 = vector.extract %slice3A_40[0] : i32 from vector<1xi32>
    %gt3A_42 = arith.constant 0 : i32
    %gt3A_43 = arith.cmpi sgt, %squeeze3A_41, %gt3A_42 : i32
    %slice3A_44 = vector.extract_strided_slice %get3A_30 {offsets = [4], sizes = [1], strides = [1]} : vector<16xi32> to vector<1xi32>
    %squeeze3A_45 = vector.extract %slice3A_44[0] : i32 from vector<1xi32>
    %gt3A_46 = arith.constant 0 : i32
    %gt3A_47 = arith.cmpi sgt, %squeeze3A_45, %gt3A_46 : i32
    %slice3A_48 = vector.extract_strided_slice %get3A_30 {offsets = [5], sizes = [1], strides = [1]} : vector<16xi32> to vector<1xi32>
    %squeeze3A_49 = vector.extract %slice3A_48[0] : i32 from vector<1xi32>
    %gt3A_50 = arith.constant 0 : i32
    %gt3A_51 = arith.cmpi sgt, %squeeze3A_49, %gt3A_50 : i32
    %slice3A_52 = vector.extract_strided_slice %get3A_30 {offsets = [6], sizes = [1], strides = [1]} : vector<16xi32> to vector<1xi32>
    %squeeze3A_53 = vector.extract %slice3A_52[0] : i32 from vector<1xi32>
    %gt3A_54 = arith.constant 0 : i32
    %gt3A_55 = arith.cmpi sgt, %squeeze3A_53, %gt3A_54 : i32
    %slice3A_56 = vector.extract_strided_slice %get3A_30 {offsets = [7], sizes = [1], strides = [1]} : vector<16xi32> to vector<1xi32>
    %squeeze3A_57 = vector.extract %slice3A_56[0] : i32 from vector<1xi32>
    %gt3A_58 = arith.constant 0 : i32
    %gt3A_59 = arith.cmpi sgt, %squeeze3A_57, %gt3A_58 : i32
    %slice3A_60 = vector.extract_strided_slice %get3A_30 {offsets = [8], sizes = [1], strides = [1]} : vector<16xi32> to vector<1xi32>
    %squeeze3A_61 = vector.extract %slice3A_60[0] : i32 from vector<1xi32>
    %gt3A_62 = arith.constant 0 : i32
    %gt3A_63 = arith.cmpi sgt, %squeeze3A_61, %gt3A_62 : i32
    %slice3A_64 = vector.extract_strided_slice %get3A_30 {offsets = [9], sizes = [1], strides = [1]} : vector<16xi32> to vector<1xi32>
    %squeeze3A_65 = vector.extract %slice3A_64[0] : i32 from vector<1xi32>
    %gt3A_66 = arith.constant 0 : i32
    %gt3A_67 = arith.cmpi sgt, %squeeze3A_65, %gt3A_66 : i32
    %slice3A_68 = vector.extract_strided_slice %get3A_30 {offsets = [10], sizes = [1], strides = [1]} : vector<16xi32> to vector<1xi32>
    %squeeze3A_69 = vector.extract %slice3A_68[0] : i32 from vector<1xi32>
    %gt3A_70 = arith.constant 0 : i32
    %gt3A_71 = arith.cmpi sgt, %squeeze3A_69, %gt3A_70 : i32
    %slice3A_72 = vector.extract_strided_slice %get3A_30 {offsets = [11], sizes = [1], strides = [1]} : vector<16xi32> to vector<1xi32>
    %squeeze3A_73 = vector.extract %slice3A_72[0] : i32 from vector<1xi32>
    %gt3A_74 = arith.constant 0 : i32
    %gt3A_75 = arith.cmpi sgt, %squeeze3A_73, %gt3A_74 : i32
    %slice3A_76 = vector.extract_strided_slice %get3A_30 {offsets = [12], sizes = [1], strides = [1]} : vector<16xi32> to vector<1xi32>
    %squeeze3A_77 = vector.extract %slice3A_76[0] : i32 from vector<1xi32>
    %gt3A_78 = arith.constant 0 : i32
    %gt3A_79 = arith.cmpi sgt, %squeeze3A_77, %gt3A_78 : i32
    %slice3A_80 = vector.extract_strided_slice %get3A_30 {offsets = [13], sizes = [1], strides = [1]} : vector<16xi32> to vector<1xi32>
    %squeeze3A_81 = vector.extract %slice3A_80[0] : i32 from vector<1xi32>
    %gt3A_82 = arith.constant 0 : i32
    %gt3A_83 = arith.cmpi sgt, %squeeze3A_81, %gt3A_82 : i32
    %slice3A_84 = vector.extract_strided_slice %get3A_30 {offsets = [14], sizes = [1], strides = [1]} : vector<16xi32> to vector<1xi32>
    %squeeze3A_85 = vector.extract %slice3A_84[0] : i32 from vector<1xi32>
    %gt3A_86 = arith.constant 0 : i32
    %gt3A_87 = arith.cmpi sgt, %squeeze3A_85, %gt3A_86 : i32
    %slice3A_88 = vector.extract_strided_slice %get3A_30 {offsets = [15], sizes = [1], strides = [1]} : vector<16xi32> to vector<1xi32>
    %squeeze3A_89 = vector.extract %slice3A_88[0] : i32 from vector<1xi32>
    %gt3A_90 = arith.constant 0 : i32
    %gt3A_91 = arith.cmpi sgt, %squeeze3A_89, %gt3A_90 : i32
    %parallel_loop3A = arith.constant 0 : i32
    %parallel_loop3A_92 = arith.constant 64 : i32
    %parallel_loop3A_93 = arith.constant 1 : i32
    scf.for %parallel_loop3A_204 = %parallel_loop3A to %parallel_loop3A_92 step %parallel_loop3A_93  : i32 {
      %parallel_loop3A_205 = arith.constant 16 : i32
      %parallel_loop3A_206 = arith.muli %parallel_loop3A_204, %parallel_loop3A_205 : i32
      %parallel_loop3A_207 = arith.index_cast %parallel_loop3A_206 : i32 to index
      %parallel_loop3A_208 = tpu.vector_load %arg9[%parallel_loop3A_207] {strides = array<i32>} : memref<2048xf32, #tpu.memory_space<vmem>>, vector<16xf32>,
      %parallel_loop3A_209 = vector.shape_cast %parallel_loop3A_208 : vector<16xf32> to vector<16xf32>
      %parallel_loop3A_210 = arith.constant 1024 : i32
      %parallel_loop3A_211 = arith.addi %parallel_loop3A_210, %parallel_loop3A_206 : i32
      %parallel_loop3A_212 = arith.index_cast %parallel_loop3A_211 : i32 to index
      %parallel_loop3A_213 = tpu.vector_load %arg9[%parallel_loop3A_212] {strides = array<i32>} : memref<2048xf32, #tpu.memory_space<vmem>>, vector<16xf32>,
      %parallel_loop3A_214 = vector.shape_cast %parallel_loop3A_213 : vector<16xf32> to vector<16xf32>
      %parallel_loop3A_215 = arith.select %gt3A_31, %parallel_loop3A_214, %parallel_loop3A_209 : vector<16xf32>
      %parallel_loop3A_216 = arith.constant 0 : i32
      %parallel_loop3A_217 = arith.index_cast %parallel_loop3A_216 : i32 to index
      %parallel_loop3A_218 = arith.index_cast %parallel_loop3A_206 : i32 to index
      %parallel_loop3A_219 = tpu.vector_load %arg10[%parallel_loop3A_217, %parallel_loop3A_218] {strides = array<i32>} : memref<32x1024xf32, #tpu.memory_space<vmem>>, vector<1x16xf32>,
      %parallel_loop3A_220 = vector.shape_cast %parallel_loop3A_219 : vector<1x16xf32> to vector<16xf32>
      %parallel_loop3A_221 = arith.addf %parallel_loop3A_220, %parallel_loop3A_215 : vector<16xf32>
      %parallel_loop3A_222 = arith.constant 0 : i32
      %parallel_loop3A_223 = arith.index_cast %parallel_loop3A_222 : i32 to index
      %parallel_loop3A_224 = arith.index_cast %parallel_loop3A_206 : i32 to index
      %parallel_loop3A_225 = tpu.vector_load %arg10[%parallel_loop3A_223, %parallel_loop3A_224] {strides = array<i32>} : memref<32x1024xf32, #tpu.memory_space<vmem>>, vector<1x16xf32>,
      %parallel_loop3A_226 = vector.shape_cast %parallel_loop3A_225 : vector<1x16xf32> to vector<16xf32>
      %parallel_loop3A_227 = vector.shape_cast %parallel_loop3A_221 : vector<16xf32> to vector<1x16xf32>
      tpu.vector_store %arg10[%parallel_loop3A_223, %parallel_loop3A_224], %parallel_loop3A_227 {strides = array<i32>} : memref<32x1024xf32, #tpu.memory_space<vmem>>, vector<1x16xf32>,
      %parallel_loop3A_228 = arith.select %gt3A_35, %parallel_loop3A_214, %parallel_loop3A_209 : vector<16xf32>
      %parallel_loop3A_229 = arith.constant 1 : i32
      %parallel_loop3A_230 = arith.index_cast %parallel_loop3A_229 : i32 to index
      %parallel_loop3A_231 = arith.index_cast %parallel_loop3A_206 : i32 to index
      %parallel_loop3A_232 = tpu.vector_load %arg10[%parallel_loop3A_230, %parallel_loop3A_231] {strides = array<i32>} : memref<32x1024xf32, #tpu.memory_space<vmem>>, vector<1x16xf32>,
      %parallel_loop3A_233 = vector.shape_cast %parallel_loop3A_232 : vector<1x16xf32> to vector<16xf32>
      %parallel_loop3A_234 = arith.addf %parallel_loop3A_233, %parallel_loop3A_228 : vector<16xf32>
      %parallel_loop3A_235 = arith.constant 1 : i32
      %parallel_loop3A_236 = arith.index_cast %parallel_loop3A_235 : i32 to index
      %parallel_loop3A_237 = arith.index_cast %parallel_loop3A_206 : i32 to index
      %parallel_loop3A_238 = tpu.vector_load %arg10[%parallel_loop3A_236, %parallel_loop3A_237] {strides = array<i32>} : memref<32x1024xf32, #tpu.memory_space<vmem>>, vector<1x16xf32>,
      %parallel_loop3A_239 = vector.shape_cast %parallel_loop3A_238 : vector<1x16xf32> to vector<16xf32>
      %parallel_loop3A_240 = vector.shape_cast %parallel_loop3A_234 : vector<16xf32> to vector<1x16xf32>
      tpu.vector_store %arg10[%parallel_loop3A_236, %parallel_loop3A_237], %parallel_loop3A_240 {strides = array<i32>} : memref<32x1024xf32, #tpu.memory_space<vmem>>, vector<1x16xf32>,
      %parallel_loop3A_241 = arith.select %gt3A_39, %parallel_loop3A_214, %parallel_loop3A_209 : vector<16xf32>
      %parallel_loop3A_242 = arith.constant 2 : i32
      %parallel_loop3A_243 = arith.index_cast %parallel_loop3A_242 : i32 to index
      %parallel_loop3A_244 = arith.index_cast %parallel_loop3A_206 : i32 to index
      %parallel_loop3A_245 = tpu.vector_load %arg10[%parallel_loop3A_243, %parallel_loop3A_244] {strides = array<i32>} : memref<32x1024xf32, #tpu.memory_space<vmem>>, vector<1x16xf32>,
      %parallel_loop3A_246 = vector.shape_cast %parallel_loop3A_245 : vector<1x16xf32> to vector<16xf32>
      %parallel_loop3A_247 = arith.addf %parallel_loop3A_246, %parallel_loop3A_241 : vector<16xf32>
      %parallel_loop3A_248 = arith.constant 2 : i32
      %parallel_loop3A_249 = arith.index_cast %parallel_loop3A_248 : i32 to index
      %parallel_loop3A_250 = arith.index_cast %parallel_loop3A_206 : i32 to index
      %parallel_loop3A_251 = tpu.vector_load %arg10[%parallel_loop3A_249, %parallel_loop3A_250] {strides = array<i32>} : memref<32x1024xf32, #tpu.memory_space<vmem>>, vector<1x16xf32>,
      %parallel_loop3A_252 = vector.shape_cast %parallel_loop3A_251 : vector<1x16xf32> to vector<16xf32>
      %parallel_loop3A_253 = vector.shape_cast %parallel_loop3A_247 : vector<16xf32> to vector<1x16xf32>
      tpu.vector_store %arg10[%parallel_loop3A_249, %parallel_loop3A_250], %parallel_loop3A_253 {strides = array<i32>} : memref<32x1024xf32, #tpu.memory_space<vmem>>, vector<1x16xf32>,
      %parallel_loop3A_254 = arith.select %gt3A_43, %parallel_loop3A_214, %parallel_loop3A_209 : vector<16xf32>
      %parallel_loop3A_255 = arith.constant 3 : i32
      %parallel_loop3A_256 = arith.index_cast %parallel_loop3A_255 : i32 to index
      %parallel_loop3A_257 = arith.index_cast %parallel_loop3A_206 : i32 to index
      %parallel_loop3A_258 = tpu.vector_load %arg10[%parallel_loop3A_256, %parallel_loop3A_257] {strides = array<i32>} : memref<32x1024xf32, #tpu.memory_space<vmem>>, vector<1x16xf32>,
      %parallel_loop3A_259 = vector.shape_cast %parallel_loop3A_258 : vector<1x16xf32> to vector<16xf32>
      %parallel_loop3A_260 = arith.addf %parallel_loop3A_259, %parallel_loop3A_254 : vector<16xf32>
      %parallel_loop3A_261 = arith.constant 3 : i32
      %parallel_loop3A_262 = arith.index_cast %parallel_loop3A_261 : i32 to index
      %parallel_loop3A_263 = arith.index_cast %parallel_loop3A_206 : i32 to index
      %parallel_loop3A_264 = tpu.vector_load %arg10[%parallel_loop3A_262, %parallel_loop3A_263] {strides = array<i32>} : memref<32x1024xf32, #tpu.memory_space<vmem>>, vector<1x16xf32>,
      %parallel_loop3A_265 = vector.shape_cast %parallel_loop3A_264 : vector<1x16xf32> to vector<16xf32>
      %parallel_loop3A_266 = vector.shape_cast %parallel_loop3A_260 : vector<16xf32> to vector<1x16xf32>
      tpu.vector_store %arg10[%parallel_loop3A_262, %parallel_loop3A_263], %parallel_loop3A_266 {strides = array<i32>} : memref<32x1024xf32, #tpu.memory_space<vmem>>, vector<1x16xf32>,
      %parallel_loop3A_267 = arith.select %gt3A_47, %parallel_loop3A_214, %parallel_loop3A_209 : vector<16xf32>
      %parallel_loop3A_268 = arith.constant 4 : i32
      %parallel_loop3A_269 = arith.index_cast %parallel_loop3A_268 : i32 to index
      %parallel_loop3A_270 = arith.index_cast %parallel_loop3A_206 : i32 to index
      %parallel_loop3A_271 = tpu.vector_load %arg10[%parallel_loop3A_269, %parallel_loop3A_270] {strides = array<i32>} : memref<32x1024xf32, #tpu.memory_space<vmem>>, vector<1x16xf32>,
      %parallel_loop3A_272 = vector.shape_cast %parallel_loop3A_271 : vector<1x16xf32> to vector<16xf32>
      %parallel_loop3A_273 = arith.addf %parallel_loop3A_272, %parallel_loop3A_267 : vector<16xf32>
      %parallel_loop3A_274 = arith.constant 4 : i32
      %parallel_loop3A_275 = arith.index_cast %parallel_loop3A_274 : i32 to index
      %parallel_loop3A_276 = arith.index_cast %parallel_loop3A_206 : i32 to index
      %parallel_loop3A_277 = tpu.vector_load %arg10[%parallel_loop3A_275, %parallel_loop3A_276] {strides = array<i32>} : memref<32x1024xf32, #tpu.memory_space<vmem>>, vector<1x16xf32>,
      %parallel_loop3A_278 = vector.shape_cast %parallel_loop3A_277 : vector<1x16xf32> to vector<16xf32>
      %parallel_loop3A_279 = vector.shape_cast %parallel_loop3A_273 : vector<16xf32> to vector<1x16xf32>
      tpu.vector_store %arg10[%parallel_loop3A_275, %parallel_loop3A_276], %parallel_loop3A_279 {strides = array<i32>} : memref<32x1024xf32, #tpu.memory_space<vmem>>, vector<1x16xf32>,
      %parallel_loop3A_280 = arith.select %gt3A_51, %parallel_loop3A_214, %parallel_loop3A_209 : vector<16xf32>
      %parallel_loop3A_281 = arith.constant 5 : i32
      %parallel_loop3A_282 = arith.index_cast %parallel_loop3A_281 : i32 to index
      %parallel_loop3A_283 = arith.index_cast %parallel_loop3A_206 : i32 to index
      %parallel_loop3A_284 = tpu.vector_load %arg10[%parallel_loop3A_282, %parallel_loop3A_283] {strides = array<i32>} : memref<32x1024xf32, #tpu.memory_space<vmem>>, vector<1x16xf32>,
      %parallel_loop3A_285 = vector.shape_cast %parallel_loop3A_284 : vector<1x16xf32> to vector<16xf32>
      %parallel_loop3A_286 = arith.addf %parallel_loop3A_285, %parallel_loop3A_280 : vector<16xf32>
      %parallel_loop3A_287 = arith.constant 5 : i32
      %parallel_loop3A_288 = arith.index_cast %parallel_loop3A_287 : i32 to index
      %parallel_loop3A_289 = arith.index_cast %parallel_loop3A_206 : i32 to index
      %parallel_loop3A_290 = tpu.vector_load %arg10[%parallel_loop3A_288, %parallel_loop3A_289] {strides = array<i32>} : memref<32x1024xf32, #tpu.memory_space<vmem>>, vector<1x16xf32>,
      %parallel_loop3A_291 = vector.shape_cast %parallel_loop3A_290 : vector<1x16xf32> to vector<16xf32>
      %parallel_loop3A_292 = vector.shape_cast %parallel_loop3A_286 : vector<16xf32> to vector<1x16xf32>
      tpu.vector_store %arg10[%parallel_loop3A_288, %parallel_loop3A_289], %parallel_loop3A_292 {strides = array<i32>} : memref<32x1024xf32, #tpu.memory_space<vmem>>, vector<1x16xf32>,
      %parallel_loop3A_293 = arith.select %gt3A_55, %parallel_loop3A_214, %parallel_loop3A_209 : vector<16xf32>
      %parallel_loop3A_294 = arith.constant 6 : i32
      %parallel_loop3A_295 = arith.index_cast %parallel_loop3A_294 : i32 to index
      %parallel_loop3A_296 = arith.index_cast %parallel_loop3A_206 : i32 to index
      %parallel_loop3A_297 = tpu.vector_load %arg10[%parallel_loop3A_295, %parallel_loop3A_296] {strides = array<i32>} : memref<32x1024xf32, #tpu.memory_space<vmem>>, vector<1x16xf32>,
      %parallel_loop3A_298 = vector.shape_cast %parallel_loop3A_297 : vector<1x16xf32> to vector<16xf32>
      %parallel_loop3A_299 = arith.addf %parallel_loop3A_298, %parallel_loop3A_293 : vector<16xf32>
      %parallel_loop3A_300 = arith.constant 6 : i32
      %parallel_loop3A_301 = arith.index_cast %parallel_loop3A_300 : i32 to index
      %parallel_loop3A_302 = arith.index_cast %parallel_loop3A_206 : i32 to index
      %parallel_loop3A_303 = tpu.vector_load %arg10[%parallel_loop3A_301, %parallel_loop3A_302] {strides = array<i32>} : memref<32x1024xf32, #tpu.memory_space<vmem>>, vector<1x16xf32>,
      %parallel_loop3A_304 = vector.shape_cast %parallel_loop3A_303 : vector<1x16xf32> to vector<16xf32>
      %parallel_loop3A_305 = vector.shape_cast %parallel_loop3A_299 : vector<16xf32> to vector<1x16xf32>
      tpu.vector_store %arg10[%parallel_loop3A_301, %parallel_loop3A_302], %parallel_loop3A_305 {strides = array<i32>} : memref<32x1024xf32, #tpu.memory_space<vmem>>, vector<1x16xf32>,
      %parallel_loop3A_306 = arith.select %gt3A_59, %parallel_loop3A_214, %parallel_loop3A_209 : vector<16xf32>
      %parallel_loop3A_307 = arith.constant 7 : i32
      %parallel_loop3A_308 = arith.index_cast %parallel_loop3A_307 : i32 to index
      %parallel_loop3A_309 = arith.index_cast %parallel_loop3A_206 : i32 to index
      %parallel_loop3A_310 = tpu.vector_load %arg10[%parallel_loop3A_308, %parallel_loop3A_309] {strides = array<i32>} : memref<32x1024xf32, #tpu.memory_space<vmem>>, vector<1x16xf32>,
      %parallel_loop3A_311 = vector.shape_cast %parallel_loop3A_310 : vector<1x16xf32> to vector<16xf32>
      %parallel_loop3A_312 = arith.addf %parallel_loop3A_311, %parallel_loop3A_306 : vector<16xf32>
      %parallel_loop3A_313 = arith.constant 7 : i32
      %parallel_loop3A_314 = arith.index_cast %parallel_loop3A_313 : i32 to index
      %parallel_loop3A_315 = arith.index_cast %parallel_loop3A_206 : i32 to index
      %parallel_loop3A_316 = tpu.vector_load %arg10[%parallel_loop3A_314, %parallel_loop3A_315] {strides = array<i32>} : memref<32x1024xf32, #tpu.memory_space<vmem>>, vector<1x16xf32>,
      %parallel_loop3A_317 = vector.shape_cast %parallel_loop3A_316 : vector<1x16xf32> to vector<16xf32>
      %parallel_loop3A_318 = vector.shape_cast %parallel_loop3A_312 : vector<16xf32> to vector<1x16xf32>
      tpu.vector_store %arg10[%parallel_loop3A_314, %parallel_loop3A_315], %parallel_loop3A_318 {strides = array<i32>} : memref<32x1024xf32, #tpu.memory_space<vmem>>, vector<1x16xf32>,
      %parallel_loop3A_319 = arith.select %gt3A_63, %parallel_loop3A_214, %parallel_loop3A_209 : vector<16xf32>
      %parallel_loop3A_320 = arith.constant 8 : i32
      %parallel_loop3A_321 = arith.index_cast %parallel_loop3A_320 : i32 to index
      %parallel_loop3A_322 = arith.index_cast %parallel_loop3A_206 : i32 to index
      %parallel_loop3A_323 = tpu.vector_load %arg10[%parallel_loop3A_321, %parallel_loop3A_322] {strides = array<i32>} : memref<32x1024xf32, #tpu.memory_space<vmem>>, vector<1x16xf32>,
      %parallel_loop3A_324 = vector.shape_cast %parallel_loop3A_323 : vector<1x16xf32> to vector<16xf32>
      %parallel_loop3A_325 = arith.addf %parallel_loop3A_324, %parallel_loop3A_319 : vector<16xf32>
      %parallel_loop3A_326 = arith.constant 8 : i32
      %parallel_loop3A_327 = arith.index_cast %parallel_loop3A_326 : i32 to index
      %parallel_loop3A_328 = arith.index_cast %parallel_loop3A_206 : i32 to index
      %parallel_loop3A_329 = tpu.vector_load %arg10[%parallel_loop3A_327, %parallel_loop3A_328] {strides = array<i32>} : memref<32x1024xf32, #tpu.memory_space<vmem>>, vector<1x16xf32>,
      %parallel_loop3A_330 = vector.shape_cast %parallel_loop3A_329 : vector<1x16xf32> to vector<16xf32>
      %parallel_loop3A_331 = vector.shape_cast %parallel_loop3A_325 : vector<16xf32> to vector<1x16xf32>
      tpu.vector_store %arg10[%parallel_loop3A_327, %parallel_loop3A_328], %parallel_loop3A_331 {strides = array<i32>} : memref<32x1024xf32, #tpu.memory_space<vmem>>, vector<1x16xf32>,
      %parallel_loop3A_332 = arith.select %gt3A_67, %parallel_loop3A_214, %parallel_loop3A_209 : vector<16xf32>
      %parallel_loop3A_333 = arith.constant 9 : i32
      %parallel_loop3A_334 = arith.index_cast %parallel_loop3A_333 : i32 to index
      %parallel_loop3A_335 = arith.index_cast %parallel_loop3A_206 : i32 to index
      %parallel_loop3A_336 = tpu.vector_load %arg10[%parallel_loop3A_334, %parallel_loop3A_335] {strides = array<i32>} : memref<32x1024xf32, #tpu.memory_space<vmem>>, vector<1x16xf32>,
      %parallel_loop3A_337 = vector.shape_cast %parallel_loop3A_336 : vector<1x16xf32> to vector<16xf32>
      %parallel_loop3A_338 = arith.addf %parallel_loop3A_337, %parallel_loop3A_332 : vector<16xf32>
      %parallel_loop3A_339 = arith.constant 9 : i32
      %parallel_loop3A_340 = arith.index_cast %parallel_loop3A_339 : i32 to index
      %parallel_loop3A_341 = arith.index_cast %parallel_loop3A_206 : i32 to index
      %parallel_loop3A_342 = tpu.vector_load %arg10[%parallel_loop3A_340, %parallel_loop3A_341] {strides = array<i32>} : memref<32x1024xf32, #tpu.memory_space<vmem>>, vector<1x16xf32>,
      %parallel_loop3A_343 = vector.shape_cast %parallel_loop3A_342 : vector<1x16xf32> to vector<16xf32>
      %parallel_loop3A_344 = vector.shape_cast %parallel_loop3A_338 : vector<16xf32> to vector<1x16xf32>
      tpu.vector_store %arg10[%parallel_loop3A_340, %parallel_loop3A_341], %parallel_loop3A_344 {strides = array<i32>} : memref<32x1024xf32, #tpu.memory_space<vmem>>, vector<1x16xf32>,
      %parallel_loop3A_345 = arith.select %gt3A_71, %parallel_loop3A_214, %parallel_loop3A_209 : vector<16xf32>
      %parallel_loop3A_346 = arith.constant 10 : i32
      %parallel_loop3A_347 = arith.index_cast %parallel_loop3A_346 : i32 to index
      %parallel_loop3A_348 = arith.index_cast %parallel_loop3A_206 : i32 to index
      %parallel_loop3A_349 = tpu.vector_load %arg10[%parallel_loop3A_347, %parallel_loop3A_348] {strides = array<i32>} : memref<32x1024xf32, #tpu.memory_space<vmem>>, vector<1x16xf32>,
      %parallel_loop3A_350 = vector.shape_cast %parallel_loop3A_349 : vector<1x16xf32> to vector<16xf32>
      %parallel_loop3A_351 = arith.addf %parallel_loop3A_350, %parallel_loop3A_345 : vector<16xf32>
      %parallel_loop3A_352 = arith.constant 10 : i32
      %parallel_loop3A_353 = arith.index_cast %parallel_loop3A_352 : i32 to index
      %parallel_loop3A_354 = arith.index_cast %parallel_loop3A_206 : i32 to index
      %parallel_loop3A_355 = tpu.vector_load %arg10[%parallel_loop3A_353, %parallel_loop3A_354] {strides = array<i32>} : memref<32x1024xf32, #tpu.memory_space<vmem>>, vector<1x16xf32>,
      %parallel_loop3A_356 = vector.shape_cast %parallel_loop3A_355 : vector<1x16xf32> to vector<16xf32>
      %parallel_loop3A_357 = vector.shape_cast %parallel_loop3A_351 : vector<16xf32> to vector<1x16xf32>
      tpu.vector_store %arg10[%parallel_loop3A_353, %parallel_loop3A_354], %parallel_loop3A_357 {strides = array<i32>} : memref<32x1024xf32, #tpu.memory_space<vmem>>, vector<1x16xf32>,
      %parallel_loop3A_358 = arith.select %gt3A_75, %parallel_loop3A_214, %parallel_loop3A_209 : vector<16xf32>
      %parallel_loop3A_359 = arith.constant 11 : i32
      %parallel_loop3A_360 = arith.index_cast %parallel_loop3A_359 : i32 to index
      %parallel_loop3A_361 = arith.index_cast %parallel_loop3A_206 : i32 to index
      %parallel_loop3A_362 = tpu.vector_load %arg10[%parallel_loop3A_360, %parallel_loop3A_361] {strides = array<i32>} : memref<32x1024xf32, #tpu.memory_space<vmem>>, vector<1x16xf32>,
      %parallel_loop3A_363 = vector.shape_cast %parallel_loop3A_362 : vector<1x16xf32> to vector<16xf32>
      %parallel_loop3A_364 = arith.addf %parallel_loop3A_363, %parallel_loop3A_358 : vector<16xf32>
      %parallel_loop3A_365 = arith.constant 11 : i32
      %parallel_loop3A_366 = arith.index_cast %parallel_loop3A_365 : i32 to index
      %parallel_loop3A_367 = arith.index_cast %parallel_loop3A_206 : i32 to index
      %parallel_loop3A_368 = tpu.vector_load %arg10[%parallel_loop3A_366, %parallel_loop3A_367] {strides = array<i32>} : memref<32x1024xf32, #tpu.memory_space<vmem>>, vector<1x16xf32>,
      %parallel_loop3A_369 = vector.shape_cast %parallel_loop3A_368 : vector<1x16xf32> to vector<16xf32>
      %parallel_loop3A_370 = vector.shape_cast %parallel_loop3A_364 : vector<16xf32> to vector<1x16xf32>
      tpu.vector_store %arg10[%parallel_loop3A_366, %parallel_loop3A_367], %parallel_loop3A_370 {strides = array<i32>} : memref<32x1024xf32, #tpu.memory_space<vmem>>, vector<1x16xf32>,
      %parallel_loop3A_371 = arith.select %gt3A_79, %parallel_loop3A_214, %parallel_loop3A_209 : vector<16xf32>
      %parallel_loop3A_372 = arith.constant 12 : i32
      %parallel_loop3A_373 = arith.index_cast %parallel_loop3A_372 : i32 to index
      %parallel_loop3A_374 = arith.index_cast %parallel_loop3A_206 : i32 to index
      %parallel_loop3A_375 = tpu.vector_load %arg10[%parallel_loop3A_373, %parallel_loop3A_374] {strides = array<i32>} : memref<32x1024xf32, #tpu.memory_space<vmem>>, vector<1x16xf32>,
      %parallel_loop3A_376 = vector.shape_cast %parallel_loop3A_375 : vector<1x16xf32> to vector<16xf32>
      %parallel_loop3A_377 = arith.addf %parallel_loop3A_376, %parallel_loop3A_371 : vector<16xf32>
      %parallel_loop3A_378 = arith.constant 12 : i32
      %parallel_loop3A_379 = arith.index_cast %parallel_loop3A_378 : i32 to index
      %parallel_loop3A_380 = arith.index_cast %parallel_loop3A_206 : i32 to index
      %parallel_loop3A_381 = tpu.vector_load %arg10[%parallel_loop3A_379, %parallel_loop3A_380] {strides = array<i32>} : memref<32x1024xf32, #tpu.memory_space<vmem>>, vector<1x16xf32>,
      %parallel_loop3A_382 = vector.shape_cast %parallel_loop3A_381 : vector<1x16xf32> to vector<16xf32>
      %parallel_loop3A_383 = vector.shape_cast %parallel_loop3A_377 : vector<16xf32> to vector<1x16xf32>
      tpu.vector_store %arg10[%parallel_loop3A_379, %parallel_loop3A_380], %parallel_loop3A_383 {strides = array<i32>} : memref<32x1024xf32, #tpu.memory_space<vmem>>, vector<1x16xf32>,
      %parallel_loop3A_384 = arith.select %gt3A_83, %parallel_loop3A_214, %parallel_loop3A_209 : vector<16xf32>
      %parallel_loop3A_385 = arith.constant 13 : i32
      %parallel_loop3A_386 = arith.index_cast %parallel_loop3A_385 : i32 to index
      %parallel_loop3A_387 = arith.index_cast %parallel_loop3A_206 : i32 to index
      %parallel_loop3A_388 = tpu.vector_load %arg10[%parallel_loop3A_386, %parallel_loop3A_387] {strides = array<i32>} : memref<32x1024xf32, #tpu.memory_space<vmem>>, vector<1x16xf32>,
      %parallel_loop3A_389 = vector.shape_cast %parallel_loop3A_388 : vector<1x16xf32> to vector<16xf32>
      %parallel_loop3A_390 = arith.addf %parallel_loop3A_389, %parallel_loop3A_384 : vector<16xf32>
      %parallel_loop3A_391 = arith.constant 13 : i32
      %parallel_loop3A_392 = arith.index_cast %parallel_loop3A_391 : i32 to index
      %parallel_loop3A_393 = arith.index_cast %parallel_loop3A_206 : i32 to index
      %parallel_loop3A_394 = tpu.vector_load %arg10[%parallel_loop3A_392, %parallel_loop3A_393] {strides = array<i32>} : memref<32x1024xf32, #tpu.memory_space<vmem>>, vector<1x16xf32>,
      %parallel_loop3A_395 = vector.shape_cast %parallel_loop3A_394 : vector<1x16xf32> to vector<16xf32>
      %parallel_loop3A_396 = vector.shape_cast %parallel_loop3A_390 : vector<16xf32> to vector<1x16xf32>
      tpu.vector_store %arg10[%parallel_loop3A_392, %parallel_loop3A_393], %parallel_loop3A_396 {strides = array<i32>} : memref<32x1024xf32, #tpu.memory_space<vmem>>, vector<1x16xf32>,
      %parallel_loop3A_397 = arith.select %gt3A_87, %parallel_loop3A_214, %parallel_loop3A_209 : vector<16xf32>
      %parallel_loop3A_398 = arith.constant 14 : i32
      %parallel_loop3A_399 = arith.index_cast %parallel_loop3A_398 : i32 to index
      %parallel_loop3A_400 = arith.index_cast %parallel_loop3A_206 : i32 to index
      %parallel_loop3A_401 = tpu.vector_load %arg10[%parallel_loop3A_399, %parallel_loop3A_400] {strides = array<i32>} : memref<32x1024xf32, #tpu.memory_space<vmem>>, vector<1x16xf32>,
      %parallel_loop3A_402 = vector.shape_cast %parallel_loop3A_401 : vector<1x16xf32> to vector<16xf32>
      %parallel_loop3A_403 = arith.addf %parallel_loop3A_402, %parallel_loop3A_397 : vector<16xf32>
      %parallel_loop3A_404 = arith.constant 14 : i32
      %parallel_loop3A_405 = arith.index_cast %parallel_loop3A_404 : i32 to index
      %parallel_loop3A_406 = arith.index_cast %parallel_loop3A_206 : i32 to index
      %parallel_loop3A_407 = tpu.vector_load %arg10[%parallel_loop3A_405, %parallel_loop3A_406] {strides = array<i32>} : memref<32x1024xf32, #tpu.memory_space<vmem>>, vector<1x16xf32>,
      %parallel_loop3A_408 = vector.shape_cast %parallel_loop3A_407 : vector<1x16xf32> to vector<16xf32>
      %parallel_loop3A_409 = vector.shape_cast %parallel_loop3A_403 : vector<16xf32> to vector<1x16xf32>
      tpu.vector_store %arg10[%parallel_loop3A_405, %parallel_loop3A_406], %parallel_loop3A_409 {strides = array<i32>} : memref<32x1024xf32, #tpu.memory_space<vmem>>, vector<1x16xf32>,
      %parallel_loop3A_410 = arith.select %gt3A_91, %parallel_loop3A_214, %parallel_loop3A_209 : vector<16xf32>
      %parallel_loop3A_411 = arith.constant 15 : i32
      %parallel_loop3A_412 = arith.index_cast %parallel_loop3A_411 : i32 to index
      %parallel_loop3A_413 = arith.index_cast %parallel_loop3A_206 : i32 to index
      %parallel_loop3A_414 = tpu.vector_load %arg10[%parallel_loop3A_412, %parallel_loop3A_413] {strides = array<i32>} : memref<32x1024xf32, #tpu.memory_space<vmem>>, vector<1x16xf32>,
      %parallel_loop3A_415 = vector.shape_cast %parallel_loop3A_414 : vector<1x16xf32> to vector<16xf32>
      %parallel_loop3A_416 = arith.addf %parallel_loop3A_415, %parallel_loop3A_410 : vector<16xf32>
      %parallel_loop3A_417 = arith.constant 15 : i32
      %parallel_loop3A_418 = arith.index_cast %parallel_loop3A_417 : i32 to index
      %parallel_loop3A_419 = arith.index_cast %parallel_loop3A_206 : i32 to index
      %parallel_loop3A_420 = tpu.vector_load %arg10[%parallel_loop3A_418, %parallel_loop3A_419] {strides = array<i32>} : memref<32x1024xf32, #tpu.memory_space<vmem>>, vector<1x16xf32>,
      %parallel_loop3A_421 = vector.shape_cast %parallel_loop3A_420 : vector<1x16xf32> to vector<16xf32>
      %parallel_loop3A_422 = vector.shape_cast %parallel_loop3A_416 : vector<16xf32> to vector<1x16xf32>
      tpu.vector_store %arg10[%parallel_loop3A_418, %parallel_loop3A_419], %parallel_loop3A_422 {strides = array<i32>} : memref<32x1024xf32, #tpu.memory_space<vmem>>, vector<1x16xf32>,
    } {sc.loop_unroll_factor = 1 : i64, sc.parallel_access}
    %add3A_94 = arith.constant 480 : i32
    %add3A_95 = arith.addi %mul3A_2, %add3A_94 : i32
    %add3A_96 = arith.constant 0 : i32
    %add3A_97 = arith.addi %add3A_95, %add3A_96 : i32
    %dma_start3A_98 = arith.constant 0 : i32
    %dma_start3A_99 = arith.constant 0 : i32
    %dma_start3A_100 = tpu.memref_slice %arg10[%dma_start3A_98, %dma_start3A_99] : memref<32x1024xf32, #tpu.memory_space<vmem>> -> memref<16x1024xf32, #tpu.memory_space<vmem>>
    %dma_start3A_101 = arith.constant 0 : i32
    %dma_start3A_102 = tpu.memref_slice %arg6[%add3A_97, %dma_start3A_101] : memref<16384x1024xf32, #tpu.memory_space<hbm>> -> memref<16x1024xf32, #tpu.memory_space<hbm>>
    %dma_start3A_103 = arith.constant 0 : i32
    %dma_start3A_104 = tpu.memref_slice %arg6[%add3A_97, %dma_start3A_103] : memref<16384x1024xf32, #tpu.memory_space<hbm>> -> memref<16x1024xf32, #tpu.memory_space<hbm>>
    %dma_start3A_105 = arith.constant 0 : i32
    %dma_start3A_106 = arith.constant 0 : i32
    %dma_start3A_107 = tpu.memref_slice %arg10[%dma_start3A_105, %dma_start3A_106] : memref<32x1024xf32, #tpu.memory_space<vmem>> -> memref<16x1024xf32, #tpu.memory_space<vmem>>
    tpu.enqueue_dma source(%dma_start3A_107 : memref<16x1024xf32, #tpu.memory_space<vmem>>) target(%dma_start3A_104 : memref<16x1024xf32, #tpu.memory_space<hbm>>) target_semaphore(%arg16 : memref<!tpu.dma_semaphore, #tpu.memory_space<semaphore_mem>>)
    %get3A_108 = arith.constant 496 : index
    %get3A_109 = tpu.vector_load %arg8[%get3A_108] {strides = array<i32>} : memref<512xi32, #tpu.memory_space<vmem>>, vector<16xi32>,
    %get3A_110 = vector.shape_cast %get3A_109 : vector<16xi32> to vector<16xi32>
    %slice3A_111 = vector.extract_strided_slice %get3A_110 {offsets = [0], sizes = [1], strides = [1]} : vector<16xi32> to vector<1xi32>
    %squeeze3A_112 = vector.extract %slice3A_111[0] : i32 from vector<1xi32>
    %gt3A_113 = arith.constant 0 : i32
    %gt3A_114 = arith.cmpi sgt, %squeeze3A_112, %gt3A_113 : i32
    %slice3A_115 = vector.extract_strided_slice %get3A_110 {offsets = [1], sizes = [1], strides = [1]} : vector<16xi32> to vector<1xi32>
    %squeeze3A_116 = vector.extract %slice3A_115[0] : i32 from vector<1xi32>
    %gt3A_117 = arith.constant 0 : i32
    %gt3A_118 = arith.cmpi sgt, %squeeze3A_116, %gt3A_117 : i32
    %slice3A_119 = vector.extract_strided_slice %get3A_110 {offsets = [2], sizes = [1], strides = [1]} : vector<16xi32> to vector<1xi32>
    %squeeze3A_120 = vector.extract %slice3A_119[0] : i32 from vector<1xi32>
    %gt3A_121 = arith.constant 0 : i32
    %gt3A_122 = arith.cmpi sgt, %squeeze3A_120, %gt3A_121 : i32
    %slice3A_123 = vector.extract_strided_slice %get3A_110 {offsets = [3], sizes = [1], strides = [1]} : vector<16xi32> to vector<1xi32>
    %squeeze3A_124 = vector.extract %slice3A_123[0] : i32 from vector<1xi32>
    %gt3A_125 = arith.constant 0 : i32
    %gt3A_126 = arith.cmpi sgt, %squeeze3A_124, %gt3A_125 : i32
    %slice3A_127 = vector.extract_strided_slice %get3A_110 {offsets = [4], sizes = [1], strides = [1]} : vector<16xi32> to vector<1xi32>
    %squeeze3A_128 = vector.extract %slice3A_127[0] : i32 from vector<1xi32>
    %gt3A_129 = arith.constant 0 : i32
    %gt3A_130 = arith.cmpi sgt, %squeeze3A_128, %gt3A_129 : i32
    %slice3A_131 = vector.extract_strided_slice %get3A_110 {offsets = [5], sizes = [1], strides = [1]} : vector<16xi32> to vector<1xi32>
    %squeeze3A_132 = vector.extract %slice3A_131[0] : i32 from vector<1xi32>
    %gt3A_133 = arith.constant 0 : i32
    %gt3A_134 = arith.cmpi sgt, %squeeze3A_132, %gt3A_133 : i32
    %slice3A_135 = vector.extract_strided_slice %get3A_110 {offsets = [6], sizes = [1], strides = [1]} : vector<16xi32> to vector<1xi32>
    %squeeze3A_136 = vector.extract %slice3A_135[0] : i32 from vector<1xi32>
    %gt3A_137 = arith.constant 0 : i32
    %gt3A_138 = arith.cmpi sgt, %squeeze3A_136, %gt3A_137 : i32
    %slice3A_139 = vector.extract_strided_slice %get3A_110 {offsets = [7], sizes = [1], strides = [1]} : vector<16xi32> to vector<1xi32>
    %squeeze3A_140 = vector.extract %slice3A_139[0] : i32 from vector<1xi32>
    %gt3A_141 = arith.constant 0 : i32
    %gt3A_142 = arith.cmpi sgt, %squeeze3A_140, %gt3A_141 : i32
    %slice3A_143 = vector.extract_strided_slice %get3A_110 {offsets = [8], sizes = [1], strides = [1]} : vector<16xi32> to vector<1xi32>
    %squeeze3A_144 = vector.extract %slice3A_143[0] : i32 from vector<1xi32>
    %gt3A_145 = arith.constant 0 : i32
    %gt3A_146 = arith.cmpi sgt, %squeeze3A_144, %gt3A_145 : i32
    %slice3A_147 = vector.extract_strided_slice %get3A_110 {offsets = [9], sizes = [1], strides = [1]} : vector<16xi32> to vector<1xi32>
    %squeeze3A_148 = vector.extract %slice3A_147[0] : i32 from vector<1xi32>
    %gt3A_149 = arith.constant 0 : i32
    %gt3A_150 = arith.cmpi sgt, %squeeze3A_148, %gt3A_149 : i32
    %slice3A_151 = vector.extract_strided_slice %get3A_110 {offsets = [10], sizes = [1], strides = [1]} : vector<16xi32> to vector<1xi32>
    %squeeze3A_152 = vector.extract %slice3A_151[0] : i32 from vector<1xi32>
    %gt3A_153 = arith.constant 0 : i32
    %gt3A_154 = arith.cmpi sgt, %squeeze3A_152, %gt3A_153 : i32
    %slice3A_155 = vector.extract_strided_slice %get3A_110 {offsets = [11], sizes = [1], strides = [1]} : vector<16xi32> to vector<1xi32>
    %squeeze3A_156 = vector.extract %slice3A_155[0] : i32 from vector<1xi32>
    %gt3A_157 = arith.constant 0 : i32
    %gt3A_158 = arith.cmpi sgt, %squeeze3A_156, %gt3A_157 : i32
    %slice3A_159 = vector.extract_strided_slice %get3A_110 {offsets = [12], sizes = [1], strides = [1]} : vector<16xi32> to vector<1xi32>
    %squeeze3A_160 = vector.extract %slice3A_159[0] : i32 from vector<1xi32>
    %gt3A_161 = arith.constant 0 : i32
    %gt3A_162 = arith.cmpi sgt, %squeeze3A_160, %gt3A_161 : i32
    %slice3A_163 = vector.extract_strided_slice %get3A_110 {offsets = [13], sizes = [1], strides = [1]} : vector<16xi32> to vector<1xi32>
    %squeeze3A_164 = vector.extract %slice3A_163[0] : i32 from vector<1xi32>
    %gt3A_165 = arith.constant 0 : i32
    %gt3A_166 = arith.cmpi sgt, %squeeze3A_164, %gt3A_165 : i32
    %slice3A_167 = vector.extract_strided_slice %get3A_110 {offsets = [14], sizes = [1], strides = [1]} : vector<16xi32> to vector<1xi32>
    %squeeze3A_168 = vector.extract %slice3A_167[0] : i32 from vector<1xi32>
    %gt3A_169 = arith.constant 0 : i32
    %gt3A_170 = arith.cmpi sgt, %squeeze3A_168, %gt3A_169 : i32
    %slice3A_171 = vector.extract_strided_slice %get3A_110 {offsets = [15], sizes = [1], strides = [1]} : vector<16xi32> to vector<1xi32>
    %squeeze3A_172 = vector.extract %slice3A_171[0] : i32 from vector<1xi32>
    %gt3A_173 = arith.constant 0 : i32
    %gt3A_174 = arith.cmpi sgt, %squeeze3A_172, %gt3A_173 : i32
    %parallel_loop3A_175 = arith.constant 0 : i32
    %parallel_loop3A_176 = arith.constant 64 : i32
    %parallel_loop3A_177 = arith.constant 1 : i32
    scf.for %parallel_loop3A_204 = %parallel_loop3A_175 to %parallel_loop3A_176 step %parallel_loop3A_177  : i32 {
      %parallel_loop3A_205 = arith.constant 16 : i32
      %parallel_loop3A_206 = arith.muli %parallel_loop3A_204, %parallel_loop3A_205 : i32
      %parallel_loop3A_207 = arith.index_cast %parallel_loop3A_206 : i32 to index
      %parallel_loop3A_208 = tpu.vector_load %arg9[%parallel_loop3A_207] {strides = array<i32>} : memref<2048xf32, #tpu.memory_space<vmem>>, vector<16xf32>,
      %parallel_loop3A_209 = vector.shape_cast %parallel_loop3A_208 : vector<16xf32> to vector<16xf32>
      %parallel_loop3A_210 = arith.constant 1024 : i32
      %parallel_loop3A_211 = arith.addi %parallel_loop3A_210, %parallel_loop3A_206 : i32
      %parallel_loop3A_212 = arith.index_cast %parallel_loop3A_211 : i32 to index
      %parallel_loop3A_213 = tpu.vector_load %arg9[%parallel_loop3A_212] {strides = array<i32>} : memref<2048xf32, #tpu.memory_space<vmem>>, vector<16xf32>,
      %parallel_loop3A_214 = vector.shape_cast %parallel_loop3A_213 : vector<16xf32> to vector<16xf32>
      %parallel_loop3A_215 = arith.select %gt3A_114, %parallel_loop3A_214, %parallel_loop3A_209 : vector<16xf32>
      %parallel_loop3A_216 = arith.constant 16 : i32
      %parallel_loop3A_217 = arith.index_cast %parallel_loop3A_216 : i32 to index
      %parallel_loop3A_218 = arith.index_cast %parallel_loop3A_206 : i32 to index
      %parallel_loop3A_219 = tpu.vector_load %arg10[%parallel_loop3A_217, %parallel_loop3A_218] {strides = array<i32>} : memref<32x1024xf32, #tpu.memory_space<vmem>>, vector<1x16xf32>,
      %parallel_loop3A_220 = vector.shape_cast %parallel_loop3A_219 : vector<1x16xf32> to vector<16xf32>
      %parallel_loop3A_221 = arith.addf %parallel_loop3A_220, %parallel_loop3A_215 : vector<16xf32>
      %parallel_loop3A_222 = arith.constant 16 : i32
      %parallel_loop3A_223 = arith.index_cast %parallel_loop3A_222 : i32 to index
      %parallel_loop3A_224 = arith.index_cast %parallel_loop3A_206 : i32 to index
      %parallel_loop3A_225 = tpu.vector_load %arg10[%parallel_loop3A_223, %parallel_loop3A_224] {strides = array<i32>} : memref<32x1024xf32, #tpu.memory_space<vmem>>, vector<1x16xf32>,
      %parallel_loop3A_226 = vector.shape_cast %parallel_loop3A_225 : vector<1x16xf32> to vector<16xf32>
      %parallel_loop3A_227 = vector.shape_cast %parallel_loop3A_221 : vector<16xf32> to vector<1x16xf32>
      tpu.vector_store %arg10[%parallel_loop3A_223, %parallel_loop3A_224], %parallel_loop3A_227 {strides = array<i32>} : memref<32x1024xf32, #tpu.memory_space<vmem>>, vector<1x16xf32>,
      %parallel_loop3A_228 = arith.select %gt3A_118, %parallel_loop3A_214, %parallel_loop3A_209 : vector<16xf32>
      %parallel_loop3A_229 = arith.constant 17 : i32
      %parallel_loop3A_230 = arith.index_cast %parallel_loop3A_229 : i32 to index
      %parallel_loop3A_231 = arith.index_cast %parallel_loop3A_206 : i32 to index
      %parallel_loop3A_232 = tpu.vector_load %arg10[%parallel_loop3A_230, %parallel_loop3A_231] {strides = array<i32>} : memref<32x1024xf32, #tpu.memory_space<vmem>>, vector<1x16xf32>,
      %parallel_loop3A_233 = vector.shape_cast %parallel_loop3A_232 : vector<1x16xf32> to vector<16xf32>
      %parallel_loop3A_234 = arith.addf %parallel_loop3A_233, %parallel_loop3A_228 : vector<16xf32>
      %parallel_loop3A_235 = arith.constant 17 : i32
      %parallel_loop3A_236 = arith.index_cast %parallel_loop3A_235 : i32 to index
      %parallel_loop3A_237 = arith.index_cast %parallel_loop3A_206 : i32 to index
      %parallel_loop3A_238 = tpu.vector_load %arg10[%parallel_loop3A_236, %parallel_loop3A_237] {strides = array<i32>} : memref<32x1024xf32, #tpu.memory_space<vmem>>, vector<1x16xf32>,
      %parallel_loop3A_239 = vector.shape_cast %parallel_loop3A_238 : vector<1x16xf32> to vector<16xf32>
      %parallel_loop3A_240 = vector.shape_cast %parallel_loop3A_234 : vector<16xf32> to vector<1x16xf32>
      tpu.vector_store %arg10[%parallel_loop3A_236, %parallel_loop3A_237], %parallel_loop3A_240 {strides = array<i32>} : memref<32x1024xf32, #tpu.memory_space<vmem>>, vector<1x16xf32>,
      %parallel_loop3A_241 = arith.select %gt3A_122, %parallel_loop3A_214, %parallel_loop3A_209 : vector<16xf32>
      %parallel_loop3A_242 = arith.constant 18 : i32
      %parallel_loop3A_243 = arith.index_cast %parallel_loop3A_242 : i32 to index
      %parallel_loop3A_244 = arith.index_cast %parallel_loop3A_206 : i32 to index
      %parallel_loop3A_245 = tpu.vector_load %arg10[%parallel_loop3A_243, %parallel_loop3A_244] {strides = array<i32>} : memref<32x1024xf32, #tpu.memory_space<vmem>>, vector<1x16xf32>,
      %parallel_loop3A_246 = vector.shape_cast %parallel_loop3A_245 : vector<1x16xf32> to vector<16xf32>
      %parallel_loop3A_247 = arith.addf %parallel_loop3A_246, %parallel_loop3A_241 : vector<16xf32>
      %parallel_loop3A_248 = arith.constant 18 : i32
      %parallel_loop3A_249 = arith.index_cast %parallel_loop3A_248 : i32 to index
      %parallel_loop3A_250 = arith.index_cast %parallel_loop3A_206 : i32 to index
      %parallel_loop3A_251 = tpu.vector_load %arg10[%parallel_loop3A_249, %parallel_loop3A_250] {strides = array<i32>} : memref<32x1024xf32, #tpu.memory_space<vmem>>, vector<1x16xf32>,
      %parallel_loop3A_252 = vector.shape_cast %parallel_loop3A_251 : vector<1x16xf32> to vector<16xf32>
      %parallel_loop3A_253 = vector.shape_cast %parallel_loop3A_247 : vector<16xf32> to vector<1x16xf32>
      tpu.vector_store %arg10[%parallel_loop3A_249, %parallel_loop3A_250], %parallel_loop3A_253 {strides = array<i32>} : memref<32x1024xf32, #tpu.memory_space<vmem>>, vector<1x16xf32>,
      %parallel_loop3A_254 = arith.select %gt3A_126, %parallel_loop3A_214, %parallel_loop3A_209 : vector<16xf32>
      %parallel_loop3A_255 = arith.constant 19 : i32
      %parallel_loop3A_256 = arith.index_cast %parallel_loop3A_255 : i32 to index
      %parallel_loop3A_257 = arith.index_cast %parallel_loop3A_206 : i32 to index
      %parallel_loop3A_258 = tpu.vector_load %arg10[%parallel_loop3A_256, %parallel_loop3A_257] {strides = array<i32>} : memref<32x1024xf32, #tpu.memory_space<vmem>>, vector<1x16xf32>,
      %parallel_loop3A_259 = vector.shape_cast %parallel_loop3A_258 : vector<1x16xf32> to vector<16xf32>
      %parallel_loop3A_260 = arith.addf %parallel_loop3A_259, %parallel_loop3A_254 : vector<16xf32>
      %parallel_loop3A_261 = arith.constant 19 : i32
      %parallel_loop3A_262 = arith.index_cast %parallel_loop3A_261 : i32 to index
      %parallel_loop3A_263 = arith.index_cast %parallel_loop3A_206 : i32 to index
      %parallel_loop3A_264 = tpu.vector_load %arg10[%parallel_loop3A_262, %parallel_loop3A_263] {strides = array<i32>} : memref<32x1024xf32, #tpu.memory_space<vmem>>, vector<1x16xf32>,
      %parallel_loop3A_265 = vector.shape_cast %parallel_loop3A_264 : vector<1x16xf32> to vector<16xf32>
      %parallel_loop3A_266 = vector.shape_cast %parallel_loop3A_260 : vector<16xf32> to vector<1x16xf32>
      tpu.vector_store %arg10[%parallel_loop3A_262, %parallel_loop3A_263], %parallel_loop3A_266 {strides = array<i32>} : memref<32x1024xf32, #tpu.memory_space<vmem>>, vector<1x16xf32>,
      %parallel_loop3A_267 = arith.select %gt3A_130, %parallel_loop3A_214, %parallel_loop3A_209 : vector<16xf32>
      %parallel_loop3A_268 = arith.constant 20 : i32
      %parallel_loop3A_269 = arith.index_cast %parallel_loop3A_268 : i32 to index
      %parallel_loop3A_270 = arith.index_cast %parallel_loop3A_206 : i32 to index
      %parallel_loop3A_271 = tpu.vector_load %arg10[%parallel_loop3A_269, %parallel_loop3A_270] {strides = array<i32>} : memref<32x1024xf32, #tpu.memory_space<vmem>>, vector<1x16xf32>,
      %parallel_loop3A_272 = vector.shape_cast %parallel_loop3A_271 : vector<1x16xf32> to vector<16xf32>
      %parallel_loop3A_273 = arith.addf %parallel_loop3A_272, %parallel_loop3A_267 : vector<16xf32>
      %parallel_loop3A_274 = arith.constant 20 : i32
      %parallel_loop3A_275 = arith.index_cast %parallel_loop3A_274 : i32 to index
      %parallel_loop3A_276 = arith.index_cast %parallel_loop3A_206 : i32 to index
      %parallel_loop3A_277 = tpu.vector_load %arg10[%parallel_loop3A_275, %parallel_loop3A_276] {strides = array<i32>} : memref<32x1024xf32, #tpu.memory_space<vmem>>, vector<1x16xf32>,
      %parallel_loop3A_278 = vector.shape_cast %parallel_loop3A_277 : vector<1x16xf32> to vector<16xf32>
      %parallel_loop3A_279 = vector.shape_cast %parallel_loop3A_273 : vector<16xf32> to vector<1x16xf32>
      tpu.vector_store %arg10[%parallel_loop3A_275, %parallel_loop3A_276], %parallel_loop3A_279 {strides = array<i32>} : memref<32x1024xf32, #tpu.memory_space<vmem>>, vector<1x16xf32>,
      %parallel_loop3A_280 = arith.select %gt3A_134, %parallel_loop3A_214, %parallel_loop3A_209 : vector<16xf32>
      %parallel_loop3A_281 = arith.constant 21 : i32
      %parallel_loop3A_282 = arith.index_cast %parallel_loop3A_281 : i32 to index
      %parallel_loop3A_283 = arith.index_cast %parallel_loop3A_206 : i32 to index
      %parallel_loop3A_284 = tpu.vector_load %arg10[%parallel_loop3A_282, %parallel_loop3A_283] {strides = array<i32>} : memref<32x1024xf32, #tpu.memory_space<vmem>>, vector<1x16xf32>,
      %parallel_loop3A_285 = vector.shape_cast %parallel_loop3A_284 : vector<1x16xf32> to vector<16xf32>
      %parallel_loop3A_286 = arith.addf %parallel_loop3A_285, %parallel_loop3A_280 : vector<16xf32>
      %parallel_loop3A_287 = arith.constant 21 : i32
      %parallel_loop3A_288 = arith.index_cast %parallel_loop3A_287 : i32 to index
      %parallel_loop3A_289 = arith.index_cast %parallel_loop3A_206 : i32 to index
      %parallel_loop3A_290 = tpu.vector_load %arg10[%parallel_loop3A_288, %parallel_loop3A_289] {strides = array<i32>} : memref<32x1024xf32, #tpu.memory_space<vmem>>, vector<1x16xf32>,
      %parallel_loop3A_291 = vector.shape_cast %parallel_loop3A_290 : vector<1x16xf32> to vector<16xf32>
      %parallel_loop3A_292 = vector.shape_cast %parallel_loop3A_286 : vector<16xf32> to vector<1x16xf32>
      tpu.vector_store %arg10[%parallel_loop3A_288, %parallel_loop3A_289], %parallel_loop3A_292 {strides = array<i32>} : memref<32x1024xf32, #tpu.memory_space<vmem>>, vector<1x16xf32>,
      %parallel_loop3A_293 = arith.select %gt3A_138, %parallel_loop3A_214, %parallel_loop3A_209 : vector<16xf32>
      %parallel_loop3A_294 = arith.constant 22 : i32
      %parallel_loop3A_295 = arith.index_cast %parallel_loop3A_294 : i32 to index
      %parallel_loop3A_296 = arith.index_cast %parallel_loop3A_206 : i32 to index
      %parallel_loop3A_297 = tpu.vector_load %arg10[%parallel_loop3A_295, %parallel_loop3A_296] {strides = array<i32>} : memref<32x1024xf32, #tpu.memory_space<vmem>>, vector<1x16xf32>,
      %parallel_loop3A_298 = vector.shape_cast %parallel_loop3A_297 : vector<1x16xf32> to vector<16xf32>
      %parallel_loop3A_299 = arith.addf %parallel_loop3A_298, %parallel_loop3A_293 : vector<16xf32>
      %parallel_loop3A_300 = arith.constant 22 : i32
      %parallel_loop3A_301 = arith.index_cast %parallel_loop3A_300 : i32 to index
      %parallel_loop3A_302 = arith.index_cast %parallel_loop3A_206 : i32 to index
      %parallel_loop3A_303 = tpu.vector_load %arg10[%parallel_loop3A_301, %parallel_loop3A_302] {strides = array<i32>} : memref<32x1024xf32, #tpu.memory_space<vmem>>, vector<1x16xf32>,
      %parallel_loop3A_304 = vector.shape_cast %parallel_loop3A_303 : vector<1x16xf32> to vector<16xf32>
      %parallel_loop3A_305 = vector.shape_cast %parallel_loop3A_299 : vector<16xf32> to vector<1x16xf32>
      tpu.vector_store %arg10[%parallel_loop3A_301, %parallel_loop3A_302], %parallel_loop3A_305 {strides = array<i32>} : memref<32x1024xf32, #tpu.memory_space<vmem>>, vector<1x16xf32>,
      %parallel_loop3A_306 = arith.select %gt3A_142, %parallel_loop3A_214, %parallel_loop3A_209 : vector<16xf32>
      %parallel_loop3A_307 = arith.constant 23 : i32
      %parallel_loop3A_308 = arith.index_cast %parallel_loop3A_307 : i32 to index
      %parallel_loop3A_309 = arith.index_cast %parallel_loop3A_206 : i32 to index
      %parallel_loop3A_310 = tpu.vector_load %arg10[%parallel_loop3A_308, %parallel_loop3A_309] {strides = array<i32>} : memref<32x1024xf32, #tpu.memory_space<vmem>>, vector<1x16xf32>,
      %parallel_loop3A_311 = vector.shape_cast %parallel_loop3A_310 : vector<1x16xf32> to vector<16xf32>
      %parallel_loop3A_312 = arith.addf %parallel_loop3A_311, %parallel_loop3A_306 : vector<16xf32>
      %parallel_loop3A_313 = arith.constant 23 : i32
      %parallel_loop3A_314 = arith.index_cast %parallel_loop3A_313 : i32 to index
      %parallel_loop3A_315 = arith.index_cast %parallel_loop3A_206 : i32 to index
      %parallel_loop3A_316 = tpu.vector_load %arg10[%parallel_loop3A_314, %parallel_loop3A_315] {strides = array<i32>} : memref<32x1024xf32, #tpu.memory_space<vmem>>, vector<1x16xf32>,
      %parallel_loop3A_317 = vector.shape_cast %parallel_loop3A_316 : vector<1x16xf32> to vector<16xf32>
      %parallel_loop3A_318 = vector.shape_cast %parallel_loop3A_312 : vector<16xf32> to vector<1x16xf32>
      tpu.vector_store %arg10[%parallel_loop3A_314, %parallel_loop3A_315], %parallel_loop3A_318 {strides = array<i32>} : memref<32x1024xf32, #tpu.memory_space<vmem>>, vector<1x16xf32>,
      %parallel_loop3A_319 = arith.select %gt3A_146, %parallel_loop3A_214, %parallel_loop3A_209 : vector<16xf32>
      %parallel_loop3A_320 = arith.constant 24 : i32
      %parallel_loop3A_321 = arith.index_cast %parallel_loop3A_320 : i32 to index
      %parallel_loop3A_322 = arith.index_cast %parallel_loop3A_206 : i32 to index
      %parallel_loop3A_323 = tpu.vector_load %arg10[%parallel_loop3A_321, %parallel_loop3A_322] {strides = array<i32>} : memref<32x1024xf32, #tpu.memory_space<vmem>>, vector<1x16xf32>,
      %parallel_loop3A_324 = vector.shape_cast %parallel_loop3A_323 : vector<1x16xf32> to vector<16xf32>
      %parallel_loop3A_325 = arith.addf %parallel_loop3A_324, %parallel_loop3A_319 : vector<16xf32>
      %parallel_loop3A_326 = arith.constant 24 : i32
      %parallel_loop3A_327 = arith.index_cast %parallel_loop3A_326 : i32 to index
      %parallel_loop3A_328 = arith.index_cast %parallel_loop3A_206 : i32 to index
      %parallel_loop3A_329 = tpu.vector_load %arg10[%parallel_loop3A_327, %parallel_loop3A_328] {strides = array<i32>} : memref<32x1024xf32, #tpu.memory_space<vmem>>, vector<1x16xf32>,
      %parallel_loop3A_330 = vector.shape_cast %parallel_loop3A_329 : vector<1x16xf32> to vector<16xf32>
      %parallel_loop3A_331 = vector.shape_cast %parallel_loop3A_325 : vector<16xf32> to vector<1x16xf32>
      tpu.vector_store %arg10[%parallel_loop3A_327, %parallel_loop3A_328], %parallel_loop3A_331 {strides = array<i32>} : memref<32x1024xf32, #tpu.memory_space<vmem>>, vector<1x16xf32>,
      %parallel_loop3A_332 = arith.select %gt3A_150, %parallel_loop3A_214, %parallel_loop3A_209 : vector<16xf32>
      %parallel_loop3A_333 = arith.constant 25 : i32
      %parallel_loop3A_334 = arith.index_cast %parallel_loop3A_333 : i32 to index
      %parallel_loop3A_335 = arith.index_cast %parallel_loop3A_206 : i32 to index
      %parallel_loop3A_336 = tpu.vector_load %arg10[%parallel_loop3A_334, %parallel_loop3A_335] {strides = array<i32>} : memref<32x1024xf32, #tpu.memory_space<vmem>>, vector<1x16xf32>,
      %parallel_loop3A_337 = vector.shape_cast %parallel_loop3A_336 : vector<1x16xf32> to vector<16xf32>
      %parallel_loop3A_338 = arith.addf %parallel_loop3A_337, %parallel_loop3A_332 : vector<16xf32>
      %parallel_loop3A_339 = arith.constant 25 : i32
      %parallel_loop3A_340 = arith.index_cast %parallel_loop3A_339 : i32 to index
      %parallel_loop3A_341 = arith.index_cast %parallel_loop3A_206 : i32 to index
      %parallel_loop3A_342 = tpu.vector_load %arg10[%parallel_loop3A_340, %parallel_loop3A_341] {strides = array<i32>} : memref<32x1024xf32, #tpu.memory_space<vmem>>, vector<1x16xf32>,
      %parallel_loop3A_343 = vector.shape_cast %parallel_loop3A_342 : vector<1x16xf32> to vector<16xf32>
      %parallel_loop3A_344 = vector.shape_cast %parallel_loop3A_338 : vector<16xf32> to vector<1x16xf32>
      tpu.vector_store %arg10[%parallel_loop3A_340, %parallel_loop3A_341], %parallel_loop3A_344 {strides = array<i32>} : memref<32x1024xf32, #tpu.memory_space<vmem>>, vector<1x16xf32>,
      %parallel_loop3A_345 = arith.select %gt3A_154, %parallel_loop3A_214, %parallel_loop3A_209 : vector<16xf32>
      %parallel_loop3A_346 = arith.constant 26 : i32
      %parallel_loop3A_347 = arith.index_cast %parallel_loop3A_346 : i32 to index
      %parallel_loop3A_348 = arith.index_cast %parallel_loop3A_206 : i32 to index
      %parallel_loop3A_349 = tpu.vector_load %arg10[%parallel_loop3A_347, %parallel_loop3A_348] {strides = array<i32>} : memref<32x1024xf32, #tpu.memory_space<vmem>>, vector<1x16xf32>,
      %parallel_loop3A_350 = vector.shape_cast %parallel_loop3A_349 : vector<1x16xf32> to vector<16xf32>
      %parallel_loop3A_351 = arith.addf %parallel_loop3A_350, %parallel_loop3A_345 : vector<16xf32>
      %parallel_loop3A_352 = arith.constant 26 : i32
      %parallel_loop3A_353 = arith.index_cast %parallel_loop3A_352 : i32 to index
      %parallel_loop3A_354 = arith.index_cast %parallel_loop3A_206 : i32 to index
      %parallel_loop3A_355 = tpu.vector_load %arg10[%parallel_loop3A_353, %parallel_loop3A_354] {strides = array<i32>} : memref<32x1024xf32, #tpu.memory_space<vmem>>, vector<1x16xf32>,
      %parallel_loop3A_356 = vector.shape_cast %parallel_loop3A_355 : vector<1x16xf32> to vector<16xf32>
      %parallel_loop3A_357 = vector.shape_cast %parallel_loop3A_351 : vector<16xf32> to vector<1x16xf32>
      tpu.vector_store %arg10[%parallel_loop3A_353, %parallel_loop3A_354], %parallel_loop3A_357 {strides = array<i32>} : memref<32x1024xf32, #tpu.memory_space<vmem>>, vector<1x16xf32>,
      %parallel_loop3A_358 = arith.select %gt3A_158, %parallel_loop3A_214, %parallel_loop3A_209 : vector<16xf32>
      %parallel_loop3A_359 = arith.constant 27 : i32
      %parallel_loop3A_360 = arith.index_cast %parallel_loop3A_359 : i32 to index
      %parallel_loop3A_361 = arith.index_cast %parallel_loop3A_206 : i32 to index
      %parallel_loop3A_362 = tpu.vector_load %arg10[%parallel_loop3A_360, %parallel_loop3A_361] {strides = array<i32>} : memref<32x1024xf32, #tpu.memory_space<vmem>>, vector<1x16xf32>,
      %parallel_loop3A_363 = vector.shape_cast %parallel_loop3A_362 : vector<1x16xf32> to vector<16xf32>
      %parallel_loop3A_364 = arith.addf %parallel_loop3A_363, %parallel_loop3A_358 : vector<16xf32>
      %parallel_loop3A_365 = arith.constant 27 : i32
      %parallel_loop3A_366 = arith.index_cast %parallel_loop3A_365 : i32 to index
      %parallel_loop3A_367 = arith.index_cast %parallel_loop3A_206 : i32 to index
      %parallel_loop3A_368 = tpu.vector_load %arg10[%parallel_loop3A_366, %parallel_loop3A_367] {strides = array<i32>} : memref<32x1024xf32, #tpu.memory_space<vmem>>, vector<1x16xf32>,
      %parallel_loop3A_369 = vector.shape_cast %parallel_loop3A_368 : vector<1x16xf32> to vector<16xf32>
      %parallel_loop3A_370 = vector.shape_cast %parallel_loop3A_364 : vector<16xf32> to vector<1x16xf32>
      tpu.vector_store %arg10[%parallel_loop3A_366, %parallel_loop3A_367], %parallel_loop3A_370 {strides = array<i32>} : memref<32x1024xf32, #tpu.memory_space<vmem>>, vector<1x16xf32>,
      %parallel_loop3A_371 = arith.select %gt3A_162, %parallel_loop3A_214, %parallel_loop3A_209 : vector<16xf32>
      %parallel_loop3A_372 = arith.constant 28 : i32
      %parallel_loop3A_373 = arith.index_cast %parallel_loop3A_372 : i32 to index
      %parallel_loop3A_374 = arith.index_cast %parallel_loop3A_206 : i32 to index
      %parallel_loop3A_375 = tpu.vector_load %arg10[%parallel_loop3A_373, %parallel_loop3A_374] {strides = array<i32>} : memref<32x1024xf32, #tpu.memory_space<vmem>>, vector<1x16xf32>,
      %parallel_loop3A_376 = vector.shape_cast %parallel_loop3A_375 : vector<1x16xf32> to vector<16xf32>
      %parallel_loop3A_377 = arith.addf %parallel_loop3A_376, %parallel_loop3A_371 : vector<16xf32>
      %parallel_loop3A_378 = arith.constant 28 : i32
      %parallel_loop3A_379 = arith.index_cast %parallel_loop3A_378 : i32 to index
      %parallel_loop3A_380 = arith.index_cast %parallel_loop3A_206 : i32 to index
      %parallel_loop3A_381 = tpu.vector_load %arg10[%parallel_loop3A_379, %parallel_loop3A_380] {strides = array<i32>} : memref<32x1024xf32, #tpu.memory_space<vmem>>, vector<1x16xf32>,
      %parallel_loop3A_382 = vector.shape_cast %parallel_loop3A_381 : vector<1x16xf32> to vector<16xf32>
      %parallel_loop3A_383 = vector.shape_cast %parallel_loop3A_377 : vector<16xf32> to vector<1x16xf32>
      tpu.vector_store %arg10[%parallel_loop3A_379, %parallel_loop3A_380], %parallel_loop3A_383 {strides = array<i32>} : memref<32x1024xf32, #tpu.memory_space<vmem>>, vector<1x16xf32>,
      %parallel_loop3A_384 = arith.select %gt3A_166, %parallel_loop3A_214, %parallel_loop3A_209 : vector<16xf32>
      %parallel_loop3A_385 = arith.constant 29 : i32
      %parallel_loop3A_386 = arith.index_cast %parallel_loop3A_385 : i32 to index
      %parallel_loop3A_387 = arith.index_cast %parallel_loop3A_206 : i32 to index
      %parallel_loop3A_388 = tpu.vector_load %arg10[%parallel_loop3A_386, %parallel_loop3A_387] {strides = array<i32>} : memref<32x1024xf32, #tpu.memory_space<vmem>>, vector<1x16xf32>,
      %parallel_loop3A_389 = vector.shape_cast %parallel_loop3A_388 : vector<1x16xf32> to vector<16xf32>
      %parallel_loop3A_390 = arith.addf %parallel_loop3A_389, %parallel_loop3A_384 : vector<16xf32>
      %parallel_loop3A_391 = arith.constant 29 : i32
      %parallel_loop3A_392 = arith.index_cast %parallel_loop3A_391 : i32 to index
      %parallel_loop3A_393 = arith.index_cast %parallel_loop3A_206 : i32 to index
      %parallel_loop3A_394 = tpu.vector_load %arg10[%parallel_loop3A_392, %parallel_loop3A_393] {strides = array<i32>} : memref<32x1024xf32, #tpu.memory_space<vmem>>, vector<1x16xf32>,
      %parallel_loop3A_395 = vector.shape_cast %parallel_loop3A_394 : vector<1x16xf32> to vector<16xf32>
      %parallel_loop3A_396 = vector.shape_cast %parallel_loop3A_390 : vector<16xf32> to vector<1x16xf32>
      tpu.vector_store %arg10[%parallel_loop3A_392, %parallel_loop3A_393], %parallel_loop3A_396 {strides = array<i32>} : memref<32x1024xf32, #tpu.memory_space<vmem>>, vector<1x16xf32>,
      %parallel_loop3A_397 = arith.select %gt3A_170, %parallel_loop3A_214, %parallel_loop3A_209 : vector<16xf32>
      %parallel_loop3A_398 = arith.constant 30 : i32
      %parallel_loop3A_399 = arith.index_cast %parallel_loop3A_398 : i32 to index
      %parallel_loop3A_400 = arith.index_cast %parallel_loop3A_206 : i32 to index
      %parallel_loop3A_401 = tpu.vector_load %arg10[%parallel_loop3A_399, %parallel_loop3A_400] {strides = array<i32>} : memref<32x1024xf32, #tpu.memory_space<vmem>>, vector<1x16xf32>,
      %parallel_loop3A_402 = vector.shape_cast %parallel_loop3A_401 : vector<1x16xf32> to vector<16xf32>
      %parallel_loop3A_403 = arith.addf %parallel_loop3A_402, %parallel_loop3A_397 : vector<16xf32>
      %parallel_loop3A_404 = arith.constant 30 : i32
      %parallel_loop3A_405 = arith.index_cast %parallel_loop3A_404 : i32 to index
      %parallel_loop3A_406 = arith.index_cast %parallel_loop3A_206 : i32 to index
      %parallel_loop3A_407 = tpu.vector_load %arg10[%parallel_loop3A_405, %parallel_loop3A_406] {strides = array<i32>} : memref<32x1024xf32, #tpu.memory_space<vmem>>, vector<1x16xf32>,
      %parallel_loop3A_408 = vector.shape_cast %parallel_loop3A_407 : vector<1x16xf32> to vector<16xf32>
      %parallel_loop3A_409 = vector.shape_cast %parallel_loop3A_403 : vector<16xf32> to vector<1x16xf32>
      tpu.vector_store %arg10[%parallel_loop3A_405, %parallel_loop3A_406], %parallel_loop3A_409 {strides = array<i32>} : memref<32x1024xf32, #tpu.memory_space<vmem>>, vector<1x16xf32>,
      %parallel_loop3A_410 = arith.select %gt3A_174, %parallel_loop3A_214, %parallel_loop3A_209 : vector<16xf32>
      %parallel_loop3A_411 = arith.constant 31 : i32
      %parallel_loop3A_412 = arith.index_cast %parallel_loop3A_411 : i32 to index
      %parallel_loop3A_413 = arith.index_cast %parallel_loop3A_206 : i32 to index
      %parallel_loop3A_414 = tpu.vector_load %arg10[%parallel_loop3A_412, %parallel_loop3A_413] {strides = array<i32>} : memref<32x1024xf32, #tpu.memory_space<vmem>>, vector<1x16xf32>,
      %parallel_loop3A_415 = vector.shape_cast %parallel_loop3A_414 : vector<1x16xf32> to vector<16xf32>
      %parallel_loop3A_416 = arith.addf %parallel_loop3A_415, %parallel_loop3A_410 : vector<16xf32>
      %parallel_loop3A_417 = arith.constant 31 : i32
      %parallel_loop3A_418 = arith.index_cast %parallel_loop3A_417 : i32 to index
      %parallel_loop3A_419 = arith.index_cast %parallel_loop3A_206 : i32 to index
      %parallel_loop3A_420 = tpu.vector_load %arg10[%parallel_loop3A_418, %parallel_loop3A_419] {strides = array<i32>} : memref<32x1024xf32, #tpu.memory_space<vmem>>, vector<1x16xf32>,
      %parallel_loop3A_421 = vector.shape_cast %parallel_loop3A_420 : vector<1x16xf32> to vector<16xf32>
      %parallel_loop3A_422 = vector.shape_cast %parallel_loop3A_416 : vector<16xf32> to vector<1x16xf32>
      tpu.vector_store %arg10[%parallel_loop3A_418, %parallel_loop3A_419], %parallel_loop3A_422 {strides = array<i32>} : memref<32x1024xf32, #tpu.memory_space<vmem>>, vector<1x16xf32>,
    } {sc.loop_unroll_factor = 1 : i64, sc.parallel_access}
    %add3A_178 = arith.constant 480 : i32
    %add3A_179 = arith.addi %mul3A_2, %add3A_178 : i32
    %add3A_180 = arith.constant 16 : i32
    %add3A_181 = arith.addi %add3A_179, %add3A_180 : i32
    %dma_start3A_182 = arith.constant 16 : i32
    %dma_start3A_183 = arith.constant 0 : i32
    %dma_start3A_184 = tpu.memref_slice %arg10[%dma_start3A_182, %dma_start3A_183] : memref<32x1024xf32, #tpu.memory_space<vmem>> -> memref<16x1024xf32, #tpu.memory_space<vmem>>
    %dma_start3A_185 = arith.constant 0 : i32
    %dma_start3A_186 = tpu.memref_slice %arg6[%add3A_181, %dma_start3A_185] : memref<16384x1024xf32, #tpu.memory_space<hbm>> -> memref<16x1024xf32, #tpu.memory_space<hbm>>
    %dma_start3A_187 = arith.constant 0 : i32
    %dma_start3A_188 = tpu.memref_slice %arg6[%add3A_181, %dma_start3A_187] : memref<16384x1024xf32, #tpu.memory_space<hbm>> -> memref<16x1024xf32, #tpu.memory_space<hbm>>
    %dma_start3A_189 = arith.constant 16 : i32
    %dma_start3A_190 = arith.constant 0 : i32
    %dma_start3A_191 = tpu.memref_slice %arg10[%dma_start3A_189, %dma_start3A_190] : memref<32x1024xf32, #tpu.memory_space<vmem>> -> memref<16x1024xf32, #tpu.memory_space<vmem>>
    tpu.enqueue_dma source(%dma_start3A_191 : memref<16x1024xf32, #tpu.memory_space<vmem>>) target(%dma_start3A_188 : memref<16x1024xf32, #tpu.memory_space<hbm>>) target_semaphore(%arg16 : memref<!tpu.dma_semaphore, #tpu.memory_space<semaphore_mem>>)
    %dma_wait3A_192 = arith.constant 0 : i32
    %dma_wait3A_193 = tpu.memref_slice %arg6[%mul3A_2, %dma_wait3A_192] : memref<16384x1024xf32, #tpu.memory_space<hbm>> -> memref<32x1024xf32, #tpu.memory_space<hbm>>
    %dma_wait3A_194 = arith.constant 0 : i32
    %dma_wait3A_195 = tpu.memref_slice %arg6[%mul3A_2, %dma_wait3A_194] : memref<16384x1024xf32, #tpu.memory_space<hbm>> -> memref<32x1024xf32, #tpu.memory_space<hbm>>
    tpu.wait_dma2 semaphore(%arg16 : memref<!tpu.dma_semaphore, #tpu.memory_space<semaphore_mem>>) src(%arg10 : memref<32x1024xf32, #tpu.memory_space<vmem>>) dst(%dma_wait3A_195 : memref<32x1024xf32, #tpu.memory_space<hbm>>)
    %dma_wait3A_196 = arith.constant 0 : i32
    %dma_wait3A_197 = tpu.memref_slice %arg6[%mul3A_2, %dma_wait3A_196] : memref<16384x1024xf32, #tpu.memory_space<hbm>> -> memref<32x1024xf32, #tpu.memory_space<hbm>>
    %dma_wait3A_198 = arith.constant 0 : i32
    %dma_wait3A_199 = tpu.memref_slice %arg6[%mul3A_2, %dma_wait3A_198] : memref<16384x1024xf32, #tpu.memory_space<hbm>> -> memref<32x1024xf32, #tpu.memory_space<hbm>>
    tpu.wait_dma2 semaphore(%arg17 : memref<!tpu.dma_semaphore, #tpu.memory_space<semaphore_mem>>) src(%arg11 : memref<32x1024xf32, #tpu.memory_space<vmem>>) dst(%dma_wait3A_199 : memref<32x1024xf32, #tpu.memory_space<hbm>>)
    %dma_wait3A_200 = arith.constant 0 : i32
    %dma_wait3A_201 = tpu.memref_slice %arg6[%mul3A_2, %dma_wait3A_200] : memref<16384x1024xf32, #tpu.memory_space<hbm>> -> memref<32x1024xf32, #tpu.memory_space<hbm>>
    %dma_wait3A_202 = arith.constant 0 : i32
    %dma_wait3A_203 = tpu.memref_slice %arg6[%mul3A_2, %dma_wait3A_202] : memref<16384x1024xf32, #tpu.memory_space<hbm>> -> memref<32x1024xf32, #tpu.memory_space<hbm>>
    tpu.wait_dma2 semaphore(%arg18 : memref<!tpu.dma_semaphore, #tpu.memory_space<semaphore_mem>>) src(%arg12 : memref<32x1024xf32, #tpu.memory_space<vmem>>) dst(%dma_wait3A_203 : memref<32x1024xf32, #tpu.memory_space<hbm>>)
    return
  }
}

</mosaic_0001>

<sc_bundles>
// kernel: kernel.3.cloned.1.call-start
scs
__scs_entry_jumppad:
0x0: {  	(pc) =	sbr.rel $0x88, $3  }
0x1: {  	(tag) =	ssettag $0x0;
	lr =	simm.s32 $0x1  }
0x2: {  	[smem:$0x3F9D] =	sst lr;
	_ =	strace $0xD0000000  }
0x3: {  	_ = 	snop  }
0x4: {  	_ = 	snop  }
0x5: {  	_ = 	snop  }
0x6: {  	_ = 	snop  }
0x7: {  	_ = 	snop  }
__scs_overlays_trampoline_lowered:
0x8: {  	[smem:$0x3FAC] =	sst s0  }
0x9: {  	[smem:$0x3FAD] =	sst s1  }
0xa: {  	[smem:$0x3FAE] =	sst s2  }
0xb: {  	[smem:$0x3FAF] =	sst s3  }
0xc: {  	[smem:$0x3FB0] =	sst s4  }
0xd: {  	[smem:$0x3FB1] =	sst s5  }
0xe: {  	[smem:$0x3FB2] =	sst s6  }
0xf: {  	[smem:$0x3FB3] =	sst s7  }
0x10: {  	[smem:$0x3FB4] =	sst s8  }
0x11: {  	[smem:$0x3FB5] =	sst s9;
	s0 =	simm.s32 @!p0 $0x0  }
0x12: {  	s1 =	sld [smem:$0x3F9B];
	s0 =	simm.s32 @p0 $0x1  }
0x13: {  	[smem:$0x3FB6] =	sst s0;
	s0 =	simm.s32 @!p1 $0x0  }
0x14: {  	s2 =	sld [smem:$0x3F9A];
	s0 =	simm.s32 @p1 $0x1  }
0x15: {  	[smem:$0x3FB7] =	sst s0;
	s0 =	simm.s32 @!p2 $0x0  }
0x16: {  	s3 =	sld [smem:$0x3FDB];
	s0 =	simm.s32 @p2 $0x1  }
0x17: {  	s4 =	simm.s32 $0x1BF5;
	[smem:$0x3FB9] =	sst s0  }
0x18: {  	s0 =	sld [smem:$0x3F9C];
	_ =	swait.ge [sflag:s4], $0x0  }
0x19: {  	s7 =	sld [smem:$0x3F9D]  }
0x1a: {  	s8 =	sadd.s32 $0xFFFFE003, lr  }
0x1b: {  	s9 =	sadd.s32 $0xFFFFFEF7, lr;
	s5 =	simm.s32 $0xFFFFFFFF;
	p2 =	slt.u32 s8, $0xFFFFF086  }
0x1c: {  	p1 =	slt.u32 s9, $0xF7A;
	s5 =	simm.s32 @!p2 $0x0  }
0x1d: {  	s5 =	simm.s32 @p1 $0x1;
	p0 =	seq.s32 s7, s2  }
0x1e: {  	s7 =	smul.u32 @!p0 $0xF7A, s2;
	p2 =	seq.s32 @!p0 s5, $0x0  }
0x1f: {  	s9 =	smul.u32 $0xF7A, s1;
	s8 =	simm.s32 @!p0 $0x1BF5;
	p2 =	por !p2, p0  }
0x20: {  	[sflag:s8] =	ssyncset.s32 @!p0 $0xFFFFF086;
	s6 =	sadd.s32 @!p0 s3, s7;
	s7 =	simm.s32 @!p0 $0x108  }
0x21: {  	s3 =	sadd.s32 s3, s9;
	s6 =	sadd.s32 @!p0 $0x88, s6;
	s7 =	simm.s32 @p2 $0x1082  }
0x22: {  	[simem:s7], [sflag:s8] =	dma.local @!p0 [hbm:s6], $0xF7A  }
0x23: {  	s9 =	sor.u32 $0xD0000000, s2;
	s6 =	simm.s32 $0x108;
	_ =	swait.ge @!p0 [sflag:s8], $0x0  }
0x24: {  	s3 =	sadd.s32 $0x88, s3;
	s6 =	simm.s32 @!p1 $0x1082;
	[sflag:s4] =	ssyncset.s32 $0xFFFFF086  }
0x25: {  	[simem:s6], [sflag:s4] =	dma.local [hbm:s3], $0xF7A  }
0x26: {  	[smem:$0x3F9D] =	sst s1;
	(tag) =	ssettag s2;
	_ =	strace s9  }
0x27: {  	s1 =	sld [smem:$0x3FAD]  }
0x28: {  	s2 =	sld [smem:$0x3FAE]  }
0x29: {  	s4 =	sld [smem:$0x3FB0]  }
0x2a: {  	p0 =	seq.s32 s5, $0x0;
	s5 =	sld [smem:$0x3FB1]  }
0x2b: {  	s6 =	sld [smem:$0x3FB2]  }
0x2c: {  	s7 =	sld [smem:$0x3FB3]  }
0x2d: {  	s3 =	simm.s32 $0x108;
	s8 =	sld [smem:$0x3FB4]  }
0x2e: {  	s3 =	simm.s32 @!p0 $0x1082;
	s9 =	sld [smem:$0x3FB5]  }
0x2f: {  	lr =	sadd.s32 s0, s3;
	s0 =	sld [smem:$0x3FAC]  }
0x30: {  	s3 =	sld [smem:$0x3FAF]  }
0x31: {  	[smem:$0x3FB8] =	sst s10  }
0x32: {  	s10 =	sld [smem:$0x3FB6];
	_ =	sdelay $0x3  }
0x33: {  	p0 =	seq.s32 s10, $0x1;
	s10 =	sld [smem:$0x3FB8];
	_ =	sdelay $0x3  }
0x34: {  	[smem:$0x3FB8] =	sst s10  }
0x35: {  	s10 =	sld [smem:$0x3FB7];
	_ =	sdelay $0x3  }
0x36: {  	p1 =	seq.s32 s10, $0x1;
	s10 =	sld [smem:$0x3FB8];
	_ =	sdelay $0x3  }
0x37: {  	[smem:$0x3FB8] =	sst s10  }
0x38: {  	s10 =	sld [smem:$0x3FB9]  }
0x39: {  	_ = 	snop;
	(pc) =	sbr.ind lr, $3  }
0x3a: {  	_ = 	snop  }
0x3b: {  	_ = 	snop  }
0x3c: {  	p2 =	seq.s32 s10, $0x1;
	s10 =	sld [smem:$0x3FB8]  }
0x3d: {  	_ =	shalt  }
0x3e: {  	_ =	shalt  }
0x3f: {  	_ =	shalt  }
0x40: {  	_ =	shalt  }
0x41: {  	_ =	shalt  }
0x42: {  	_ =	shalt  }
0x43: {  	_ =	shalt  }
0x44: {  	_ =	shalt  }
0x45: {  	_ =	shalt  }
0x46: {  	_ =	shalt  }
0x47: {  	_ =	shalt  }
0x48: {  	_ =	shalt  }
0x49: {  	_ =	shalt  }
0x4a: {  	_ =	shalt  }
0x4b: {  	_ =	shalt  }
0x4c: {  	_ =	shalt  }
0x4d: {  	_ =	shalt  }
0x4e: {  	_ =	shalt  }
0x4f: {  	_ =	shalt  }
0x50: {  	_ =	shalt  }
0x51: {  	_ =	shalt  }
0x52: {  	_ =	shalt  }
0x53: {  	_ =	shalt  }
0x54: {  	_ =	shalt  }
0x55: {  	_ =	shalt  }
0x56: {  	_ =	shalt  }
0x57: {  	_ =	shalt  }
0x58: {  	_ =	shalt  }
0x59: {  	_ =	shalt  }
0x5a: {  	_ =	shalt  }
0x5b: {  	_ =	shalt  }
0x5c: {  	_ =	shalt  }
0x5d: {  	_ =	shalt  }
0x5e: {  	_ =	shalt  }
0x5f: {  	_ =	shalt  }
0x60: {  	_ =	shalt  }
0x61: {  	_ =	shalt  }
0x62: {  	_ =	shalt  }
0x63: {  	_ =	shalt  }
0x64: {  	_ =	shalt  }
0x65: {  	_ =	shalt  }
0x66: {  	_ =	shalt  }
0x67: {  	_ =	shalt  }
0x68: {  	_ =	shalt  }
0x69: {  	_ =	shalt  }
0x6a: {  	_ =	shalt  }
0x6b: {  	_ =	shalt  }
0x6c: {  	_ =	shalt  }
0x6d: {  	_ =	shalt  }
0x6e: {  	_ =	shalt  }
0x6f: {  	_ =	shalt  }
0x70: {  	_ =	shalt  }
0x71: {  	_ =	shalt  }
0x72: {  	_ =	shalt  }
0x73: {  	_ =	shalt  }
0x74: {  	_ =	shalt  }
0x75: {  	_ =	shalt  }
0x76: {  	_ =	shalt  }
0x77: {  	_ =	shalt  }
0x78: {  	_ =	shalt  }
0x79: {  	_ =	shalt  }
0x7a: {  	_ =	shalt  }
0x7b: {  	_ =	shalt  }
0x7c: {  	_ =	shalt  }
0x7d: {  	_ =	shalt  }
0x7e: {  	_ =	shalt  }
0x7f: {  	_ =	shalt  }
0x80: {  	_ =	shalt  }
0x81: {  	_ =	shalt  }
0x82: {  	_ =	shalt  }
0x83: {  	_ =	shalt  }
0x84: {  	_ =	shalt  }
0x85: {  	_ =	shalt  }
0x86: {  	_ =	shalt  }
0x87: {  	_ =	shalt  }
.Lfunc_end0:
.L_simem_size_0:
called_computation_lowered:
.L_overlay_start_0:
0x88: {  	s2 =	sld [smem:$0x3FD9]  }
0x89: {  	s3 =	sld [smem:$0x3FFE];
	_ =	sdelay $0x1  }
0x8a: {  	s1 =	srdreg.scid  }
0x8b: {  	s0 =	sand.u32 $0x1, s1  }
0x8c: {  	s17 =	sshll.u32 s0, $0xA;
	s2 =	sadd.s32 s3, s2  }
0x8d: {  	s2 =	sadd.s32 s2, s17  }
0x8e: {  	[smem:$0x3FC4] =	sst s2  }
0x8f: {  	_ = 	snop  }
0x90: {  	s2 =	sld [smem:$0x3FC7]  }
0x91: {  	s18 =	sld [smem:$0x3FD0];
	(tm) =	ssettm $0x1  }
0x92: {  	s4 =	sld [smem:$0x3FFB];
	_ =	sdelay $0x3  }
0x93: {  	_ =	strace s4  }
0x94: {  	s4 =	sld [smem:$0x3FFC];
	_ =	sdelay $0x3  }
0x95: {  	_ =	strace s4  }
0x96: {  	s4 =	sld [smem:$0x3FFD];
	_ =	sdelay $0x3  }
0x97: {  	_ =	strace s4  }
0x98: {  	_ =	strace $0x8FFFFFFF  }
0x99: {  	s19 =	sld [smem:$0x3FDB];
	_ =	sdelay $0x1  }
0x9a: {  	s5 =	simm.s32 $_scs_section_size  }
0x9b: {  	s6 =	simm.s32 $_size__tile_overlayer_lowered;
	s7 =	simm.s32 $_tile_overlayer_lowered  }
0x9c: {  	s22 =	simm.s32 $0x1BFF;
	s21 =	sshll.u32 s7, $0x1;
	s4 =	sadd.s32 s5, s19  }
0x9d: {  	s8 =	simm.s32 $0x0;
	s20 =	sshll.u32 s6, $0x1;
	s6 =	sadd.s32 s21, s4  }
0x9e: {  	[timem:s8], [sflag:s22] =	dma.local [hbm:s6], s20  }
0x9f: {  	_ =	swait.ge [sflag:s22], s20  }
0xa0: {  	s5 =	ssub.s32 $0x0, s20;
	[sflag:s22] =	ssyncset.done $0x0  }
0xa1: {  	[sflag:s22] =	ssyncadd.s32 s5;
	_ =	sdelay $0x1  }
0xa2: {  	s23 =	simm.s32 $0x1B8B  }
0xa3: {  	_ =	swait.ge [sflag:s23], $0x1  }
0xa4: {  	[sflag:s23] =	ssyncset.done $0x0  }
0xa5: {  	s25 =	simm.s32 $0x1B8E;
	s24 =	sld [smem:$0x3FFE];
	[sflag:s23] =	ssyncadd.s32 $0xFFFFFFFF  }
0xa6: {  	s26 =	simm.s32 $execute0_lowered;
	[smem:$0x3FD2] =	sst s25  }
0xa7: {  	s6 =	sshll.u32 s26, $0x1;
	_ =	strace $0x80000046;
	[dreg:$0x1] =	wrdreg $0xFFFFFFFF  }
0xa8: {  	s28 =	simm.s32 $_size_execute0_lowered;
	s4 =	sadd.s32 s4, s6;
	[dreg:$0x0] =	wrdreg $0x0  }
0xa9: {  	s6 =	sshll.u32 s28, $0x1;
	[dreg:$0x2] =	wrdreg s4  }
0xaa: {  	[dreg:$0x3] =	wrdreg s6  }
0xab: {  	[dreg:$0x4] =	wrdreg $0xC0  }
0xac: {  	_ =	task [dreg:s8], $0x5FFFF  }
0xad: {  	[dreg:$0x1] =	wrdreg $0xFFFFFFFF  }
0xae: {  	[dreg:$0x0] =	wrdreg $0x60  }
0xaf: {  	[dreg:$0x2] =	wrdreg s24  }
0xb0: {  	[dreg:$0x3] =	wrdreg s2  }
0xb1: {  	[dreg:$0x4] =	wrdreg s18  }
0xb2: {  	[dreg:$0x5] =	wrdreg $0x9  }
0xb3: {  	_ =	task.clear_ibuf [dreg:s8], $0x6FFFF;
	_ =	strace $0x90000046  }
0xb4: {  	s29 =	simm.s32 $0x9;
	_ =	strace $0x80000048  }
0xb5: {  	_ =	swait.ge [sflag:s29], $0x1  }
0xb6: {  	[sflag:s29] =	ssyncadd.s32 $0xFFFFFFFF  }
0xb7: {  	_ =	strace $0x90000048  }
0xb8: {  	_ =	sfence  }
0xb9: {  	s30 =	sld [smem:$0x0];
	_ =	sdelay $0x2  }
0xba: {  	s31 =	sshll.u32 s1, $0xD;
	s1 =	sshrl.u32 s1, $0x2  }
0xbb: {  	s3 =	sand.u32 $0x4000, s31;
	s1 =	sadd.s32 s1, s30  }
0xbc: {  	s0 =	sor.u32 s3, s0;
	s1 =	sshll.u32 s1, $0x11  }
0xbd: {  	s0 =	sor.u32 s1, s0  }
0xbe: {  	s0 =	sadd.s32 $0x8F2B, s0  }
0xbf: {  	[sflag:s0] =	ssyncadd.remote.s32 $0x1  }
0xc0: {  	_ =	sfence.sel $0xFFFF  }
0xc1: {  	[dreg:$0x0] =	wrdreg $0xFFFFFFFF;
	(pc) =	sbr.abs _section_cstart, $3  }
0xc2: {  	[dreg:$0x1] =	wrdreg $0xFFFFFFFF  }
0xc3: {  	_ =	task.clear_ibuf [dreg:s8], $0x2FFFF;
	_ =	strace $0x9FFFFFFF  }
0xc4: {  	(tm) =	ssettm $0x7FFFFFFF  }
0xc5: {  	_ =	shalt  }
tec
execute0_lowered:
.L_overlay_start_1:
0x0: {  	(tag) =	ssettag $0x1  }
0x1: {  	s0 =	rddreg [dreg:$0x0]  }
0x2: {  	s2 =	rddreg [dreg:$0x1]  }
0x3: {  	s8 =	rddreg [dreg:$0x2]  }
0x4: {  	s1 =	srdreg.scid;
	s3 =	stileid.u32;
	s4 =	simm.s32 $0x0  }
0x5: {  	s30 =	simm.s32 $0x10C00;
	s28 =	simm.s32 $0x14C00;
	s18 =	simm.s32 $0x4  }
0x6: {  	s20 =	simm.s32 $0x3;
	s1 =	sand.u32 $0x1, s1;
	s5 =	sshll.u32 s3, $0xA  }
0x7: {  	[smem:$0x7FF] =	sst s4;
	s9 =	sadd.s32 $0x100, s2;
	s6 =	sshll.u32 s1, $0x9  }
0x8: {  	s10 =	sadd.s32 $0x200, s2;
	s1 =	ssub.s32 $0x2, s1;
	s5 =	sor.u32 s6, s5  }
0x9: {  	_ =	strace $0x80000047;
	s7 =	sshrl.u32 s1, $0x1;
	s6 =	sshrl.u32 s5, $0x3  }
0xa: {  	s24 =	ssub.s32 s1, s7;
	s6 =	sadd.s32 s6, s0;
	s0 =	sadd.s32 $0x400, s0  }
0xb: {  	s29 =	sshll.u32 s5, $0x7;
	[dreg:$0x4] =	wrdreg s0;
	s25 =	sadd.s32 $0x600, s6  }
0xc: {  	s1 =	sadd.s32 s29, s8;
	s26 =	sadd.s32 $0xE00, s6;
	[dreg:$0x5] =	wrdreg s25  }
0xd: {  	s11 =	sadd.s32 $0x300, s2;
	s31 =	sadd.s32 $0xF000, s1;
	[dreg:$0x6] =	wrdreg s26  }
0xe: {  	v2 =	vlaneseq.u32;
	s12 =	sadd.s32 $0x800, s8;
	s1 =	sadd.s32 $0xF800, s1;
	[dreg:$0x7] =	wrdreg s31  }
0xf: {  	vm0 =	vmmov $0xffff;
	s3 =	simm.s32 $0x4C00;
	v1 =	vshrl.u32 v2, $0x3;
	s0 =	smax.u32 s24, $0x1;
	[dreg:$0x8] =	wrdreg s1  }
0x10: {  	v0 =	vand.u32 $0x7, v2;
	v2 =	vor.u32 $0x8, v2;
	v1 =	vmul.u32 $0x8, v1;
	s8 =	simm.s32 $0x1;
	s6 =	simm.s32 $0x0;
	[dreg:$0x9] =	wrdreg s0  }
.LBB2_1:
0x11: {  	[dreg:$0xa] =	wrdreg s6  }
0x12: {  	s0 =	rddreg [dreg:$0x5]  }
0x13: {  	[tilespmem:s4], [sflag:$0x7] =	stream.linear.gather [hbm4b:s0+s4], $0x200, $0x38;
	[tilespmem:$0x18C00] =	vst v63  }
0x14: {  	s31 =	rddreg [dreg:$0x6];
	s1 =	simm.s32 $0x200  }
0x15: {  	[tilespmem:s1], [sflag:$0x7] =	stream.linear.gather [hbm4b:s31+s4], $0x200, $0x38;
	[tilespmem:$0x18C00] =	vst v63  }
0x16: {  	s6 =	rddreg [dreg:$0x4];
	s7 =	simm.s32 $0x400;
	s0 =	simm.s32 $0x7  }
0x17: {  	[tilespmem:s7], [sflag:$0x7] =	stream.linear.gather [hbm4b:s6+s4], $0x800, $0x38;
	[tilespmem:$0x18C00] =	vst v63  }
0x18: {  	_ =	swait.ge [sflag:s0], $0x200  }
0x19: {  	[sflag:s0] =	ssyncset.done $0x0  }
0x1a: {  	[sflag:s0] =	ssyncadd.s32 $0xFFFFFE00  }
0x1b: {  	v3 =	vld [tilespmem:$0x0];
	_ =	sdelay $0x4  }
0x1c: {  	v4 =	vshll.u32 v3, $0x3  }
0x1d: {  	v3 =	vand.u32 $0x7, v3;
	v4 =	vand.u32 $0xFFFFFFC0, v4  }
0x1e: {  	v3 =	vor.u32 v3, v4  }
0x1f: {  	v4 =	vperm.xlane v3, v0;
	_ =	sdelay $0x1  }
0x20: {  	v4 =	vadd.s32 v1, v4;
	_ =	sdelay $0x3  }
0x21: {  	s13 =	simm.s32 $0xC00  }
0x22: {  	[tilespmem:s13], [sflag:$0x1] =	stream.indirect_vreg.gather [hbm4b:s2+s4], $0x80, v4, vm0, $0xb8;
	[tilespmem:$0x18C00] =	vst v63  }
0x23: {  	s14 =	simm.s32 $0x1400;
	v3 =	vperm.xlane v3, v2  }
0x24: {  	[tilespmem:s14], [sflag:$0x1] =	stream.indirect_vreg.gather [hbm4b:s9+s4], $0x80, v4, vm0, $0xb8;
	[tilespmem:$0x18C00] =	vst v63  }
0x25: {  	s15 =	simm.s32 $0x1C00;
	v3 =	vadd.s32 v1, v3  }
0x26: {  	[tilespmem:s15], [sflag:$0x1] =	stream.indirect_vreg.gather [hbm4b:s10+s4], $0x80, v4, vm0, $0xb8;
	[tilespmem:$0x18C00] =	vst v63  }
0x27: {  	s16 =	simm.s32 $0x2400  }
0x28: {  	[tilespmem:s16], [sflag:$0x1] =	stream.indirect_vreg.gather [hbm4b:s11+s4], $0x80, v4, vm0, $0xb8;
	[tilespmem:$0x18C00] =	vst v63  }
0x29: {  	s17 =	simm.s32 $0x2C00  }
0x2a: {  	[tilespmem:s17], [sflag:$0x1] =	stream.indirect_vreg.gather [hbm4b:s2+s4], $0x80, v3, vm0, $0xb8;
	[tilespmem:$0x18C00] =	vst v63  }
0x2b: {  	s19 =	simm.s32 $0x3400  }
0x2c: {  	[tilespmem:s19], [sflag:$0x1] =	stream.indirect_vreg.gather [hbm4b:s9+s4], $0x80, v3, vm0, $0xb8;
	[tilespmem:$0x18C00] =	vst v63  }
0x2d: {  	s21 =	simm.s32 $0x3C00  }
0x2e: {  	[tilespmem:s21], [sflag:$0x1] =	stream.indirect_vreg.gather [hbm4b:s10+s4], $0x80, v3, vm0, $0xb8;
	[tilespmem:$0x18C00] =	vst v63  }
0x2f: {  	s22 =	simm.s32 $0x4400  }
0x30: {  	[tilespmem:s22], [sflag:$0x1] =	stream.indirect_vreg.gather [hbm4b:s11+s4], $0x80, v3, vm0, $0xb8;
	[tilespmem:$0x18C00] =	vst v63  }
0x31: {  	v3 =	vld [tilespmem:$0x10];
	_ =	sdelay $0x4  }
0x32: {  	v61 =	vshll.u32 v3, $0x3  }
0x33: {  	v3 =	vand.u32 $0x7, v3;
	v4 =	vand.u32 $0xFFFFFFC0, v61  }
0x34: {  	v3 =	vor.u32 v3, v4  }
0x35: {  	v4 =	vperm.xlane v3, v0;
	_ =	sdelay $0x1  }
0x36: {  	v4 =	vadd.s32 v1, v4;
	_ =	sdelay $0x4  }
0x37: {  	[tilespmem:s3], [sflag:$0x1] =	stream.indirect_vreg.gather [hbm4b:s2+s4], $0x80, v4, vm0, $0xb8;
	[tilespmem:$0x18C00] =	vst v63  }
0x38: {  	s23 =	simm.s32 $0x5400;
	v3 =	vperm.xlane v3, v2  }
0x39: {  	[tilespmem:s23], [sflag:$0x1] =	stream.indirect_vreg.gather [hbm4b:s9+s4], $0x80, v4, vm0, $0xb8;
	[tilespmem:$0x18C00] =	vst v63  }
0x3a: {  	s24 =	simm.s32 $0x5C00;
	v3 =	vadd.s32 v1, v3  }
0x3b: {  	[tilespmem:s24], [sflag:$0x1] =	stream.indirect_vreg.gather [hbm4b:s10+s4], $0x80, v4, vm0, $0xb8;
	[tilespmem:$0x18C00] =	vst v63  }
0x3c: {  	s25 =	simm.s32 $0x6400  }
0x3d: {  	[tilespmem:s25], [sflag:$0x1] =	stream.indirect_vreg.gather [hbm4b:s11+s4], $0x80, v4, vm0, $0xb8;
	[tilespmem:$0x18C00] =	vst v63  }
0x3e: {  	s26 =	simm.s32 $0x6C00  }
0x3f: {  	[tilespmem:s26], [sflag:$0x1] =	stream.indirect_vreg.gather [hbm4b:s2+s4], $0x80, v3, vm0, $0xb8;
	[tilespmem:$0x18C00] =	vst v63  }
0x40: {  	s29 =	simm.s32 $0x7400  }
0x41: {  	[tilespmem:s29], [sflag:$0x1] =	stream.indirect_vreg.gather [hbm4b:s9+s4], $0x80, v3, vm0, $0xb8;
	[tilespmem:$0x18C00] =	vst v63  }
0x42: {  	s31 =	simm.s32 $0x7C00  }
0x43: {  	[tilespmem:s31], [sflag:$0x1] =	stream.indirect_vreg.gather [hbm4b:s10+s4], $0x80, v3, vm0, $0xb8;
	[tilespmem:$0x18C00] =	vst v63  }
0x44: {  	s3 =	simm.s32 $0x8400  }
0x45: {  	[tilespmem:s3], [sflag:$0x1] =	stream.indirect_vreg.gather [hbm4b:s11+s4], $0x80, v3, vm0, $0xb8;
	[tilespmem:$0x18C00] =	vst v63  }
0x46: {  	v3 =	vld [tilespmem:$0x20];
	_ =	sdelay $0x4  }
0x47: {  	v62 =	vshll.u32 v3, $0x3  }
0x48: {  	v3 =	vand.u32 $0x7, v3;
	v4 =	vand.u32 $0xFFFFFFC0, v62  }
0x49: {  	v3 =	vor.u32 v3, v4  }
0x4a: {  	v4 =	vperm.xlane v3, v0;
	_ =	sdelay $0x1  }
0x4b: {  	v4 =	vadd.s32 v1, v4;
	_ =	sdelay $0x3  }
0x4c: {  	s6 =	simm.s32 $0x8C00  }
0x4d: {  	[tilespmem:s6], [sflag:$0x2] =	stream.indirect_vreg.gather [hbm4b:s2+s4], $0x80, v4, vm0, $0xb8;
	[tilespmem:$0x18C00] =	vst v63  }
0x4e: {  	s7 =	simm.s32 $0x9400;
	v3 =	vperm.xlane v3, v2  }
0x4f: {  	[tilespmem:s7], [sflag:$0x2] =	stream.indirect_vreg.gather [hbm4b:s9+s4], $0x80, v4, vm0, $0xb8;
	[tilespmem:$0x18C00] =	vst v63  }
0x50: {  	s13 =	simm.s32 $0x9C00;
	v3 =	vadd.s32 v1, v3  }
0x51: {  	[tilespmem:s13], [sflag:$0x2] =	stream.indirect_vreg.gather [hbm4b:s10+s4], $0x80, v4, vm0, $0xb8;
	[tilespmem:$0x18C00] =	vst v63  }
0x52: {  	s14 =	simm.s32 $0xA400  }
0x53: {  	[tilespmem:s14], [sflag:$0x2] =	stream.indirect_vreg.gather [hbm4b:s11+s4], $0x80, v4, vm0, $0xb8;
	[tilespmem:$0x18C00] =	vst v63  }
0x54: {  	s15 =	simm.s32 $0xAC00  }
0x55: {  	[tilespmem:s15], [sflag:$0x2] =	stream.indirect_vreg.gather [hbm4b:s2+s4], $0x80, v3, vm0, $0xb8;
	[tilespmem:$0x18C00] =	vst v63  }
0x56: {  	s16 =	simm.s32 $0xB400  }
0x57: {  	[tilespmem:s16], [sflag:$0x2] =	stream.indirect_vreg.gather [hbm4b:s9+s4], $0x80, v3, vm0, $0xb8;
	[tilespmem:$0x18C00] =	vst v63  }
0x58: {  	s17 =	simm.s32 $0xBC00  }
0x59: {  	[tilespmem:s17], [sflag:$0x2] =	stream.indirect_vreg.gather [hbm4b:s10+s4], $0x80, v3, vm0, $0xb8;
	[tilespmem:$0x18C00] =	vst v63  }
0x5a: {  	s19 =	simm.s32 $0xC400  }
0x5b: {  	[tilespmem:s19], [sflag:$0x2] =	stream.indirect_vreg.gather [hbm4b:s11+s4], $0x80, v3, vm0, $0xb8;
	[tilespmem:$0x18C00] =	vst v63  }
0x5c: {  	v3 =	vld [tilespmem:$0x30];
	_ =	sdelay $0x4  }
0x5d: {  	v63 =	vshll.u32 v3, $0x3  }
0x5e: {  	v3 =	vand.u32 $0x7, v3;
	v4 =	vand.u32 $0xFFFFFFC0, v63  }
0x5f: {  	v3 =	vor.u32 v3, v4  }
0x60: {  	v4 =	vperm.xlane v3, v0;
	_ =	sdelay $0x1  }
0x61: {  	v4 =	vadd.s32 v1, v4;
	_ =	sdelay $0x3  }
0x62: {  	s21 =	simm.s32 $0xCC00  }
0x63: {  	[tilespmem:s21], [sflag:$0x2] =	stream.indirect_vreg.gather [hbm4b:s2+s4], $0x80, v4, vm0, $0xb8;
	[tilespmem:$0x18C00] =	vst v63  }
0x64: {  	s22 =	simm.s32 $0xD400;
	v3 =	vperm.xlane v3, v2  }
0x65: {  	[tilespmem:s22], [sflag:$0x2] =	stream.indirect_vreg.gather [hbm4b:s9+s4], $0x80, v4, vm0, $0xb8;
	[tilespmem:$0x18C00] =	vst v63  }
0x66: {  	s23 =	simm.s32 $0xDC00;
	v3 =	vadd.s32 v1, v3  }
0x67: {  	[tilespmem:s23], [sflag:$0x2] =	stream.indirect_vreg.gather [hbm4b:s10+s4], $0x80, v4, vm0, $0xb8;
	[tilespmem:$0x18C00] =	vst v63  }
0x68: {  	s24 =	simm.s32 $0xE400  }
0x69: {  	[tilespmem:s24], [sflag:$0x2] =	stream.indirect_vreg.gather [hbm4b:s11+s4], $0x80, v4, vm0, $0xb8;
	[tilespmem:$0x18C00] =	vst v63  }
0x6a: {  	s25 =	simm.s32 $0xEC00  }
0x6b: {  	[tilespmem:s25], [sflag:$0x2] =	stream.indirect_vreg.gather [hbm4b:s2+s4], $0x80, v3, vm0, $0xb8;
	[tilespmem:$0x18C00] =	vst v63  }
0x6c: {  	s26 =	simm.s32 $0xF400  }
0x6d: {  	[tilespmem:s26], [sflag:$0x2] =	stream.indirect_vreg.gather [hbm4b:s9+s4], $0x80, v3, vm0, $0xb8;
	[tilespmem:$0x18C00] =	vst v63  }
0x6e: {  	s29 =	simm.s32 $0xFC00  }
0x6f: {  	[tilespmem:s29], [sflag:$0x2] =	stream.indirect_vreg.gather [hbm4b:s10+s4], $0x80, v3, vm0, $0xb8;
	[tilespmem:$0x18C00] =	vst v63  }
0x70: {  	s31 =	simm.s32 $0x10400  }
0x71: {  	[tilespmem:s31], [sflag:$0x2] =	stream.indirect_vreg.gather [hbm4b:s11+s4], $0x80, v3, vm0, $0xb8;
	[tilespmem:$0x18C00] =	vst v63  }
0x72: {  	_ =	swait.ge [sflag:s0], $0x200  }
0x73: {  	[sflag:s0] =	ssyncset.done $0x0  }
0x74: {  	[sflag:s0] =	ssyncadd.s32 $0xFFFFFE00  }
0x75: {  	_ =	swait.ge [sflag:s0], $0x800  }
0x76: {  	[sflag:s0] =	ssyncset.done $0x0  }
0x77: {  	s21 =	simm.s32 $0x0;
	[sflag:s0] =	ssyncadd.s32 $0xFFFFF800  }
.LBB2_2:
0x78: {  	_ =	swait.ge [sflag:s8], $0x8000  }
0x79: {  	p0 =	seq.s32 s21, $0x0;
	[sflag:s8] =	ssyncset.done $0x0  }
0x7a: {  	s0 =	simm.s32 @!p0 $0x6;
	[sflag:s8] =	ssyncadd.s32 $0xFFFF8000  }
0x7b: {  	_ =	swait.ge @!p0 [sflag:s0], $0x8000  }
0x7c: {  	s23 =	smul.u32 $0x60, s21;
	[sflag:s0] =	ssyncset.done @!p0 $0x0  }
0x7d: {  	[sflag:s0] =	ssyncadd.s32 @!p0 $0xFFFF8000  }
0x7e: {  	v3 =	vld [tilespmem:s23+$0x40];
	_ =	sdelay $0x4  }
0x7f: {  	v4 =	vshll.u32 v3, $0x3  }
0x80: {  	v3 =	vand.u32 $0x7, v3;
	v4 =	vand.u32 $0xFFFFFFC0, v4  }
0x81: {  	v3 =	vor.u32 v3, v4  }
0x82: {  	v4 =	vperm.xlane v3, v0;
	_ =	sdelay $0x1  }
0x83: {  	v4 =	vadd.s32 v1, v4;
	_ =	sdelay $0x3  }
0x84: {  	s0 =	simm.s32 $0x0  }
0x85: {  	[tilespmem:s30], [sflag:$0x3] =	stream.indirect_vreg.gather [hbm4b:s2+s0], $0x80, v4, vm0, $0xb8;
	[tilespmem:$0x18C00] =	vst v63  }
0x86: {  	s1 =	simm.s32 $0x11400;
	v3 =	vperm.xlane v3, v2  }
0x87: {  	[tilespmem:s1], [sflag:$0x3] =	stream.indirect_vreg.gather [hbm4b:s9+s0], $0x80, v4, vm0, $0xb8;
	[tilespmem:$0x18C00] =	vst v63  }
0x88: {  	s3 =	simm.s32 $0x11C00;
	v3 =	vadd.s32 v1, v3  }
0x89: {  	[tilespmem:s3], [sflag:$0x3] =	stream.indirect_vreg.gather [hbm4b:s10+s0], $0x80, v4, vm0, $0xb8;
	[tilespmem:$0x18C00] =	vst v63  }
0x8a: {  	s6 =	simm.s32 $0x12400  }
0x8b: {  	[tilespmem:s6], [sflag:$0x3] =	stream.indirect_vreg.gather [hbm4b:s11+s0], $0x80, v4, vm0, $0xb8;
	[tilespmem:$0x18C00] =	vst v63  }
0x8c: {  	s7 =	simm.s32 $0x12C00  }
0x8d: {  	[tilespmem:s7], [sflag:$0x3] =	stream.indirect_vreg.gather [hbm4b:s2+s0], $0x80, v3, vm0, $0xb8;
	[tilespmem:$0x18C00] =	vst v63  }
0x8e: {  	s13 =	simm.s32 $0x13400  }
0x8f: {  	[tilespmem:s13], [sflag:$0x3] =	stream.indirect_vreg.gather [hbm4b:s9+s0], $0x80, v3, vm0, $0xb8;
	[tilespmem:$0x18C00] =	vst v63  }
0x90: {  	s14 =	simm.s32 $0x13C00  }
0x91: {  	[tilespmem:s14], [sflag:$0x3] =	stream.indirect_vreg.gather [hbm4b:s10+s0], $0x80, v3, vm0, $0xb8;
	[tilespmem:$0x18C00] =	vst v63  }
0x92: {  	s15 =	simm.s32 $0x14400  }
0x93: {  	[tilespmem:s15], [sflag:$0x3] =	stream.indirect_vreg.gather [hbm4b:s11+s0], $0x80, v3, vm0, $0xb8;
	[tilespmem:$0x18C00] =	vst v63  }
0x94: {  	v3 =	vld [tilespmem:s23+$0x50];
	_ =	sdelay $0x4  }
0x95: {  	v4 =	vshll.u32 v3, $0x3  }
0x96: {  	v3 =	vand.u32 $0x7, v3;
	v4 =	vand.u32 $0xFFFFFFC0, v4  }
0x97: {  	v3 =	vor.u32 v3, v4  }
0x98: {  	v4 =	vperm.xlane v3, v0;
	_ =	sdelay $0x1  }
0x99: {  	v4 =	vadd.s32 v1, v4;
	_ =	sdelay $0x4  }
0x9a: {  	[tilespmem:s28], [sflag:$0x3] =	stream.indirect_vreg.gather [hbm4b:s2+s0], $0x80, v4, vm0, $0xb8;
	[tilespmem:$0x18C00] =	vst v63  }
0x9b: {  	s16 =	simm.s32 $0x15400;
	v3 =	vperm.xlane v3, v2  }
0x9c: {  	[tilespmem:s16], [sflag:$0x3] =	stream.indirect_vreg.gather [hbm4b:s9+s0], $0x80, v4, vm0, $0xb8;
	[tilespmem:$0x18C00] =	vst v63  }
0x9d: {  	s17 =	simm.s32 $0x15C00;
	v3 =	vadd.s32 v1, v3  }
0x9e: {  	[tilespmem:s17], [sflag:$0x3] =	stream.indirect_vreg.gather [hbm4b:s10+s0], $0x80, v4, vm0, $0xb8;
	[tilespmem:$0x18C00] =	vst v63  }
0x9f: {  	s19 =	simm.s32 $0x16400  }
0xa0: {  	[tilespmem:s19], [sflag:$0x3] =	stream.indirect_vreg.gather [hbm4b:s11+s0], $0x80, v4, vm0, $0xb8;
	[tilespmem:$0x18C00] =	vst v63  }
0xa1: {  	s22 =	simm.s32 $0x16C00  }
0xa2: {  	[tilespmem:s22], [sflag:$0x3] =	stream.indirect_vreg.gather [hbm4b:s2+s0], $0x80, v3, vm0, $0xb8;
	[tilespmem:$0x18C00] =	vst v63  }
0xa3: {  	s24 =	simm.s32 $0x17400  }
0xa4: {  	[tilespmem:s24], [sflag:$0x3] =	stream.indirect_vreg.gather [hbm4b:s9+s0], $0x80, v3, vm0, $0xb8;
	[tilespmem:$0x18C00] =	vst v63  }
0xa5: {  	s25 =	simm.s32 $0x17C00  }
0xa6: {  	[tilespmem:s25], [sflag:$0x3] =	stream.indirect_vreg.gather [hbm4b:s10+s0], $0x80, v3, vm0, $0xb8;
	[tilespmem:$0x18C00] =	vst v63  }
0xa7: {  	s26 =	simm.s32 $0x18400  }
0xa8: {  	[tilespmem:s26], [sflag:$0x3] =	stream.indirect_vreg.gather [hbm4b:s11+s0], $0x80, v3, vm0, $0xb8;
	[tilespmem:$0x18C00] =	vst v63  }
0xa9: {  	v5 =	vld [tilespmem:s23+$0x200];
	_ =	sdelay $0x4  }
0xaa: {  	(v2sf) =	vpush v5, $0x0;
	_ =	sdelay $0x2  }
0xab: {  	(v2sf) =	vpush v5, $0x1;
	_ =	sdelay $0x1  }
0xac: {  	(v2sf) =	vpush v5, $0x2  }
0xad: {  	(v2sf) =	vpush v5, $0x3;
	_ =	sdelay $0x1  }
0xae: {  	(v2sf) =	vpush v5, $0x4;
	_ =	sdelay $0x1  }
0xaf: {  	(v2sf) =	vpush v5, $0x5;
	_ =	sdelay $0x1  }
0xb0: {  	(v2sf) =	vpush v5, $0x6  }
0xb1: {  	s28 =	simm.s32 $0x400  }
0xb2: {  	s31 =	sand.u32 $0x3F0, s0;
	s16 =	sand.u32 $0x70, s0;
	s17 =	sand.u32 $0x1C00, s0;
	v3 =	vld [tilespmem:s28+$0x0]  }
0xb3: {  	s24 =	sor.u32 s16, s17;
	v4 =	vld [tilespmem:s31+$0x800];
	s3 =	spop (v2sf)  }
0xb4: {  	v6 =	vld [tilespmem:s24+$0xC00];
	(v2sf) =	vpush v5, $0x7;
	p0 =	sgt.s32 s3, $0x0  }
0xb5: {  	(v2sf) =	vpush v5, $0x8;
	s1 =	simm.s32 @!p0 $0x0  }
0xb6: {  	(v2sf) =	vpush v5, $0x9;
	s6 =	spop (v2sf);
	s1 =	simm.s32 @p0 $0x1  }
0xb7: {  	v7 =	vld [tilespmem:s24+$0xC80];
	(v2sf) =	vpush v5, $0xA;
	p1 =	sgt.s32 s6, $0x0;
	[smem:$0x7FB] =	sst s1  }
0xb8: {  	(v2sf) =	vpush v5, $0xB;
	v10 =	vpsel p0, v4, v3;
	s7 =	spop (v2sf);
	s1 =	simm.s32 @!p1 $0x0;
	v8 =	vld [tilespmem:s24+$0xD00]  }
0xb9: {  	(v2sf) =	vpush v5, $0xC;
	v6 =	vadd.f32 v10, v6;
	s13 =	spop (v2sf);
	p0 =	sgt.s32 s7, $0x0;
	v9 =	vld [tilespmem:s24+$0xD80];
	s1 =	simm.s32 @p1 $0x1  }
0xba: {  	(v2sf) =	vpush v5, $0xD;
	v12 =	vpsel p1, v4, v3;
	v11 =	vld [tilespmem:s24+$0xE00];
	p1 =	sgt.s32 s13, $0x0;
	[smem:$0x7FC] =	sst s1;
	s1 =	simm.s32 @!p0 $0x0  }
0xbb: {  	(v2sf) =	vpush v5, $0xE;
	s14 =	spop (v2sf);
	s3 =	simm.s32 @!p1 $0x0;
	[tilespmem:s24+$0xC00] =	vst v6;
	s1 =	simm.s32 @p0 $0x1  }
0xbc: {  	(v2sf) =	vpush v5, $0xF;
	v5 =	vadd.f32 v7, v12;
	v10 =	vld [tilespmem:s24+$0xE80];
	v6 =	vpsel p0, v4, v3;
	p0 =	sgt.s32 s14, $0x0;
	s3 =	simm.s32 @p1 $0x1;
	[smem:$0x7F1] =	sst s1  }
0xbd: {  	s15 =	spop (v2sf);
	s1 =	simm.s32 @!p0 $0x0;
	v7 =	vld [tilespmem:s24+$0xF00];
	[smem:$0x7F2] =	sst s3  }
0xbe: {  	s1 =	simm.s32 @p0 $0x1;
	v6 =	vadd.f32 v8, v6;
	v8 =	vpsel p1, v4, v3;
	p1 =	sgt.s32 s15, $0x0;
	[tilespmem:s24+$0xC80] =	vst v5  }
0xbf: {  	s17 =	spop (v2sf);
	[smem:$0x7F3] =	sst s1;
	s3 =	simm.s32 @!p1 $0x0  }
0xc0: {  	v5 =	vadd.f32 v9, v8;
	v8 =	vpsel p0, v4, v3;
	p0 =	sgt.s32 s17, $0x0;
	[tilespmem:s24+$0xD00] =	vst v6;
	s3 =	simm.s32 @p1 $0x1  }
0xc1: {  	[smem:$0x7F4] =	sst s3;
	s3 =	simm.s32 @!p0 $0x0  }
0xc2: {  	s29 =	simm.s32 $0x80;
	s30 =	simm.s32 $0x410;
	v6 =	vadd.f32 v11, v8;
	v8 =	vpsel p1, v4, v3;
	[tilespmem:s24+$0xD80] =	vst v5;
	s3 =	simm.s32 @p0 $0x1  }
0xc3: {  	s0 =	sor.u32 s0, s0;
	s19 =	spop (v2sf);
	v5 =	vadd.f32 v10, v8;
	v8 =	vpsel p0, v4, v3;
	[smem:$0x7F5] =	sst s3  }
0xc4: {  	s26 =	simm.s32 $0x10;
	s0 =	sor.u32 $0x380, s0;
	s28 =	spop (v2sf);
	[tilespmem:s24+$0xE00] =	vst v6;
	v6 =	vadd.f32 v7, v8  }
0xc5: {  	s25 =	sand.u32 $0x3F0, s26;
	s7 =	sand.u32 $0x70, s26;
	s13 =	spop (v2sf);
	[tilespmem:s24+$0xE80] =	vst v5;
	v5 =	vld [tilespmem:s30+$0x0]  }
0xc6: {  	s14 =	sand.u32 $0x1C00, s29;
	s22 =	spop (v2sf);
	p1 =	sgt.s32 s19, $0x0;
	[tilespmem:s24+$0xF00] =	vst v6;
	v6 =	vld [tilespmem:s25+$0x800]  }
0xc7: {  	s31 =	spop (v2sf);
	s3 =	simm.s32 @!p1 $0x0;
	s25 =	sor.u32 s7, s14;
	v7 =	vld [tilespmem:s0+$0xC00]  }
0xc8: {  	s6 =	spop (v2sf);
	p3 =	sgt.s32 s31, $0x0;
	s3 =	simm.s32 @p1 $0x1;
	v14 =	vld [tilespmem:s25+$0xC00]  }
0xc9: {  	p2 =	sgt.s32 s6, $0x0;
	v17 =	vld [tilespmem:s25+$0xC80];
	[smem:$0x7F6] =	sst s3;
	s3 =	simm.s32 @!p3 $0x0  }
0xca: {  	s1 =	simm.s32 @!p2 $0x0;
	s15 =	spop (v2sf);
	s3 =	simm.s32 @p3 $0x1  }
0xcb: {  	s1 =	simm.s32 @p2 $0x1;
	p4 =	sgt.s32 s15, $0x0;
	[smem:$0x7F7] =	sst s3  }
0xcc: {  	s19 =	spop (v2sf);
	v19 =	vld [tilespmem:s25+$0xD00];
	[smem:$0x7F8] =	sst s1;
	s1 =	simm.s32 @!p4 $0x0  }
0xcd: {  	v9 =	vpsel p3, v4, v3;
	p3 =	sgt.s32 s19, $0x0;
	s1 =	simm.s32 @p4 $0x1  }
0xce: {  	v8 =	vpsel p1, v4, v3;
	[smem:$0x7F9] =	sst s1;
	s1 =	simm.s32 @!p3 $0x0  }
0xcf: {  	s31 =	sld [smem:$0x7FB];
	v18 =	vadd.f32 v7, v8;
	s1 =	simm.s32 @p3 $0x1  }
0xd0: {  	[smem:$0x7FA] =	sst s1  }
0xd1: {  	p5 =	sgt.s32 s13, $0x0;
	p0 =	sgt.s32 s28, $0x0;
	[tilespmem:s0+$0xC00] =	vst v18  }
0xd2: {  	v13 =	vpsel p2, v4, v3;
	s28 =	spop (v2sf);
	p2 =	seq.s32 s31, $0x1;
	s0 =	sld [smem:$0x7FC]  }
0xd3: {  	p6 =	sgt.s32 s22, $0x0;
	v22 =	vpsel p2, v6, v5;
	v7 =	vpsel p3, v4, v3;
	p3 =	por p2, p2;
	p2 =	sgt.s32 s28, $0x0  }
0xd4: {  	s22 =	sadd.s32 $0x40, s23;
	v12 =	vpsel p6, v4, v3;
	v10 =	vpsel p5, v4, v3;
	v11 =	vpsel p0, v4, v3;
	p1 =	por p0, p0;
	s1 =	simm.s32 @!p2 $0x0;
	v20 =	vld [tilespmem:s25+$0xD80]  }
0xd5: {  	v16 =	vpsel p0, v6, v5;
	p0 =	por p5, p5;
	v15 =	vpsel p5, v6, v5;
	v8 =	vpsel p4, v4, v3;
	v21 =	vld [tilespmem:s25+$0xE00];
	s1 =	simm.s32 @p2 $0x1;
	p4 =	seq.s32 s0, $0x1  }
0xd6: {  	v22 =	vadd.f32 v22, v14;
	v14 =	vpsel p6, v6, v5;
	v18 =	vld [tilespmem:s24+$0x2F80];
	[smem:$0x7FD] =	sst s1;
	s0 =	simm.s32 $0x20;
	p5 =	por p4, p4;
	v23 =	vpsel p4, v6, v5  }
.LBB2_3:
0xd7: {  	s1 =	sld [smem:$0x7F1]  }
0xd8: {  	s6 =	sld [smem:$0x7F7]  }
0xd9: {  	s7 =	sld [smem:$0x7F2]  }
0xda: {  	s13 =	sld [smem:$0x7F8];
	p4 =	seq.s32 s1, $0x1  }
0xdb: {  	v17 =	vadd.f32 v17, v23;
	s14 =	sld [smem:$0x7F3];
	v23 =	vpsel p4, v6, v5;
	p4 =	seq.s32 s6, $0x1  }
0xdc: {  	s15 =	sld [smem:$0x7F9];
	v25 =	vpsel p4, v6, v5;
	p4 =	seq.s32 s7, $0x1  }
0xdd: {  	s16 =	sld [smem:$0x7FA];
	[tilespmem:s25+$0xC00] =	vst v22;
	v22 =	vpsel p4, v6, v5;
	p4 =	seq.s32 s13, $0x1  }
0xde: {  	s17 =	sld [smem:$0x7FD];
	v26 =	vpsel p4, v6, v5;
	p4 =	seq.s32 s14, $0x1  }
0xdf: {  	v24 =	vld [tilespmem:s25+$0xE80];
	s19 =	sld [smem:$0x7F4];
	[tilespmem:s25+$0xC80] =	vst v17;
	v19 =	vadd.f32 v19, v23;
	v17 =	vadd.f32 v20, v22;
	v20 =	vpsel p4, v6, v5;
	p4 =	seq.s32 s15, $0x1  }
0xe0: {  	s28 =	sld [smem:$0x7F5];
	v23 =	vld [tilespmem:s25+$0xF00];
	v22 =	vpsel p4, v6, v5;
	p4 =	seq.s32 s16, $0x1  }
0xe1: {  	v27 =	vld [tilespmem:s24+$0x2C00];
	[tilespmem:s25+$0xD00] =	vst v19;
	v19 =	vadd.f32 v21, v20;
	v20 =	vpsel p4, v6, v5;
	p4 =	seq.s32 s17, $0x1  }
0xe2: {  	v29 =	vpsel p4, v4, v3;
	p4 =	seq.s32 s19, $0x1  }
0xe3: {  	v21 =	vld [tilespmem:s24+$0x2C80];
	[tilespmem:s25+$0xD80] =	vst v17;
	v3 =	vmovc v5;
	v4 =	vmov v6;
	v17 =	vpsel p4, v6, v5;
	v18 =	vadd.f32 v18, v29;
	p4 =	seq.s32 s28, $0x1  }
0xe4: {  	v28 =	vld [tilespmem:s24+$0x2D00];
	[tilespmem:s25+$0xE00] =	vst v19;
	v5 =	vadd.f32 v24, v17;
	v6 =	vpsel p4, v4, v3  }
0xe5: {  	v17 =	vld [tilespmem:s24+$0x2D80];
	v6 =	vadd.f32 v23, v6;
	[tilespmem:s24+$0x2F80] =	vst v18  }
0xe6: {  	v19 =	vld [tilespmem:s24+$0x2E00];
	[tilespmem:s25+$0xE80] =	vst v5  }
0xe7: {  	s31 =	sor.u32 s29, s26;
	v5 =	vadd.f32 v27, v11;
	v18 =	vld [tilespmem:s24+$0x2E80];
	[tilespmem:s25+$0xF00] =	vst v6  }
0xe8: {  	s1 =	sor.u32 $0x380, s31;
	v11 =	vmov v16;
	v6 =	vadd.f32 v21, v10;
	v16 =	vld [tilespmem:s24+$0x2F00]  }
0xe9: {  	s29 =	sadd.s32 $0x80, s29;
	s30 =	sadd.s32 $0x10, s30;
	s3 =	sld [smem:$0x7F6];
	v10 =	vmov v15;
	v21 =	vadd.f32 v28, v12;
	v15 =	vld [tilespmem:s1+$0xC00];
	[tilespmem:s24+$0x2C00] =	vst v5  }
0xea: {  	s6 =	sand.u32 $0x70, s0;
	s7 =	sand.u32 $0x3F0, s0;
	s16 =	sand.u32 $0x1C00, s29;
	v12 =	vmov v14;
	v5 =	vld [tilespmem:s30+$0x0];
	[tilespmem:s24+$0x2C80] =	vst v6;
	v14 =	vadd.f32 v17, v9  }
0xeb: {  	s6 =	sor.u32 s6, s16;
	v19 =	vadd.f32 v19, v13;
	v6 =	vld [tilespmem:s7+$0x800];
	[tilespmem:s24+$0x2D00] =	vst v21  }
0xec: {  	p2 =	sne.s32 s0, $0x3F0;
	p4 =	seq.s32 s3, $0x1;
	v23 =	vld [tilespmem:s6+$0xC00];
	[tilespmem:s24+$0x2D80] =	vst v14;
	v14 =	vadd.f32 v18, v8  }
.Ltmp0:
0xed: {  	v17 =	vld [tilespmem:s6+$0xC80];
	v18 =	vpsel p4, v4, v3;
	[tilespmem:s24+$0x2E00] =	vst v19;
	v16 =	vadd.f32 v16, v7;
	(pc) =	sbr.rel @p2 .LBB2_3-.Ltmp0, $4  }
0xee: {  	v19 =	vld [tilespmem:s6+$0xD00];
	v18 =	vadd.f32 v15, v18;
	[tilespmem:s24+$0x2E80] =	vst v14  }
0xef: {  	v13 =	vmov v26;
	v9 =	vmov v25;
	v7 =	vmov v20;
	v20 =	vld [tilespmem:s6+$0xD80];
	[tilespmem:s24+$0x2F00] =	vst v16;
	s24 =	smov.u32 s25;
	s25 =	smov.u32 s6  }
0xf0: {  	v14 =	vpsel p3, v6, v5;
	v16 =	vpsel p1, v6, v5;
	v15 =	vpsel p0, v6, v5;
	v21 =	vld [tilespmem:s25+$0xE00];
	[tilespmem:s1+$0xC00] =	vst v18  }
0xf1: {  	s26 =	smov.u32 s0;
	s0 =	sadd.s32 $0x10, s0;
	v8 =	vmovc v22;
	v22 =	vadd.f32 v14, v23;
	v23 =	vpsel p5, v6, v5;
	v14 =	vpsel p6, v6, v5;
	v18 =	vld [tilespmem:s24+$0x2F80]  }
0xf2: {  	_ = 	snop  }
0xf3: {  	[tilespmem:s25+$0xC00] =	vst v22  }
0xf4: {  	s0 =	sld [smem:$0x7F1]  }
0xf5: {  	s3 =	sld [smem:$0x7F2];
	_ =	sdelay $0x1  }
0xf6: {  	p0 =	seq.s32 s0, $0x1  }
0xf7: {  	v17 =	vadd.f32 v17, v23;
	p6 =	seq.s32 s3, $0x1;
	v52 =	vpsel p0, v6, v5  }
0xf8: {  	v25 =	vpsel p6, v6, v5;
	v19 =	vadd.f32 v19, v52  }
0xf9: {  	s6 =	sld [smem:$0x7F3];
	[tilespmem:s25+$0xC80] =	vst v17;
	v17 =	vadd.f32 v20, v25  }
0xfa: {  	s7 =	sld [smem:$0x7F4];
	[tilespmem:s25+$0xD00] =	vst v19  }
0xfb: {  	v24 =	vld [tilespmem:s25+$0xE80];
	[tilespmem:s25+$0xD80] =	vst v17  }
0xfc: {  	v53 =	vld [tilespmem:s25+$0xF00];
	s13 =	sld [smem:$0x7F5]  }
0xfd: {  	p1 =	seq.s32 s6, $0x1  }
0xfe: {  	v54 =	vpsel p1, v6, v5;
	p2 =	seq.s32 s7, $0x1  }
0xff: {  	v55 =	vpsel p2, v6, v5;
	v19 =	vadd.f32 v21, v54;
	p3 =	seq.s32 s13, $0x1  }
0x100: {  	v17 =	vadd.f32 v24, v55;
	v56 =	vpsel p3, v6, v5  }
0x101: {  	[tilespmem:s25+$0xE00] =	vst v19;
	v19 =	vadd.f32 v53, v56  }
0x102: {  	[tilespmem:s25+$0xE80] =	vst v17  }
0x103: {  	s14 =	sor.u32 s29, s26;
	[tilespmem:s25+$0xF00] =	vst v19  }
0x104: {  	s0 =	sor.u32 $0x380, s14;
	v19 =	vld [tilespmem:s24+$0x2C00];
	s1 =	sld [smem:$0x7FD]  }
0x105: {  	v17 =	vld [tilespmem:s0+$0xC00];
	s15 =	sld [smem:$0x7F6]  }
0x106: {  	v57 =	vld [tilespmem:s24+$0x2C80]  }
0x107: {  	p6 =	seq.s32 s1, $0x1  }
0x108: {  	p4 =	seq.s32 s15, $0x1;
	v3 =	vpsel p6, v4, v3;
	v4 =	vld [tilespmem:s24+$0x2D00]  }
0x109: {  	v58 =	vpsel p4, v6, v5;
	v11 =	vadd.f32 v19, v11;
	v19 =	vld [tilespmem:s24+$0x2F00];
	v3 =	vadd.f32 v18, v3  }
0x10a: {  	v18 =	vld [tilespmem:s24+$0x2D80];
	v17 =	vadd.f32 v17, v58  }
0x10b: {  	v59 =	vld [tilespmem:s24+$0x2E00];
	v10 =	vadd.f32 v57, v10;
	[tilespmem:s24+$0x2F80] =	vst v3  }
0x10c: {  	v3 =	vld [tilespmem:s24+$0x2E80];
	[tilespmem:s0+$0xC00] =	vst v17  }
0x10d: {  	[tilespmem:s24+$0x2C80] =	vst v10;
	v17 =	vld [tilespmem:s25+$0x2F80];
	v4 =	vadd.f32 v4, v12  }
0x10e: {  	[tilespmem:s24+$0x2C00] =	vst v11;
	v11 =	vld [tilespmem:s25+$0x2C00];
	v7 =	vadd.f32 v19, v7  }
0x10f: {  	v10 =	vld [tilespmem:s25+$0x2C80];
	v9 =	vadd.f32 v18, v9;
	[tilespmem:s24+$0x2D00] =	vst v4  }
0x110: {  	v4 =	vadd.f32 v59, v13;
	v13 =	vld [tilespmem:s25+$0x2D00];
	[tilespmem:s24+$0x2F00] =	vst v7  }
0x111: {  	v12 =	vpsel p6, v6, v5;
	[tilespmem:s24+$0x2D80] =	vst v9;
	v3 =	vadd.f32 v3, v8  }
0x112: {  	v9 =	vadd.f32 v17, v12;
	[tilespmem:s24+$0x2E00] =	vst v4  }
0x113: {  	[tilespmem:s24+$0x2E80] =	vst v3;
	v3 =	vadd.f32 v11, v16  }
0x114: {  	v7 =	vadd.f32 v10, v15;
	[tilespmem:s25+$0x2F80] =	vst v9  }
0x115: {  	v12 =	vld [tilespmem:s25+$0x2D80];
	s0 =	sld [smem:$0x7F7];
	[tilespmem:s25+$0x2C00] =	vst v3;
	v3 =	vadd.f32 v13, v14  }
0x116: {  	v4 =	vld [tilespmem:s25+$0x2E00];
	s16 =	sld [smem:$0x7F8];
	[tilespmem:s25+$0x2C80] =	vst v7  }
0x117: {  	v8 =	vld [tilespmem:s25+$0x2E80];
	s17 =	sld [smem:$0x7F9];
	[tilespmem:s25+$0x2D00] =	vst v3  }
0x118: {  	v9 =	vld [tilespmem:s25+$0x2F00];
	p5 =	seq.s32 s0, $0x1;
	s19 =	sld [smem:$0x7FA]  }
0x119: {  	v10 =	vpsel p5, v6, v5;
	p6 =	seq.s32 s16, $0x1  }
0x11a: {  	v11 =	vpsel p6, v6, v5;
	v7 =	vadd.f32 v12, v10;
	p1 =	seq.s32 s17, $0x1  }
0x11b: {  	v10 =	vpsel p1, v6, v5;
	v3 =	vadd.f32 v4, v11;
	p2 =	seq.s32 s19, $0x1  }
0x11c: {  	v4 =	vpsel p2, v6, v5;
	[tilespmem:s25+$0x2D80] =	vst v7;
	v5 =	vadd.f32 v8, v10  }
0x11d: {  	s24 =	sadd.s32 s5, s23;
	[tilespmem:s25+$0x2E00] =	vst v3;
	v3 =	vadd.f32 v9, v4  }
0x11e: {  	s26 =	rddreg [dreg:$0x2];
	s24 =	sshll.u32 s24, $0x7;
	[tilespmem:s25+$0x2E80] =	vst v5  }
0x11f: {  	s28 =	simm.s32 $0x0;
	s3 =	simm.s32 $0xC00;
	s0 =	sadd.s32 s26, s24;
	[tilespmem:s25+$0x2F00] =	vst v3  }
0x120: {  	[hbm4b:s0+s28] =	stream.linear.scatter [tilespmem:s3], [sflag:$0x4], $0x4000, $0x38;
	[tilespmem:$0x18C00] =	vst v63  }
0x121: {  	v3 =	vld [tilespmem:s23+$0x210];
	_ =	sdelay $0x4  }
0x122: {  	(v2sf) =	vpush v3, $0x0  }
0x123: {  	(v2sf) =	vpush v3, $0x1;
	_ =	sdelay $0x1  }
0x124: {  	(v2sf) =	vpush v3, $0x2  }
0x125: {  	(v2sf) =	vpush v3, $0x3  }
0x126: {  	(v2sf) =	vpush v3, $0x4  }
0x127: {  	(v2sf) =	vpush v3, $0x5  }
0x128: {  	(v2sf) =	vpush v3, $0x6  }
0x129: {  	(v2sf) =	vpush v3, $0x7  }
0x12a: {  	(v2sf) =	vpush v3, $0x8  }
0x12b: {  	(v2sf) =	vpush v3, $0x9  }
0x12c: {  	(v2sf) =	vpush v3, $0xA  }
0x12d: {  	(v2sf) =	vpush v3, $0xB  }
0x12e: {  	(v2sf) =	vpush v3, $0xC  }
0x12f: {  	(v2sf) =	vpush v3, $0xD  }
0x130: {  	s0 =	spop (v2sf);
	(v2sf) =	vpush v3, $0xE  }
0x131: {  	s6 =	spop (v2sf);
	(v2sf) =	vpush v3, $0xF;
	_ =	sdelay $0x1  }
0x132: {  	s7 =	spop (v2sf)  }
0x133: {  	s17 =	spop (v2sf)  }
0x134: {  	s26 =	spop (v2sf)  }
0x135: {  	s29 =	spop (v2sf)  }
0x136: {  	s30 =	spop (v2sf)  }
0x137: {  	s31 =	spop (v2sf)  }
0x138: {  	s13 =	spop (v2sf)  }
0x139: {  	s15 =	spop (v2sf)  }
0x13a: {  	s14 =	sand.u32 $0x3F0, s28;
	s19 =	spop (v2sf)  }
0x13b: {  	s1 =	sand.u32 $0x1C00, s28;
	s3 =	sand.u32 $0x70, s28;
	s28 =	spop (v2sf)  }
0x13c: {  	s16 =	simm.s32 $0x400;
	v5 =	vld [tilespmem:s14+$0x800];
	s25 =	sor.u32 s3, s1;
	s1 =	spop (v2sf)  }
0x13d: {  	v3 =	vld [tilespmem:s16+$0x0];
	s3 =	spop (v2sf)  }
0x13e: {  	v4 =	vld [tilespmem:s25+$0x6F80];
	s16 =	spop (v2sf)  }
0x13f: {  	s14 =	spop (v2sf)  }
0x140: {  	v6 =	vld [tilespmem:s25+$0x4C00];
	p0 =	sgt.s32 s14, $0x0  }
0x141: {  	v7 =	vld [tilespmem:s25+$0x4C80];
	s14 =	simm.s32 @!p0 $0x0  }
0x142: {  	v8 =	vld [tilespmem:s25+$0x4D00];
	v10 =	vpsel p0, v5, v3;
	s14 =	simm.s32 @p0 $0x1  }
0x143: {  	v9 =	vld [tilespmem:s25+$0x4D80];
	v4 =	vadd.f32 v4, v10;
	p0 =	sgt.s32 s0, $0x0;
	[smem:$0x7E6] =	sst s14  }
0x144: {  	s0 =	simm.s32 @!p0 $0x0;
	v11 =	vld [tilespmem:s25+$0x4E00]  }
0x145: {  	p1 =	sgt.s32 s6, $0x0;
	v12 =	vld [tilespmem:s25+$0x4E80];
	[tilespmem:s25+$0x6F80] =	vst v4;
	s0 =	simm.s32 @p0 $0x1  }
0x146: {  	v13 =	vld [tilespmem:s25+$0x4F00];
	v4 =	vpsel p0, v5, v3;
	[smem:$0x7E7] =	sst s0;
	s0 =	simm.s32 @!p1 $0x0  }
0x147: {  	v4 =	vadd.f32 v4, v6;
	v14 =	vld [tilespmem:s25+$0x4F80];
	s0 =	simm.s32 @p1 $0x1  }
0x148: {  	p3 =	sgt.s32 s7, $0x0;
	v6 =	vpsel p1, v5, v3;
	v15 =	vld [tilespmem:s25+$0x6C00];
	[smem:$0x7E8] =	sst s0  }
0x149: {  	v6 =	vadd.f32 v7, v6;
	[tilespmem:s25+$0x4C00] =	vst v4;
	v4 =	vpsel p3, v5, v3  }
0x14a: {  	p6 =	sgt.s32 s30, $0x0;
	v4 =	vadd.f32 v8, v4  }
0x14b: {  	p4 =	por p3, p3;
	s0 =	simm.s32 @!p6 $0x0;
	v16 =	vld [tilespmem:s25+$0x6C80];
	[tilespmem:s25+$0x4C80] =	vst v6  }
0x14c: {  	p5 =	sgt.s32 s17, $0x0;
	v18 =	vpsel p6, v5, v3;
	v17 =	vld [tilespmem:s25+$0x6D00];
	s0 =	simm.s32 @p6 $0x1;
	p6 =	sgt.s32 s31, $0x0;
	[tilespmem:s25+$0x4D00] =	vst v4  }
0x14d: {  	v7 =	vld [tilespmem:s25+$0x6D80];
	p3 =	sgt.s32 s29, $0x0;
	[smem:$0x7E9] =	sst s0;
	s0 =	simm.s32 @!p6 $0x0  }
0x14e: {  	v6 =	vpsel p5, v5, v3;
	p1 =	por p3, p3;
	v8 =	vpsel p3, v5, v3;
	p3 =	sgt.s32 s13, $0x0;
	s0 =	simm.s32 @p6 $0x1  }
0x14f: {  	v6 =	vadd.f32 v9, v6;
	v9 =	vld [tilespmem:s25+$0x6E00];
	[smem:$0x7EA] =	sst s0;
	s0 =	simm.s32 @!p3 $0x0  }
0x150: {  	v60 =	vpsel p3, v5, v3;
	s0 =	simm.s32 @p3 $0x1;
	p3 =	sgt.s32 s15, $0x0  }
0x151: {  	[smem:$0x7EB] =	sst s0;
	s0 =	simm.s32 @!p3 $0x0  }
0x152: {  	v19 =	vpsel p6, v5, v3;
	p6 =	sgt.s32 s19, $0x0;
	[tilespmem:s25+$0x4D80] =	vst v6;
	s0 =	simm.s32 @p3 $0x1  }
0x153: {  	[smem:$0x7EC] =	sst s0;
	s0 =	simm.s32 @!p6 $0x0  }
0x154: {  	p0 =	por p5, p5;
	p5 =	sgt.s32 s28, $0x0;
	s0 =	simm.s32 @p6 $0x1  }
0x155: {  	[smem:$0x7ED] =	sst s0;
	s0 =	simm.s32 @!p5 $0x0  }
0x156: {  	p2 =	sgt.s32 s26, $0x0;
	v61 =	vpsel p3, v5, v3;
	p3 =	sgt.s32 s1, $0x0;
	s0 =	simm.s32 @p5 $0x1  }
0x157: {  	v4 =	vpsel p2, v5, v3;
	[smem:$0x7EE] =	sst s0;
	s0 =	simm.s32 @!p3 $0x0  }
0x158: {  	v11 =	vadd.f32 v11, v4;
	v4 =	vpsel p3, v5, v3;
	s0 =	simm.s32 @p3 $0x1;
	p3 =	sgt.s32 s3, $0x0  }
0x159: {  	v10 =	vld [tilespmem:s25+$0x6E80];
	[smem:$0x7EF] =	sst s0;
	s0 =	simm.s32 @!p3 $0x0  }
0x15a: {  	s31 =	simm.s32 $0x10;
	v63 =	vadd.f32 v12, v8;
	v12 =	vadd.f32 v13, v18;
	[tilespmem:s25+$0x4E00] =	vst v11;
	s0 =	simm.s32 @p3 $0x1  }
0x15b: {  	s17 =	sand.u32 $0x70, s31;
	s26 =	sand.u32 $0x3F0, s31;
	v13 =	vadd.f32 v14, v19;
	v14 =	vadd.f32 v15, v60;
	[smem:$0x7F0] =	sst s0  }
0x15c: {  	v62 =	vpsel p6, v5, v3;
	v6 =	vpsel p5, v5, v3;
	s1 =	simm.s32 $0x410;
	v15 =	vadd.f32 v16, v61;
	p6 =	sgt.s32 s16, $0x0;
	s0 =	simm.s32 $0x80;
	v11 =	vld [tilespmem:s25+$0x6F00]  }
0x15d: {  	v16 =	vadd.f32 v17, v62;
	s16 =	simm.s32 $0x20;
	p5 =	por p6, p6;
	v8 =	vpsel p3, v5, v3;
	v5 =	vpsel p6, v5, v3;
	v3 =	vld [tilespmem:s1+$0x0];
	s29 =	sand.u32 $0x1C00, s0;
	[tilespmem:s25+$0x4E80] =	vst v63  }
.LBB2_5:
0x15e: {  	v17 =	vld [tilespmem:s26+$0x800]  }
0x15f: {  	s6 =	sld [smem:$0x7E7]  }
0x160: {  	s7 =	sld [smem:$0x7E8]  }
0x161: {  	s13 =	sld [smem:$0x7E6]  }
0x162: {  	s3 =	sor.u32 s17, s29;
	s14 =	sld [smem:$0x7E9];
	[tilespmem:s25+$0x4F00] =	vst v12;
	p6 =	seq.s32 s6, $0x1  }
0x163: {  	s15 =	sld [smem:$0x7EA];
	v6 =	vadd.f32 v7, v6;
	v7 =	vld [tilespmem:s3+$0x6F80];
	[tilespmem:s25+$0x4F80] =	vst v13;
	v12 =	vpsel p6, v17, v3;
	p6 =	seq.s32 s7, $0x1  }
0x164: {  	s17 =	sld [smem:$0x7EB];
	v4 =	vadd.f32 v9, v4;
	v9 =	vld [tilespmem:s3+$0x4C00];
	[tilespmem:s25+$0x6C00] =	vst v14;
	v13 =	vpsel p6, v17, v3;
	p6 =	seq.s32 s13, $0x1  }
0x165: {  	s19 =	sld [smem:$0x7EC];
	v8 =	vadd.f32 v10, v8;
	v10 =	vld [tilespmem:s3+$0x4C80];
	[tilespmem:s25+$0x6C80] =	vst v15;
	v15 =	vpsel p6, v17, v3;
	p6 =	seq.s32 s14, $0x1  }
0x166: {  	s26 =	sld [smem:$0x7ED];
	v5 =	vadd.f32 v11, v5;
	v11 =	vld [tilespmem:s3+$0x4D00];
	[tilespmem:s25+$0x6D00] =	vst v16;
	v21 =	vpsel p6, v17, v3;
	p6 =	seq.s32 s15, $0x1  }
0x167: {  	s28 =	sld [smem:$0x7EE];
	v14 =	vld [tilespmem:s3+$0x4D80];
	[tilespmem:s25+$0x6D80] =	vst v6;
	v23 =	vpsel p6, v17, v3;
	p6 =	seq.s32 s17, $0x1  }
0x168: {  	s30 =	sld [smem:$0x7EF];
	v19 =	vld [tilespmem:s3+$0x4E00];
	v6 =	vadd.f32 v7, v15;
	[tilespmem:s25+$0x6E00] =	vst v4;
	v24 =	vpsel p6, v17, v3;
	p6 =	seq.s32 s19, $0x1  }
0x169: {  	s31 =	sld [smem:$0x7F0];
	v18 =	vpsel p0, v17, v3;
	v20 =	vld [tilespmem:s3+$0x4E80];
	[tilespmem:s25+$0x6E80] =	vst v8;
	v25 =	vpsel p6, v17, v3;
	p6 =	seq.s32 s26, $0x1  }
0x16a: {  	v16 =	vpsel p4, v17, v3;
	v7 =	vpsel p2, v17, v3;
	v22 =	vld [tilespmem:s3+$0x4F00];
	[tilespmem:s3+$0x6F80] =	vst v6;
	v27 =	vpsel p6, v17, v3;
	p6 =	seq.s32 s28, $0x1  }
0x16b: {  	v15 =	vpsel p1, v17, v3;
	v9 =	vadd.f32 v12, v9;
	v26 =	vld [tilespmem:s3+$0x4F80];
	[tilespmem:s25+$0x6F00] =	vst v5;
	s25 =	smov.u32 s3;
	v6 =	vpsel p6, v17, v3;
	p6 =	seq.s32 s30, $0x1  }
0x16c: {  	v5 =	vpsel p5, v17, v3;
	v28 =	vld [tilespmem:s25+$0x6C00];
	v14 =	vadd.f32 v14, v18;
	v4 =	vpsel p6, v17, v3;
	p6 =	seq.s32 s31, $0x1  }
0x16d: {  	[tilespmem:s25+$0x4C00] =	vst v9;
	v8 =	vpsel p6, v17, v3;
	v3 =	vadd.f32 v10, v13;
	v10 =	vadd.f32 v11, v16;
	v11 =	vld [tilespmem:s25+$0x6C80]  }
0x16e: {  	p3 =	sne.s32 s16, $0x3F0;
	v17 =	vld [tilespmem:s25+$0x6D00];
	[tilespmem:s25+$0x4D80] =	vst v14  }
.Ltmp1:
0x16f: {  	v9 =	vld [tilespmem:s25+$0x6E00];
	v16 =	vadd.f32 v19, v7;
	[tilespmem:s25+$0x4C80] =	vst v3;
	(pc) =	sbr.rel @p3 .LBB2_5-.Ltmp1, $4  }
0x170: {  	v7 =	vld [tilespmem:s25+$0x6D80];
	[tilespmem:s25+$0x4D00] =	vst v10  }
0x171: {  	s0 =	sadd.s32 $0x80, s0;
	s1 =	sadd.s32 $0x10, s1;
	v18 =	vadd.f32 v20, v15;
	v12 =	vadd.f32 v22, v21;
	v10 =	vld [tilespmem:s25+$0x6E80];
	[tilespmem:s25+$0x4E00] =	vst v16  }
0x172: {  	s29 =	sand.u32 $0x1C00, s0;
	v13 =	vadd.f32 v26, v23;
	v14 =	vadd.f32 v28, v24;
	v3 =	vld [tilespmem:s1+$0x0]  }
0x173: {  	s17 =	sand.u32 $0x70, s16;
	s26 =	sand.u32 $0x3F0, s16;
	s16 =	sadd.s32 $0x10, s16;
	[tilespmem:s25+$0x4E80] =	vst v18;
	v15 =	vadd.f32 v11, v25;
	v11 =	vld [tilespmem:s25+$0x6F00];
	v16 =	vadd.f32 v17, v27  }
0x174: {  	[tilespmem:s25+$0x4F00] =	vst v12  }
0x175: {  	[tilespmem:s25+$0x4F80] =	vst v13  }
0x176: {  	[tilespmem:s25+$0x6C00] =	vst v14  }
0x177: {  	v4 =	vadd.f32 v9, v4;
	[tilespmem:s25+$0x6C80] =	vst v15  }
0x178: {  	v6 =	vadd.f32 v7, v6;
	[tilespmem:s25+$0x6D00] =	vst v16  }
0x179: {  	v17 =	vld [tilespmem:s26+$0x800];
	s0 =	sor.u32 s17, s29;
	s1 =	sld [smem:$0x7E6];
	v8 =	vadd.f32 v10, v8;
	[tilespmem:s25+$0x6E00] =	vst v4  }
0x17a: {  	v12 =	vld [tilespmem:s0+$0x6F80];
	[tilespmem:s25+$0x6D80] =	vst v6  }
0x17b: {  	v7 =	vld [tilespmem:s0+$0x4C00];
	s14 =	sld [smem:$0x7E7];
	[tilespmem:s25+$0x6E80] =	vst v8  }
0x17c: {  	v9 =	vld [tilespmem:s0+$0x4C80];
	s15 =	sld [smem:$0x7E8]  }
0x17d: {  	v10 =	vld [tilespmem:s0+$0x4D00];
	p3 =	seq.s32 s1, $0x1  }
0x17e: {  	v6 =	vld [tilespmem:s0+$0x4D80];
	v5 =	vadd.f32 v11, v5;
	v13 =	vpsel p3, v17, v3;
	p6 =	seq.s32 s14, $0x1  }
0x17f: {  	v11 =	vld [tilespmem:s0+$0x4E00];
	v12 =	vadd.f32 v12, v13;
	v4 =	vpsel p6, v17, v3;
	p6 =	seq.s32 s15, $0x1  }
0x180: {  	[tilespmem:s25+$0x6F00] =	vst v5;
	v13 =	vld [tilespmem:s0+$0x4E80];
	v8 =	vpsel p6, v17, v3;
	v4 =	vadd.f32 v4, v7  }
0x181: {  	[tilespmem:s0+$0x6F80] =	vst v12;
	v7 =	vpsel p4, v17, v3;
	v5 =	vadd.f32 v9, v8  }
0x182: {  	v8 =	vpsel p0, v17, v3;
	v7 =	vadd.f32 v10, v7;
	[tilespmem:s0+$0x4C00] =	vst v4  }
0x183: {  	v4 =	vpsel p2, v17, v3;
	v6 =	vadd.f32 v6, v8;
	[tilespmem:s0+$0x4C80] =	vst v5  }
0x184: {  	v5 =	vpsel p1, v17, v3;
	v4 =	vadd.f32 v11, v4;
	[tilespmem:s0+$0x4D00] =	vst v7  }
0x185: {  	v12 =	vld [tilespmem:s0+$0x4F00];
	s16 =	sld [smem:$0x7E9];
	v5 =	vadd.f32 v13, v5;
	[tilespmem:s0+$0x4D80] =	vst v6  }
0x186: {  	v9 =	vld [tilespmem:s0+$0x4F80];
	s17 =	sld [smem:$0x7EA];
	[tilespmem:s0+$0x4E00] =	vst v4  }
0x187: {  	v10 =	vld [tilespmem:s0+$0x6C00];
	s19 =	sld [smem:$0x7EB];
	[tilespmem:s0+$0x4E80] =	vst v5  }
0x188: {  	v8 =	vld [tilespmem:s0+$0x6C80];
	p6 =	seq.s32 s16, $0x1;
	s25 =	sld [smem:$0x7EC]  }
0x189: {  	v7 =	vpsel p6, v17, v3;
	p1 =	seq.s32 s17, $0x1  }
0x18a: {  	v6 =	vpsel p1, v17, v3;
	v7 =	vadd.f32 v12, v7;
	p2 =	seq.s32 s19, $0x1  }
0x18b: {  	v4 =	vpsel p2, v17, v3;
	v6 =	vadd.f32 v9, v6;
	p3 =	seq.s32 s25, $0x1  }
0x18c: {  	v5 =	vpsel p3, v17, v3;
	v4 =	vadd.f32 v10, v4;
	[tilespmem:s0+$0x4F00] =	vst v7  }
0x18d: {  	v11 =	vld [tilespmem:s0+$0x6D00];
	s26 =	sld [smem:$0x7ED];
	v5 =	vadd.f32 v8, v5;
	[tilespmem:s0+$0x4F80] =	vst v6  }
0x18e: {  	v12 =	vld [tilespmem:s0+$0x6D80];
	s28 =	sld [smem:$0x7EE];
	[tilespmem:s0+$0x6C00] =	vst v4  }
0x18f: {  	v9 =	vld [tilespmem:s0+$0x6E00];
	s3 =	sld [smem:$0x7EF];
	[tilespmem:s0+$0x6C80] =	vst v5  }
0x190: {  	v10 =	vld [tilespmem:s0+$0x6E80];
	p4 =	seq.s32 s26, $0x1;
	s6 =	sld [smem:$0x7F0]  }
0x191: {  	v8 =	vld [tilespmem:s0+$0x6F00];
	v7 =	vpsel p4, v17, v3;
	p6 =	seq.s32 s28, $0x1  }
0x192: {  	v6 =	vpsel p6, v17, v3;
	v7 =	vadd.f32 v11, v7;
	p0 =	seq.s32 s3, $0x1  }
0x193: {  	v4 =	vpsel p0, v17, v3;
	v6 =	vadd.f32 v12, v6;
	p2 =	seq.s32 s6, $0x1  }
0x194: {  	v5 =	vpsel p2, v17, v3;
	v4 =	vadd.f32 v9, v4;
	[tilespmem:s0+$0x6D00] =	vst v7  }
0x195: {  	v3 =	vpsel p5, v17, v3;
	v5 =	vadd.f32 v10, v5;
	[tilespmem:s0+$0x6D80] =	vst v6  }
0x196: {  	v3 =	vadd.f32 v8, v3;
	[tilespmem:s0+$0x6E00] =	vst v4  }
0x197: {  	s7 =	sadd.s32 s24, s12;
	[tilespmem:s0+$0x6E80] =	vst v5  }
0x198: {  	s13 =	simm.s32 $0x2;
	s3 =	simm.s32 $0x4C00;
	[tilespmem:s0+$0x6F00] =	vst v3;
	s0 =	simm.s32 $0x0  }
0x199: {  	[hbm4b:s7+s0] =	stream.linear.scatter [tilespmem:s3], [sflag:$0x4], $0x4000, $0x38;
	[tilespmem:$0x18C00] =	vst v63  }
0x19a: {  	_ =	swait.ge [sflag:s13], $0x8000  }
0x19b: {  	[sflag:s13] =	ssyncset.done $0x0  }
0x19c: {  	[sflag:s13] =	ssyncadd.s32 $0xFFFF8000  }
0x19d: {  	s14 =	smul.u32 $0x180, s21;
	_ =	swait.ge [sflag:s18], $0x8000  }
0x19e: {  	[sflag:s18] =	ssyncset.done $0x0  }
0x19f: {  	s24 =	sshra.s32 s14, $0x2;
	[sflag:s18] =	ssyncadd.s32 $0xFFFF8000  }
0x1a0: {  	v3 =	vld [tilespmem:s24+$0x60];
	_ =	sdelay $0x4  }
0x1a1: {  	v4 =	vshll.u32 v3, $0x3  }
0x1a2: {  	v3 =	vand.u32 $0x7, v3;
	v4 =	vand.u32 $0xFFFFFFC0, v4  }
0x1a3: {  	v3 =	vor.u32 v3, v4  }
0x1a4: {  	v4 =	vperm.xlane v3, v0;
	_ =	sdelay $0x1  }
0x1a5: {  	v4 =	vadd.s32 v1, v4;
	_ =	sdelay $0x3  }
0x1a6: {  	s15 =	simm.s32 $0xC00  }
0x1a7: {  	[tilespmem:s15], [sflag:$0x1] =	stream.indirect_vreg.gather [hbm4b:s2+s0], $0x80, v4, vm0, $0xb8;
	[tilespmem:$0x18C00] =	vst v63  }
0x1a8: {  	s16 =	simm.s32 $0x1400;
	v3 =	vperm.xlane v3, v2  }
0x1a9: {  	[tilespmem:s16], [sflag:$0x1] =	stream.indirect_vreg.gather [hbm4b:s9+s0], $0x80, v4, vm0, $0xb8;
	[tilespmem:$0x18C00] =	vst v63  }
0x1aa: {  	s17 =	simm.s32 $0x1C00;
	v3 =	vadd.s32 v1, v3  }
0x1ab: {  	[tilespmem:s17], [sflag:$0x1] =	stream.indirect_vreg.gather [hbm4b:s10+s0], $0x80, v4, vm0, $0xb8;
	[tilespmem:$0x18C00] =	vst v63  }
0x1ac: {  	s19 =	simm.s32 $0x2400  }
0x1ad: {  	[tilespmem:s19], [sflag:$0x1] =	stream.indirect_vreg.gather [hbm4b:s11+s0], $0x80, v4, vm0, $0xb8;
	[tilespmem:$0x18C00] =	vst v63  }
0x1ae: {  	s25 =	simm.s32 $0x2C00  }
0x1af: {  	[tilespmem:s25], [sflag:$0x1] =	stream.indirect_vreg.gather [hbm4b:s2+s0], $0x80, v3, vm0, $0xb8;
	[tilespmem:$0x18C00] =	vst v63  }
0x1b0: {  	s26 =	simm.s32 $0x3400  }
0x1b1: {  	[tilespmem:s26], [sflag:$0x1] =	stream.indirect_vreg.gather [hbm4b:s9+s0], $0x80, v3, vm0, $0xb8;
	[tilespmem:$0x18C00] =	vst v63  }
0x1b2: {  	s28 =	simm.s32 $0x3C00  }
0x1b3: {  	[tilespmem:s28], [sflag:$0x1] =	stream.indirect_vreg.gather [hbm4b:s10+s0], $0x80, v3, vm0, $0xb8;
	[tilespmem:$0x18C00] =	vst v63  }
0x1b4: {  	s6 =	simm.s32 $0x4400  }
0x1b5: {  	[tilespmem:s6], [sflag:$0x1] =	stream.indirect_vreg.gather [hbm4b:s11+s0], $0x80, v3, vm0, $0xb8;
	[tilespmem:$0x18C00] =	vst v63  }
0x1b6: {  	v3 =	vld [tilespmem:s24+$0x70];
	_ =	sdelay $0x4  }
0x1b7: {  	v4 =	vshll.u32 v3, $0x3  }
0x1b8: {  	v3 =	vand.u32 $0x7, v3;
	v4 =	vand.u32 $0xFFFFFFC0, v4  }
0x1b9: {  	v3 =	vor.u32 v3, v4  }
0x1ba: {  	v4 =	vperm.xlane v3, v0;
	_ =	sdelay $0x1  }
0x1bb: {  	v4 =	vadd.s32 v1, v4;
	_ =	sdelay $0x4  }
0x1bc: {  	[tilespmem:s3], [sflag:$0x1] =	stream.indirect_vreg.gather [hbm4b:s2+s0], $0x80, v4, vm0, $0xb8;
	[tilespmem:$0x18C00] =	vst v63  }
0x1bd: {  	s7 =	simm.s32 $0x5400;
	v3 =	vperm.xlane v3, v2  }
0x1be: {  	[tilespmem:s7], [sflag:$0x1] =	stream.indirect_vreg.gather [hbm4b:s9+s0], $0x80, v4, vm0, $0xb8;
	[tilespmem:$0x18C00] =	vst v63  }
0x1bf: {  	s13 =	simm.s32 $0x5C00;
	v3 =	vadd.s32 v1, v3  }
0x1c0: {  	[tilespmem:s13], [sflag:$0x1] =	stream.indirect_vreg.gather [hbm4b:s10+s0], $0x80, v4, vm0, $0xb8;
	[tilespmem:$0x18C00] =	vst v63  }
0x1c1: {  	s14 =	simm.s32 $0x6400  }
0x1c2: {  	[tilespmem:s14], [sflag:$0x1] =	stream.indirect_vreg.gather [hbm4b:s11+s0], $0x80, v4, vm0, $0xb8;
	[tilespmem:$0x18C00] =	vst v63  }
0x1c3: {  	s15 =	simm.s32 $0x6C00  }
0x1c4: {  	[tilespmem:s15], [sflag:$0x1] =	stream.indirect_vreg.gather [hbm4b:s2+s0], $0x80, v3, vm0, $0xb8;
	[tilespmem:$0x18C00] =	vst v63  }
0x1c5: {  	s16 =	simm.s32 $0x7400  }
0x1c6: {  	[tilespmem:s16], [sflag:$0x1] =	stream.indirect_vreg.gather [hbm4b:s9+s0], $0x80, v3, vm0, $0xb8;
	[tilespmem:$0x18C00] =	vst v63  }
0x1c7: {  	s17 =	simm.s32 $0x7C00  }
0x1c8: {  	[tilespmem:s17], [sflag:$0x1] =	stream.indirect_vreg.gather [hbm4b:s10+s0], $0x80, v3, vm0, $0xb8;
	[tilespmem:$0x18C00] =	vst v63  }
0x1c9: {  	s19 =	simm.s32 $0x8400  }
0x1ca: {  	[tilespmem:s19], [sflag:$0x1] =	stream.indirect_vreg.gather [hbm4b:s11+s0], $0x80, v3, vm0, $0xb8;
	[tilespmem:$0x18C00] =	vst v63  }
0x1cb: {  	v5 =	vld [tilespmem:s23+$0x220];
	_ =	sdelay $0x4  }
0x1cc: {  	(v2sf) =	vpush v5, $0x0;
	_ =	sdelay $0x1  }
0x1cd: {  	(v2sf) =	vpush v5, $0x1;
	_ =	sdelay $0x1  }
0x1ce: {  	(v2sf) =	vpush v5, $0x2  }
0x1cf: {  	(v2sf) =	vpush v5, $0x3;
	_ =	sdelay $0x1  }
0x1d0: {  	(v2sf) =	vpush v5, $0x4;
	_ =	sdelay $0x1  }
0x1d1: {  	(v2sf) =	vpush v5, $0x5;
	_ =	sdelay $0x1  }
0x1d2: {  	s25 =	simm.s32 $0x400;
	(v2sf) =	vpush v5, $0x6  }
0x1d3: {  	s28 =	sand.u32 $0x3F0, s0;
	v3 =	vld [tilespmem:s25+$0x0]  }
0x1d4: {  	s26 =	sand.u32 $0x70, s0;
	s6 =	sand.u32 $0x1C00, s0;
	v4 =	vld [tilespmem:s28+$0x800]  }
0x1d5: {  	s25 =	sor.u32 s26, s6;
	(v2sf) =	vpush v5, $0x7  }
0x1d6: {  	v6 =	vld [tilespmem:s25+$0x8C00];
	(v2sf) =	vpush v5, $0x8;
	s6 =	spop (v2sf)  }
0x1d7: {  	(v2sf) =	vpush v5, $0x9;
	p0 =	sgt.s32 s6, $0x0  }
0x1d8: {  	s29 =	simm.s32 $0x10;
	(v2sf) =	vpush v5, $0xA;
	s7 =	spop (v2sf);
	s1 =	simm.s32 @!p0 $0x0  }
0x1d9: {  	s30 =	simm.s32 $0x80;
	v7 =	vld [tilespmem:s25+$0x8C80];
	(v2sf) =	vpush v5, $0xB;
	v10 =	vpsel p0, v4, v3;
	s1 =	simm.s32 @p0 $0x1;
	p0 =	sgt.s32 s7, $0x0  }
0x1da: {  	v8 =	vld [tilespmem:s25+$0x8D00];
	(v2sf) =	vpush v5, $0xC;
	s13 =	spop (v2sf);
	[smem:$0x7E4] =	sst s1;
	s1 =	simm.s32 @!p0 $0x0  }
0x1db: {  	v6 =	vadd.f32 v10, v6;
	s14 =	spop (v2sf);
	p1 =	sgt.s32 s13, $0x0;
	v9 =	vld [tilespmem:s25+$0x8D80];
	s1 =	simm.s32 @p0 $0x1  }
0x1dc: {  	(v2sf) =	vpush v5, $0xD;
	p2 =	sgt.s32 s14, $0x0;
	v11 =	vld [tilespmem:s25+$0x8E00];
	[smem:$0x7E5] =	sst s1;
	s1 =	simm.s32 @!p1 $0x0  }
0x1dd: {  	v12 =	vpsel p0, v4, v3;
	s15 =	spop (v2sf);
	s3 =	simm.s32 @!p2 $0x0;
	[tilespmem:s25+$0x8C00] =	vst v6;
	s1 =	simm.s32 @p1 $0x1  }
0x1de: {  	(v2sf) =	vpush v5, $0xE;
	s3 =	simm.s32 @p2 $0x1;
	v10 =	vld [tilespmem:s25+$0x8E80];
	v6 =	vadd.f32 v7, v12;
	v7 =	vpsel p1, v4, v3;
	p1 =	sgt.s32 s15, $0x0;
	[smem:$0x7DA] =	sst s1  }
0x1df: {  	s16 =	spop (v2sf);
	s6 =	simm.s32 @!p1 $0x0;
	v12 =	vld [tilespmem:s25+$0x8F00];
	[smem:$0x7DB] =	sst s3  }
0x1e0: {  	s0 =	sor.u32 s0, s0;
	(v2sf) =	vpush v5, $0xF;
	v5 =	vadd.f32 v8, v7;
	v7 =	vpsel p2, v4, v3;
	p2 =	sgt.s32 s16, $0x0;
	s6 =	simm.s32 @p1 $0x1;
	[tilespmem:s25+$0x8C80] =	vst v6  }
0x1e1: {  	s17 =	spop (v2sf);
	s3 =	simm.s32 @!p2 $0x0;
	[smem:$0x7DC] =	sst s6  }
0x1e2: {  	s26 =	sand.u32 $0x70, s29;
	v6 =	vadd.f32 v9, v7;
	v7 =	vpsel p1, v4, v3;
	p1 =	sgt.s32 s17, $0x0;
	s3 =	simm.s32 @p2 $0x1;
	[tilespmem:s25+$0x8D00] =	vst v5  }
0x1e3: {  	s28 =	sand.u32 $0x1C00, s30;
	s6 =	simm.s32 @!p1 $0x0;
	v5 =	vadd.f32 v11, v7;
	v7 =	vpsel p2, v4, v3;
	[smem:$0x7DD] =	sst s3  }
0x1e4: {  	s31 =	sor.u32 s26, s28;
	s1 =	spop (v2sf);
	s6 =	simm.s32 @p1 $0x1;
	[tilespmem:s25+$0x8D80] =	vst v6;
	v6 =	vadd.f32 v10, v7  }
0x1e5: {  	s16 =	sand.u32 $0x3F0, s29;
	s3 =	spop (v2sf);
	[smem:$0x7DE] =	sst s6  }
0x1e6: {  	s14 =	sor.u32 $0x380, s0;
	s0 =	simm.s32 $0x410;
	v7 =	vpsel p1, v4, v3;
	s19 =	spop (v2sf);
	[tilespmem:s25+$0x8E80] =	vst v6;
	v6 =	vld [tilespmem:s16+$0x800]  }
0x1e7: {  	p6 =	sgt.s32 s3, $0x0;
	p1 =	sgt.s32 s1, $0x0;
	s7 =	spop (v2sf);
	[tilespmem:s25+$0x8E00] =	vst v5;
	v5 =	vadd.f32 v12, v7;
	v15 =	vld [tilespmem:s31+$0x8C00]  }
0x1e8: {  	p5 =	sgt.s32 s19, $0x0;
	s3 =	simm.s32 @!p1 $0x0;
	s13 =	spop (v2sf);
	v18 =	vld [tilespmem:s31+$0x8C80]  }
0x1e9: {  	s3 =	simm.s32 @p1 $0x1;
	s15 =	spop (v2sf);
	p2 =	sgt.s32 s13, $0x0;
	[tilespmem:s25+$0x8F00] =	vst v5;
	v5 =	vld [tilespmem:s0+$0x0]  }
0x1ea: {  	p4 =	sgt.s32 s15, $0x0;
	v7 =	vld [tilespmem:s14+$0x8C00];
	[smem:$0x7DF] =	sst s3;
	s3 =	simm.s32 @!p2 $0x0  }
0x1eb: {  	s17 =	spop (v2sf);
	s1 =	simm.s32 @!p4 $0x0;
	s3 =	simm.s32 @p2 $0x1  }
0x1ec: {  	p3 =	sgt.s32 s17, $0x0;
	s1 =	simm.s32 @p4 $0x1;
	[smem:$0x7E0] =	sst s3  }
0x1ed: {  	s19 =	spop (v2sf);
	v20 =	vld [tilespmem:s31+$0x8D00];
	[smem:$0x7E1] =	sst s1;
	s1 =	simm.s32 @!p3 $0x0  }
0x1ee: {  	v9 =	vpsel p2, v4, v3;
	p2 =	sgt.s32 s19, $0x0;
	s1 =	simm.s32 @p3 $0x1  }
0x1ef: {  	v8 =	vpsel p1, v4, v3;
	[smem:$0x7E2] =	sst s1;
	s1 =	simm.s32 @!p2 $0x0  }
0x1f0: {  	v17 =	vadd.f32 v7, v8;
	s1 =	simm.s32 @p2 $0x1  }
0x1f1: {  	[smem:$0x7E3] =	sst s1  }
0x1f2: {  	s26 =	sld [smem:$0x7E4];
	[tilespmem:s14+$0x8C00] =	vst v17  }
0x1f3: {  	p0 =	sgt.s32 s7, $0x0;
	s28 =	sld [smem:$0x7E5]  }
0x1f4: {  	v11 =	vpsel p6, v4, v3;
	v10 =	vpsel p5, v4, v3;
	v12 =	vpsel p0, v4, v3  }
0x1f5: {  	p1 =	por p6, p6;
	s16 =	simm.s32 $0x20;
	v13 =	vpsel p4, v4, v3;
	v16 =	vpsel p6, v6, v5;
	v8 =	vpsel p3, v4, v3;
	p3 =	seq.s32 s26, $0x1;
	v21 =	vld [tilespmem:s31+$0x8D80]  }
0x1f6: {  	p6 =	por p5, p5;
	v14 =	vpsel p5, v6, v5;
	v7 =	vpsel p2, v4, v3;
	s26 =	sadd.s32 $0x20, s23;
	v22 =	vpsel p3, v6, v5;
	v19 =	vld [tilespmem:s31+$0x8E00];
	p4 =	seq.s32 s28, $0x1  }
0x1f7: {  	p3 =	por p0, p0;
	s1 =	spop (v2sf);
	v22 =	vadd.f32 v22, v15;
	v15 =	vpsel p0, v6, v5;
	v17 =	vld [tilespmem:s25+$0xAF80];
	p5 =	por p4, p4;
	v23 =	vpsel p4, v6, v5  }
.LBB2_7:
0x1f8: {  	s3 =	sld [smem:$0x7DA]  }
0x1f9: {  	s15 =	sld [smem:$0x7E0]  }
0x1fa: {  	s17 =	sld [smem:$0x7DB]  }
0x1fb: {  	s19 =	sld [smem:$0x7E1]  }
0x1fc: {  	s28 =	sld [smem:$0x7DC];
	p4 =	seq.s32 s15, $0x1  }
0x1fd: {  	s6 =	sld [smem:$0x7E2];
	v25 =	vpsel p4, v6, v5;
	p4 =	seq.s32 s17, $0x1  }
0x1fe: {  	v18 =	vadd.f32 v18, v23;
	s7 =	sld [smem:$0x7E3];
	[tilespmem:s31+$0x8C00] =	vst v22;
	p0 =	seq.s32 s3, $0x1;
	v22 =	vpsel p4, v6, v5;
	p4 =	seq.s32 s19, $0x1  }
0x1ff: {  	v24 =	vld [tilespmem:s31+$0x8E80];
	s13 =	sld [smem:$0x7DD];
	v23 =	vpsel p0, v6, v5;
	s17 =	smov.u32 s31;
	v26 =	vpsel p4, v6, v5;
	p4 =	seq.s32 s28, $0x1  }
0x200: {  	s14 =	sld [smem:$0x7DE];
	v20 =	vadd.f32 v20, v23;
	v23 =	vld [tilespmem:s31+$0x8F00];
	[tilespmem:s17+$0x8C80] =	vst v18;
	v18 =	vadd.f32 v21, v22;
	v21 =	vpsel p4, v6, v5;
	p4 =	seq.s32 s6, $0x1  }
0x201: {  	p0 =	sgt.s32 s1, $0x0;
	v22 =	vpsel p4, v6, v5;
	p4 =	seq.s32 s7, $0x1  }
0x202: {  	v29 =	vpsel p0, v4, v3;
	v27 =	vld [tilespmem:s25+$0xAC00];
	[tilespmem:s17+$0x8D00] =	vst v20;
	v19 =	vadd.f32 v19, v21;
	v20 =	vpsel p4, v6, v5;
	p4 =	seq.s32 s13, $0x1  }
0x203: {  	v3 =	vmovc v5;
	v4 =	vmov v6;
	v17 =	vadd.f32 v17, v29;
	v21 =	vld [tilespmem:s25+$0xAC80];
	[tilespmem:s17+$0x8D80] =	vst v18;
	v18 =	vpsel p4, v6, v5;
	p4 =	seq.s32 s14, $0x1  }
0x204: {  	v28 =	vld [tilespmem:s25+$0xAD00];
	[tilespmem:s17+$0x8E00] =	vst v19;
	v5 =	vadd.f32 v24, v18;
	v6 =	vpsel p4, v4, v3  }
0x205: {  	v18 =	vld [tilespmem:s25+$0xAD80];
	[tilespmem:s25+$0xAF80] =	vst v17;
	v6 =	vadd.f32 v23, v6  }
0x206: {  	v19 =	vld [tilespmem:s25+$0xAE00];
	[tilespmem:s17+$0x8E80] =	vst v5  }
0x207: {  	s15 =	sor.u32 s30, s29;
	v5 =	vadd.f32 v27, v11;
	v17 =	vld [tilespmem:s25+$0xAE80];
	[tilespmem:s17+$0x8F00] =	vst v6  }
0x208: {  	s3 =	sor.u32 $0x380, s15;
	v11 =	vmov v16;
	v6 =	vadd.f32 v21, v10;
	v16 =	vld [tilespmem:s25+$0xAF00]  }
0x209: {  	s0 =	sadd.s32 $0x10, s0;
	s30 =	sadd.s32 $0x80, s30;
	s19 =	sld [smem:$0x7DF];
	v10 =	vmov v14;
	v21 =	vadd.f32 v28, v12;
	v14 =	vld [tilespmem:s3+$0x8C00];
	[tilespmem:s25+$0xAC00] =	vst v5  }
0x20a: {  	s6 =	sand.u32 $0x70, s16;
	s7 =	sand.u32 $0x3F0, s16;
	s13 =	sand.u32 $0x1C00, s30;
	v12 =	vmov v15;
	v5 =	vld [tilespmem:s0+$0x0];
	[tilespmem:s25+$0xAC80] =	vst v6;
	v15 =	vadd.f32 v18, v9  }
0x20b: {  	s31 =	sor.u32 s6, s13;
	v19 =	vadd.f32 v19, v13;
	v6 =	vld [tilespmem:s7+$0x800];
	[tilespmem:s25+$0xAD00] =	vst v21  }
0x20c: {  	p2 =	sne.s32 s16, $0x3F0;
	s28 =	sld [smem:$0x7E4];
	p4 =	seq.s32 s19, $0x1;
	v23 =	vld [tilespmem:s31+$0x8C00];
	[tilespmem:s25+$0xAD80] =	vst v15;
	v15 =	vadd.f32 v17, v8  }
.Ltmp2:
0x20d: {  	v18 =	vld [tilespmem:s31+$0x8C80];
	v17 =	vpsel p4, v4, v3;
	[tilespmem:s25+$0xAE00] =	vst v19;
	v16 =	vadd.f32 v16, v7;
	(pc) =	sbr.rel @p2 .LBB2_7-.Ltmp2, $4  }
0x20e: {  	v7 =	vmov v20;
	v20 =	vld [tilespmem:s31+$0x8D00];
	v17 =	vadd.f32 v14, v17;
	[tilespmem:s25+$0xAE80] =	vst v15  }
0x20f: {  	v9 =	vmov v25;
	v13 =	vmov v26;
	p4 =	seq.s32 s28, $0x1;
	v21 =	vld [tilespmem:s31+$0x8D80];
	[tilespmem:s25+$0xAF00] =	vst v16  }
0x210: {  	v15 =	vpsel p4, v6, v5;
	v16 =	vpsel p1, v6, v5;
	v14 =	vpsel p6, v6, v5;
	s25 =	smov.u32 s17;
	v19 =	vld [tilespmem:s31+$0x8E00];
	[tilespmem:s3+$0x8C00] =	vst v17  }
0x211: {  	s29 =	smov.u32 s16;
	s16 =	sadd.s32 $0x10, s16;
	v8 =	vmovc v22;
	v22 =	vadd.f32 v15, v23;
	v23 =	vpsel p5, v6, v5;
	v15 =	vpsel p3, v6, v5;
	v17 =	vld [tilespmem:s25+$0xAF80]  }
0x212: {  	_ = 	snop  }
0x213: {  	[tilespmem:s31+$0x8C00] =	vst v22  }
0x214: {  	s0 =	sld [smem:$0x7DA]  }
0x215: {  	s7 =	sld [smem:$0x7DB];
	_ =	sdelay $0x1  }
0x216: {  	p1 =	seq.s32 s0, $0x1  }
0x217: {  	v18 =	vadd.f32 v18, v23;
	p2 =	seq.s32 s7, $0x1;
	v52 =	vpsel p1, v6, v5  }
0x218: {  	v25 =	vpsel p2, v6, v5;
	v20 =	vadd.f32 v20, v52  }
0x219: {  	s13 =	sld [smem:$0x7DC];
	[tilespmem:s31+$0x8C80] =	vst v18;
	v18 =	vadd.f32 v21, v25  }
0x21a: {  	s14 =	sld [smem:$0x7DD];
	[tilespmem:s31+$0x8D00] =	vst v20  }
0x21b: {  	v24 =	vld [tilespmem:s31+$0x8E80];
	[tilespmem:s31+$0x8D80] =	vst v18  }
0x21c: {  	v53 =	vld [tilespmem:s31+$0x8F00];
	s15 =	sld [smem:$0x7DE]  }
0x21d: {  	p3 =	seq.s32 s13, $0x1  }
0x21e: {  	v54 =	vpsel p3, v6, v5;
	p4 =	seq.s32 s14, $0x1  }
0x21f: {  	v55 =	vpsel p4, v6, v5;
	v19 =	vadd.f32 v19, v54;
	p5 =	seq.s32 s15, $0x1  }
0x220: {  	v18 =	vadd.f32 v24, v55;
	v56 =	vpsel p5, v6, v5  }
0x221: {  	[tilespmem:s31+$0x8E00] =	vst v19;
	v19 =	vadd.f32 v53, v56  }
0x222: {  	s16 =	sor.u32 s30, s29;
	[tilespmem:s31+$0x8E80] =	vst v18  }
0x223: {  	s0 =	sor.u32 $0x380, s16;
	[tilespmem:s31+$0x8F00] =	vst v19  }
0x224: {  	v18 =	vld [tilespmem:s0+$0x8C00];
	s1 =	sld [smem:$0x7DF]  }
0x225: {  	v57 =	vld [tilespmem:s25+$0xAC80]  }
0x226: {  	v19 =	vld [tilespmem:s25+$0xAC00]  }
0x227: {  	v3 =	vpsel p0, v4, v3;
	v4 =	vld [tilespmem:s25+$0xAD00];
	p6 =	seq.s32 s1, $0x1  }
0x228: {  	v3 =	vadd.f32 v17, v3;
	v17 =	vld [tilespmem:s25+$0xAD80];
	v58 =	vpsel p6, v6, v5  }
0x229: {  	v59 =	vld [tilespmem:s25+$0xAE00];
	v18 =	vadd.f32 v18, v58  }
0x22a: {  	v10 =	vadd.f32 v57, v10;
	[tilespmem:s25+$0xAF80] =	vst v3;
	v3 =	vld [tilespmem:s25+$0xAE80]  }
0x22b: {  	v11 =	vadd.f32 v19, v11;
	v19 =	vld [tilespmem:s25+$0xAF00];
	[tilespmem:s0+$0x8C00] =	vst v18  }
0x22c: {  	v4 =	vadd.f32 v4, v12;
	[tilespmem:s25+$0xAC80] =	vst v10;
	v18 =	vld [tilespmem:s31+$0xAF80]  }
0x22d: {  	v9 =	vadd.f32 v17, v9;
	[tilespmem:s25+$0xAC00] =	vst v11;
	v11 =	vld [tilespmem:s31+$0xAC00]  }
0x22e: {  	[tilespmem:s25+$0xAD00] =	vst v4;
	v4 =	vadd.f32 v59, v13;
	v10 =	vld [tilespmem:s31+$0xAC80]  }
0x22f: {  	[tilespmem:s25+$0xAD80] =	vst v9;
	v3 =	vadd.f32 v3, v8;
	v13 =	vld [tilespmem:s31+$0xAD00]  }
0x230: {  	v12 =	vpsel p0, v6, v5;
	[tilespmem:s25+$0xAE00] =	vst v4;
	v7 =	vadd.f32 v19, v7  }
0x231: {  	[tilespmem:s25+$0xAE80] =	vst v3;
	v9 =	vadd.f32 v18, v12  }
0x232: {  	[tilespmem:s25+$0xAF00] =	vst v7;
	v3 =	vadd.f32 v11, v16  }
0x233: {  	v7 =	vadd.f32 v10, v14;
	[tilespmem:s31+$0xAF80] =	vst v9  }
0x234: {  	v12 =	vld [tilespmem:s31+$0xAD80];
	s0 =	sld [smem:$0x7E0];
	[tilespmem:s31+$0xAC00] =	vst v3;
	v3 =	vadd.f32 v13, v15  }
0x235: {  	v4 =	vld [tilespmem:s31+$0xAE00];
	s17 =	sld [smem:$0x7E1];
	[tilespmem:s31+$0xAC80] =	vst v7  }
0x236: {  	v8 =	vld [tilespmem:s31+$0xAE80];
	s19 =	sld [smem:$0x7E2];
	[tilespmem:s31+$0xAD00] =	vst v3  }
0x237: {  	v9 =	vld [tilespmem:s31+$0xAF00];
	p1 =	seq.s32 s0, $0x1;
	s25 =	sld [smem:$0x7E3]  }
0x238: {  	v10 =	vpsel p1, v6, v5;
	p2 =	seq.s32 s17, $0x1  }
0x239: {  	v11 =	vpsel p2, v6, v5;
	v7 =	vadd.f32 v12, v10;
	p3 =	seq.s32 s19, $0x1  }
0x23a: {  	v10 =	vpsel p3, v6, v5;
	v3 =	vadd.f32 v4, v11;
	p4 =	seq.s32 s25, $0x1  }
0x23b: {  	v4 =	vpsel p4, v6, v5;
	[tilespmem:s31+$0xAD80] =	vst v7;
	v5 =	vadd.f32 v8, v10  }
0x23c: {  	s26 =	sadd.s32 s5, s26;
	[tilespmem:s31+$0xAE00] =	vst v3;
	v3 =	vadd.f32 v9, v4  }
0x23d: {  	s28 =	rddreg [dreg:$0x2];
	s25 =	sshll.u32 s26, $0x7;
	[tilespmem:s31+$0xAE80] =	vst v5  }
0x23e: {  	s3 =	simm.s32 $0x8C00;
	s1 =	simm.s32 $0x0;
	s0 =	sadd.s32 s28, s25;
	[tilespmem:s31+$0xAF00] =	vst v3  }
0x23f: {  	[hbm4b:s0+s1] =	stream.linear.scatter [tilespmem:s3], [sflag:$0x5], $0x4000, $0x38;
	[tilespmem:$0x18C00] =	vst v63  }
0x240: {  	v3 =	vld [tilespmem:s23+$0x230];
	_ =	sdelay $0x4  }
0x241: {  	(v2sf) =	vpush v3, $0x0  }
0x242: {  	(v2sf) =	vpush v3, $0x1;
	_ =	sdelay $0x1  }
0x243: {  	(v2sf) =	vpush v3, $0x2  }
0x244: {  	(v2sf) =	vpush v3, $0x3  }
0x245: {  	(v2sf) =	vpush v3, $0x4  }
0x246: {  	(v2sf) =	vpush v3, $0x5  }
0x247: {  	(v2sf) =	vpush v3, $0x6  }
0x248: {  	(v2sf) =	vpush v3, $0x7  }
0x249: {  	(v2sf) =	vpush v3, $0x8  }
0x24a: {  	(v2sf) =	vpush v3, $0x9  }
0x24b: {  	(v2sf) =	vpush v3, $0xA  }
0x24c: {  	(v2sf) =	vpush v3, $0xB  }
0x24d: {  	(v2sf) =	vpush v3, $0xC  }
0x24e: {  	(v2sf) =	vpush v3, $0xD  }
0x24f: {  	s0 =	spop (v2sf);
	(v2sf) =	vpush v3, $0xE  }
0x250: {  	s3 =	spop (v2sf);
	(v2sf) =	vpush v3, $0xF;
	_ =	sdelay $0x1  }
0x251: {  	s6 =	spop (v2sf)  }
0x252: {  	s7 =	spop (v2sf)  }
0x253: {  	s13 =	spop (v2sf)  }
0x254: {  	s14 =	spop (v2sf)  }
0x255: {  	s15 =	spop (v2sf)  }
0x256: {  	s17 =	spop (v2sf)  }
0x257: {  	s19 =	spop (v2sf)  }
0x258: {  	s26 =	spop (v2sf)  }
0x259: {  	s16 =	simm.s32 $0x400;
	s31 =	sand.u32 $0x3F0, s1;
	s28 =	spop (v2sf)  }
0x25a: {  	s30 =	sand.u32 $0x70, s1;
	s1 =	sand.u32 $0x1C00, s1;
	v5 =	vld [tilespmem:s31+$0x800];
	s29 =	spop (v2sf)  }
0x25b: {  	s23 =	sor.u32 s30, s1;
	v3 =	vld [tilespmem:s16+$0x0];
	s1 =	spop (v2sf)  }
0x25c: {  	v4 =	vld [tilespmem:s23+$0xEF80];
	s30 =	spop (v2sf)  }
0x25d: {  	s16 =	spop (v2sf)  }
0x25e: {  	v6 =	vld [tilespmem:s23+$0xCC00];
	s31 =	spop (v2sf)  }
0x25f: {  	v7 =	vld [tilespmem:s23+$0xCC80];
	p5 =	sgt.s32 s31, $0x0  }
0x260: {  	v8 =	vld [tilespmem:s23+$0xCD00];
	v10 =	vpsel p5, v5, v3  }
0x261: {  	v9 =	vld [tilespmem:s23+$0xCD80];
	p1 =	sgt.s32 s0, $0x0;
	v4 =	vadd.f32 v4, v10  }
0x262: {  	v11 =	vld [tilespmem:s23+$0xCE00];
	s0 =	simm.s32 @!p1 $0x0  }
0x263: {  	v12 =	vld [tilespmem:s23+$0xCE80];
	s0 =	simm.s32 @p1 $0x1;
	[tilespmem:s23+$0xEF80] =	vst v4;
	v4 =	vpsel p1, v5, v3;
	p1 =	sgt.s32 s3, $0x0  }
0x264: {  	v13 =	vld [tilespmem:s23+$0xCF00];
	[smem:$0x7CF] =	sst s0;
	s0 =	simm.s32 @!p1 $0x0  }
0x265: {  	v4 =	vadd.f32 v4, v6;
	v6 =	vpsel p1, v5, v3;
	v14 =	vld [tilespmem:s23+$0xCF80];
	s0 =	simm.s32 @p1 $0x1  }
0x266: {  	p6 =	sgt.s32 s6, $0x0;
	v15 =	vld [tilespmem:s23+$0xEC00];
	v6 =	vadd.f32 v7, v6;
	[smem:$0x7D0] =	sst s0  }
0x267: {  	p2 =	sgt.s32 s7, $0x0;
	p0 =	por p5, p5;
	[tilespmem:s23+$0xCC00] =	vst v4;
	v4 =	vpsel p6, v5, v3  }
0x268: {  	p5 =	por p6, p6;
	[tilespmem:s23+$0xCC80] =	vst v6;
	p6 =	por p2, p2;
	v6 =	vpsel p2, v5, v3;
	p2 =	sgt.s32 s15, $0x0;
	v4 =	vadd.f32 v8, v4  }
0x269: {  	p3 =	sgt.s32 s14, $0x0;
	v16 =	vld [tilespmem:s23+$0xEC80];
	s0 =	simm.s32 @!p2 $0x0  }
0x26a: {  	p4 =	por p3, p3;
	v17 =	vld [tilespmem:s23+$0xED00];
	v8 =	vpsel p3, v5, v3;
	p3 =	sgt.s32 s17, $0x0;
	s0 =	simm.s32 @p2 $0x1;
	[tilespmem:s23+$0xCD00] =	vst v4  }
0x26b: {  	v7 =	vld [tilespmem:s23+$0xED80];
	[smem:$0x7D1] =	sst s0;
	s0 =	simm.s32 @!p3 $0x0  }
0x26c: {  	v18 =	vpsel p2, v5, v3;
	p2 =	sgt.s32 s19, $0x0;
	s0 =	simm.s32 @p3 $0x1  }
0x26d: {  	v6 =	vadd.f32 v9, v6;
	v9 =	vld [tilespmem:s23+$0xEE00];
	[smem:$0x7D2] =	sst s0;
	s0 =	simm.s32 @!p2 $0x0  }
0x26e: {  	v60 =	vpsel p2, v5, v3;
	s0 =	simm.s32 @p2 $0x1;
	p2 =	sgt.s32 s29, $0x0  }
0x26f: {  	[smem:$0x7D3] =	sst s0;
	s0 =	simm.s32 @!p2 $0x0  }
0x270: {  	v19 =	vpsel p3, v5, v3;
	p3 =	sgt.s32 s26, $0x0;
	[tilespmem:s23+$0xCD80] =	vst v6;
	s0 =	simm.s32 @p2 $0x1  }
0x271: {  	[smem:$0x7D6] =	sst s0;
	s0 =	simm.s32 @!p3 $0x0  }
0x272: {  	p2 =	sgt.s32 s28, $0x0;
	s0 =	simm.s32 @p3 $0x1  }
0x273: {  	[smem:$0x7D4] =	sst s0;
	s0 =	simm.s32 @!p2 $0x0  }
0x274: {  	p1 =	sgt.s32 s13, $0x0;
	v62 =	vpsel p2, v5, v3;
	s0 =	simm.s32 @p2 $0x1;
	p2 =	sgt.s32 s1, $0x0  }
0x275: {  	v4 =	vpsel p1, v5, v3;
	[smem:$0x7D5] =	sst s0;
	s0 =	simm.s32 @!p2 $0x0  }
0x276: {  	v11 =	vadd.f32 v11, v4;
	v4 =	vpsel p2, v5, v3;
	s0 =	simm.s32 @p2 $0x1;
	p2 =	sgt.s32 s30, $0x0  }
0x277: {  	s28 =	simm.s32 $0x10;
	v10 =	vld [tilespmem:s23+$0xEE80];
	[smem:$0x7D7] =	sst s0;
	s0 =	simm.s32 @!p2 $0x0  }
0x278: {  	v63 =	vadd.f32 v12, v8;
	s31 =	sld [smem:$0x7D6];
	v8 =	vpsel p2, v5, v3;
	s0 =	simm.s32 @p2 $0x1;
	p2 =	sgt.s32 s16, $0x0  }
0x279: {  	s17 =	sand.u32 $0x70, s28;
	[tilespmem:s23+$0xCE00] =	vst v11;
	s6 =	simm.s32 @!p2 $0x0  }
0x27a: {  	v12 =	vadd.f32 v13, v18;
	v13 =	vadd.f32 v14, v19;
	v61 =	vpsel p3, v5, v3;
	s1 =	simm.s32 $0x410;
	[smem:$0x7D8] =	sst s0;
	s6 =	simm.s32 @p2 $0x1  }
0x27b: {  	v14 =	vadd.f32 v15, v60;
	v15 =	vadd.f32 v16, v61;
	p3 =	seq.s32 s31, $0x1;
	s0 =	simm.s32 $0x80;
	v11 =	vld [tilespmem:s23+$0xEF00];
	[smem:$0x7D9] =	sst s6  }
0x27c: {  	s26 =	sand.u32 $0x3F0, s28;
	v16 =	vadd.f32 v17, v62;
	v6 =	vpsel p3, v5, v3;
	s16 =	simm.s32 $0x20;
	v5 =	vpsel p2, v5, v3;
	s29 =	sand.u32 $0x1C00, s0;
	v3 =	vld [tilespmem:s1+$0x0];
	[tilespmem:s23+$0xCE80] =	vst v63  }
.LBB2_9:
0x27d: {  	v17 =	vld [tilespmem:s26+$0x800]  }
0x27e: {  	s6 =	sld [smem:$0x7CF]  }
0x27f: {  	s7 =	sld [smem:$0x7D0]  }
0x280: {  	s13 =	sld [smem:$0x7D1]  }
0x281: {  	s3 =	sor.u32 s17, s29;
	s14 =	sld [smem:$0x7D2];
	[tilespmem:s23+$0xCF00] =	vst v12;
	p3 =	seq.s32 s6, $0x1  }
0x282: {  	s15 =	sld [smem:$0x7D3];
	v6 =	vadd.f32 v7, v6;
	v7 =	vld [tilespmem:s3+$0xEF80];
	[tilespmem:s23+$0xCF80] =	vst v13;
	v12 =	vpsel p3, v17, v3;
	p3 =	seq.s32 s7, $0x1  }
0x283: {  	s17 =	sld [smem:$0x7D4];
	v4 =	vadd.f32 v9, v4;
	v9 =	vld [tilespmem:s3+$0xCC00];
	[tilespmem:s23+$0xEC00] =	vst v14;
	v13 =	vpsel p3, v17, v3;
	p3 =	seq.s32 s13, $0x1  }
0x284: {  	s19 =	sld [smem:$0x7D5];
	v8 =	vadd.f32 v10, v8;
	v10 =	vld [tilespmem:s3+$0xCC80];
	[tilespmem:s23+$0xEC80] =	vst v15;
	v21 =	vpsel p3, v17, v3;
	p3 =	seq.s32 s14, $0x1  }
0x285: {  	s26 =	sld [smem:$0x7D6];
	v5 =	vadd.f32 v11, v5;
	v11 =	vld [tilespmem:s3+$0xCD00];
	[tilespmem:s23+$0xED00] =	vst v16;
	v23 =	vpsel p3, v17, v3;
	p3 =	seq.s32 s15, $0x1  }
0x286: {  	s28 =	sld [smem:$0x7D7];
	v15 =	vpsel p0, v17, v3;
	v14 =	vld [tilespmem:s3+$0xCD80];
	[tilespmem:s23+$0xED80] =	vst v6;
	v24 =	vpsel p3, v17, v3;
	p3 =	seq.s32 s17, $0x1  }
0x287: {  	s30 =	sld [smem:$0x7D8];
	v19 =	vld [tilespmem:s3+$0xCE00];
	v6 =	vadd.f32 v7, v15;
	[tilespmem:s23+$0xEE00] =	vst v4;
	v25 =	vpsel p3, v17, v3;
	p3 =	seq.s32 s19, $0x1  }
0x288: {  	s31 =	sld [smem:$0x7D9];
	v20 =	vld [tilespmem:s3+$0xCE80];
	[tilespmem:s23+$0xEE80] =	vst v8;
	v27 =	vpsel p3, v17, v3;
	p3 =	seq.s32 s26, $0x1  }
0x289: {  	v18 =	vpsel p6, v17, v3;
	v16 =	vpsel p5, v17, v3;
	v22 =	vld [tilespmem:s3+$0xCF00];
	[tilespmem:s3+$0xEF80] =	vst v6;
	v6 =	vpsel p3, v17, v3;
	p3 =	seq.s32 s28, $0x1  }
0x28a: {  	v7 =	vpsel p1, v17, v3;
	v9 =	vadd.f32 v12, v9;
	v26 =	vld [tilespmem:s3+$0xCF80];
	[tilespmem:s23+$0xEF00] =	vst v5;
	s23 =	smov.u32 s3;
	v4 =	vpsel p3, v17, v3;
	p3 =	seq.s32 s30, $0x1  }
0x28b: {  	v15 =	vpsel p4, v17, v3;
	v28 =	vld [tilespmem:s23+$0xEC00];
	v14 =	vadd.f32 v14, v18;
	v8 =	vpsel p3, v17, v3;
	p3 =	seq.s32 s31, $0x1  }
0x28c: {  	[tilespmem:s23+$0xCC00] =	vst v9;
	v5 =	vpsel p3, v17, v3;
	v3 =	vadd.f32 v10, v13;
	v10 =	vadd.f32 v11, v16;
	v11 =	vld [tilespmem:s23+$0xEC80]  }
0x28d: {  	p2 =	sne.s32 s16, $0x3F0;
	v17 =	vld [tilespmem:s23+$0xED00];
	[tilespmem:s23+$0xCD80] =	vst v14  }
.Ltmp3:
0x28e: {  	v9 =	vld [tilespmem:s23+$0xEE00];
	v16 =	vadd.f32 v19, v7;
	[tilespmem:s23+$0xCC80] =	vst v3;
	(pc) =	sbr.rel @p2 .LBB2_9-.Ltmp3, $4  }
0x28f: {  	v7 =	vld [tilespmem:s23+$0xED80];
	[tilespmem:s23+$0xCD00] =	vst v10  }
0x290: {  	s0 =	sadd.s32 $0x80, s0;
	s1 =	sadd.s32 $0x10, s1;
	v18 =	vadd.f32 v20, v15;
	v12 =	vadd.f32 v22, v21;
	v10 =	vld [tilespmem:s23+$0xEE80];
	[tilespmem:s23+$0xCE00] =	vst v16  }
0x291: {  	s29 =	sand.u32 $0x1C00, s0;
	v13 =	vadd.f32 v26, v23;
	v14 =	vadd.f32 v28, v24;
	v3 =	vld [tilespmem:s1+$0x0]  }
0x292: {  	s17 =	sand.u32 $0x70, s16;
	s26 =	sand.u32 $0x3F0, s16;
	s16 =	sadd.s32 $0x10, s16;
	[tilespmem:s23+$0xCE80] =	vst v18;
	v15 =	vadd.f32 v11, v25;
	v11 =	vld [tilespmem:s23+$0xEF00];
	v16 =	vadd.f32 v17, v27  }
0x293: {  	[tilespmem:s23+$0xCF00] =	vst v12  }
0x294: {  	[tilespmem:s23+$0xCF80] =	vst v13  }
0x295: {  	[tilespmem:s23+$0xEC00] =	vst v14  }
0x296: {  	v4 =	vadd.f32 v9, v4;
	[tilespmem:s23+$0xEC80] =	vst v15  }
0x297: {  	v6 =	vadd.f32 v7, v6;
	[tilespmem:s23+$0xED00] =	vst v16  }
0x298: {  	v17 =	vld [tilespmem:s26+$0x800];
	s0 =	sor.u32 s17, s29;
	v8 =	vadd.f32 v10, v8;
	[tilespmem:s23+$0xEE00] =	vst v4  }
0x299: {  	v12 =	vld [tilespmem:s0+$0xEF80];
	[tilespmem:s23+$0xED80] =	vst v6  }
0x29a: {  	v7 =	vld [tilespmem:s0+$0xCC00];
	s1 =	sld [smem:$0x7CF];
	[tilespmem:s23+$0xEE80] =	vst v8  }
0x29b: {  	v9 =	vld [tilespmem:s0+$0xCC80];
	s15 =	sld [smem:$0x7D0]  }
0x29c: {  	v10 =	vld [tilespmem:s0+$0xCD00]  }
0x29d: {  	v5 =	vadd.f32 v11, v5;
	v13 =	vpsel p0, v17, v3;
	p2 =	seq.s32 s1, $0x1  }
0x29e: {  	v12 =	vadd.f32 v12, v13;
	v4 =	vpsel p2, v17, v3;
	p3 =	seq.s32 s15, $0x1  }
0x29f: {  	[tilespmem:s23+$0xEF00] =	vst v5;
	v8 =	vpsel p3, v17, v3;
	v4 =	vadd.f32 v4, v7  }
0x2a0: {  	[tilespmem:s0+$0xEF80] =	vst v12;
	v7 =	vpsel p5, v17, v3;
	v5 =	vadd.f32 v9, v8  }
0x2a1: {  	v6 =	vld [tilespmem:s0+$0xCD80];
	v7 =	vadd.f32 v10, v7;
	[tilespmem:s0+$0xCC00] =	vst v4  }
0x2a2: {  	v11 =	vld [tilespmem:s0+$0xCE00];
	[tilespmem:s0+$0xCC80] =	vst v5  }
0x2a3: {  	v13 =	vld [tilespmem:s0+$0xCE80];
	[tilespmem:s0+$0xCD00] =	vst v7  }
0x2a4: {  	v12 =	vld [tilespmem:s0+$0xCF00];
	s16 =	sld [smem:$0x7D1]  }
0x2a5: {  	v8 =	vpsel p6, v17, v3  }
0x2a6: {  	v4 =	vpsel p1, v17, v3;
	v6 =	vadd.f32 v6, v8  }
0x2a7: {  	v5 =	vpsel p4, v17, v3;
	v4 =	vadd.f32 v11, v4;
	p5 =	seq.s32 s16, $0x1  }
0x2a8: {  	v5 =	vadd.f32 v13, v5;
	[tilespmem:s0+$0xCD80] =	vst v6;
	v7 =	vpsel p5, v17, v3  }
0x2a9: {  	v9 =	vld [tilespmem:s0+$0xCF80];
	s17 =	sld [smem:$0x7D2];
	[tilespmem:s0+$0xCE00] =	vst v4;
	v7 =	vadd.f32 v12, v7  }
0x2aa: {  	v10 =	vld [tilespmem:s0+$0xEC00];
	s19 =	sld [smem:$0x7D3];
	[tilespmem:s0+$0xCE80] =	vst v5  }
0x2ab: {  	v8 =	vld [tilespmem:s0+$0xEC80];
	s23 =	sld [smem:$0x7D4];
	[tilespmem:s0+$0xCF00] =	vst v7  }
0x2ac: {  	v11 =	vld [tilespmem:s0+$0xED00];
	p6 =	seq.s32 s17, $0x1;
	s26 =	sld [smem:$0x7D5]  }
0x2ad: {  	v6 =	vpsel p6, v17, v3;
	p0 =	seq.s32 s19, $0x1  }
0x2ae: {  	v4 =	vpsel p0, v17, v3;
	v6 =	vadd.f32 v9, v6;
	p1 =	seq.s32 s23, $0x1  }
0x2af: {  	v5 =	vpsel p1, v17, v3;
	v4 =	vadd.f32 v10, v4;
	p2 =	seq.s32 s26, $0x1  }
0x2b0: {  	v5 =	vadd.f32 v8, v5;
	[tilespmem:s0+$0xCF80] =	vst v6;
	v7 =	vpsel p2, v17, v3  }
0x2b1: {  	v12 =	vld [tilespmem:s0+$0xED80];
	s28 =	sld [smem:$0x7D6];
	[tilespmem:s0+$0xEC00] =	vst v4;
	v7 =	vadd.f32 v11, v7  }
0x2b2: {  	v9 =	vld [tilespmem:s0+$0xEE00];
	s31 =	sld [smem:$0x7D7];
	[tilespmem:s0+$0xEC80] =	vst v5  }
0x2b3: {  	v10 =	vld [tilespmem:s0+$0xEE80];
	s3 =	sld [smem:$0x7D8];
	[tilespmem:s0+$0xED00] =	vst v7  }
0x2b4: {  	v8 =	vld [tilespmem:s0+$0xEF00];
	p3 =	seq.s32 s28, $0x1;
	s6 =	sld [smem:$0x7D9]  }
0x2b5: {  	v6 =	vpsel p3, v17, v3;
	p4 =	seq.s32 s31, $0x1  }
0x2b6: {  	v4 =	vpsel p4, v17, v3;
	v6 =	vadd.f32 v12, v6;
	p5 =	seq.s32 s3, $0x1  }
0x2b7: {  	v5 =	vpsel p5, v17, v3;
	v4 =	vadd.f32 v9, v4;
	p6 =	seq.s32 s6, $0x1  }
0x2b8: {  	v5 =	vadd.f32 v10, v5;
	[tilespmem:s0+$0xED80] =	vst v6;
	v3 =	vpsel p6, v17, v3  }
0x2b9: {  	[tilespmem:s0+$0xEE00] =	vst v4;
	v3 =	vadd.f32 v8, v3  }
0x2ba: {  	[tilespmem:s0+$0xEE80] =	vst v5  }
0x2bb: {  	s7 =	sadd.s32 s25, s12;
	s13 =	simm.s32 $0xCC00;
	[tilespmem:s0+$0xEF00] =	vst v3  }
0x2bc: {  	[hbm4b:s7+s4] =	stream.linear.scatter [tilespmem:s13], [sflag:$0x5], $0x4000, $0x38;
	[tilespmem:$0x18C00] =	vst v63  }
0x2bd: {  	_ =	swait.ge [sflag:s20], $0x8000  }
0x2be: {  	p0 =	seq.s32 s21, $0x4;
	[sflag:s20] =	ssyncset.done $0x0  }
0x2bf: {  	s0 =	simm.s32 @!p0 $0x5;
	[sflag:s20] =	ssyncadd.s32 $0xFFFF8000  }
0x2c0: {  	_ =	swait.ge @!p0 [sflag:s0], $0x8000  }
0x2c1: {  	[sflag:s0] =	ssyncset.done @!p0 $0x0  }
0x2c2: {  	[sflag:s0] =	ssyncadd.s32 @!p0 $0xFFFF8000  }
0x2c3: {  	v3 =	vld @!p0 [tilespmem:s24+$0x80];
	_ =	sdelay $0x4  }
0x2c4: {  	v4 =	vshll.u32 @!p0 v3, $0x3  }
0x2c5: {  	v5 =	vlaneseq.u32 @!p0;
	v3 =	vand.u32 @!p0 $0x7, v3;
	v4 =	vand.u32 @!p0 $0xFFFFFFC0, v4  }
0x2c6: {  	v6 =	vshrl.u32 @!p0 v5, $0x3;
	v3 =	vor.u32 @!p0 v3, v4;
	v4 =	vand.u32 @!p0 $0x7, v5  }
0x2c7: {  	v6 =	vmul.u32 @!p0 $0x8, v6;
	v7 =	vperm.xlane @!p0 v3, v4;
	_ =	sdelay $0x1  }
0x2c8: {  	v7 =	vadd.s32 @!p0 v6, v7;
	_ =	sdelay $0x3  }
0x2c9: {  	vm1 =	vmmov @!p0 $0xffff;
	s1 =	simm.s32 @!p0 $0x8C00;
	s0 =	simm.s32 @!p0 $0x0  }
0x2ca: {  	v5 =	vor.u32 @!p0 $0x8, v5;
	[tilespmem:s1], [sflag:$0x2] =	stream.indirect_vreg.gather @!p0 [hbm4b:s2+s0], $0x80, v7, vm1, $0xb8;
	[tilespmem:$0x18C00] =	vst v63  }
0x2cb: {  	v3 =	vperm.xlane @!p0 v3, v5;
	s1 =	simm.s32 @!p0 $0x9400  }
0x2cc: {  	[tilespmem:s1], [sflag:$0x2] =	stream.indirect_vreg.gather @!p0 [hbm4b:s9+s0], $0x80, v7, vm1, $0xb8;
	[tilespmem:$0x18C00] =	vst v63  }
0x2cd: {  	v3 =	vadd.s32 @!p0 v6, v3;
	s1 =	simm.s32 @!p0 $0x9C00  }
0x2ce: {  	[tilespmem:s1], [sflag:$0x2] =	stream.indirect_vreg.gather @!p0 [hbm4b:s10+s0], $0x80, v7, vm1, $0xb8;
	[tilespmem:$0x18C00] =	vst v63  }
0x2cf: {  	s1 =	simm.s32 @!p0 $0xA400  }
0x2d0: {  	[tilespmem:s1], [sflag:$0x2] =	stream.indirect_vreg.gather @!p0 [hbm4b:s11+s0], $0x80, v7, vm1, $0xb8;
	[tilespmem:$0x18C00] =	vst v63  }
0x2d1: {  	s1 =	simm.s32 @!p0 $0xAC00  }
0x2d2: {  	[tilespmem:s1], [sflag:$0x2] =	stream.indirect_vreg.gather @!p0 [hbm4b:s2+s0], $0x80, v3, vm1, $0xb8;
	[tilespmem:$0x18C00] =	vst v63  }
0x2d3: {  	s1 =	simm.s32 @!p0 $0xB400  }
0x2d4: {  	[tilespmem:s1], [sflag:$0x2] =	stream.indirect_vreg.gather @!p0 [hbm4b:s9+s0], $0x80, v3, vm1, $0xb8;
	[tilespmem:$0x18C00] =	vst v63  }
0x2d5: {  	s1 =	simm.s32 @!p0 $0xBC00  }
0x2d6: {  	[tilespmem:s1], [sflag:$0x2] =	stream.indirect_vreg.gather @!p0 [hbm4b:s10+s0], $0x80, v3, vm1, $0xb8;
	[tilespmem:$0x18C00] =	vst v63  }
0x2d7: {  	s1 =	simm.s32 @!p0 $0xC400  }
0x2d8: {  	[tilespmem:s1], [sflag:$0x2] =	stream.indirect_vreg.gather @!p0 [hbm4b:s11+s0], $0x80, v3, vm1, $0xb8;
	[tilespmem:$0x18C00] =	vst v63  }
0x2d9: {  	v3 =	vld @!p0 [tilespmem:s24+$0x90];
	_ =	sdelay $0x4  }
0x2da: {  	v7 =	vshll.u32 @!p0 v3, $0x3  }
0x2db: {  	v3 =	vand.u32 @!p0 $0x7, v3;
	v7 =	vand.u32 @!p0 $0xFFFFFFC0, v7  }
0x2dc: {  	v3 =	vor.u32 @!p0 v3, v7  }
0x2dd: {  	v4 =	vperm.xlane @!p0 v3, v4;
	_ =	sdelay $0x1  }
0x2de: {  	v4 =	vadd.s32 @!p0 v6, v4;
	_ =	sdelay $0x3  }
0x2df: {  	s1 =	simm.s32 @!p0 $0xCC00  }
0x2e0: {  	[tilespmem:s1], [sflag:$0x2] =	stream.indirect_vreg.gather @!p0 [hbm4b:s2+s0], $0x80, v4, vm1, $0xb8;
	[tilespmem:$0x18C00] =	vst v63  }
0x2e1: {  	v3 =	vperm.xlane @!p0 v3, v5;
	s1 =	simm.s32 @!p0 $0xD400  }
0x2e2: {  	[tilespmem:s1], [sflag:$0x2] =	stream.indirect_vreg.gather @!p0 [hbm4b:s9+s0], $0x80, v4, vm1, $0xb8;
	[tilespmem:$0x18C00] =	vst v63  }
0x2e3: {  	v3 =	vadd.s32 @!p0 v6, v3;
	s1 =	simm.s32 @!p0 $0xDC00  }
0x2e4: {  	[tilespmem:s1], [sflag:$0x2] =	stream.indirect_vreg.gather @!p0 [hbm4b:s10+s0], $0x80, v4, vm1, $0xb8;
	[tilespmem:$0x18C00] =	vst v63  }
0x2e5: {  	s1 =	simm.s32 @!p0 $0xE400  }
0x2e6: {  	[tilespmem:s1], [sflag:$0x2] =	stream.indirect_vreg.gather @!p0 [hbm4b:s11+s0], $0x80, v4, vm1, $0xb8;
	[tilespmem:$0x18C00] =	vst v63  }
0x2e7: {  	s1 =	simm.s32 @!p0 $0xEC00  }
0x2e8: {  	[tilespmem:s1], [sflag:$0x2] =	stream.indirect_vreg.gather @!p0 [hbm4b:s2+s0], $0x80, v3, vm1, $0xb8;
	[tilespmem:$0x18C00] =	vst v63  }
0x2e9: {  	s1 =	simm.s32 @!p0 $0xF400  }
0x2ea: {  	[tilespmem:s1], [sflag:$0x2] =	stream.indirect_vreg.gather @!p0 [hbm4b:s9+s0], $0x80, v3, vm1, $0xb8;
	[tilespmem:$0x18C00] =	vst v63  }
0x2eb: {  	s1 =	simm.s32 @!p0 $0xFC00  }
0x2ec: {  	[tilespmem:s1], [sflag:$0x2] =	stream.indirect_vreg.gather @!p0 [hbm4b:s10+s0], $0x80, v3, vm1, $0xb8;
	[tilespmem:$0x18C00] =	vst v63  }
0x2ed: {  	s1 =	simm.s32 @!p0 $0x10400  }
0x2ee: {  	[tilespmem:s1], [sflag:$0x2] =	stream.indirect_vreg.gather @!p0 [hbm4b:s11+s0], $0x80, v3, vm1, $0xb8;
	[tilespmem:$0x18C00] =	vst v63  }
0x2ef: {  	v5 =	vld [tilespmem:s22+$0x200];
	_ =	sdelay $0x4  }
0x2f0: {  	(v2sf) =	vpush v5, $0x0  }
0x2f1: {  	(v2sf) =	vpush v5, $0x1;
	_ =	sdelay $0x1  }
0x2f2: {  	(v2sf) =	vpush v5, $0x2  }
0x2f3: {  	(v2sf) =	vpush v5, $0x3;
	_ =	sdelay $0x1  }
0x2f4: {  	(v2sf) =	vpush v5, $0x4;
	_ =	sdelay $0x1  }
0x2f5: {  	(v2sf) =	vpush v5, $0x5;
	_ =	sdelay $0x1  }
0x2f6: {  	(v2sf) =	vpush v5, $0x6  }
0x2f7: {  	s14 =	simm.s32 $0x400;
	s0 =	simm.s32 $0x0  }
0x2f8: {  	s3 =	sand.u32 $0x70, s0;
	v3 =	vld [tilespmem:s14+$0x0];
	s15 =	sand.u32 $0x3F0, s0;
	s6 =	sand.u32 $0x1C00, s0  }
0x2f9: {  	v4 =	vld [tilespmem:s15+$0x800];
	s23 =	sor.u32 s3, s6;
	(v2sf) =	vpush v5, $0x7  }
0x2fa: {  	v6 =	vld [tilespmem:s23+$0x10C00];
	(v2sf) =	vpush v5, $0x8  }
0x2fb: {  	s16 =	sadd.s32 $0x10C00, s23;
	(v2sf) =	vpush v5, $0x9;
	s17 =	spop (v2sf)  }
0x2fc: {  	v7 =	vld [tilespmem:s16+$0x80];
	(v2sf) =	vpush v5, $0xA;
	s19 =	spop (v2sf)  }
0x2fd: {  	v8 =	vld [tilespmem:s16+$0x100];
	(v2sf) =	vpush v5, $0xB;
	p2 =	sgt.s32 s17, $0x0;
	p0 =	sgt.s32 s19, $0x0  }
0x2fe: {  	s0 =	sor.u32 s0, s0;
	v9 =	vld [tilespmem:s16+$0x180];
	(v2sf) =	vpush v5, $0xC;
	v10 =	vpsel p2, v4, v3;
	s24 =	spop (v2sf);
	s6 =	simm.s32 @!p0 $0x0  }
0x2ff: {  	v11 =	vld [tilespmem:s16+$0x200];
	v6 =	vadd.f32 v10, v6;
	s7 =	spop (v2sf);
	p1 =	sgt.s32 s24, $0x0;
	s6 =	simm.s32 @p0 $0x1  }
0x300: {  	(v2sf) =	vpush v5, $0xD;
	v10 =	vld [tilespmem:s16+$0x280];
	v12 =	vpsel p0, v4, v3;
	p0 =	sgt.s32 s7, $0x0;
	s7 =	simm.s32 @!p1 $0x0;
	[smem:$0x7C4] =	sst s6  }
0x301: {  	(v2sf) =	vpush v5, $0xE;
	s25 =	spop (v2sf);
	s7 =	simm.s32 @p1 $0x1;
	s3 =	simm.s32 @!p0 $0x0;
	[tilespmem:s23+$0x10C00] =	vst v6  }
0x302: {  	(v2sf) =	vpush v5, $0xF;
	v5 =	vadd.f32 v7, v12;
	v6 =	vpsel p1, v4, v3;
	p1 =	sgt.s32 s25, $0x0;
	s3 =	simm.s32 @p0 $0x1;
	[smem:$0x7C5] =	sst s7  }
0x303: {  	s26 =	spop (v2sf);
	s13 =	simm.s32 @!p1 $0x0;
	v7 =	vld [tilespmem:s16+$0x300];
	[smem:$0x7C6] =	sst s3  }
0x304: {  	s1 =	sor.u32 $0x380, s0;
	v6 =	vadd.f32 v8, v6;
	v8 =	vpsel p0, v4, v3;
	p0 =	sgt.s32 s26, $0x0;
	s13 =	simm.s32 @p1 $0x1;
	[tilespmem:s16+$0x80] =	vst v5  }
0x305: {  	s28 =	spop (v2sf);
	s7 =	simm.s32 @!p0 $0x0;
	[smem:$0x7C7] =	sst s13  }
0x306: {  	s0 =	simm.s32 $0x410;
	v5 =	vadd.f32 v9, v8;
	v8 =	vpsel p1, v4, v3;
	p1 =	sgt.s32 s28, $0x0;
	s7 =	simm.s32 @p0 $0x1;
	[tilespmem:s16+$0x100] =	vst v6  }
0x307: {  	s24 =	simm.s32 $0x80;
	s13 =	simm.s32 @!p1 $0x0;
	[smem:$0x7C8] =	sst s7  }
0x308: {  	s25 =	simm.s32 $0x10;
	s3 =	spop (v2sf);
	v6 =	vadd.f32 v11, v8;
	v8 =	vpsel p0, v4, v3;
	s13 =	simm.s32 @p1 $0x1;
	[tilespmem:s16+$0x180] =	vst v5  }
0x309: {  	s15 =	sand.u32 $0x70, s25;
	s6 =	spop (v2sf);
	v5 =	vadd.f32 v10, v8;
	v8 =	vpsel p1, v4, v3;
	[smem:$0x7C9] =	sst s13  }
0x30a: {  	s19 =	sand.u32 $0x3F0, s25;
	p5 =	sgt.s32 s3, $0x0;
	s31 =	spop (v2sf);
	[tilespmem:s16+$0x200] =	vst v6;
	v6 =	vadd.f32 v7, v8  }
0x30b: {  	p6 =	sgt.s32 s31, $0x0;
	p0 =	sgt.s32 s6, $0x0;
	s13 =	spop (v2sf);
	[tilespmem:s16+$0x280] =	vst v5;
	v5 =	vld [tilespmem:s0+$0x0]  }
0x30c: {  	s14 =	spop (v2sf);
	p3 =	sgt.s32 s13, $0x0;
	[tilespmem:s16+$0x300] =	vst v6;
	s16 =	sand.u32 $0x1C00, s24;
	v6 =	vld [tilespmem:s19+$0x800]  }
0x30d: {  	s17 =	spop (v2sf);
	s6 =	simm.s32 @!p3 $0x0;
	v7 =	vld [tilespmem:s1+$0x10C00];
	s26 =	sor.u32 s15, s16  }
0x30e: {  	p1 =	sgt.s32 s14, $0x0;
	s6 =	simm.s32 @p3 $0x1;
	s29 =	sadd.s32 $0x10C00, s26;
	v16 =	vld [tilespmem:s26+$0x10C00]  }
0x30f: {  	p4 =	sgt.s32 s17, $0x0;
	v17 =	vld [tilespmem:s29+$0x80];
	[smem:$0x7CA] =	sst s6;
	s6 =	simm.s32 @!p1 $0x0  }
0x310: {  	s28 =	spop (v2sf);
	s3 =	simm.s32 @!p4 $0x0;
	s6 =	simm.s32 @p1 $0x1  }
0x311: {  	v12 =	vpsel p3, v4, v3;
	p3 =	sgt.s32 s28, $0x0;
	s3 =	simm.s32 @p4 $0x1;
	[smem:$0x7CB] =	sst s6  }
0x312: {  	s31 =	spop (v2sf);
	v19 =	vld [tilespmem:s29+$0x100];
	[smem:$0x7CC] =	sst s3;
	s3 =	simm.s32 @!p3 $0x0  }
0x313: {  	v9 =	vpsel p1, v4, v3;
	p1 =	sgt.s32 s31, $0x0;
	s3 =	simm.s32 @p3 $0x1  }
0x314: {  	[smem:$0x7CD] =	sst s3;
	s3 =	simm.s32 @!p1 $0x0  }
0x315: {  	v8 =	vpsel p5, v4, v3;
	s3 =	simm.s32 @p1 $0x1  }
0x316: {  	v11 =	vpsel p0, v4, v3;
	v10 =	vpsel p6, v4, v3;
	v22 =	vadd.f32 v7, v8;
	[smem:$0x7CE] =	sst s3  }
0x317: {  	v13 =	vpsel p4, v4, v3;
	v21 =	vpsel p2, v6, v5;
	v15 =	vpsel p0, v6, v5;
	v20 =	vld [tilespmem:s29+$0x180]  }
0x318: {  	s30 =	spop (v2sf);
	p4 =	por p2, p2;
	v14 =	vpsel p6, v6, v5;
	v8 =	vpsel p3, v4, v3;
	v7 =	vpsel p1, v4, v3;
	v18 =	vld [tilespmem:s29+$0x200];
	[tilespmem:s1+$0x10C00] =	vst v22;
	s1 =	simm.s32 $0x20  }
.LBB2_11:
0x319: {  	s3 =	sld [smem:$0x7C4]  }
0x31a: {  	s31 =	sld [smem:$0x7CA]  }
0x31b: {  	s6 =	sld [smem:$0x7C5]  }
0x31c: {  	s7 =	sld [smem:$0x7CB]  }
0x31d: {  	s13 =	sld [smem:$0x7C6];
	p1 =	seq.s32 s3, $0x1;
	p3 =	seq.s32 s31, $0x1  }
0x31e: {  	v16 =	vadd.f32 v21, v16;
	s14 =	sld [smem:$0x7CC];
	v21 =	vpsel p1, v6, v5;
	v22 =	vpsel p3, v6, v5;
	p3 =	seq.s32 s6, $0x1  }
0x31f: {  	s15 =	sld [smem:$0x7C7];
	v17 =	vadd.f32 v17, v21;
	v21 =	vpsel p3, v6, v5;
	p3 =	seq.s32 s7, $0x1  }
0x320: {  	s17 =	sld [smem:$0x7CD];
	v25 =	vpsel p3, v6, v5;
	p3 =	seq.s32 s13, $0x1  }
0x321: {  	v23 =	vld [tilespmem:s23+$0x12F80];
	s16 =	smov.u32 s23;
	s19 =	sld [smem:$0x7CE];
	[tilespmem:s26+$0x10C00] =	vst v16;
	v16 =	vadd.f32 v19, v21;
	v19 =	vpsel p3, v6, v5;
	p3 =	seq.s32 s14, $0x1  }
0x322: {  	v24 =	vld [tilespmem:s29+$0x280];
	s23 =	smov.u32 s26;
	s26 =	sld [smem:$0x7C8];
	v26 =	vpsel p3, v6, v5;
	p3 =	seq.s32 s15, $0x1  }
0x323: {  	s28 =	sld [smem:$0x7C9];
	v21 =	vld [tilespmem:s29+$0x300];
	[tilespmem:s29+$0x80] =	vst v17;
	v17 =	vadd.f32 v20, v19;
	v19 =	vpsel p3, v6, v5;
	p3 =	seq.s32 s17, $0x1  }
0x324: {  	p1 =	sgt.s32 s30, $0x0;
	v20 =	vpsel p3, v6, v5;
	p3 =	seq.s32 s19, $0x1  }
0x325: {  	v29 =	vpsel p1, v4, v3;
	v27 =	vld [tilespmem:s16+$0x12C00];
	[tilespmem:s29+$0x100] =	vst v16;
	v16 =	vadd.f32 v18, v19;
	v18 =	vpsel p3, v6, v5;
	p3 =	seq.s32 s26, $0x1  }
0x326: {  	v3 =	vmovc v5;
	v4 =	vmov v6;
	v23 =	vadd.f32 v23, v29;
	v19 =	vld [tilespmem:s16+$0x12C80];
	[tilespmem:s29+$0x180] =	vst v17;
	v17 =	vpsel p3, v6, v5;
	p3 =	seq.s32 s28, $0x1  }
0x327: {  	v28 =	vld [tilespmem:s16+$0x12D00];
	[tilespmem:s29+$0x200] =	vst v16;
	v5 =	vadd.f32 v24, v17;
	v6 =	vpsel p3, v4, v3  }
0x328: {  	v16 =	vld [tilespmem:s16+$0x12D80];
	[tilespmem:s16+$0x12F80] =	vst v23;
	v6 =	vadd.f32 v21, v6  }
0x329: {  	v17 =	vld [tilespmem:s16+$0x12E00];
	[tilespmem:s29+$0x280] =	vst v5  }
0x32a: {  	s31 =	sor.u32 s24, s25;
	v5 =	vadd.f32 v27, v11;
	v21 =	vld [tilespmem:s16+$0x12E80];
	[tilespmem:s29+$0x300] =	vst v6  }
0x32b: {  	s3 =	sor.u32 $0x380, s31;
	v11 =	vmov v15;
	v6 =	vadd.f32 v19, v10;
	v15 =	vld [tilespmem:s16+$0x12F00]  }
0x32c: {  	s0 =	sadd.s32 $0x10, s0;
	s24 =	sadd.s32 $0x80, s24;
	v10 =	vmov v14;
	v19 =	vadd.f32 v28, v12;
	v14 =	vld [tilespmem:s3+$0x10C00];
	[tilespmem:s16+$0x12C00] =	vst v5  }
0x32d: {  	s6 =	sand.u32 $0x70, s1;
	s7 =	sand.u32 $0x3F0, s1;
	s13 =	sand.u32 $0x1C00, s24;
	v12 =	vmov v22;
	v5 =	vld [tilespmem:s0+$0x0];
	[tilespmem:s16+$0x12C80] =	vst v6;
	v22 =	vadd.f32 v16, v9  }
0x32e: {  	p2 =	sne.s32 s1, $0x3F0;
	s26 =	sor.u32 s6, s13;
	v6 =	vld [tilespmem:s7+$0x800];
	[tilespmem:s16+$0x12D00] =	vst v19;
	v19 =	vadd.f32 v17, v13  }
.Ltmp4:
0x32f: {  	s29 =	sadd.s32 $0x10C00, s26;
	v16 =	vld [tilespmem:s26+$0x10C00];
	[tilespmem:s16+$0x12D80] =	vst v22;
	v21 =	vadd.f32 v21, v8;
	(pc) =	sbr.rel @p2 .LBB2_11-.Ltmp4, $4  }
0x330: {  	v8 =	vmov v20;
	v17 =	vld [tilespmem:s29+$0x80];
	v20 =	vpsel p5, v4, v3;
	[tilespmem:s16+$0x12E00] =	vst v19;
	v15 =	vadd.f32 v15, v7  }
0x331: {  	v19 =	vld [tilespmem:s29+$0x100];
	v22 =	vadd.f32 v14, v20;
	[tilespmem:s16+$0x12E80] =	vst v21  }
0x332: {  	v9 =	vmov v25;
	v13 =	vmov v26;
	v7 =	vmov v18;
	v20 =	vld [tilespmem:s29+$0x180];
	[tilespmem:s16+$0x12F00] =	vst v15  }
0x333: {  	s25 =	smov.u32 s1;
	s1 =	sadd.s32 $0x10, s1;
	v21 =	vpsel p4, v6, v5;
	v15 =	vpsel p0, v6, v5;
	v14 =	vpsel p6, v6, v5;
	v18 =	vld [tilespmem:s29+$0x200];
	[tilespmem:s3+$0x10C00] =	vst v22  }
0x334: {  	v16 =	vadd.f32 v21, v16;
	_ =	sdelay $0x1  }
0x335: {  	v55 =	vld [tilespmem:s29+$0x280];
	s0 =	sld [smem:$0x7C4];
	[tilespmem:s26+$0x10C00] =	vst v16  }
0x336: {  	s6 =	sld [smem:$0x7C5];
	_ =	sdelay $0x1  }
0x337: {  	p0 =	seq.s32 s0, $0x1  }
0x338: {  	v22 =	vpsel p0, v6, v5;
	p4 =	seq.s32 s6, $0x1  }
0x339: {  	v17 =	vadd.f32 v17, v22;
	v16 =	vpsel p4, v6, v5  }
0x33a: {  	s7 =	sld [smem:$0x7C6];
	v16 =	vadd.f32 v19, v16  }
0x33b: {  	s13 =	sld [smem:$0x7C7];
	[tilespmem:s29+$0x80] =	vst v17  }
0x33c: {  	s14 =	sld [smem:$0x7C8];
	[tilespmem:s29+$0x100] =	vst v16  }
0x33d: {  	v56 =	vld [tilespmem:s29+$0x300];
	p6 =	seq.s32 s7, $0x1;
	s15 =	sld [smem:$0x7C9]  }
0x33e: {  	p2 =	seq.s32 s13, $0x1;
	v23 =	vpsel p6, v6, v5  }
0x33f: {  	v19 =	vpsel p2, v6, v5;
	v17 =	vadd.f32 v20, v23;
	p3 =	seq.s32 s14, $0x1  }
0x340: {  	v16 =	vadd.f32 v18, v19;
	v57 =	vpsel p3, v6, v5;
	p4 =	seq.s32 s15, $0x1  }
0x341: {  	[tilespmem:s29+$0x180] =	vst v17;
	v17 =	vadd.f32 v55, v57;
	v18 =	vpsel p4, v6, v5  }
0x342: {  	[tilespmem:s29+$0x200] =	vst v16;
	v16 =	vadd.f32 v56, v18  }
0x343: {  	s16 =	sor.u32 s24, s25;
	[tilespmem:s29+$0x280] =	vst v17  }
0x344: {  	s0 =	sor.u32 $0x380, s16;
	v17 =	vld [tilespmem:s23+$0x12F80];
	[tilespmem:s29+$0x300] =	vst v16  }
0x345: {  	v16 =	vld [tilespmem:s0+$0x10C00]  }
0x346: {  	v3 =	vpsel p1, v4, v3;
	v4 =	vld [tilespmem:s23+$0x12D00];
	_ =	sdelay $0x1  }
0x347: {  	v59 =	vld [tilespmem:s23+$0x12E00]  }
0x348: {  	v58 =	vpsel p5, v6, v5;
	v19 =	vld [tilespmem:s23+$0x12C80];
	v3 =	vadd.f32 v17, v3  }
0x349: {  	v18 =	vld [tilespmem:s23+$0x12C00];
	v16 =	vadd.f32 v16, v58  }
0x34a: {  	v4 =	vadd.f32 v4, v12;
	v17 =	vld [tilespmem:s23+$0x12D80];
	[tilespmem:s23+$0x12F80] =	vst v3  }
0x34b: {  	v3 =	vld [tilespmem:s23+$0x12E80];
	[tilespmem:s0+$0x10C00] =	vst v16  }
0x34c: {  	[tilespmem:s23+$0x12D00] =	vst v4;
	v4 =	vadd.f32 v59, v13;
	v16 =	vld [tilespmem:s26+$0x12F80]  }
0x34d: {  	v10 =	vadd.f32 v19, v10  }
0x34e: {  	[tilespmem:s23+$0x12E00] =	vst v4;
	v11 =	vadd.f32 v18, v11  }
0x34f: {  	[tilespmem:s23+$0x12C80] =	vst v10;
	v9 =	vadd.f32 v17, v9  }
0x350: {  	v12 =	vpsel p1, v6, v5;
	[tilespmem:s23+$0x12C00] =	vst v11;
	v3 =	vadd.f32 v3, v8  }
0x351: {  	v18 =	vld [tilespmem:s23+$0x12F00];
	[tilespmem:s23+$0x12D80] =	vst v9;
	v9 =	vadd.f32 v16, v12  }
0x352: {  	v11 =	vld [tilespmem:s26+$0x12C00];
	[tilespmem:s23+$0x12E80] =	vst v3  }
0x353: {  	v10 =	vld [tilespmem:s26+$0x12C80];
	[tilespmem:s26+$0x12F80] =	vst v9  }
0x354: {  	v13 =	vld [tilespmem:s26+$0x12D00];
	s0 =	sld [smem:$0x7CA];
	_ =	sdelay $0x1  }
0x355: {  	v7 =	vadd.f32 v18, v7  }
0x356: {  	v3 =	vadd.f32 v11, v15;
	p6 =	seq.s32 s0, $0x1  }
0x357: {  	[tilespmem:s23+$0x12F00] =	vst v7;
	v7 =	vadd.f32 v10, v14;
	v9 =	vpsel p6, v6, v5  }
0x358: {  	v12 =	vld [tilespmem:s26+$0x12D80];
	s17 =	sld [smem:$0x7CB];
	[tilespmem:s26+$0x12C00] =	vst v3;
	v3 =	vadd.f32 v13, v9  }
0x359: {  	v4 =	vld [tilespmem:s26+$0x12E00];
	s19 =	sld [smem:$0x7CC];
	[tilespmem:s26+$0x12C80] =	vst v7  }
0x35a: {  	v8 =	vld [tilespmem:s26+$0x12E80];
	s23 =	sld [smem:$0x7CD];
	[tilespmem:s26+$0x12D00] =	vst v3  }
0x35b: {  	v10 =	vld [tilespmem:s26+$0x12F00];
	p1 =	seq.s32 s17, $0x1;
	s24 =	sld [smem:$0x7CE]  }
0x35c: {  	v11 =	vpsel p1, v6, v5;
	p2 =	seq.s32 s19, $0x1  }
0x35d: {  	v9 =	vpsel p2, v6, v5;
	v7 =	vadd.f32 v12, v11;
	p3 =	seq.s32 s23, $0x1  }
0x35e: {  	v11 =	vpsel p3, v6, v5;
	v3 =	vadd.f32 v4, v9;
	p4 =	seq.s32 s24, $0x1  }
0x35f: {  	[tilespmem:s26+$0x12D80] =	vst v7;
	v4 =	vpsel p4, v6, v5;
	v5 =	vadd.f32 v8, v11  }
0x360: {  	[tilespmem:s26+$0x12E00] =	vst v3;
	v3 =	vadd.f32 v10, v4  }
0x361: {  	s25 =	sadd.s32 s5, s22;
	[tilespmem:s26+$0x12E80] =	vst v5  }
0x362: {  	s23 =	sshll.u32 s25, $0x7;
	[tilespmem:s26+$0x12F00] =	vst v3;
	s26 =	rddreg [dreg:$0x2]  }
0x363: {  	s1 =	simm.s32 $0x0;
	s30 =	simm.s32 $0x10C00;
	s0 =	sadd.s32 s26, s23  }
0x364: {  	[hbm4b:s0+s1] =	stream.linear.scatter [tilespmem:s30], [sflag:$0x6], $0x4000, $0x38;
	[tilespmem:$0x18C00] =	vst v63  }
0x365: {  	v3 =	vld [tilespmem:s22+$0x210];
	_ =	sdelay $0x4  }
0x366: {  	(v2sf) =	vpush v3, $0x0  }
0x367: {  	(v2sf) =	vpush v3, $0x1;
	_ =	sdelay $0x1  }
0x368: {  	(v2sf) =	vpush v3, $0x2  }
0x369: {  	(v2sf) =	vpush v3, $0x3  }
0x36a: {  	(v2sf) =	vpush v3, $0x4  }
0x36b: {  	(v2sf) =	vpush v3, $0x5  }
0x36c: {  	(v2sf) =	vpush v3, $0x6  }
0x36d: {  	(v2sf) =	vpush v3, $0x7  }
0x36e: {  	(v2sf) =	vpush v3, $0x8  }
0x36f: {  	(v2sf) =	vpush v3, $0x9  }
0x370: {  	(v2sf) =	vpush v3, $0xA  }
0x371: {  	(v2sf) =	vpush v3, $0xB  }
0x372: {  	(v2sf) =	vpush v3, $0xC  }
0x373: {  	(v2sf) =	vpush v3, $0xD  }
0x374: {  	s0 =	spop (v2sf);
	(v2sf) =	vpush v3, $0xE  }
0x375: {  	s3 =	spop (v2sf);
	(v2sf) =	vpush v3, $0xF;
	_ =	sdelay $0x1  }
0x376: {  	s6 =	spop (v2sf)  }
0x377: {  	s7 =	spop (v2sf)  }
0x378: {  	s13 =	spop (v2sf)  }
0x379: {  	s14 =	spop (v2sf)  }
0x37a: {  	s15 =	spop (v2sf)  }
0x37b: {  	s17 =	spop (v2sf)  }
0x37c: {  	s19 =	spop (v2sf)  }
0x37d: {  	s24 =	spop (v2sf)  }
0x37e: {  	s28 =	sand.u32 $0x70, s1;
	s29 =	sand.u32 $0x3F0, s1;
	s25 =	spop (v2sf)  }
0x37f: {  	s16 =	simm.s32 $0x400;
	s1 =	sand.u32 $0x1C00, s1;
	v5 =	vld [tilespmem:s29+$0x800];
	s26 =	spop (v2sf)  }
0x380: {  	s22 =	sor.u32 s28, s1;
	v3 =	vld [tilespmem:s16+$0x0];
	s1 =	spop (v2sf)  }
0x381: {  	v4 =	vld [tilespmem:s22+$0x16F80];
	s28 =	spop (v2sf)  }
0x382: {  	s16 =	spop (v2sf)  }
0x383: {  	v6 =	vld [tilespmem:s22+$0x14C00];
	s31 =	spop (v2sf)  }
0x384: {  	v7 =	vld [tilespmem:s22+$0x14C80];
	p5 =	sgt.s32 s31, $0x0  }
0x385: {  	v8 =	vld [tilespmem:s22+$0x14D00];
	v10 =	vpsel p5, v5, v3  }
0x386: {  	v9 =	vld [tilespmem:s22+$0x14D80];
	p1 =	sgt.s32 s0, $0x0;
	v4 =	vadd.f32 v4, v10  }
0x387: {  	v11 =	vld [tilespmem:s22+$0x14E00];
	s0 =	simm.s32 @!p1 $0x0  }
0x388: {  	v12 =	vld [tilespmem:s22+$0x14E80];
	s0 =	simm.s32 @p1 $0x1;
	[tilespmem:s22+$0x16F80] =	vst v4;
	v4 =	vpsel p1, v5, v3;
	p1 =	sgt.s32 s3, $0x0  }
0x389: {  	v13 =	vld [tilespmem:s22+$0x14F00];
	[smem:$0x7B9] =	sst s0;
	s0 =	simm.s32 @!p1 $0x0  }
0x38a: {  	v4 =	vadd.f32 v4, v6;
	v6 =	vpsel p1, v5, v3;
	v14 =	vld [tilespmem:s22+$0x14F80];
	s0 =	simm.s32 @p1 $0x1  }
0x38b: {  	p6 =	sgt.s32 s6, $0x0;
	v15 =	vld [tilespmem:s22+$0x16C00];
	v6 =	vadd.f32 v7, v6;
	[smem:$0x7BA] =	sst s0  }
0x38c: {  	p2 =	sgt.s32 s7, $0x0;
	p0 =	por p5, p5;
	[tilespmem:s22+$0x14C00] =	vst v4;
	v4 =	vpsel p6, v5, v3  }
0x38d: {  	p5 =	por p6, p6;
	[tilespmem:s22+$0x14C80] =	vst v6;
	p6 =	por p2, p2;
	v6 =	vpsel p2, v5, v3;
	p2 =	sgt.s32 s15, $0x0;
	v4 =	vadd.f32 v8, v4  }
0x38e: {  	p3 =	sgt.s32 s14, $0x0;
	v16 =	vld [tilespmem:s22+$0x16C80];
	s0 =	simm.s32 @!p2 $0x0  }
0x38f: {  	p4 =	por p3, p3;
	v17 =	vld [tilespmem:s22+$0x16D00];
	v8 =	vpsel p3, v5, v3;
	p3 =	sgt.s32 s17, $0x0;
	s0 =	simm.s32 @p2 $0x1;
	[tilespmem:s22+$0x14D00] =	vst v4  }
0x390: {  	v7 =	vld [tilespmem:s22+$0x16D80];
	[smem:$0x7BB] =	sst s0;
	s0 =	simm.s32 @!p3 $0x0  }
0x391: {  	v18 =	vpsel p2, v5, v3;
	p2 =	sgt.s32 s19, $0x0;
	s0 =	simm.s32 @p3 $0x1  }
0x392: {  	v6 =	vadd.f32 v9, v6;
	v9 =	vld [tilespmem:s22+$0x16E00];
	[smem:$0x7BC] =	sst s0;
	s0 =	simm.s32 @!p2 $0x0  }
0x393: {  	v60 =	vpsel p2, v5, v3;
	s0 =	simm.s32 @p2 $0x1;
	p2 =	sgt.s32 s26, $0x0  }
0x394: {  	[smem:$0x7BD] =	sst s0;
	s0 =	simm.s32 @!p2 $0x0  }
0x395: {  	v19 =	vpsel p3, v5, v3;
	p3 =	sgt.s32 s24, $0x0;
	[tilespmem:s22+$0x14D80] =	vst v6;
	s0 =	simm.s32 @p2 $0x1  }
0x396: {  	[smem:$0x7C0] =	sst s0;
	s0 =	simm.s32 @!p3 $0x0  }
0x397: {  	p2 =	sgt.s32 s25, $0x0;
	s0 =	simm.s32 @p3 $0x1  }
0x398: {  	[smem:$0x7BE] =	sst s0;
	s0 =	simm.s32 @!p2 $0x0  }
0x399: {  	p1 =	sgt.s32 s13, $0x0;
	v62 =	vpsel p2, v5, v3;
	s0 =	simm.s32 @p2 $0x1;
	p2 =	sgt.s32 s1, $0x0  }
0x39a: {  	v4 =	vpsel p1, v5, v3;
	[smem:$0x7BF] =	sst s0;
	s0 =	simm.s32 @!p2 $0x0  }
0x39b: {  	v11 =	vadd.f32 v11, v4;
	v4 =	vpsel p2, v5, v3;
	s0 =	simm.s32 @p2 $0x1;
	p2 =	sgt.s32 s28, $0x0  }
0x39c: {  	s29 =	simm.s32 $0x10;
	v10 =	vld [tilespmem:s22+$0x16E80];
	[smem:$0x7C1] =	sst s0;
	s0 =	simm.s32 @!p2 $0x0  }
0x39d: {  	v63 =	vadd.f32 v12, v8;
	s31 =	sld [smem:$0x7C0];
	v8 =	vpsel p2, v5, v3;
	s0 =	simm.s32 @p2 $0x1;
	p2 =	sgt.s32 s16, $0x0  }
0x39e: {  	s17 =	sand.u32 $0x70, s29;
	[tilespmem:s22+$0x14E00] =	vst v11;
	s6 =	simm.s32 @!p2 $0x0  }
0x39f: {  	v12 =	vadd.f32 v13, v18;
	v13 =	vadd.f32 v14, v19;
	v61 =	vpsel p3, v5, v3;
	s1 =	simm.s32 $0x410;
	[smem:$0x7C2] =	sst s0;
	s6 =	simm.s32 @p2 $0x1  }
0x3a0: {  	v14 =	vadd.f32 v15, v60;
	v15 =	vadd.f32 v16, v61;
	p3 =	seq.s32 s31, $0x1;
	s0 =	simm.s32 $0x80;
	v11 =	vld [tilespmem:s22+$0x16F00];
	[smem:$0x7C3] =	sst s6  }
0x3a1: {  	s24 =	sand.u32 $0x3F0, s29;
	v16 =	vadd.f32 v17, v62;
	v6 =	vpsel p3, v5, v3;
	s16 =	simm.s32 $0x20;
	v5 =	vpsel p2, v5, v3;
	s25 =	sand.u32 $0x1C00, s0;
	v3 =	vld [tilespmem:s1+$0x0];
	[tilespmem:s22+$0x14E80] =	vst v63  }
.LBB2_13:
0x3a2: {  	v17 =	vld [tilespmem:s24+$0x800]  }
0x3a3: {  	s6 =	sld [smem:$0x7B9]  }
0x3a4: {  	s14 =	sld [smem:$0x7BA]  }
0x3a5: {  	s15 =	sld [smem:$0x7BB]  }
0x3a6: {  	s3 =	sor.u32 s17, s25;
	s17 =	sld [smem:$0x7BC];
	[tilespmem:s22+$0x14F00] =	vst v12;
	p3 =	seq.s32 s6, $0x1  }
0x3a7: {  	s19 =	sld [smem:$0x7BD];
	v6 =	vadd.f32 v7, v6;
	v7 =	vld [tilespmem:s3+$0x16F80];
	[tilespmem:s22+$0x14F80] =	vst v13;
	v12 =	vpsel p3, v17, v3;
	p3 =	seq.s32 s14, $0x1  }
0x3a8: {  	s24 =	sld [smem:$0x7BE];
	v4 =	vadd.f32 v9, v4;
	v9 =	vld [tilespmem:s3+$0x14C00];
	[tilespmem:s22+$0x16C00] =	vst v14;
	v13 =	vpsel p3, v17, v3;
	p3 =	seq.s32 s15, $0x1  }
0x3a9: {  	s25 =	sld [smem:$0x7BF];
	v8 =	vadd.f32 v10, v8;
	v10 =	vld [tilespmem:s3+$0x14C80];
	[tilespmem:s22+$0x16C80] =	vst v15;
	v21 =	vpsel p3, v17, v3;
	p3 =	seq.s32 s17, $0x1  }
0x3aa: {  	s26 =	sld [smem:$0x7C0];
	v5 =	vadd.f32 v11, v5;
	v11 =	vld [tilespmem:s3+$0x14D00];
	[tilespmem:s22+$0x16D00] =	vst v16;
	v23 =	vpsel p3, v17, v3;
	p3 =	seq.s32 s19, $0x1  }
0x3ab: {  	s28 =	sld [smem:$0x7C1];
	v15 =	vpsel p0, v17, v3;
	v14 =	vld [tilespmem:s3+$0x14D80];
	[tilespmem:s22+$0x16D80] =	vst v6;
	v24 =	vpsel p3, v17, v3;
	p3 =	seq.s32 s24, $0x1  }
0x3ac: {  	s29 =	sld [smem:$0x7C2];
	v19 =	vld [tilespmem:s3+$0x14E00];
	v6 =	vadd.f32 v7, v15;
	[tilespmem:s22+$0x16E00] =	vst v4;
	v25 =	vpsel p3, v17, v3;
	p3 =	seq.s32 s25, $0x1  }
0x3ad: {  	s31 =	sld [smem:$0x7C3];
	v20 =	vld [tilespmem:s3+$0x14E80];
	[tilespmem:s22+$0x16E80] =	vst v8;
	v27 =	vpsel p3, v17, v3;
	p3 =	seq.s32 s26, $0x1  }
0x3ae: {  	v18 =	vpsel p6, v17, v3;
	v16 =	vpsel p5, v17, v3;
	v22 =	vld [tilespmem:s3+$0x14F00];
	[tilespmem:s3+$0x16F80] =	vst v6;
	v6 =	vpsel p3, v17, v3;
	p3 =	seq.s32 s28, $0x1  }
0x3af: {  	v7 =	vpsel p1, v17, v3;
	v9 =	vadd.f32 v12, v9;
	v26 =	vld [tilespmem:s3+$0x14F80];
	[tilespmem:s22+$0x16F00] =	vst v5;
	s22 =	smov.u32 s3;
	v4 =	vpsel p3, v17, v3;
	p3 =	seq.s32 s29, $0x1  }
0x3b0: {  	v15 =	vpsel p4, v17, v3;
	v28 =	vld [tilespmem:s22+$0x16C00];
	v14 =	vadd.f32 v14, v18;
	v8 =	vpsel p3, v17, v3;
	p3 =	seq.s32 s31, $0x1  }
0x3b1: {  	[tilespmem:s22+$0x14C00] =	vst v9;
	v5 =	vpsel p3, v17, v3;
	v3 =	vadd.f32 v10, v13;
	v10 =	vadd.f32 v11, v16;
	v11 =	vld [tilespmem:s22+$0x16C80]  }
0x3b2: {  	p2 =	sne.s32 s16, $0x3F0;
	v17 =	vld [tilespmem:s22+$0x16D00];
	[tilespmem:s22+$0x14D80] =	vst v14  }
.Ltmp5:
0x3b3: {  	v9 =	vld [tilespmem:s22+$0x16E00];
	v16 =	vadd.f32 v19, v7;
	[tilespmem:s22+$0x14C80] =	vst v3;
	(pc) =	sbr.rel @p2 .LBB2_13-.Ltmp5, $4  }
0x3b4: {  	v7 =	vld [tilespmem:s22+$0x16D80];
	[tilespmem:s22+$0x14D00] =	vst v10  }
0x3b5: {  	s1 =	sadd.s32 $0x10, s1;
	v18 =	vadd.f32 v20, v15;
	v12 =	vadd.f32 v22, v21;
	v10 =	vld [tilespmem:s22+$0x16E80];
	[tilespmem:s22+$0x14E00] =	vst v16  }
0x3b6: {  	s0 =	sadd.s32 $0x80, s0;
	s17 =	sand.u32 $0x70, s16;
	v13 =	vadd.f32 v26, v23;
	v14 =	vadd.f32 v28, v24;
	v3 =	vld [tilespmem:s1+$0x0]  }
0x3b7: {  	s24 =	sand.u32 $0x3F0, s16;
	s16 =	sadd.s32 $0x10, s16;
	s25 =	sand.u32 $0x1C00, s0;
	[tilespmem:s22+$0x14E80] =	vst v18;
	v15 =	vadd.f32 v11, v25;
	v11 =	vld [tilespmem:s22+$0x16F00];
	v16 =	vadd.f32 v17, v27  }
0x3b8: {  	[tilespmem:s22+$0x14F00] =	vst v12  }
0x3b9: {  	[tilespmem:s22+$0x14F80] =	vst v13  }
0x3ba: {  	[tilespmem:s22+$0x16C00] =	vst v14  }
0x3bb: {  	v4 =	vadd.f32 v9, v4;
	[tilespmem:s22+$0x16C80] =	vst v15  }
0x3bc: {  	v17 =	vld [tilespmem:s24+$0x800];
	s0 =	sor.u32 s17, s25;
	v6 =	vadd.f32 v7, v6;
	[tilespmem:s22+$0x16D00] =	vst v16  }
0x3bd: {  	v32 =	vld [tilespmem:s0+$0x16F80];
	v8 =	vadd.f32 v10, v8;
	[tilespmem:s22+$0x16E00] =	vst v4  }
0x3be: {  	v36 =	vld [tilespmem:s0+$0x14D00];
	[tilespmem:s22+$0x16D80] =	vst v6  }
0x3bf: {  	v33 =	vld [tilespmem:s0+$0x14C00];
	s1 =	sld [smem:$0x7B9];
	[tilespmem:s22+$0x16E80] =	vst v8  }
0x3c0: {  	v34 =	vld [tilespmem:s0+$0x14C80];
	s14 =	sld [smem:$0x7BA]  }
0x3c1: {  	v5 =	vadd.f32 v11, v5;
	v35 =	vpsel p0, v17, v3  }
0x3c2: {  	v42 =	vpsel p5, v17, v3;
	v12 =	vadd.f32 v32, v35;
	p2 =	seq.s32 s1, $0x1  }
0x3c3: {  	[tilespmem:s22+$0x16F00] =	vst v5;
	v7 =	vadd.f32 v36, v42;
	v38 =	vpsel p2, v17, v3;
	p3 =	seq.s32 s14, $0x1  }
0x3c4: {  	[tilespmem:s0+$0x16F80] =	vst v12;
	v40 =	vpsel p3, v17, v3;
	v4 =	vadd.f32 v38, v33  }
0x3c5: {  	v37 =	vld [tilespmem:s0+$0x14D80];
	[tilespmem:s0+$0x14D00] =	vst v7;
	v44 =	vadd.f32 v34, v40  }
0x3c6: {  	v39 =	vld [tilespmem:s0+$0x14E00];
	[tilespmem:s0+$0x14C00] =	vst v4  }
0x3c7: {  	v41 =	vld [tilespmem:s0+$0x14E80];
	[tilespmem:s0+$0x14C80] =	vst v44  }
0x3c8: {  	v43 =	vld [tilespmem:s0+$0x14F00];
	s15 =	sld [smem:$0x7BB]  }
0x3c9: {  	v45 =	vpsel p6, v17, v3  }
0x3ca: {  	v47 =	vpsel p1, v17, v3;
	v6 =	vadd.f32 v37, v45  }
0x3cb: {  	v49 =	vpsel p4, v17, v3;
	v4 =	vadd.f32 v39, v47;
	p5 =	seq.s32 s15, $0x1  }
0x3cc: {  	v5 =	vadd.f32 v41, v49;
	[tilespmem:s0+$0x14D80] =	vst v6;
	v51 =	vpsel p5, v17, v3  }
0x3cd: {  	v46 =	vld [tilespmem:s0+$0x14F80];
	s16 =	sld [smem:$0x7BC];
	[tilespmem:s0+$0x14E00] =	vst v4;
	v7 =	vadd.f32 v43, v51  }
0x3ce: {  	v48 =	vld [tilespmem:s0+$0x16C00];
	s17 =	sld [smem:$0x7BD];
	[tilespmem:s0+$0x14E80] =	vst v5  }
0x3cf: {  	v50 =	vld [tilespmem:s0+$0x16C80];
	s19 =	sld [smem:$0x7BE];
	[tilespmem:s0+$0x14F00] =	vst v7  }
0x3d0: {  	v52 =	vld [tilespmem:s0+$0x16D00];
	p6 =	seq.s32 s16, $0x1;
	s22 =	sld [smem:$0x7BF]  }
0x3d1: {  	v53 =	vpsel p6, v17, v3;
	p0 =	seq.s32 s17, $0x1  }
0x3d2: {  	v55 =	vpsel p0, v17, v3;
	v6 =	vadd.f32 v46, v53;
	p1 =	seq.s32 s19, $0x1  }
0x3d3: {  	v57 =	vpsel p1, v17, v3;
	v4 =	vadd.f32 v48, v55;
	p2 =	seq.s32 s22, $0x1  }
0x3d4: {  	v5 =	vadd.f32 v50, v57;
	[tilespmem:s0+$0x14F80] =	vst v6;
	v59 =	vpsel p2, v17, v3  }
0x3d5: {  	v54 =	vld [tilespmem:s0+$0x16D80];
	s24 =	sld [smem:$0x7C0];
	[tilespmem:s0+$0x16C00] =	vst v4;
	v7 =	vadd.f32 v52, v59  }
0x3d6: {  	v56 =	vld [tilespmem:s0+$0x16E00];
	s25 =	sld [smem:$0x7C1];
	[tilespmem:s0+$0x16C80] =	vst v5  }
0x3d7: {  	v58 =	vld [tilespmem:s0+$0x16E80];
	s26 =	sld [smem:$0x7C2];
	[tilespmem:s0+$0x16D00] =	vst v7  }
0x3d8: {  	v60 =	vld [tilespmem:s0+$0x16F00];
	p3 =	seq.s32 s24, $0x1;
	s29 =	sld [smem:$0x7C3]  }
0x3d9: {  	v61 =	vpsel p3, v17, v3;
	p4 =	seq.s32 s25, $0x1  }
0x3da: {  	s21 =	sadd.s32 $0x1, s21;
	v62 =	vpsel p4, v17, v3;
	v6 =	vadd.f32 v54, v61;
	p5 =	seq.s32 s26, $0x1  }
0x3db: {  	p0 =	sne.s32 s21, $0x5;
	v63 =	vpsel p5, v17, v3;
	v4 =	vadd.f32 v56, v62;
	p6 =	seq.s32 s29, $0x1  }
.Ltmp6:
0x3dc: {  	v5 =	vadd.f32 v58, v63;
	[tilespmem:s0+$0x16D80] =	vst v6;
	v3 =	vpsel p6, v17, v3;
	(pc) =	sbr.rel @p0 .LBB2_2-.Ltmp6, $4  }
0x3dd: {  	[tilespmem:s0+$0x16E00] =	vst v4;
	v3 =	vadd.f32 v60, v3  }
0x3de: {  	[tilespmem:s0+$0x16E80] =	vst v5  }
0x3df: {  	s31 =	sadd.s32 s23, s12;
	s28 =	simm.s32 $0x14C00;
	[tilespmem:s0+$0x16F00] =	vst v3  }
0x3e0: {  	[hbm4b:s31+s4] =	stream.linear.scatter [tilespmem:s28], [sflag:$0x6], $0x4000, $0x38;
	[tilespmem:$0x18C00] =	vst v63  }
0x3e1: {  	_ =	swait.ge [sflag:s8], $0x8000  }
0x3e2: {  	[sflag:s8] =	ssyncset.done $0x0  }
0x3e3: {  	[sflag:s8] =	ssyncadd.s32 $0xFFFF8000  }
0x3e4: {  	v5 =	vld [tilespmem:$0x3E0];
	_ =	sdelay $0x4  }
0x3e5: {  	(v2sf) =	vpush v5, $0x0;
	_ =	sdelay $0x1  }
0x3e6: {  	(v2sf) =	vpush v5, $0x1;
	_ =	sdelay $0x1  }
0x3e7: {  	(v2sf) =	vpush v5, $0x2  }
0x3e8: {  	(v2sf) =	vpush v5, $0x3;
	_ =	sdelay $0x1  }
0x3e9: {  	(v2sf) =	vpush v5, $0x4;
	_ =	sdelay $0x1  }
0x3ea: {  	(v2sf) =	vpush v5, $0x5;
	_ =	sdelay $0x1  }
0x3eb: {  	s0 =	simm.s32 $0x0;
	s1 =	simm.s32 $0x400;
	(v2sf) =	vpush v5, $0x6  }
0x3ec: {  	s15 =	sand.u32 $0x3F0, s0;
	v3 =	vld [tilespmem:s1+$0x0]  }
0x3ed: {  	s3 =	sand.u32 $0x70, s0;
	s6 =	sand.u32 $0x1C00, s0;
	v4 =	vld [tilespmem:s15+$0x800]  }
0x3ee: {  	s21 =	sor.u32 s3, s6;
	(v2sf) =	vpush v5, $0x7  }
0x3ef: {  	v6 =	vld [tilespmem:s21+$0xC00];
	(v2sf) =	vpush v5, $0x8;
	s16 =	spop (v2sf)  }
0x3f0: {  	(v2sf) =	vpush v5, $0x9;
	p0 =	sgt.s32 s16, $0x0  }
0x3f1: {  	(v2sf) =	vpush v5, $0xA;
	s17 =	spop (v2sf);
	s1 =	simm.s32 @!p0 $0x0  }
0x3f2: {  	s0 =	sor.u32 s0, s0;
	v7 =	vld [tilespmem:s21+$0xC80];
	(v2sf) =	vpush v5, $0xB;
	v10 =	vpsel p0, v4, v3;
	s1 =	simm.s32 @p0 $0x1;
	p0 =	sgt.s32 s17, $0x0  }
0x3f3: {  	v8 =	vld [tilespmem:s21+$0xD00];
	(v2sf) =	vpush v5, $0xC;
	s19 =	spop (v2sf);
	[smem:$0x7B7] =	sst s1;
	s1 =	simm.s32 @!p0 $0x0  }
0x3f4: {  	v6 =	vadd.f32 v10, v6;
	s22 =	spop (v2sf);
	p1 =	sgt.s32 s19, $0x0;
	v9 =	vld [tilespmem:s21+$0xD80];
	s1 =	simm.s32 @p0 $0x1  }
0x3f5: {  	(v2sf) =	vpush v5, $0xD;
	p2 =	sgt.s32 s22, $0x0;
	s6 =	simm.s32 @!p1 $0x0;
	v11 =	vld [tilespmem:s21+$0xE00];
	[smem:$0x7B8] =	sst s1  }
0x3f6: {  	s23 =	spop (v2sf);
	v12 =	vpsel p0, v4, v3;
	s6 =	simm.s32 @p1 $0x1;
	s1 =	simm.s32 @!p2 $0x0;
	[tilespmem:s21+$0xC00] =	vst v6  }
0x3f7: {  	(v2sf) =	vpush v5, $0xE;
	v10 =	vld [tilespmem:s21+$0xE80];
	v6 =	vadd.f32 v7, v12;
	v7 =	vpsel p1, v4, v3;
	p1 =	sgt.s32 s23, $0x0;
	s1 =	simm.s32 @p2 $0x1;
	[smem:$0x7AD] =	sst s6  }
0x3f8: {  	s24 =	spop (v2sf);
	s7 =	simm.s32 @!p1 $0x0;
	v12 =	vld [tilespmem:s21+$0xF00];
	[smem:$0x7AE] =	sst s1  }
0x3f9: {  	(v2sf) =	vpush v5, $0xF;
	s22 =	simm.s32 $0x80;
	v5 =	vadd.f32 v8, v7;
	v7 =	vpsel p2, v4, v3;
	p2 =	sgt.s32 s24, $0x0;
	s7 =	simm.s32 @p1 $0x1;
	[tilespmem:s21+$0xC80] =	vst v6  }
0x3fa: {  	s25 =	spop (v2sf);
	s6 =	simm.s32 @!p2 $0x0;
	[smem:$0x7AF] =	sst s7  }
0x3fb: {  	s19 =	sand.u32 $0x1C00, s22;
	v6 =	vadd.f32 v9, v7;
	v7 =	vpsel p1, v4, v3;
	p1 =	sgt.s32 s25, $0x0;
	s6 =	simm.s32 @p2 $0x1;
	[tilespmem:s21+$0xD00] =	vst v5  }
0x3fc: {  	s23 =	simm.s32 $0x10;
	s7 =	simm.s32 @!p1 $0x0;
	v5 =	vadd.f32 v11, v7;
	v7 =	vpsel p2, v4, v3;
	[smem:$0x7B0] =	sst s6  }
0x3fd: {  	s16 =	sand.u32 $0x70, s23;
	s1 =	spop (v2sf);
	s7 =	simm.s32 @p1 $0x1;
	[tilespmem:s21+$0xD80] =	vst v6;
	v6 =	vadd.f32 v10, v7  }
0x3fe: {  	s17 =	sand.u32 $0x3F0, s23;
	s26 =	spop (v2sf);
	[smem:$0x7B1] =	sst s7  }
0x3ff: {  	s15 =	sor.u32 $0x380, s0;
	s24 =	sor.u32 s16, s19;
	s29 =	spop (v2sf);
	v7 =	vpsel p1, v4, v3;
	[tilespmem:s21+$0xE80] =	vst v6;
	v6 =	vld [tilespmem:s17+$0x800]  }
0x400: {  	s0 =	simm.s32 $0x410;
	s31 =	spop (v2sf);
	p1 =	sgt.s32 s1, $0x0;
	[tilespmem:s21+$0xE00] =	vst v5;
	v5 =	vadd.f32 v12, v7;
	v15 =	vld [tilespmem:s24+$0xC00]  }
0x401: {  	p5 =	sgt.s32 s26, $0x0;
	s13 =	spop (v2sf);
	s3 =	simm.s32 @!p1 $0x0;
	v18 =	vld [tilespmem:s24+$0xC80]  }
0x402: {  	s14 =	spop (v2sf);
	p2 =	sgt.s32 s13, $0x0;
	s3 =	simm.s32 @p1 $0x1;
	[tilespmem:s21+$0xF00] =	vst v5;
	v5 =	vld [tilespmem:s0+$0x0]  }
0x403: {  	p4 =	sgt.s32 s14, $0x0;
	v7 =	vld [tilespmem:s15+$0xC00];
	[smem:$0x7B2] =	sst s3;
	s3 =	simm.s32 @!p2 $0x0  }
0x404: {  	s25 =	spop (v2sf);
	s1 =	simm.s32 @!p4 $0x0;
	s3 =	simm.s32 @p2 $0x1  }
0x405: {  	p3 =	sgt.s32 s25, $0x0;
	s1 =	simm.s32 @p4 $0x1;
	[smem:$0x7B3] =	sst s3  }
0x406: {  	s26 =	spop (v2sf);
	v20 =	vld [tilespmem:s24+$0xD00];
	[smem:$0x7B4] =	sst s1;
	s1 =	simm.s32 @!p3 $0x0  }
0x407: {  	v9 =	vpsel p2, v4, v3;
	p2 =	sgt.s32 s26, $0x0;
	s1 =	simm.s32 @p3 $0x1  }
0x408: {  	v8 =	vpsel p1, v4, v3;
	[smem:$0x7B5] =	sst s1;
	s1 =	simm.s32 @!p2 $0x0  }
0x409: {  	v17 =	vadd.f32 v7, v8;
	s1 =	simm.s32 @p2 $0x1  }
0x40a: {  	[smem:$0x7B6] =	sst s1  }
0x40b: {  	p6 =	sgt.s32 s29, $0x0;
	s29 =	sld [smem:$0x7B7];
	[tilespmem:s15+$0xC00] =	vst v17  }
0x40c: {  	p0 =	sgt.s32 s31, $0x0;
	s31 =	sld [smem:$0x7B8]  }
0x40d: {  	v11 =	vpsel p5, v4, v3;
	v10 =	vpsel p6, v4, v3;
	v12 =	vpsel p0, v4, v3  }
0x40e: {  	v13 =	vpsel p4, v4, v3;
	v16 =	vpsel p5, v6, v5;
	v8 =	vpsel p3, v4, v3;
	p3 =	seq.s32 s29, $0x1;
	v21 =	vld [tilespmem:s24+$0xD80]  }
0x40f: {  	s16 =	simm.s32 $0x20;
	p1 =	por p5, p5;
	v14 =	vpsel p6, v6, v5;
	v7 =	vpsel p2, v4, v3;
	v22 =	vpsel p3, v6, v5;
	v19 =	vld [tilespmem:s24+$0xE00];
	p4 =	seq.s32 s31, $0x1  }
0x410: {  	p3 =	por p0, p0;
	s1 =	spop (v2sf);
	v22 =	vadd.f32 v22, v15;
	v15 =	vpsel p0, v6, v5;
	v17 =	vld [tilespmem:s21+$0x2F80];
	p5 =	por p4, p4;
	v23 =	vpsel p4, v6, v5  }
.LBB2_16:
0x411: {  	s3 =	sld [smem:$0x7AD]  }
0x412: {  	s6 =	sld [smem:$0x7B3]  }
0x413: {  	s7 =	sld [smem:$0x7AE]  }
0x414: {  	s13 =	sld [smem:$0x7B4]  }
0x415: {  	s14 =	sld [smem:$0x7AF];
	p4 =	seq.s32 s6, $0x1  }
0x416: {  	s15 =	sld [smem:$0x7B5];
	p0 =	seq.s32 s3, $0x1;
	v25 =	vpsel p4, v6, v5;
	p4 =	seq.s32 s7, $0x1  }
0x417: {  	v18 =	vadd.f32 v18, v23;
	v24 =	vld [tilespmem:s24+$0xE80];
	s19 =	sld [smem:$0x7B6];
	[tilespmem:s24+$0xC00] =	vst v22;
	v23 =	vpsel p0, v6, v5;
	v22 =	vpsel p4, v6, v5;
	p4 =	seq.s32 s13, $0x1  }
0x418: {  	s17 =	smov.u32 s24;
	v20 =	vadd.f32 v20, v23;
	v23 =	vld [tilespmem:s24+$0xF00];
	s24 =	sld [smem:$0x7B0];
	v26 =	vpsel p4, v6, v5;
	p4 =	seq.s32 s14, $0x1  }
0x419: {  	s25 =	sld [smem:$0x7B1];
	[tilespmem:s17+$0xC80] =	vst v18;
	v18 =	vadd.f32 v21, v22;
	v21 =	vpsel p4, v6, v5;
	p4 =	seq.s32 s15, $0x1  }
0x41a: {  	p0 =	sgt.s32 s1, $0x0;
	v22 =	vpsel p4, v6, v5;
	p4 =	seq.s32 s19, $0x1  }
0x41b: {  	v27 =	vld [tilespmem:s21+$0x2C00];
	v29 =	vpsel p0, v4, v3;
	[tilespmem:s17+$0xD00] =	vst v20;
	v19 =	vadd.f32 v19, v21;
	v20 =	vpsel p4, v6, v5;
	p4 =	seq.s32 s24, $0x1  }
0x41c: {  	v3 =	vmovc v5;
	v4 =	vmov v6;
	v17 =	vadd.f32 v17, v29;
	v21 =	vld [tilespmem:s21+$0x2C80];
	[tilespmem:s17+$0xD80] =	vst v18;
	v18 =	vpsel p4, v6, v5;
	p4 =	seq.s32 s25, $0x1  }
0x41d: {  	v28 =	vld [tilespmem:s21+$0x2D00];
	[tilespmem:s17+$0xE00] =	vst v19;
	v5 =	vadd.f32 v24, v18;
	v6 =	vpsel p4, v4, v3  }
0x41e: {  	v18 =	vld [tilespmem:s21+$0x2D80];
	[tilespmem:s21+$0x2F80] =	vst v17;
	v6 =	vadd.f32 v23, v6  }
0x41f: {  	v19 =	vld [tilespmem:s21+$0x2E00];
	[tilespmem:s17+$0xE80] =	vst v5  }
0x420: {  	s26 =	sor.u32 s22, s23;
	v5 =	vadd.f32 v27, v11;
	v17 =	vld [tilespmem:s21+$0x2E80];
	[tilespmem:s17+$0xF00] =	vst v6  }
0x421: {  	s3 =	sor.u32 $0x380, s26;
	v11 =	vmov v16;
	v6 =	vadd.f32 v21, v10;
	v16 =	vld [tilespmem:s21+$0x2F00]  }
0x422: {  	s22 =	sadd.s32 $0x80, s22;
	s0 =	sadd.s32 $0x10, s0;
	s29 =	sld [smem:$0x7B2];
	v10 =	vmov v14;
	v21 =	vadd.f32 v28, v12;
	v14 =	vld [tilespmem:s3+$0xC00];
	[tilespmem:s21+$0x2C00] =	vst v5  }
0x423: {  	s6 =	sand.u32 $0x70, s16;
	s7 =	sand.u32 $0x3F0, s16;
	s13 =	sand.u32 $0x1C00, s22;
	v12 =	vmov v15;
	v5 =	vld [tilespmem:s0+$0x0];
	[tilespmem:s21+$0x2C80] =	vst v6;
	v15 =	vadd.f32 v18, v9  }
0x424: {  	s24 =	sor.u32 s6, s13;
	v19 =	vadd.f32 v19, v13;
	v6 =	vld [tilespmem:s7+$0x800];
	[tilespmem:s21+$0x2D00] =	vst v21  }
0x425: {  	p2 =	sne.s32 s16, $0x3F0;
	s31 =	sld [smem:$0x7B7];
	p4 =	seq.s32 s29, $0x1;
	v23 =	vld [tilespmem:s24+$0xC00];
	[tilespmem:s21+$0x2D80] =	vst v15;
	v15 =	vadd.f32 v17, v8  }
.Ltmp7:
0x426: {  	v18 =	vld [tilespmem:s24+$0xC80];
	v17 =	vpsel p4, v4, v3;
	[tilespmem:s21+$0x2E00] =	vst v19;
	v16 =	vadd.f32 v16, v7;
	(pc) =	sbr.rel @p2 .LBB2_16-.Ltmp7, $4  }
0x427: {  	v7 =	vmov v20;
	v20 =	vld [tilespmem:s24+$0xD00];
	v17 =	vadd.f32 v14, v17;
	[tilespmem:s21+$0x2E80] =	vst v15  }
0x428: {  	v9 =	vmov v25;
	v13 =	vmov v26;
	p4 =	seq.s32 s31, $0x1;
	v21 =	vld [tilespmem:s24+$0xD80];
	[tilespmem:s21+$0x2F00] =	vst v16  }
0x429: {  	v15 =	vpsel p4, v6, v5;
	v16 =	vpsel p1, v6, v5;
	v14 =	vpsel p6, v6, v5;
	s21 =	smov.u32 s17;
	v19 =	vld [tilespmem:s24+$0xE00];
	[tilespmem:s3+$0xC00] =	vst v17  }
0x42a: {  	s23 =	smov.u32 s16;
	s16 =	sadd.s32 $0x10, s16;
	v8 =	vmovc v22;
	v22 =	vadd.f32 v15, v23;
	v23 =	vpsel p5, v6, v5;
	v15 =	vpsel p3, v6, v5;
	v17 =	vld [tilespmem:s21+$0x2F80]  }
0x42b: {  	_ = 	snop  }
0x42c: {  	[tilespmem:s24+$0xC00] =	vst v22  }
0x42d: {  	s0 =	sld [smem:$0x7AD]  }
0x42e: {  	s14 =	sld [smem:$0x7AE];
	_ =	sdelay $0x1  }
0x42f: {  	p1 =	seq.s32 s0, $0x1  }
0x430: {  	v18 =	vadd.f32 v18, v23;
	p2 =	seq.s32 s14, $0x1;
	v52 =	vpsel p1, v6, v5  }
0x431: {  	v25 =	vpsel p2, v6, v5;
	v20 =	vadd.f32 v20, v52  }
0x432: {  	s15 =	sld [smem:$0x7AF];
	[tilespmem:s24+$0xC80] =	vst v18;
	v18 =	vadd.f32 v21, v25  }
0x433: {  	s16 =	sld [smem:$0x7B0];
	[tilespmem:s24+$0xD00] =	vst v20  }
0x434: {  	v24 =	vld [tilespmem:s24+$0xE80];
	[tilespmem:s24+$0xD80] =	vst v18  }
0x435: {  	v53 =	vld [tilespmem:s24+$0xF00];
	s17 =	sld [smem:$0x7B1]  }
0x436: {  	p3 =	seq.s32 s15, $0x1  }
0x437: {  	v54 =	vpsel p3, v6, v5;
	p4 =	seq.s32 s16, $0x1  }
0x438: {  	v55 =	vpsel p4, v6, v5;
	v19 =	vadd.f32 v19, v54;
	p5 =	seq.s32 s17, $0x1  }
0x439: {  	v18 =	vadd.f32 v24, v55;
	v56 =	vpsel p5, v6, v5  }
0x43a: {  	[tilespmem:s24+$0xE00] =	vst v19;
	v19 =	vadd.f32 v53, v56  }
0x43b: {  	s19 =	sor.u32 s22, s23;
	[tilespmem:s24+$0xE80] =	vst v18  }
0x43c: {  	s0 =	sor.u32 $0x380, s19;
	[tilespmem:s24+$0xF00] =	vst v19  }
0x43d: {  	v18 =	vld [tilespmem:s0+$0xC00];
	s1 =	sld [smem:$0x7B2]  }
0x43e: {  	v57 =	vld [tilespmem:s21+$0x2C80]  }
0x43f: {  	v19 =	vld [tilespmem:s21+$0x2C00]  }
0x440: {  	v3 =	vpsel p0, v4, v3;
	v4 =	vld [tilespmem:s21+$0x2D00];
	p6 =	seq.s32 s1, $0x1  }
0x441: {  	v3 =	vadd.f32 v17, v3;
	v17 =	vld [tilespmem:s21+$0x2D80];
	v58 =	vpsel p6, v6, v5  }
0x442: {  	v59 =	vld [tilespmem:s21+$0x2E00];
	v18 =	vadd.f32 v18, v58  }
0x443: {  	v10 =	vadd.f32 v57, v10;
	[tilespmem:s21+$0x2F80] =	vst v3;
	v3 =	vld [tilespmem:s21+$0x2E80]  }
0x444: {  	v11 =	vadd.f32 v19, v11;
	v19 =	vld [tilespmem:s21+$0x2F00];
	[tilespmem:s0+$0xC00] =	vst v18  }
0x445: {  	v4 =	vadd.f32 v4, v12;
	[tilespmem:s21+$0x2C80] =	vst v10;
	v18 =	vld [tilespmem:s24+$0x2F80]  }
0x446: {  	v9 =	vadd.f32 v17, v9;
	[tilespmem:s21+$0x2C00] =	vst v11;
	v11 =	vld [tilespmem:s24+$0x2C00]  }
0x447: {  	[tilespmem:s21+$0x2D00] =	vst v4;
	v4 =	vadd.f32 v59, v13;
	v10 =	vld [tilespmem:s24+$0x2C80]  }
0x448: {  	[tilespmem:s21+$0x2D80] =	vst v9;
	v3 =	vadd.f32 v3, v8;
	v13 =	vld [tilespmem:s24+$0x2D00]  }
0x449: {  	v12 =	vpsel p0, v6, v5;
	[tilespmem:s21+$0x2E00] =	vst v4;
	v7 =	vadd.f32 v19, v7  }
0x44a: {  	[tilespmem:s21+$0x2E80] =	vst v3;
	v9 =	vadd.f32 v18, v12  }
0x44b: {  	[tilespmem:s21+$0x2F00] =	vst v7;
	v3 =	vadd.f32 v11, v16  }
0x44c: {  	v7 =	vadd.f32 v10, v14;
	[tilespmem:s24+$0x2F80] =	vst v9  }
0x44d: {  	v12 =	vld [tilespmem:s24+$0x2D80];
	s0 =	sld [smem:$0x7B3];
	[tilespmem:s24+$0x2C00] =	vst v3;
	v3 =	vadd.f32 v13, v15  }
0x44e: {  	v4 =	vld [tilespmem:s24+$0x2E00];
	s21 =	sld [smem:$0x7B4];
	[tilespmem:s24+$0x2C80] =	vst v7  }
0x44f: {  	v8 =	vld [tilespmem:s24+$0x2E80];
	s22 =	sld [smem:$0x7B5];
	[tilespmem:s24+$0x2D00] =	vst v3  }
0x450: {  	v9 =	vld [tilespmem:s24+$0x2F00];
	p1 =	seq.s32 s0, $0x1;
	s23 =	sld [smem:$0x7B6]  }
0x451: {  	v10 =	vpsel p1, v6, v5;
	p2 =	seq.s32 s21, $0x1  }
0x452: {  	v11 =	vpsel p2, v6, v5;
	v7 =	vadd.f32 v12, v10;
	p3 =	seq.s32 s22, $0x1  }
0x453: {  	v10 =	vpsel p3, v6, v5;
	v3 =	vadd.f32 v4, v11;
	p4 =	seq.s32 s23, $0x1  }
0x454: {  	v4 =	vpsel p4, v6, v5;
	[tilespmem:s24+$0x2D80] =	vst v7;
	v5 =	vadd.f32 v8, v10  }
0x455: {  	[tilespmem:s24+$0x2E00] =	vst v3;
	v3 =	vadd.f32 v9, v4  }
0x456: {  	[tilespmem:s24+$0x2E80] =	vst v5  }
0x457: {  	[tilespmem:s24+$0x2F00] =	vst v3  }
0x458: {  	s25 =	simm.s32 $0x0;
	s3 =	simm.s32 $0xC00;
	s31 =	rddreg [dreg:$0x7]  }
0x459: {  	[hbm4b:s31+s25] =	stream.linear.scatter [tilespmem:s3], [sflag:$0x4], $0x4000, $0x38;
	[tilespmem:$0x18C00] =	vst v63  }
0x45a: {  	v3 =	vld [tilespmem:$0x3F0];
	_ =	sdelay $0x4  }
0x45b: {  	(v2sf) =	vpush v3, $0x0  }
0x45c: {  	(v2sf) =	vpush v3, $0x1;
	_ =	sdelay $0x1  }
0x45d: {  	(v2sf) =	vpush v3, $0x2  }
0x45e: {  	(v2sf) =	vpush v3, $0x3  }
0x45f: {  	(v2sf) =	vpush v3, $0x4  }
0x460: {  	(v2sf) =	vpush v3, $0x5  }
0x461: {  	(v2sf) =	vpush v3, $0x6  }
0x462: {  	(v2sf) =	vpush v3, $0x7  }
0x463: {  	(v2sf) =	vpush v3, $0x8  }
0x464: {  	(v2sf) =	vpush v3, $0x9  }
0x465: {  	(v2sf) =	vpush v3, $0xA  }
0x466: {  	(v2sf) =	vpush v3, $0xB  }
0x467: {  	(v2sf) =	vpush v3, $0xC  }
0x468: {  	(v2sf) =	vpush v3, $0xD  }
0x469: {  	s3 =	spop (v2sf);
	(v2sf) =	vpush v3, $0xE  }
0x46a: {  	s22 =	spop (v2sf);
	(v2sf) =	vpush v3, $0xF;
	_ =	sdelay $0x1  }
0x46b: {  	s6 =	spop (v2sf)  }
0x46c: {  	s7 =	spop (v2sf)  }
0x46d: {  	s13 =	spop (v2sf)  }
0x46e: {  	s14 =	spop (v2sf)  }
0x46f: {  	s15 =	spop (v2sf)  }
0x470: {  	s17 =	spop (v2sf)  }
0x471: {  	s19 =	spop (v2sf)  }
0x472: {  	s24 =	spop (v2sf)  }
0x473: {  	s26 =	sand.u32 $0x70, s25;
	s29 =	sand.u32 $0x3F0, s25;
	s23 =	spop (v2sf)  }
0x474: {  	s16 =	simm.s32 $0x400;
	s0 =	sand.u32 $0x1C00, s25;
	v5 =	vld [tilespmem:s29+$0x800];
	s31 =	spop (v2sf)  }
0x475: {  	s21 =	sor.u32 s26, s0;
	v3 =	vld [tilespmem:s16+$0x0];
	s0 =	spop (v2sf)  }
0x476: {  	v4 =	vld [tilespmem:s21+$0x6F80];
	s25 =	spop (v2sf)  }
0x477: {  	s16 =	spop (v2sf)  }
0x478: {  	v6 =	vld [tilespmem:s21+$0x4C00];
	s26 =	spop (v2sf)  }
0x479: {  	v7 =	vld [tilespmem:s21+$0x4C80];
	p5 =	sgt.s32 s26, $0x0  }
0x47a: {  	v8 =	vld [tilespmem:s21+$0x4D00];
	v10 =	vpsel p5, v5, v3  }
0x47b: {  	v9 =	vld [tilespmem:s21+$0x4D80];
	p1 =	sgt.s32 s3, $0x0;
	v4 =	vadd.f32 v4, v10  }
0x47c: {  	v11 =	vld [tilespmem:s21+$0x4E00];
	s1 =	simm.s32 @!p1 $0x0  }
0x47d: {  	v12 =	vld [tilespmem:s21+$0x4E80];
	s1 =	simm.s32 @p1 $0x1;
	[tilespmem:s21+$0x6F80] =	vst v4;
	v4 =	vpsel p1, v5, v3;
	p1 =	sgt.s32 s22, $0x0  }
0x47e: {  	v13 =	vld [tilespmem:s21+$0x4F00];
	[smem:$0x7A2] =	sst s1;
	s1 =	simm.s32 @!p1 $0x0  }
0x47f: {  	v4 =	vadd.f32 v4, v6;
	v6 =	vpsel p1, v5, v3;
	v14 =	vld [tilespmem:s21+$0x4F80];
	s1 =	simm.s32 @p1 $0x1  }
0x480: {  	p6 =	sgt.s32 s6, $0x0;
	v15 =	vld [tilespmem:s21+$0x6C00];
	v6 =	vadd.f32 v7, v6;
	[smem:$0x7A3] =	sst s1  }
0x481: {  	p2 =	sgt.s32 s7, $0x0;
	p0 =	por p5, p5;
	[tilespmem:s21+$0x4C00] =	vst v4;
	v4 =	vpsel p6, v5, v3  }
0x482: {  	p5 =	por p6, p6;
	[tilespmem:s21+$0x4C80] =	vst v6;
	p6 =	por p2, p2;
	v6 =	vpsel p2, v5, v3;
	p2 =	sgt.s32 s15, $0x0;
	v4 =	vadd.f32 v8, v4  }
0x483: {  	p3 =	sgt.s32 s14, $0x0;
	v16 =	vld [tilespmem:s21+$0x6C80];
	s1 =	simm.s32 @!p2 $0x0  }
0x484: {  	p4 =	por p3, p3;
	v17 =	vld [tilespmem:s21+$0x6D00];
	v8 =	vpsel p3, v5, v3;
	p3 =	sgt.s32 s17, $0x0;
	s1 =	simm.s32 @p2 $0x1;
	[tilespmem:s21+$0x4D00] =	vst v4  }
0x485: {  	v7 =	vld [tilespmem:s21+$0x6D80];
	[smem:$0x7A4] =	sst s1;
	s1 =	simm.s32 @!p3 $0x0  }
0x486: {  	v18 =	vpsel p2, v5, v3;
	p2 =	sgt.s32 s19, $0x0;
	s1 =	simm.s32 @p3 $0x1  }
0x487: {  	v6 =	vadd.f32 v9, v6;
	v9 =	vld [tilespmem:s21+$0x6E00];
	[smem:$0x7A5] =	sst s1;
	s1 =	simm.s32 @!p2 $0x0  }
0x488: {  	v60 =	vpsel p2, v5, v3;
	s1 =	simm.s32 @p2 $0x1;
	p2 =	sgt.s32 s31, $0x0  }
0x489: {  	[smem:$0x7A6] =	sst s1;
	s1 =	simm.s32 @!p2 $0x0  }
0x48a: {  	v19 =	vpsel p3, v5, v3;
	p3 =	sgt.s32 s24, $0x0;
	[tilespmem:s21+$0x4D80] =	vst v6;
	s1 =	simm.s32 @p2 $0x1  }
0x48b: {  	[smem:$0x7A9] =	sst s1;
	s1 =	simm.s32 @!p3 $0x0  }
0x48c: {  	p2 =	sgt.s32 s23, $0x0;
	s1 =	simm.s32 @p3 $0x1  }
0x48d: {  	[smem:$0x7A7] =	sst s1;
	s1 =	simm.s32 @!p2 $0x0  }
0x48e: {  	p1 =	sgt.s32 s13, $0x0;
	v62 =	vpsel p2, v5, v3;
	s1 =	simm.s32 @p2 $0x1;
	p2 =	sgt.s32 s0, $0x0  }
0x48f: {  	v4 =	vpsel p1, v5, v3;
	s31 =	sld [smem:$0x7A9];
	s0 =	simm.s32 @!p2 $0x0  }
0x490: {  	v11 =	vadd.f32 v11, v4;
	[smem:$0x7A8] =	sst s1;
	v4 =	vpsel p2, v5, v3;
	s0 =	simm.s32 @p2 $0x1;
	p2 =	sgt.s32 s25, $0x0  }
0x491: {  	v10 =	vld [tilespmem:s21+$0x6E80];
	[smem:$0x7AA] =	sst s0;
	s0 =	simm.s32 @!p2 $0x0  }
0x492: {  	s29 =	simm.s32 $0x10;
	v63 =	vadd.f32 v12, v8;
	v8 =	vpsel p2, v5, v3;
	s0 =	simm.s32 @p2 $0x1;
	p2 =	sgt.s32 s16, $0x0  }
0x493: {  	s22 =	sand.u32 $0x3F0, s29;
	[tilespmem:s21+$0x4E00] =	vst v11;
	s6 =	simm.s32 @!p2 $0x0  }
0x494: {  	v12 =	vadd.f32 v13, v18;
	v13 =	vadd.f32 v14, v19;
	v61 =	vpsel p3, v5, v3;
	p3 =	seq.s32 s31, $0x1;
	[smem:$0x7AB] =	sst s0;
	s6 =	simm.s32 @p2 $0x1  }
0x495: {  	v14 =	vadd.f32 v15, v60;
	v15 =	vadd.f32 v16, v61;
	s1 =	simm.s32 $0x410;
	s0 =	simm.s32 $0x80;
	v11 =	vld [tilespmem:s21+$0x6F00];
	[smem:$0x7AC] =	sst s6  }
0x496: {  	s17 =	sand.u32 $0x70, s29;
	v16 =	vadd.f32 v17, v62;
	v6 =	vpsel p3, v5, v3;
	s16 =	simm.s32 $0x20;
	v5 =	vpsel p2, v5, v3;
	s23 =	sand.u32 $0x1C00, s0;
	v3 =	vld [tilespmem:s1+$0x0];
	[tilespmem:s21+$0x4E80] =	vst v63  }
.LBB2_18:
0x497: {  	v17 =	vld [tilespmem:s22+$0x800]  }
0x498: {  	s6 =	sld [smem:$0x7A2]  }
0x499: {  	s15 =	sld [smem:$0x7A3]  }
0x49a: {  	s3 =	sor.u32 s17, s23;
	s17 =	sld [smem:$0x7A4]  }
0x49b: {  	s19 =	sld [smem:$0x7A5];
	[tilespmem:s21+$0x4F00] =	vst v12;
	p3 =	seq.s32 s6, $0x1  }
0x49c: {  	s22 =	sld [smem:$0x7A6];
	v6 =	vadd.f32 v7, v6;
	v7 =	vld [tilespmem:s3+$0x6F80];
	[tilespmem:s21+$0x4F80] =	vst v13;
	v12 =	vpsel p3, v17, v3;
	p3 =	seq.s32 s15, $0x1  }
0x49d: {  	s23 =	sld [smem:$0x7A7];
	v4 =	vadd.f32 v9, v4;
	v9 =	vld [tilespmem:s3+$0x4C00];
	[tilespmem:s21+$0x6C00] =	vst v14;
	v13 =	vpsel p3, v17, v3;
	p3 =	seq.s32 s17, $0x1  }
0x49e: {  	s24 =	sld [smem:$0x7A8];
	v8 =	vadd.f32 v10, v8;
	v10 =	vld [tilespmem:s3+$0x4C80];
	[tilespmem:s21+$0x6C80] =	vst v15;
	v21 =	vpsel p3, v17, v3;
	p3 =	seq.s32 s19, $0x1  }
0x49f: {  	s25 =	sld [smem:$0x7A9];
	v5 =	vadd.f32 v11, v5;
	v11 =	vld [tilespmem:s3+$0x4D00];
	[tilespmem:s21+$0x6D00] =	vst v16;
	v23 =	vpsel p3, v17, v3;
	p3 =	seq.s32 s22, $0x1  }
0x4a0: {  	s26 =	sld [smem:$0x7AA];
	v15 =	vpsel p0, v17, v3;
	v14 =	vld [tilespmem:s3+$0x4D80];
	[tilespmem:s21+$0x6D80] =	vst v6;
	v24 =	vpsel p3, v17, v3;
	p3 =	seq.s32 s23, $0x1  }
0x4a1: {  	s29 =	sld [smem:$0x7AB];
	v19 =	vld [tilespmem:s3+$0x4E00];
	v6 =	vadd.f32 v7, v15;
	[tilespmem:s21+$0x6E00] =	vst v4;
	v25 =	vpsel p3, v17, v3;
	p3 =	seq.s32 s24, $0x1  }
0x4a2: {  	s31 =	sld [smem:$0x7AC];
	v20 =	vld [tilespmem:s3+$0x4E80];
	[tilespmem:s21+$0x6E80] =	vst v8;
	v27 =	vpsel p3, v17, v3;
	p3 =	seq.s32 s25, $0x1  }
0x4a3: {  	v18 =	vpsel p6, v17, v3;
	v16 =	vpsel p5, v17, v3;
	v22 =	vld [tilespmem:s3+$0x4F00];
	[tilespmem:s3+$0x6F80] =	vst v6;
	v6 =	vpsel p3, v17, v3;
	p3 =	seq.s32 s26, $0x1  }
0x4a4: {  	v7 =	vpsel p1, v17, v3;
	v9 =	vadd.f32 v12, v9;
	v26 =	vld [tilespmem:s3+$0x4F80];
	[tilespmem:s21+$0x6F00] =	vst v5;
	s21 =	smov.u32 s3;
	v4 =	vpsel p3, v17, v3;
	p3 =	seq.s32 s29, $0x1  }
0x4a5: {  	v15 =	vpsel p4, v17, v3;
	v28 =	vld [tilespmem:s21+$0x6C00];
	v14 =	vadd.f32 v14, v18;
	v8 =	vpsel p3, v17, v3;
	p3 =	seq.s32 s31, $0x1  }
0x4a6: {  	[tilespmem:s21+$0x4C00] =	vst v9;
	v5 =	vpsel p3, v17, v3;
	v3 =	vadd.f32 v10, v13;
	v10 =	vadd.f32 v11, v16;
	v11 =	vld [tilespmem:s21+$0x6C80]  }
0x4a7: {  	p2 =	sne.s32 s16, $0x3F0;
	v17 =	vld [tilespmem:s21+$0x6D00];
	[tilespmem:s21+$0x4D80] =	vst v14  }
.Ltmp8:
0x4a8: {  	v9 =	vld [tilespmem:s21+$0x6E00];
	v16 =	vadd.f32 v19, v7;
	[tilespmem:s21+$0x4C80] =	vst v3;
	(pc) =	sbr.rel @p2 .LBB2_18-.Ltmp8, $4  }
0x4a9: {  	v7 =	vld [tilespmem:s21+$0x6D80];
	[tilespmem:s21+$0x4D00] =	vst v10  }
0x4aa: {  	s1 =	sadd.s32 $0x10, s1;
	v18 =	vadd.f32 v20, v15;
	v12 =	vadd.f32 v22, v21;
	v10 =	vld [tilespmem:s21+$0x6E80];
	[tilespmem:s21+$0x4E00] =	vst v16  }
0x4ab: {  	s0 =	sadd.s32 $0x80, s0;
	s17 =	sand.u32 $0x70, s16;
	v13 =	vadd.f32 v26, v23;
	v14 =	vadd.f32 v28, v24;
	v3 =	vld [tilespmem:s1+$0x0]  }
0x4ac: {  	s22 =	sand.u32 $0x3F0, s16;
	s16 =	sadd.s32 $0x10, s16;
	s23 =	sand.u32 $0x1C00, s0;
	[tilespmem:s21+$0x4E80] =	vst v18;
	v15 =	vadd.f32 v11, v25;
	v11 =	vld [tilespmem:s21+$0x6F00];
	v16 =	vadd.f32 v17, v27  }
0x4ad: {  	[tilespmem:s21+$0x4F00] =	vst v12  }
0x4ae: {  	[tilespmem:s21+$0x4F80] =	vst v13  }
0x4af: {  	[tilespmem:s21+$0x6C00] =	vst v14  }
0x4b0: {  	v4 =	vadd.f32 v9, v4;
	[tilespmem:s21+$0x6C80] =	vst v15  }
0x4b1: {  	v17 =	vld [tilespmem:s22+$0x800];
	s0 =	sor.u32 s17, s23;
	v6 =	vadd.f32 v7, v6;
	[tilespmem:s21+$0x6D00] =	vst v16  }
0x4b2: {  	v32 =	vld [tilespmem:s0+$0x6F80];
	v8 =	vadd.f32 v10, v8;
	[tilespmem:s21+$0x6E00] =	vst v4  }
0x4b3: {  	v36 =	vld [tilespmem:s0+$0x4D00];
	[tilespmem:s21+$0x6D80] =	vst v6  }
0x4b4: {  	v33 =	vld [tilespmem:s0+$0x4C00];
	s1 =	sld [smem:$0x7A2];
	[tilespmem:s21+$0x6E80] =	vst v8  }
0x4b5: {  	v34 =	vld [tilespmem:s0+$0x4C80];
	s14 =	sld [smem:$0x7A3]  }
0x4b6: {  	v5 =	vadd.f32 v11, v5;
	v35 =	vpsel p0, v17, v3  }
0x4b7: {  	v42 =	vpsel p5, v17, v3;
	v12 =	vadd.f32 v32, v35;
	p2 =	seq.s32 s1, $0x1  }
0x4b8: {  	[tilespmem:s21+$0x6F00] =	vst v5;
	v7 =	vadd.f32 v36, v42;
	v38 =	vpsel p2, v17, v3;
	p3 =	seq.s32 s14, $0x1  }
0x4b9: {  	[tilespmem:s0+$0x6F80] =	vst v12;
	v40 =	vpsel p3, v17, v3;
	v4 =	vadd.f32 v38, v33  }
0x4ba: {  	v37 =	vld [tilespmem:s0+$0x4D80];
	[tilespmem:s0+$0x4D00] =	vst v7;
	v44 =	vadd.f32 v34, v40  }
0x4bb: {  	v39 =	vld [tilespmem:s0+$0x4E00];
	[tilespmem:s0+$0x4C00] =	vst v4  }
0x4bc: {  	v41 =	vld [tilespmem:s0+$0x4E80];
	[tilespmem:s0+$0x4C80] =	vst v44  }
0x4bd: {  	v43 =	vld [tilespmem:s0+$0x4F00];
	s15 =	sld [smem:$0x7A4]  }
0x4be: {  	v45 =	vpsel p6, v17, v3  }
0x4bf: {  	v47 =	vpsel p1, v17, v3;
	v6 =	vadd.f32 v37, v45  }
0x4c0: {  	v49 =	vpsel p4, v17, v3;
	v4 =	vadd.f32 v39, v47;
	p5 =	seq.s32 s15, $0x1  }
0x4c1: {  	v5 =	vadd.f32 v41, v49;
	[tilespmem:s0+$0x4D80] =	vst v6;
	v51 =	vpsel p5, v17, v3  }
0x4c2: {  	v46 =	vld [tilespmem:s0+$0x4F80];
	s16 =	sld [smem:$0x7A5];
	[tilespmem:s0+$0x4E00] =	vst v4;
	v7 =	vadd.f32 v43, v51  }
0x4c3: {  	v48 =	vld [tilespmem:s0+$0x6C00];
	s17 =	sld [smem:$0x7A6];
	[tilespmem:s0+$0x4E80] =	vst v5  }
0x4c4: {  	v50 =	vld [tilespmem:s0+$0x6C80];
	s19 =	sld [smem:$0x7A7];
	[tilespmem:s0+$0x4F00] =	vst v7  }
0x4c5: {  	v52 =	vld [tilespmem:s0+$0x6D00];
	p6 =	seq.s32 s16, $0x1;
	s21 =	sld [smem:$0x7A8]  }
0x4c6: {  	v53 =	vpsel p6, v17, v3;
	p0 =	seq.s32 s17, $0x1  }
0x4c7: {  	v55 =	vpsel p0, v17, v3;
	v6 =	vadd.f32 v46, v53;
	p1 =	seq.s32 s19, $0x1  }
0x4c8: {  	v57 =	vpsel p1, v17, v3;
	v4 =	vadd.f32 v48, v55;
	p2 =	seq.s32 s21, $0x1  }
0x4c9: {  	v5 =	vadd.f32 v50, v57;
	[tilespmem:s0+$0x4F80] =	vst v6;
	v59 =	vpsel p2, v17, v3  }
0x4ca: {  	v54 =	vld [tilespmem:s0+$0x6D80];
	s22 =	sld [smem:$0x7A9];
	[tilespmem:s0+$0x6C00] =	vst v4;
	v7 =	vadd.f32 v52, v59  }
0x4cb: {  	v56 =	vld [tilespmem:s0+$0x6E00];
	s23 =	sld [smem:$0x7AA];
	[tilespmem:s0+$0x6C80] =	vst v5  }
0x4cc: {  	v58 =	vld [tilespmem:s0+$0x6E80];
	s24 =	sld [smem:$0x7AB];
	[tilespmem:s0+$0x6D00] =	vst v7  }
0x4cd: {  	v60 =	vld [tilespmem:s0+$0x6F00];
	p3 =	seq.s32 s22, $0x1;
	s25 =	sld [smem:$0x7AC]  }
0x4ce: {  	v61 =	vpsel p3, v17, v3;
	p4 =	seq.s32 s23, $0x1  }
0x4cf: {  	v62 =	vpsel p4, v17, v3;
	v6 =	vadd.f32 v54, v61;
	p5 =	seq.s32 s24, $0x1  }
0x4d0: {  	v63 =	vpsel p5, v17, v3;
	v4 =	vadd.f32 v56, v62;
	p6 =	seq.s32 s25, $0x1  }
0x4d1: {  	v5 =	vadd.f32 v58, v63;
	[tilespmem:s0+$0x6D80] =	vst v6;
	v3 =	vpsel p6, v17, v3  }
0x4d2: {  	[tilespmem:s0+$0x6E00] =	vst v4;
	v3 =	vadd.f32 v60, v3  }
0x4d3: {  	[tilespmem:s0+$0x6E80] =	vst v5  }
0x4d4: {  	[tilespmem:s0+$0x6F00] =	vst v3  }
0x4d5: {  	s3 =	simm.s32 $0x4C00;
	s0 =	rddreg [dreg:$0x8]  }
0x4d6: {  	[hbm4b:s0+s4] =	stream.linear.scatter [tilespmem:s3], [sflag:$0x4], $0x4000, $0x38;
	[tilespmem:$0x18C00] =	vst v63  }
0x4d7: {  	_ =	swait.ge [sflag:s18], $0x8000  }
0x4d8: {  	[sflag:s18] =	ssyncset.done $0x0  }
0x4d9: {  	s26 =	simm.s32 $0x5;
	[sflag:s18] =	ssyncadd.s32 $0xFFFF8000  }
0x4da: {  	_ =	swait.ge [sflag:s26], $0x8000  }
0x4db: {  	[sflag:s26] =	ssyncset.done $0x0  }
0x4dc: {  	s29 =	simm.s32 $0x6;
	[sflag:s26] =	ssyncadd.s32 $0xFFFF8000  }
0x4dd: {  	_ =	swait.ge [sflag:s29], $0x8000  }
0x4de: {  	s6 =	rddreg [dreg:$0xa]  }
0x4df: {  	s31 =	rddreg [dreg:$0x9];
	s6 =	sadd.s32 $0x1, s6  }
0x4e0: {  	p0 =	sne.s32 s6, s31  }
.Ltmp9:
0x4e1: {  	_ = 	snop;
	(pc) =	sbr.rel @p0 .LBB2_1-.Ltmp9, $3  }
0x4e2: {  	_ =	sdelay $0x1  }
0x4e3: {  	[sflag:s29] =	ssyncset.done $0x0  }
0x4e4: {  	[sflag:s29] =	ssyncadd.s32 $0xFFFF8000  }
0x4e5: {  	_ =	sfence.sel $0x180000  }
0x4e6: {  	[bflag:$0x0] =	sbarrier.arrive $0xFFFF  }
0x4e7: {  	_ =	strace $0x90000047  }
0x4e8: {  	s0 =	stileid.u32;
	[bflag:$0x2] =	sbarrier.arrive $0xFFFF  }
0x4e9: {  	p0 =	sne.s32 s0, $0x0;
	s0 =	rddreg [dreg:$0x3]  }
0x4ea: {  	s0 =	sadd.s32 @!p0 $0x100000, s0  }
0x4eb: {  	[sflag:s0] =	ssyncadd.tile.s32 @!p0 $0x1;
	_ =	shalt  }
.Lfunc_end2:
_tile_overlayer_lowered:
.L_overlay_start_2:
0x4ec: {  	(tag) =	ssettag $0x2  }
0x4ed: {  	s0 =	rddreg [dreg:$0x0];
	s2 =	stileid.u32  }
0x4ee: {  	s1 =	rddreg [dreg:$0x1];
	p0 =	sne.s32 s2, $0x0  }
0x4ef: {  	s3 =	rddreg [dreg:$0x2];
	[bflag:$0x3] =	sbarrier.arrive $0xFFFF;
	s2 =	simm.s32 @!p0 $0x1C08  }
0x4f0: {  	[timem:s3], [sflag:s2] =	dma.local @!p0 [hbm:s0], s1  }
0x4f1: {  	s0 =	simm.s32 @!p0 $0x8  }
0x4f2: {  	_ =	swait.ge @!p0 [sflag:s0], s1  }
0x4f3: {  	s1 =	ssub.s32 @!p0 $0x0, s1;
	[sflag:s0] =	ssyncset.done @!p0 $0x0  }
0x4f4: {  	[sflag:s0] =	ssyncadd.s32 @!p0 s1  }
0x4f5: {  	[bflag:$0x3] =	sbarrier.arrive $0xFFFF  }
0x4f6: {  	_ =	shalt  }

</sc_bundles>
